<compile_context>
chip_gen: v7x
topology: tpu7x:2x2x1
jax: 0.10.2.dev20260603
libtpu: 0.0.44.dev20260713+nightly
codegen_flags: <defaults>
</compile_context>

<pallas_src>
import functools

import jax
import jax.numpy as jnp
from jax import lax
from jax.experimental import pallas as pl
from jax.experimental.pallas import tpu as pltpu
from jax.experimental.pallas import tpu_sc as plsc

VOCAB = 1000000
EMBED = 64
BATCH = 16384

NC = 2
NS = 16
NW = NC * NS
L = 16
NCOLT = (VOCAB + 1 + 127) // 128
CPW = (NCOLT + NW - 1) // NW
LCAP = 3 * BATCH
BCAP = 32
BSTR = BCAP + L
FB = 64
IDSC = 2048
DEPTH = 3
FLS = 2 * CPW
OUTROWS = 3 * BATCH + FB * NW


@functools.cache
def _gather3():
  mesh = plsc.VectorSubcoreMesh(core_axis_name="c", subcore_axis_name="s")
  out_t = jax.ShapeDtypeStruct((OUTROWS, 128), jnp.float32)

  @functools.partial(
      pl.kernel,
      out_type=out_t,
      mesh=mesh,
      compiler_params=pltpu.CompilerParams(use_tc_tiling_on_sc=True,
                                           needs_layout_passes=False),
      scratch_types=[
          pltpu.VMEM((IDSC,), jnp.int32),
          pltpu.VMEM((LCAP + L,), jnp.int32),
          pltpu.VMEM((CPW * BSTR + L,), jnp.int32),
          pltpu.VMEM((2, FB, 128), jnp.float32),
          pltpu.VMEM((2, FB), jnp.int32),
          pltpu.SMEM((2 * CPW + 2,), jnp.int32),
          pltpu.VMEM((DEPTH, EMBED, 128), jnp.float32),
          pltpu.VMEM((DEPTH, EMBED, 128), jnp.float32),
          pltpu.SemaphoreType.DMA((DEPTH,)),
          pltpu.SemaphoreType.DMA((DEPTH,)),
          pltpu.SemaphoreType.DMA((2,)),
      ],
  )
  def body(in_tok, ctx_tok, neg_tok, wt_in, wt_ctx, out,
           ids_v, list_v, bkt_v, rows_v, bidx_v, cnt_s, bufa_v, bufb_v,
           fsema, fsemb, flsem):
    wid = lax.axis_index("s") * NC + lax.axis_index("c")
    c0 = wid * CPW
    ncols = jnp.minimum(NCOLT - c0, CPW)
    toks = (in_tok, ctx_tok, neg_tok)
    iota = lax.iota(jnp.int32, L)
    lane0 = iota == 0
    trash0 = 3 * BATCH + wid * FB

    def scan_g(g, toks_ref, cnt0):
      def chunk(ci, cnt):
        pltpu.sync_copy(toks_ref.at[pl.ds(ci * IDSC, IDSC)], ids_v)

        def vec(j, cnt):
          v = ids_v[pl.ds(j * L, L)]
          col = lax.shift_right_logical(v, 7)
          lcol = col - c0
          m = (lcol >= 0) & (lcol < ncols)
          pack = ((ci * IDSC + j * L + iota)
                  | lax.shift_left(v & 127, 14)
                  | (g << 21)
                  | lax.shift_left(lcol, 23))
          pfx = plsc.cumsum(jnp.where(m, 1, 0).astype(jnp.int32))
          plsc.store_scatter(list_v, [cnt + pfx - 1], pack, mask=m)
          return cnt + plsc.all_reduce_population_count(m)[0]

        return lax.fori_loop(0, IDSC // L, vec, cnt, unroll=4)

      return lax.fori_loop(0, BATCH // IDSC, chunk, cnt0)

    cnt = jnp.int32(0)
    for g in range(3):
      cnt = scan_g(g, toks[g], cnt)

    def splat(x):
      return jnp.full((L,), x, jnp.int32)

    def fill_trash(fb):
      for q in range(FB // L):
        plsc.store_scatter(bidx_v, [splat(fb), iota + q * L],
                           trash0 + iota + q * L)

    def fire_fetch(lc):
      slot = lax.rem(lc, DEPTH)
      flags = cnt_s[CPW + lc]

      @pl.when((flags & 1) > 0)
      def _():
        pltpu.make_async_copy(
            wt_in.at[:, pl.ds((c0 + lc) * 128, 128)],
            bufa_v.at[slot], fsema.at[slot]).start()

      @pl.when((flags & 2) > 0)
      def _():
        pltpu.make_async_copy(
            wt_ctx.at[:, pl.ds((c0 + lc) * 128, 128)],
            bufb_v.at[slot], fsemb.at[slot]).start()

    def wait_fetch(lc, slot):
      flags = cnt_s[CPW + lc]

      @pl.when((flags & 1) > 0)
      def _():
        pltpu.make_async_copy(
            wt_in.at[:, pl.ds(0, 128)], bufa_v.at[0], fsema.at[slot]).wait()

      @pl.when((flags & 2) > 0)
      def _():
        pltpu.make_async_copy(
            wt_ctx.at[:, pl.ds(0, 128)], bufb_v.at[0], fsemb.at[slot]).wait()

    def start_flush(fb):
      cnt_s[FLS + fb] = cnt_s[FLS + fb] + 1
      pltpu.make_async_copy(
          rows_v.at[fb], out.at[bidx_v.at[fb]], flsem.at[fb]).start()

    def wait_flush(fb):
      pltpu.make_async_copy(
          rows_v.at[0], out.at[bidx_v.at[0]], flsem.at[fb]).wait()
      cnt_s[FLS + fb] = cnt_s[FLS + fb] - 1

    cnt_s[FLS] = 0
    cnt_s[FLS + 1] = 0
    fill_trash(0)
    fill_trash(1)

    def round_body(carry):
      cnt, fr = carry

      def zero(i, _):
        cnt_s[i] = 0
        return 0
      lax.fori_loop(0, 2 * CPW, zero, 0)

      def binchunk(j, w):
        pv = list_v[pl.ds(j * L, L)]
        for k in range(L):
          p = pv[k]
          active = (j * L + k) < cnt
          lc = jnp.minimum(lax.shift_right_logical(p, 23), CPW - 1)
          c = cnt_s[lc]
          ovf = c >= BCAP

          g = lax.shift_right_logical(p, 21) & 3

          @pl.when(active & ~ovf)
          def _(p=p, lc=lc, c=c, g=g):
            cnt_s[lc] = c + 1
            cnt_s[CPW + lc] = cnt_s[CPW + lc] | jnp.where(g == 0, 1, 2)
            plsc.store_scatter(bkt_v, [splat(lc * BSTR + c)], splat(p),
                               mask=lane0)

          @pl.when(active & ovf)
          def _(p=p, w=w):
            plsc.store_scatter(list_v, [splat(w)], splat(p), mask=lane0)

          w = w + jnp.where(active & ovf, 1, 0)
        return w

      w = lax.fori_loop(0, (cnt + L - 1) // L, binchunk, jnp.int32(0))

      for d in range(DEPTH):
        @pl.when(ncols > d)
        def _(d=d):
          fire_fetch(jnp.int32(d))

      def col_body(lc, fr):
        slot = lax.rem(lc, DEPTH)
        wait_fetch(lc, slot)

        def entry(e, fr):
          pe = bkt_v[pl.ds(lc * BSTR + e, L)][0]
          b = pe & 16383
          lane = lax.shift_right_logical(pe, 14) & 127
          g = lax.shift_right_logical(pe, 21) & 3
          fb = lax.shift_right_logical(fr, 6) & 1
          ri = fr & (FB - 1)

          @pl.when(ri == 0)
          def _():
            @pl.when(cnt_s[FLS + fb] > 0)
            def _():
              wait_flush(fb)
            fill_trash(fb)

          lanes = splat(lane)

          @pl.when(g == 0)
          def _():
            for q in range(EMBED // L):
              rows = iota + q * L
              va = plsc.load_gather(bufa_v, [splat(slot), rows, lanes])
              plsc.store_scatter(rows_v, [splat(fb), splat(ri), rows], va)

          @pl.when(g != 0)
          def _():
            for q in range(EMBED // L):
              rows = iota + q * L
              vb = plsc.load_gather(bufb_v, [splat(slot), rows, lanes])
              plsc.store_scatter(rows_v, [splat(fb), splat(ri), rows], vb)
          plsc.store_scatter(bidx_v, [splat(fb), splat(ri)],
                             splat(g * BATCH + b), mask=lane0)

          @pl.when(ri == FB - 1)
          def _():
            start_flush(fb)
          return fr + 1

        fr = lax.fori_loop(0, cnt_s[lc], entry, fr)

        @pl.when(lc + DEPTH < ncols)
        def _():
          fire_fetch(lc + DEPTH)
        return fr

      fr = lax.fori_loop(0, ncols, col_body, fr)
      return w, fr

    def round_cond(carry):
      cnt, _ = carry
      return cnt > 0

    cnt, fr = lax.while_loop(round_cond, round_body, (cnt, jnp.int32(0)))

    fbp = lax.shift_right_logical(fr, 6) & 1

    @pl.when((fr & (FB - 1)) > 0)
    def _():
      @pl.when(cnt_s[FLS + fbp] > 0)
      def _():
        wait_flush(fbp)
      start_flush(fbp)

    for fb in range(2):
      @pl.when(cnt_s[FLS + fb] > 0)
      def _(fb=fb):
        wait_flush(fb)

  return body


def kernel(input_tokens, context_tokens, negative_context, W_in, W_ctx):
  f = _gather3()
  o = f(input_tokens.astype(jnp.int32),
        context_tokens.astype(jnp.int32),
        negative_context.astype(jnp.int32),
        W_in.T, W_ctx.T)
  return (o[:BATCH, :EMBED], o[BATCH:2 * BATCH, :EMBED],
          o[2 * BATCH:3 * BATCH, :EMBED])

# --- scband reference (transcript-rebuilt; emitter-appended) ---
"""Pipeline reference for scband-word2vec-7851200217559 (READ-ONLY COPY).

The authoritative reference and input builder live on the scoring server;
editing this copy changes nothing except your own understanding.
"""

import jax, jax.numpy as jnp
import numpy as np

VOCAB = 1000000
EMBED = 64
BATCH = 16384

def setup_inputs(seed: int = 0) -> dict:
    key = jax.random.key(seed)
    k1, k2, k3, k4, k5 = jax.random.split(key, 5)
    input_tokens = jax.random.randint(k1, (BATCH,), 0, VOCAB, dtype=jnp.int64 if jax.config.jax_enable_x64 else jnp.int32)
    context_tokens = jax.random.randint(k2, (BATCH,), 0, VOCAB, dtype=jnp.int64 if jax.config.jax_enable_x64 else jnp.int32)
    negative_context = jax.random.randint(k3, (BATCH,), 0, VOCAB, dtype=jnp.int64 if jax.config.jax_enable_x64 else jnp.int32)
    # nn.Embedding(vocab_size + 1, embed_dim) default init ~ N(0, 1)
    W_in = jax.random.normal(k4, (VOCAB + 1, EMBED), dtype=jnp.float32)
    W_ctx = jax.random.normal(k5, (VOCAB + 1, EMBED), dtype=jnp.float32)
    return {
        "input_tokens": input_tokens,
        "context_tokens": context_tokens,
        "negative_context": negative_context,
        "W_in": W_in,
        "W_ctx": W_ctx,
    }

def reference(input_tokens, context_tokens, negative_context, W_in, W_ctx):
    # Faithful translation of Word2vec.forward with negative_context provided.
    input_tokens_embeds = jnp.take(W_in, input_tokens, axis=0)
    context_embeds = jnp.take(W_ctx, context_tokens, axis=0)
    negative_embeds = jnp.take(W_ctx, negative_context, axis=0)
    return (input_tokens_embeds, context_embeds, negative_embeds)

if __name__ == "__main__":
    import jax
    _d = setup_inputs()
    print(jax.jit(kernel)(*tuple(_d.values())))

</pallas_src>

<mosaic_0001>
#map = affine_map<(d0, d1) -> (0)>
#map1 = affine_map<(d0, d1) -> (0, 0)>
module attributes {stable_mosaic.version = 14 : i64} {
  func.func @body(%arg0: i32, %arg1: i32, %arg2: memref<16384xi32, #tpu.memory_space<hbm>>, %arg3: memref<16384xi32, #tpu.memory_space<hbm>>, %arg4: memref<16384xi32, #tpu.memory_space<hbm>>, %arg5: memref<64x1000001xf32, #tpu.memory_space<hbm>>, %arg6: memref<64x1000001xf32, #tpu.memory_space<hbm>>, %arg7: memref<51200x128xf32, #tpu.memory_space<hbm>>, %arg8: memref<2048xi32, #tpu.memory_space<vmem>>, %arg9: memref<49168xi32, #tpu.memory_space<vmem>>, %arg10: memref<11776xi32, #tpu.memory_space<vmem>>, %arg11: memref<2x64x128xf32, #tpu.memory_space<vmem>>, %arg12: memref<2x64xi32, #tpu.memory_space<vmem>>, %arg13: memref<492xi32, #tpu.memory_space<smem>>, %arg14: memref<3x64x128xf32, #tpu.memory_space<vmem>>, %arg15: memref<3x64x128xf32, #tpu.memory_space<vmem>>, %arg16: memref<3x!tpu.dma_semaphore, #tpu.memory_space<semaphore_mem>>, %arg17: memref<3x!tpu.dma_semaphore, #tpu.memory_space<semaphore_mem>>, %arg18: memref<2x!tpu.dma_semaphore, #tpu.memory_space<semaphore_mem>>) attributes {dimension_semantics = [#tpu.dimension_semantics<core_parallel>, #tpu.dimension_semantics<subcore_parallel>], iteration_bounds = array<i64: 2, 16>, scalar_prefetch = 0 : i64, scratch_operands = 11 : i64, tpu.core_type = #tpu.core_type<sc_vector_subcore>, window_params = [{transform_indices = #map}, {transform_indices = #map}, {transform_indices = #map}, {transform_indices = #map1}, {transform_indices = #map1}, {transform_indices = #map1}]} {
    %mul3A = arith.constant 2 : i32
    %mul3A_0 = arith.muli %arg1, %mul3A : i32
    %add3A = arith.addi %mul3A_0, %arg0 : i32
    %mul3A_1 = arith.constant 245 : i32
    %mul3A_2 = arith.muli %add3A, %mul3A_1 : i32
    %sub3A = arith.constant 7813 : i32
    %sub3A_3 = arith.subi %sub3A, %mul3A_2 : i32
    %min3A = arith.constant 245 : i32
    %min3A_4 = arith.minsi %sub3A_3, %min3A : i32
    %iota3A = tpu.iota {dimensions = array<i32: 0>} : vector<16xi32>
    %eq3A = arith.constant 0 : i32
    %eq3A_5 = vector.broadcast %eq3A : i32 to vector<16xi32>
    %eq3A_6 = arith.cmpi eq, %iota3A, %eq3A_5 : vector<16xi32>
    %mul3A_7 = arith.constant 64 : i32
    %mul3A_8 = arith.muli %add3A, %mul3A_7 : i32
    %add3A_9 = arith.constant 49152 : i32
    %add3A_10 = arith.addi %add3A_9, %mul3A_8 : i32
    %scan3A = arith.constant 0 : i32
    %scan3A_11 = arith.constant 0 : i32
    %scan3A_12 = arith.constant 8 : i32
    %scan3A_13 = arith.addi %scan3A_11, %scan3A_12 : i32
    %scan3A_14 = arith.constant 1 : i32
    %scan3A_15 = scf.for %scan3A_137 = %scan3A_11 to %scan3A_13 step %scan3A_14 iter_args(%scan3A_138 = %scan3A) -> (i32)  : i32 {
      %mul3A_139 = arith.constant 2048 : i32
      %mul3A_140 = arith.muli %scan3A_137, %mul3A_139 : i32
      "tpu.region"() ({
        %run_scoped3A = tpu.sem_alloc : memref<!tpu.dma_semaphore, #tpu.memory_space<semaphore_mem>>
        %dma_start3A = tpu.memref_slice %arg2[%mul3A_140] : memref<16384xi32, #tpu.memory_space<hbm>> -> memref<2048xi32, #tpu.memory_space<hbm>>
        %dma_start3A_147 = tpu.memref_slice %arg2[%mul3A_140] : memref<16384xi32, #tpu.memory_space<hbm>> -> memref<2048xi32, #tpu.memory_space<hbm>>
        tpu.enqueue_dma source(%dma_start3A_147 : memref<2048xi32, #tpu.memory_space<hbm>>) target(%arg8 : memref<2048xi32, #tpu.memory_space<vmem>>) target_semaphore(%run_scoped3A : memref<!tpu.dma_semaphore, #tpu.memory_space<semaphore_mem>>)
        %dma_wait3A = tpu.memref_slice %arg2[%mul3A_140] : memref<16384xi32, #tpu.memory_space<hbm>> -> memref<2048xi32, #tpu.memory_space<hbm>>
        %dma_wait3A_148 = tpu.memref_slice %arg2[%mul3A_140] : memref<16384xi32, #tpu.memory_space<hbm>> -> memref<2048xi32, #tpu.memory_space<hbm>>
        tpu.wait_dma2 semaphore(%run_scoped3A : memref<!tpu.dma_semaphore, #tpu.memory_space<semaphore_mem>>) src(%dma_wait3A_148 : memref<2048xi32, #tpu.memory_space<hbm>>) dst(%arg8 : memref<2048xi32, #tpu.memory_space<vmem>>)
        tpu.yield
      }) : () -> ()
      %scan3A_141 = arith.constant 0 : i32
      %scan3A_142 = arith.constant 128 : i32
      %scan3A_143 = arith.addi %scan3A_141, %scan3A_142 : i32
      %scan3A_144 = arith.constant 4 : i32
      %scan3A_145 = scf.for %scan3A_147 = %scan3A_141 to %scan3A_143 step %scan3A_144 iter_args(%scan3A_148 = %scan3A_138) -> (i32)  : i32 {
        %mul3A_149 = arith.constant 16 : i32
        %mul3A_150 = arith.muli %scan3A_147, %mul3A_149 : i32
        %get3A_151 = arith.index_cast %mul3A_150 : i32 to index
        %get3A_152 = tpu.vector_load %arg8[%get3A_151] {strides = array<i32>} : memref<2048xi32, #tpu.memory_space<vmem>>, vector<16xi32>,
        %shift_right_logical3A_153 = arith.constant 7 : i32
        %shift_right_logical3A_154 = vector.broadcast %shift_right_logical3A_153 : i32 to vector<16xi32>
        %shift_right_logical3A_155 = arith.shrui %get3A_152, %shift_right_logical3A_154 : vector<16xi32>
        %sub3A_156 = vector.broadcast %mul3A_2 : i32 to vector<16xi32>
        %sub3A_157 = arith.subi %shift_right_logical3A_155, %sub3A_156 : vector<16xi32>
        %ge3A = arith.constant 0 : i32
        %ge3A_158 = vector.broadcast %ge3A : i32 to vector<16xi32>
        %ge3A_159 = arith.cmpi sge, %sub3A_157, %ge3A_158 : vector<16xi32>
        %lt3A = vector.broadcast %min3A_4 : i32 to vector<16xi32>
        %lt3A_160 = arith.cmpi slt, %sub3A_157, %lt3A : vector<16xi32>
        %and3A_161 = arith.andi %ge3A_159, %lt3A_160 : vector<16xi1>
        %mul3A_162 = arith.constant 2048 : i32
        %mul3A_163 = arith.muli %scan3A_137, %mul3A_162 : i32
        %mul3A_164 = arith.constant 16 : i32
        %mul3A_165 = arith.muli %scan3A_147, %mul3A_164 : i32
        %add3A_166 = arith.addi %mul3A_163, %mul3A_165 : i32
        %add3A_167 = vector.broadcast %add3A_166 : i32 to vector<16xi32>
        %add3A_168 = arith.addi %add3A_167, %iota3A : vector<16xi32>
        %and3A_169 = arith.constant 127 : i32
        %and3A_170 = vector.broadcast %and3A_169 : i32 to vector<16xi32>
        %and3A_171 = arith.andi %get3A_152, %and3A_170 : vector<16xi32>
        %shift_left3A = arith.constant 14 : i32
        %shift_left3A_172 = vector.broadcast %shift_left3A : i32 to vector<16xi32>
        %shift_left3A_173 = arith.shli %and3A_171, %shift_left3A_172 : vector<16xi32>
        %or3A = arith.ori %add3A_168, %shift_left3A_173 : vector<16xi32>
        %or3A_174 = arith.constant 0 : i32
        %or3A_175 = vector.broadcast %or3A_174 : i32 to vector<16xi32>
        %or3A_176 = arith.ori %or3A, %or3A_175 : vector<16xi32>
        %shift_left3A_177 = arith.constant 23 : i32
        %shift_left3A_178 = vector.broadcast %shift_left3A_177 : i32 to vector<16xi32>
        %shift_left3A_179 = arith.shli %sub3A_157, %shift_left3A_178 : vector<16xi32>
        %or3A_180 = arith.ori %or3A_176, %shift_left3A_179 : vector<16xi32>
        %jit3A = arith.constant 1 : i32
        %jit3A_181 = arith.constant 0 : i32
        %broadcast_in_dim3A_182 = vector.broadcast %jit3A : i32 to vector<16xi32>
        %broadcast_in_dim3A_183 = vector.broadcast %jit3A_181 : i32 to vector<16xi32>
        %select_n3A = arith.select %and3A_161, %broadcast_in_dim3A_182, %broadcast_in_dim3A_183 : vector<16xi1>, vector<16xi32>
        %broadcast_in_dim3A_184 = arith.constant true
        %broadcast_in_dim3A_185 = vector.broadcast %broadcast_in_dim3A_184 : i1 to vector<16xi1>
        %masked_cumsum3A = tpu.scan <sum>, %select_n3A masked %broadcast_in_dim3A_185 : vector<16xi32>, vector<16xi1> -> vector<16xi32>
        %add3A_186 = vector.broadcast %scan3A_148 : i32 to vector<16xi32>
        %add3A_187 = arith.addi %add3A_186, %masked_cumsum3A : vector<16xi32>
        %sub3A_188 = arith.constant 1 : i32
        %sub3A_189 = vector.broadcast %sub3A_188 : i32 to vector<16xi32>
        %sub3A_190 = arith.subi %add3A_187, %sub3A_189 : vector<16xi32>
        tpu.vector_store_idx %arg9[%sub3A_190], %or3A_180 masked %and3A_161 : memref<49168xi32, #tpu.memory_space<vmem>>[vector<16xi32>], vector<16xi32>, vector<16xi1>
        %all_reduce_population_count3A = tpu.all_reduce %and3A_161 {dim = 0 : i64, kind = #tpu.reduction_kind<sum>} : vector<16xi1> -> vector<16xi32>
        %slice3A = vector.extract_strided_slice %all_reduce_population_count3A {offsets = [0], sizes = [1], strides = [1]} : vector<16xi32> to vector<1xi32>
        %squeeze3A = vector.extract %slice3A[0] : i32 from vector<1xi32>
        %add3A_191 = arith.addi %scan3A_148, %squeeze3A : i32
        %scan3A_192 = arith.constant 1 : i32
        %scan3A_193 = arith.addi %scan3A_147, %scan3A_192 : i32
        %mul3A_194 = arith.constant 16 : i32
        %mul3A_195 = arith.muli %scan3A_193, %mul3A_194 : i32
        %get3A_196 = arith.index_cast %mul3A_195 : i32 to index
        %get3A_197 = tpu.vector_load %arg8[%get3A_196] {strides = array<i32>} : memref<2048xi32, #tpu.memory_space<vmem>>, vector<16xi32>,
        %shift_right_logical3A_198 = arith.constant 7 : i32
        %shift_right_logical3A_199 = vector.broadcast %shift_right_logical3A_198 : i32 to vector<16xi32>
        %shift_right_logical3A_200 = arith.shrui %get3A_197, %shift_right_logical3A_199 : vector<16xi32>
        %sub3A_201 = vector.broadcast %mul3A_2 : i32 to vector<16xi32>
        %sub3A_202 = arith.subi %shift_right_logical3A_200, %sub3A_201 : vector<16xi32>
        %ge3A_203 = arith.constant 0 : i32
        %ge3A_204 = vector.broadcast %ge3A_203 : i32 to vector<16xi32>
        %ge3A_205 = arith.cmpi sge, %sub3A_202, %ge3A_204 : vector<16xi32>
        %lt3A_206 = vector.broadcast %min3A_4 : i32 to vector<16xi32>
        %lt3A_207 = arith.cmpi slt, %sub3A_202, %lt3A_206 : vector<16xi32>
        %and3A_208 = arith.andi %ge3A_205, %lt3A_207 : vector<16xi1>
        %mul3A_209 = arith.constant 2048 : i32
        %mul3A_210 = arith.muli %scan3A_137, %mul3A_209 : i32
        %mul3A_211 = arith.constant 16 : i32
        %mul3A_212 = arith.muli %scan3A_193, %mul3A_211 : i32
        %add3A_213 = arith.addi %mul3A_210, %mul3A_212 : i32
        %add3A_214 = vector.broadcast %add3A_213 : i32 to vector<16xi32>
        %add3A_215 = arith.addi %add3A_214, %iota3A : vector<16xi32>
        %and3A_216 = arith.constant 127 : i32
        %and3A_217 = vector.broadcast %and3A_216 : i32 to vector<16xi32>
        %and3A_218 = arith.andi %get3A_197, %and3A_217 : vector<16xi32>
        %shift_left3A_219 = arith.constant 14 : i32
        %shift_left3A_220 = vector.broadcast %shift_left3A_219 : i32 to vector<16xi32>
        %shift_left3A_221 = arith.shli %and3A_218, %shift_left3A_220 : vector<16xi32>
        %or3A_222 = arith.ori %add3A_215, %shift_left3A_221 : vector<16xi32>
        %or3A_223 = arith.constant 0 : i32
        %or3A_224 = vector.broadcast %or3A_223 : i32 to vector<16xi32>
        %or3A_225 = arith.ori %or3A_222, %or3A_224 : vector<16xi32>
        %shift_left3A_226 = arith.constant 23 : i32
        %shift_left3A_227 = vector.broadcast %shift_left3A_226 : i32 to vector<16xi32>
        %shift_left3A_228 = arith.shli %sub3A_202, %shift_left3A_227 : vector<16xi32>
        %or3A_229 = arith.ori %or3A_225, %shift_left3A_228 : vector<16xi32>
        %jit3A_230 = arith.constant 1 : i32
        %jit3A_231 = arith.constant 0 : i32
        %broadcast_in_dim3A_232 = vector.broadcast %jit3A_230 : i32 to vector<16xi32>
        %broadcast_in_dim3A_233 = vector.broadcast %jit3A_231 : i32 to vector<16xi32>
        %select_n3A_234 = arith.select %and3A_208, %broadcast_in_dim3A_232, %broadcast_in_dim3A_233 : vector<16xi1>, vector<16xi32>
        %broadcast_in_dim3A_235 = arith.constant true
        %broadcast_in_dim3A_236 = vector.broadcast %broadcast_in_dim3A_235 : i1 to vector<16xi1>
        %masked_cumsum3A_237 = tpu.scan <sum>, %select_n3A_234 masked %broadcast_in_dim3A_236 : vector<16xi32>, vector<16xi1> -> vector<16xi32>
        %add3A_238 = vector.broadcast %add3A_191 : i32 to vector<16xi32>
        %add3A_239 = arith.addi %add3A_238, %masked_cumsum3A_237 : vector<16xi32>
        %sub3A_240 = arith.constant 1 : i32
        %sub3A_241 = vector.broadcast %sub3A_240 : i32 to vector<16xi32>
        %sub3A_242 = arith.subi %add3A_239, %sub3A_241 : vector<16xi32>
        tpu.vector_store_idx %arg9[%sub3A_242], %or3A_229 masked %and3A_208 : memref<49168xi32, #tpu.memory_space<vmem>>[vector<16xi32>], vector<16xi32>, vector<16xi1>
        %all_reduce_population_count3A_243 = tpu.all_reduce %and3A_208 {dim = 0 : i64, kind = #tpu.reduction_kind<sum>} : vector<16xi1> -> vector<16xi32>
        %slice3A_244 = vector.extract_strided_slice %all_reduce_population_count3A_243 {offsets = [0], sizes = [1], strides = [1]} : vector<16xi32> to vector<1xi32>
        %squeeze3A_245 = vector.extract %slice3A_244[0] : i32 from vector<1xi32>
        %add3A_246 = arith.addi %add3A_191, %squeeze3A_245 : i32
        %scan3A_247 = arith.constant 2 : i32
        %scan3A_248 = arith.addi %scan3A_147, %scan3A_247 : i32
        %mul3A_249 = arith.constant 16 : i32
        %mul3A_250 = arith.muli %scan3A_248, %mul3A_249 : i32
        %get3A_251 = arith.index_cast %mul3A_250 : i32 to index
        %get3A_252 = tpu.vector_load %arg8[%get3A_251] {strides = array<i32>} : memref<2048xi32, #tpu.memory_space<vmem>>, vector<16xi32>,
        %shift_right_logical3A_253 = arith.constant 7 : i32
        %shift_right_logical3A_254 = vector.broadcast %shift_right_logical3A_253 : i32 to vector<16xi32>
        %shift_right_logical3A_255 = arith.shrui %get3A_252, %shift_right_logical3A_254 : vector<16xi32>
        %sub3A_256 = vector.broadcast %mul3A_2 : i32 to vector<16xi32>
        %sub3A_257 = arith.subi %shift_right_logical3A_255, %sub3A_256 : vector<16xi32>
        %ge3A_258 = arith.constant 0 : i32
        %ge3A_259 = vector.broadcast %ge3A_258 : i32 to vector<16xi32>
        %ge3A_260 = arith.cmpi sge, %sub3A_257, %ge3A_259 : vector<16xi32>
        %lt3A_261 = vector.broadcast %min3A_4 : i32 to vector<16xi32>
        %lt3A_262 = arith.cmpi slt, %sub3A_257, %lt3A_261 : vector<16xi32>
        %and3A_263 = arith.andi %ge3A_260, %lt3A_262 : vector<16xi1>
        %mul3A_264 = arith.constant 2048 : i32
        %mul3A_265 = arith.muli %scan3A_137, %mul3A_264 : i32
        %mul3A_266 = arith.constant 16 : i32
        %mul3A_267 = arith.muli %scan3A_248, %mul3A_266 : i32
        %add3A_268 = arith.addi %mul3A_265, %mul3A_267 : i32
        %add3A_269 = vector.broadcast %add3A_268 : i32 to vector<16xi32>
        %add3A_270 = arith.addi %add3A_269, %iota3A : vector<16xi32>
        %and3A_271 = arith.constant 127 : i32
        %and3A_272 = vector.broadcast %and3A_271 : i32 to vector<16xi32>
        %and3A_273 = arith.andi %get3A_252, %and3A_272 : vector<16xi32>
        %shift_left3A_274 = arith.constant 14 : i32
        %shift_left3A_275 = vector.broadcast %shift_left3A_274 : i32 to vector<16xi32>
        %shift_left3A_276 = arith.shli %and3A_273, %shift_left3A_275 : vector<16xi32>
        %or3A_277 = arith.ori %add3A_270, %shift_left3A_276 : vector<16xi32>
        %or3A_278 = arith.constant 0 : i32
        %or3A_279 = vector.broadcast %or3A_278 : i32 to vector<16xi32>
        %or3A_280 = arith.ori %or3A_277, %or3A_279 : vector<16xi32>
        %shift_left3A_281 = arith.constant 23 : i32
        %shift_left3A_282 = vector.broadcast %shift_left3A_281 : i32 to vector<16xi32>
        %shift_left3A_283 = arith.shli %sub3A_257, %shift_left3A_282 : vector<16xi32>
        %or3A_284 = arith.ori %or3A_280, %shift_left3A_283 : vector<16xi32>
        %jit3A_285 = arith.constant 1 : i32
        %jit3A_286 = arith.constant 0 : i32
        %broadcast_in_dim3A_287 = vector.broadcast %jit3A_285 : i32 to vector<16xi32>
        %broadcast_in_dim3A_288 = vector.broadcast %jit3A_286 : i32 to vector<16xi32>
        %select_n3A_289 = arith.select %and3A_263, %broadcast_in_dim3A_287, %broadcast_in_dim3A_288 : vector<16xi1>, vector<16xi32>
        %broadcast_in_dim3A_290 = arith.constant true
        %broadcast_in_dim3A_291 = vector.broadcast %broadcast_in_dim3A_290 : i1 to vector<16xi1>
        %masked_cumsum3A_292 = tpu.scan <sum>, %select_n3A_289 masked %broadcast_in_dim3A_291 : vector<16xi32>, vector<16xi1> -> vector<16xi32>
        %add3A_293 = vector.broadcast %add3A_246 : i32 to vector<16xi32>
        %add3A_294 = arith.addi %add3A_293, %masked_cumsum3A_292 : vector<16xi32>
        %sub3A_295 = arith.constant 1 : i32
        %sub3A_296 = vector.broadcast %sub3A_295 : i32 to vector<16xi32>
        %sub3A_297 = arith.subi %add3A_294, %sub3A_296 : vector<16xi32>
        tpu.vector_store_idx %arg9[%sub3A_297], %or3A_284 masked %and3A_263 : memref<49168xi32, #tpu.memory_space<vmem>>[vector<16xi32>], vector<16xi32>, vector<16xi1>
        %all_reduce_population_count3A_298 = tpu.all_reduce %and3A_263 {dim = 0 : i64, kind = #tpu.reduction_kind<sum>} : vector<16xi1> -> vector<16xi32>
        %slice3A_299 = vector.extract_strided_slice %all_reduce_population_count3A_298 {offsets = [0], sizes = [1], strides = [1]} : vector<16xi32> to vector<1xi32>
        %squeeze3A_300 = vector.extract %slice3A_299[0] : i32 from vector<1xi32>
        %add3A_301 = arith.addi %add3A_246, %squeeze3A_300 : i32
        %scan3A_302 = arith.constant 3 : i32
        %scan3A_303 = arith.addi %scan3A_147, %scan3A_302 : i32
        %mul3A_304 = arith.constant 16 : i32
        %mul3A_305 = arith.muli %scan3A_303, %mul3A_304 : i32
        %get3A_306 = arith.index_cast %mul3A_305 : i32 to index
        %get3A_307 = tpu.vector_load %arg8[%get3A_306] {strides = array<i32>} : memref<2048xi32, #tpu.memory_space<vmem>>, vector<16xi32>,
        %shift_right_logical3A_308 = arith.constant 7 : i32
        %shift_right_logical3A_309 = vector.broadcast %shift_right_logical3A_308 : i32 to vector<16xi32>
        %shift_right_logical3A_310 = arith.shrui %get3A_307, %shift_right_logical3A_309 : vector<16xi32>
        %sub3A_311 = vector.broadcast %mul3A_2 : i32 to vector<16xi32>
        %sub3A_312 = arith.subi %shift_right_logical3A_310, %sub3A_311 : vector<16xi32>
        %ge3A_313 = arith.constant 0 : i32
        %ge3A_314 = vector.broadcast %ge3A_313 : i32 to vector<16xi32>
        %ge3A_315 = arith.cmpi sge, %sub3A_312, %ge3A_314 : vector<16xi32>
        %lt3A_316 = vector.broadcast %min3A_4 : i32 to vector<16xi32>
        %lt3A_317 = arith.cmpi slt, %sub3A_312, %lt3A_316 : vector<16xi32>
        %and3A_318 = arith.andi %ge3A_315, %lt3A_317 : vector<16xi1>
        %mul3A_319 = arith.constant 2048 : i32
        %mul3A_320 = arith.muli %scan3A_137, %mul3A_319 : i32
        %mul3A_321 = arith.constant 16 : i32
        %mul3A_322 = arith.muli %scan3A_303, %mul3A_321 : i32
        %add3A_323 = arith.addi %mul3A_320, %mul3A_322 : i32
        %add3A_324 = vector.broadcast %add3A_323 : i32 to vector<16xi32>
        %add3A_325 = arith.addi %add3A_324, %iota3A : vector<16xi32>
        %and3A_326 = arith.constant 127 : i32
        %and3A_327 = vector.broadcast %and3A_326 : i32 to vector<16xi32>
        %and3A_328 = arith.andi %get3A_307, %and3A_327 : vector<16xi32>
        %shift_left3A_329 = arith.constant 14 : i32
        %shift_left3A_330 = vector.broadcast %shift_left3A_329 : i32 to vector<16xi32>
        %shift_left3A_331 = arith.shli %and3A_328, %shift_left3A_330 : vector<16xi32>
        %or3A_332 = arith.ori %add3A_325, %shift_left3A_331 : vector<16xi32>
        %or3A_333 = arith.constant 0 : i32
        %or3A_334 = vector.broadcast %or3A_333 : i32 to vector<16xi32>
        %or3A_335 = arith.ori %or3A_332, %or3A_334 : vector<16xi32>
        %shift_left3A_336 = arith.constant 23 : i32
        %shift_left3A_337 = vector.broadcast %shift_left3A_336 : i32 to vector<16xi32>
        %shift_left3A_338 = arith.shli %sub3A_312, %shift_left3A_337 : vector<16xi32>
        %or3A_339 = arith.ori %or3A_335, %shift_left3A_338 : vector<16xi32>
        %jit3A_340 = arith.constant 1 : i32
        %jit3A_341 = arith.constant 0 : i32
        %broadcast_in_dim3A_342 = vector.broadcast %jit3A_340 : i32 to vector<16xi32>
        %broadcast_in_dim3A_343 = vector.broadcast %jit3A_341 : i32 to vector<16xi32>
        %select_n3A_344 = arith.select %and3A_318, %broadcast_in_dim3A_342, %broadcast_in_dim3A_343 : vector<16xi1>, vector<16xi32>
        %broadcast_in_dim3A_345 = arith.constant true
        %broadcast_in_dim3A_346 = vector.broadcast %broadcast_in_dim3A_345 : i1 to vector<16xi1>
        %masked_cumsum3A_347 = tpu.scan <sum>, %select_n3A_344 masked %broadcast_in_dim3A_346 : vector<16xi32>, vector<16xi1> -> vector<16xi32>
        %add3A_348 = vector.broadcast %add3A_301 : i32 to vector<16xi32>
        %add3A_349 = arith.addi %add3A_348, %masked_cumsum3A_347 : vector<16xi32>
        %sub3A_350 = arith.constant 1 : i32
        %sub3A_351 = vector.broadcast %sub3A_350 : i32 to vector<16xi32>
        %sub3A_352 = arith.subi %add3A_349, %sub3A_351 : vector<16xi32>
        tpu.vector_store_idx %arg9[%sub3A_352], %or3A_339 masked %and3A_318 : memref<49168xi32, #tpu.memory_space<vmem>>[vector<16xi32>], vector<16xi32>, vector<16xi1>
        %all_reduce_population_count3A_353 = tpu.all_reduce %and3A_318 {dim = 0 : i64, kind = #tpu.reduction_kind<sum>} : vector<16xi1> -> vector<16xi32>
        %slice3A_354 = vector.extract_strided_slice %all_reduce_population_count3A_353 {offsets = [0], sizes = [1], strides = [1]} : vector<16xi32> to vector<1xi32>
        %squeeze3A_355 = vector.extract %slice3A_354[0] : i32 from vector<1xi32>
        %add3A_356 = arith.addi %add3A_301, %squeeze3A_355 : i32
        scf.yield %add3A_356 : i32
      }
      %scan3A_146 = arith.constant 128 : i32
      scf.yield %scan3A_145 : i32
    }
    %scan3A_16 = arith.constant 8 : i32
    %scan3A_17 = arith.constant 0 : i32
    %scan3A_18 = arith.constant 8 : i32
    %scan3A_19 = arith.addi %scan3A_17, %scan3A_18 : i32
    %scan3A_20 = arith.constant 1 : i32
    %scan3A_21 = scf.for %scan3A_137 = %scan3A_17 to %scan3A_19 step %scan3A_20 iter_args(%scan3A_138 = %scan3A_15) -> (i32)  : i32 {
      %mul3A_139 = arith.constant 2048 : i32
      %mul3A_140 = arith.muli %scan3A_137, %mul3A_139 : i32
      "tpu.region"() ({
        %run_scoped3A = tpu.sem_alloc : memref<!tpu.dma_semaphore, #tpu.memory_space<semaphore_mem>>
        %dma_start3A = tpu.memref_slice %arg3[%mul3A_140] : memref<16384xi32, #tpu.memory_space<hbm>> -> memref<2048xi32, #tpu.memory_space<hbm>>
        %dma_start3A_147 = tpu.memref_slice %arg3[%mul3A_140] : memref<16384xi32, #tpu.memory_space<hbm>> -> memref<2048xi32, #tpu.memory_space<hbm>>
        tpu.enqueue_dma source(%dma_start3A_147 : memref<2048xi32, #tpu.memory_space<hbm>>) target(%arg8 : memref<2048xi32, #tpu.memory_space<vmem>>) target_semaphore(%run_scoped3A : memref<!tpu.dma_semaphore, #tpu.memory_space<semaphore_mem>>)
        %dma_wait3A = tpu.memref_slice %arg3[%mul3A_140] : memref<16384xi32, #tpu.memory_space<hbm>> -> memref<2048xi32, #tpu.memory_space<hbm>>
        %dma_wait3A_148 = tpu.memref_slice %arg3[%mul3A_140] : memref<16384xi32, #tpu.memory_space<hbm>> -> memref<2048xi32, #tpu.memory_space<hbm>>
        tpu.wait_dma2 semaphore(%run_scoped3A : memref<!tpu.dma_semaphore, #tpu.memory_space<semaphore_mem>>) src(%dma_wait3A_148 : memref<2048xi32, #tpu.memory_space<hbm>>) dst(%arg8 : memref<2048xi32, #tpu.memory_space<vmem>>)
        tpu.yield
      }) : () -> ()
      %scan3A_141 = arith.constant 0 : i32
      %scan3A_142 = arith.constant 128 : i32
      %scan3A_143 = arith.addi %scan3A_141, %scan3A_142 : i32
      %scan3A_144 = arith.constant 4 : i32
      %scan3A_145 = scf.for %scan3A_147 = %scan3A_141 to %scan3A_143 step %scan3A_144 iter_args(%scan3A_148 = %scan3A_138) -> (i32)  : i32 {
        %mul3A_149 = arith.constant 16 : i32
        %mul3A_150 = arith.muli %scan3A_147, %mul3A_149 : i32
        %get3A_151 = arith.index_cast %mul3A_150 : i32 to index
        %get3A_152 = tpu.vector_load %arg8[%get3A_151] {strides = array<i32>} : memref<2048xi32, #tpu.memory_space<vmem>>, vector<16xi32>,
        %shift_right_logical3A_153 = arith.constant 7 : i32
        %shift_right_logical3A_154 = vector.broadcast %shift_right_logical3A_153 : i32 to vector<16xi32>
        %shift_right_logical3A_155 = arith.shrui %get3A_152, %shift_right_logical3A_154 : vector<16xi32>
        %sub3A_156 = vector.broadcast %mul3A_2 : i32 to vector<16xi32>
        %sub3A_157 = arith.subi %shift_right_logical3A_155, %sub3A_156 : vector<16xi32>
        %ge3A = arith.constant 0 : i32
        %ge3A_158 = vector.broadcast %ge3A : i32 to vector<16xi32>
        %ge3A_159 = arith.cmpi sge, %sub3A_157, %ge3A_158 : vector<16xi32>
        %lt3A = vector.broadcast %min3A_4 : i32 to vector<16xi32>
        %lt3A_160 = arith.cmpi slt, %sub3A_157, %lt3A : vector<16xi32>
        %and3A_161 = arith.andi %ge3A_159, %lt3A_160 : vector<16xi1>
        %mul3A_162 = arith.constant 2048 : i32
        %mul3A_163 = arith.muli %scan3A_137, %mul3A_162 : i32
        %mul3A_164 = arith.constant 16 : i32
        %mul3A_165 = arith.muli %scan3A_147, %mul3A_164 : i32
        %add3A_166 = arith.addi %mul3A_163, %mul3A_165 : i32
        %add3A_167 = vector.broadcast %add3A_166 : i32 to vector<16xi32>
        %add3A_168 = arith.addi %add3A_167, %iota3A : vector<16xi32>
        %and3A_169 = arith.constant 127 : i32
        %and3A_170 = vector.broadcast %and3A_169 : i32 to vector<16xi32>
        %and3A_171 = arith.andi %get3A_152, %and3A_170 : vector<16xi32>
        %shift_left3A = arith.constant 14 : i32
        %shift_left3A_172 = vector.broadcast %shift_left3A : i32 to vector<16xi32>
        %shift_left3A_173 = arith.shli %and3A_171, %shift_left3A_172 : vector<16xi32>
        %or3A = arith.ori %add3A_168, %shift_left3A_173 : vector<16xi32>
        %or3A_174 = arith.constant 2097152 : i32
        %or3A_175 = vector.broadcast %or3A_174 : i32 to vector<16xi32>
        %or3A_176 = arith.ori %or3A, %or3A_175 : vector<16xi32>
        %shift_left3A_177 = arith.constant 23 : i32
        %shift_left3A_178 = vector.broadcast %shift_left3A_177 : i32 to vector<16xi32>
        %shift_left3A_179 = arith.shli %sub3A_157, %shift_left3A_178 : vector<16xi32>
        %or3A_180 = arith.ori %or3A_176, %shift_left3A_179 : vector<16xi32>
        %jit3A = arith.constant 1 : i32
        %jit3A_181 = arith.constant 0 : i32
        %broadcast_in_dim3A_182 = vector.broadcast %jit3A : i32 to vector<16xi32>
        %broadcast_in_dim3A_183 = vector.broadcast %jit3A_181 : i32 to vector<16xi32>
        %select_n3A = arith.select %and3A_161, %broadcast_in_dim3A_182, %broadcast_in_dim3A_183 : vector<16xi1>, vector<16xi32>
        %broadcast_in_dim3A_184 = arith.constant true
        %broadcast_in_dim3A_185 = vector.broadcast %broadcast_in_dim3A_184 : i1 to vector<16xi1>
        %masked_cumsum3A = tpu.scan <sum>, %select_n3A masked %broadcast_in_dim3A_185 : vector<16xi32>, vector<16xi1> -> vector<16xi32>
        %add3A_186 = vector.broadcast %scan3A_148 : i32 to vector<16xi32>
        %add3A_187 = arith.addi %add3A_186, %masked_cumsum3A : vector<16xi32>
        %sub3A_188 = arith.constant 1 : i32
        %sub3A_189 = vector.broadcast %sub3A_188 : i32 to vector<16xi32>
        %sub3A_190 = arith.subi %add3A_187, %sub3A_189 : vector<16xi32>
        tpu.vector_store_idx %arg9[%sub3A_190], %or3A_180 masked %and3A_161 : memref<49168xi32, #tpu.memory_space<vmem>>[vector<16xi32>], vector<16xi32>, vector<16xi1>
        %all_reduce_population_count3A = tpu.all_reduce %and3A_161 {dim = 0 : i64, kind = #tpu.reduction_kind<sum>} : vector<16xi1> -> vector<16xi32>
        %slice3A = vector.extract_strided_slice %all_reduce_population_count3A {offsets = [0], sizes = [1], strides = [1]} : vector<16xi32> to vector<1xi32>
        %squeeze3A = vector.extract %slice3A[0] : i32 from vector<1xi32>
        %add3A_191 = arith.addi %scan3A_148, %squeeze3A : i32
        %scan3A_192 = arith.constant 1 : i32
        %scan3A_193 = arith.addi %scan3A_147, %scan3A_192 : i32
        %mul3A_194 = arith.constant 16 : i32
        %mul3A_195 = arith.muli %scan3A_193, %mul3A_194 : i32
        %get3A_196 = arith.index_cast %mul3A_195 : i32 to index
        %get3A_197 = tpu.vector_load %arg8[%get3A_196] {strides = array<i32>} : memref<2048xi32, #tpu.memory_space<vmem>>, vector<16xi32>,
        %shift_right_logical3A_198 = arith.constant 7 : i32
        %shift_right_logical3A_199 = vector.broadcast %shift_right_logical3A_198 : i32 to vector<16xi32>
        %shift_right_logical3A_200 = arith.shrui %get3A_197, %shift_right_logical3A_199 : vector<16xi32>
        %sub3A_201 = vector.broadcast %mul3A_2 : i32 to vector<16xi32>
        %sub3A_202 = arith.subi %shift_right_logical3A_200, %sub3A_201 : vector<16xi32>
        %ge3A_203 = arith.constant 0 : i32
        %ge3A_204 = vector.broadcast %ge3A_203 : i32 to vector<16xi32>
        %ge3A_205 = arith.cmpi sge, %sub3A_202, %ge3A_204 : vector<16xi32>
        %lt3A_206 = vector.broadcast %min3A_4 : i32 to vector<16xi32>
        %lt3A_207 = arith.cmpi slt, %sub3A_202, %lt3A_206 : vector<16xi32>
        %and3A_208 = arith.andi %ge3A_205, %lt3A_207 : vector<16xi1>
        %mul3A_209 = arith.constant 2048 : i32
        %mul3A_210 = arith.muli %scan3A_137, %mul3A_209 : i32
        %mul3A_211 = arith.constant 16 : i32
        %mul3A_212 = arith.muli %scan3A_193, %mul3A_211 : i32
        %add3A_213 = arith.addi %mul3A_210, %mul3A_212 : i32
        %add3A_214 = vector.broadcast %add3A_213 : i32 to vector<16xi32>
        %add3A_215 = arith.addi %add3A_214, %iota3A : vector<16xi32>
        %and3A_216 = arith.constant 127 : i32
        %and3A_217 = vector.broadcast %and3A_216 : i32 to vector<16xi32>
        %and3A_218 = arith.andi %get3A_197, %and3A_217 : vector<16xi32>
        %shift_left3A_219 = arith.constant 14 : i32
        %shift_left3A_220 = vector.broadcast %shift_left3A_219 : i32 to vector<16xi32>
        %shift_left3A_221 = arith.shli %and3A_218, %shift_left3A_220 : vector<16xi32>
        %or3A_222 = arith.ori %add3A_215, %shift_left3A_221 : vector<16xi32>
        %or3A_223 = arith.constant 2097152 : i32
        %or3A_224 = vector.broadcast %or3A_223 : i32 to vector<16xi32>
        %or3A_225 = arith.ori %or3A_222, %or3A_224 : vector<16xi32>
        %shift_left3A_226 = arith.constant 23 : i32
        %shift_left3A_227 = vector.broadcast %shift_left3A_226 : i32 to vector<16xi32>
        %shift_left3A_228 = arith.shli %sub3A_202, %shift_left3A_227 : vector<16xi32>
        %or3A_229 = arith.ori %or3A_225, %shift_left3A_228 : vector<16xi32>
        %jit3A_230 = arith.constant 1 : i32
        %jit3A_231 = arith.constant 0 : i32
        %broadcast_in_dim3A_232 = vector.broadcast %jit3A_230 : i32 to vector<16xi32>
        %broadcast_in_dim3A_233 = vector.broadcast %jit3A_231 : i32 to vector<16xi32>
        %select_n3A_234 = arith.select %and3A_208, %broadcast_in_dim3A_232, %broadcast_in_dim3A_233 : vector<16xi1>, vector<16xi32>
        %broadcast_in_dim3A_235 = arith.constant true
        %broadcast_in_dim3A_236 = vector.broadcast %broadcast_in_dim3A_235 : i1 to vector<16xi1>
        %masked_cumsum3A_237 = tpu.scan <sum>, %select_n3A_234 masked %broadcast_in_dim3A_236 : vector<16xi32>, vector<16xi1> -> vector<16xi32>
        %add3A_238 = vector.broadcast %add3A_191 : i32 to vector<16xi32>
        %add3A_239 = arith.addi %add3A_238, %masked_cumsum3A_237 : vector<16xi32>
        %sub3A_240 = arith.constant 1 : i32
        %sub3A_241 = vector.broadcast %sub3A_240 : i32 to vector<16xi32>
        %sub3A_242 = arith.subi %add3A_239, %sub3A_241 : vector<16xi32>
        tpu.vector_store_idx %arg9[%sub3A_242], %or3A_229 masked %and3A_208 : memref<49168xi32, #tpu.memory_space<vmem>>[vector<16xi32>], vector<16xi32>, vector<16xi1>
        %all_reduce_population_count3A_243 = tpu.all_reduce %and3A_208 {dim = 0 : i64, kind = #tpu.reduction_kind<sum>} : vector<16xi1> -> vector<16xi32>
        %slice3A_244 = vector.extract_strided_slice %all_reduce_population_count3A_243 {offsets = [0], sizes = [1], strides = [1]} : vector<16xi32> to vector<1xi32>
        %squeeze3A_245 = vector.extract %slice3A_244[0] : i32 from vector<1xi32>
        %add3A_246 = arith.addi %add3A_191, %squeeze3A_245 : i32
        %scan3A_247 = arith.constant 2 : i32
        %scan3A_248 = arith.addi %scan3A_147, %scan3A_247 : i32
        %mul3A_249 = arith.constant 16 : i32
        %mul3A_250 = arith.muli %scan3A_248, %mul3A_249 : i32
        %get3A_251 = arith.index_cast %mul3A_250 : i32 to index
        %get3A_252 = tpu.vector_load %arg8[%get3A_251] {strides = array<i32>} : memref<2048xi32, #tpu.memory_space<vmem>>, vector<16xi32>,
        %shift_right_logical3A_253 = arith.constant 7 : i32
        %shift_right_logical3A_254 = vector.broadcast %shift_right_logical3A_253 : i32 to vector<16xi32>
        %shift_right_logical3A_255 = arith.shrui %get3A_252, %shift_right_logical3A_254 : vector<16xi32>
        %sub3A_256 = vector.broadcast %mul3A_2 : i32 to vector<16xi32>
        %sub3A_257 = arith.subi %shift_right_logical3A_255, %sub3A_256 : vector<16xi32>
        %ge3A_258 = arith.constant 0 : i32
        %ge3A_259 = vector.broadcast %ge3A_258 : i32 to vector<16xi32>
        %ge3A_260 = arith.cmpi sge, %sub3A_257, %ge3A_259 : vector<16xi32>
        %lt3A_261 = vector.broadcast %min3A_4 : i32 to vector<16xi32>
        %lt3A_262 = arith.cmpi slt, %sub3A_257, %lt3A_261 : vector<16xi32>
        %and3A_263 = arith.andi %ge3A_260, %lt3A_262 : vector<16xi1>
        %mul3A_264 = arith.constant 2048 : i32
        %mul3A_265 = arith.muli %scan3A_137, %mul3A_264 : i32
        %mul3A_266 = arith.constant 16 : i32
        %mul3A_267 = arith.muli %scan3A_248, %mul3A_266 : i32
        %add3A_268 = arith.addi %mul3A_265, %mul3A_267 : i32
        %add3A_269 = vector.broadcast %add3A_268 : i32 to vector<16xi32>
        %add3A_270 = arith.addi %add3A_269, %iota3A : vector<16xi32>
        %and3A_271 = arith.constant 127 : i32
        %and3A_272 = vector.broadcast %and3A_271 : i32 to vector<16xi32>
        %and3A_273 = arith.andi %get3A_252, %and3A_272 : vector<16xi32>
        %shift_left3A_274 = arith.constant 14 : i32
        %shift_left3A_275 = vector.broadcast %shift_left3A_274 : i32 to vector<16xi32>
        %shift_left3A_276 = arith.shli %and3A_273, %shift_left3A_275 : vector<16xi32>
        %or3A_277 = arith.ori %add3A_270, %shift_left3A_276 : vector<16xi32>
        %or3A_278 = arith.constant 2097152 : i32
        %or3A_279 = vector.broadcast %or3A_278 : i32 to vector<16xi32>
        %or3A_280 = arith.ori %or3A_277, %or3A_279 : vector<16xi32>
        %shift_left3A_281 = arith.constant 23 : i32
        %shift_left3A_282 = vector.broadcast %shift_left3A_281 : i32 to vector<16xi32>
        %shift_left3A_283 = arith.shli %sub3A_257, %shift_left3A_282 : vector<16xi32>
        %or3A_284 = arith.ori %or3A_280, %shift_left3A_283 : vector<16xi32>
        %jit3A_285 = arith.constant 1 : i32
        %jit3A_286 = arith.constant 0 : i32
        %broadcast_in_dim3A_287 = vector.broadcast %jit3A_285 : i32 to vector<16xi32>
        %broadcast_in_dim3A_288 = vector.broadcast %jit3A_286 : i32 to vector<16xi32>
        %select_n3A_289 = arith.select %and3A_263, %broadcast_in_dim3A_287, %broadcast_in_dim3A_288 : vector<16xi1>, vector<16xi32>
        %broadcast_in_dim3A_290 = arith.constant true
        %broadcast_in_dim3A_291 = vector.broadcast %broadcast_in_dim3A_290 : i1 to vector<16xi1>
        %masked_cumsum3A_292 = tpu.scan <sum>, %select_n3A_289 masked %broadcast_in_dim3A_291 : vector<16xi32>, vector<16xi1> -> vector<16xi32>
        %add3A_293 = vector.broadcast %add3A_246 : i32 to vector<16xi32>
        %add3A_294 = arith.addi %add3A_293, %masked_cumsum3A_292 : vector<16xi32>
        %sub3A_295 = arith.constant 1 : i32
        %sub3A_296 = vector.broadcast %sub3A_295 : i32 to vector<16xi32>
        %sub3A_297 = arith.subi %add3A_294, %sub3A_296 : vector<16xi32>
        tpu.vector_store_idx %arg9[%sub3A_297], %or3A_284 masked %and3A_263 : memref<49168xi32, #tpu.memory_space<vmem>>[vector<16xi32>], vector<16xi32>, vector<16xi1>
        %all_reduce_population_count3A_298 = tpu.all_reduce %and3A_263 {dim = 0 : i64, kind = #tpu.reduction_kind<sum>} : vector<16xi1> -> vector<16xi32>
        %slice3A_299 = vector.extract_strided_slice %all_reduce_population_count3A_298 {offsets = [0], sizes = [1], strides = [1]} : vector<16xi32> to vector<1xi32>
        %squeeze3A_300 = vector.extract %slice3A_299[0] : i32 from vector<1xi32>
        %add3A_301 = arith.addi %add3A_246, %squeeze3A_300 : i32
        %scan3A_302 = arith.constant 3 : i32
        %scan3A_303 = arith.addi %scan3A_147, %scan3A_302 : i32
        %mul3A_304 = arith.constant 16 : i32
        %mul3A_305 = arith.muli %scan3A_303, %mul3A_304 : i32
        %get3A_306 = arith.index_cast %mul3A_305 : i32 to index
        %get3A_307 = tpu.vector_load %arg8[%get3A_306] {strides = array<i32>} : memref<2048xi32, #tpu.memory_space<vmem>>, vector<16xi32>,
        %shift_right_logical3A_308 = arith.constant 7 : i32
        %shift_right_logical3A_309 = vector.broadcast %shift_right_logical3A_308 : i32 to vector<16xi32>
        %shift_right_logical3A_310 = arith.shrui %get3A_307, %shift_right_logical3A_309 : vector<16xi32>
        %sub3A_311 = vector.broadcast %mul3A_2 : i32 to vector<16xi32>
        %sub3A_312 = arith.subi %shift_right_logical3A_310, %sub3A_311 : vector<16xi32>
        %ge3A_313 = arith.constant 0 : i32
        %ge3A_314 = vector.broadcast %ge3A_313 : i32 to vector<16xi32>
        %ge3A_315 = arith.cmpi sge, %sub3A_312, %ge3A_314 : vector<16xi32>
        %lt3A_316 = vector.broadcast %min3A_4 : i32 to vector<16xi32>
        %lt3A_317 = arith.cmpi slt, %sub3A_312, %lt3A_316 : vector<16xi32>
        %and3A_318 = arith.andi %ge3A_315, %lt3A_317 : vector<16xi1>
        %mul3A_319 = arith.constant 2048 : i32
        %mul3A_320 = arith.muli %scan3A_137, %mul3A_319 : i32
        %mul3A_321 = arith.constant 16 : i32
        %mul3A_322 = arith.muli %scan3A_303, %mul3A_321 : i32
        %add3A_323 = arith.addi %mul3A_320, %mul3A_322 : i32
        %add3A_324 = vector.broadcast %add3A_323 : i32 to vector<16xi32>
        %add3A_325 = arith.addi %add3A_324, %iota3A : vector<16xi32>
        %and3A_326 = arith.constant 127 : i32
        %and3A_327 = vector.broadcast %and3A_326 : i32 to vector<16xi32>
        %and3A_328 = arith.andi %get3A_307, %and3A_327 : vector<16xi32>
        %shift_left3A_329 = arith.constant 14 : i32
        %shift_left3A_330 = vector.broadcast %shift_left3A_329 : i32 to vector<16xi32>
        %shift_left3A_331 = arith.shli %and3A_328, %shift_left3A_330 : vector<16xi32>
        %or3A_332 = arith.ori %add3A_325, %shift_left3A_331 : vector<16xi32>
        %or3A_333 = arith.constant 2097152 : i32
        %or3A_334 = vector.broadcast %or3A_333 : i32 to vector<16xi32>
        %or3A_335 = arith.ori %or3A_332, %or3A_334 : vector<16xi32>
        %shift_left3A_336 = arith.constant 23 : i32
        %shift_left3A_337 = vector.broadcast %shift_left3A_336 : i32 to vector<16xi32>
        %shift_left3A_338 = arith.shli %sub3A_312, %shift_left3A_337 : vector<16xi32>
        %or3A_339 = arith.ori %or3A_335, %shift_left3A_338 : vector<16xi32>
        %jit3A_340 = arith.constant 1 : i32
        %jit3A_341 = arith.constant 0 : i32
        %broadcast_in_dim3A_342 = vector.broadcast %jit3A_340 : i32 to vector<16xi32>
        %broadcast_in_dim3A_343 = vector.broadcast %jit3A_341 : i32 to vector<16xi32>
        %select_n3A_344 = arith.select %and3A_318, %broadcast_in_dim3A_342, %broadcast_in_dim3A_343 : vector<16xi1>, vector<16xi32>
        %broadcast_in_dim3A_345 = arith.constant true
        %broadcast_in_dim3A_346 = vector.broadcast %broadcast_in_dim3A_345 : i1 to vector<16xi1>
        %masked_cumsum3A_347 = tpu.scan <sum>, %select_n3A_344 masked %broadcast_in_dim3A_346 : vector<16xi32>, vector<16xi1> -> vector<16xi32>
        %add3A_348 = vector.broadcast %add3A_301 : i32 to vector<16xi32>
        %add3A_349 = arith.addi %add3A_348, %masked_cumsum3A_347 : vector<16xi32>
        %sub3A_350 = arith.constant 1 : i32
        %sub3A_351 = vector.broadcast %sub3A_350 : i32 to vector<16xi32>
        %sub3A_352 = arith.subi %add3A_349, %sub3A_351 : vector<16xi32>
        tpu.vector_store_idx %arg9[%sub3A_352], %or3A_339 masked %and3A_318 : memref<49168xi32, #tpu.memory_space<vmem>>[vector<16xi32>], vector<16xi32>, vector<16xi1>
        %all_reduce_population_count3A_353 = tpu.all_reduce %and3A_318 {dim = 0 : i64, kind = #tpu.reduction_kind<sum>} : vector<16xi1> -> vector<16xi32>
        %slice3A_354 = vector.extract_strided_slice %all_reduce_population_count3A_353 {offsets = [0], sizes = [1], strides = [1]} : vector<16xi32> to vector<1xi32>
        %squeeze3A_355 = vector.extract %slice3A_354[0] : i32 from vector<1xi32>
        %add3A_356 = arith.addi %add3A_301, %squeeze3A_355 : i32
        scf.yield %add3A_356 : i32
      }
      %scan3A_146 = arith.constant 128 : i32
      scf.yield %scan3A_145 : i32
    }
    %scan3A_22 = arith.constant 8 : i32
    %scan3A_23 = arith.constant 0 : i32
    %scan3A_24 = arith.constant 8 : i32
    %scan3A_25 = arith.addi %scan3A_23, %scan3A_24 : i32
    %scan3A_26 = arith.constant 1 : i32
    %scan3A_27 = scf.for %scan3A_137 = %scan3A_23 to %scan3A_25 step %scan3A_26 iter_args(%scan3A_138 = %scan3A_21) -> (i32)  : i32 {
      %mul3A_139 = arith.constant 2048 : i32
      %mul3A_140 = arith.muli %scan3A_137, %mul3A_139 : i32
      "tpu.region"() ({
        %run_scoped3A = tpu.sem_alloc : memref<!tpu.dma_semaphore, #tpu.memory_space<semaphore_mem>>
        %dma_start3A = tpu.memref_slice %arg4[%mul3A_140] : memref<16384xi32, #tpu.memory_space<hbm>> -> memref<2048xi32, #tpu.memory_space<hbm>>
        %dma_start3A_147 = tpu.memref_slice %arg4[%mul3A_140] : memref<16384xi32, #tpu.memory_space<hbm>> -> memref<2048xi32, #tpu.memory_space<hbm>>
        tpu.enqueue_dma source(%dma_start3A_147 : memref<2048xi32, #tpu.memory_space<hbm>>) target(%arg8 : memref<2048xi32, #tpu.memory_space<vmem>>) target_semaphore(%run_scoped3A : memref<!tpu.dma_semaphore, #tpu.memory_space<semaphore_mem>>)
        %dma_wait3A = tpu.memref_slice %arg4[%mul3A_140] : memref<16384xi32, #tpu.memory_space<hbm>> -> memref<2048xi32, #tpu.memory_space<hbm>>
        %dma_wait3A_148 = tpu.memref_slice %arg4[%mul3A_140] : memref<16384xi32, #tpu.memory_space<hbm>> -> memref<2048xi32, #tpu.memory_space<hbm>>
        tpu.wait_dma2 semaphore(%run_scoped3A : memref<!tpu.dma_semaphore, #tpu.memory_space<semaphore_mem>>) src(%dma_wait3A_148 : memref<2048xi32, #tpu.memory_space<hbm>>) dst(%arg8 : memref<2048xi32, #tpu.memory_space<vmem>>)
        tpu.yield
      }) : () -> ()
      %scan3A_141 = arith.constant 0 : i32
      %scan3A_142 = arith.constant 128 : i32
      %scan3A_143 = arith.addi %scan3A_141, %scan3A_142 : i32
      %scan3A_144 = arith.constant 4 : i32
      %scan3A_145 = scf.for %scan3A_147 = %scan3A_141 to %scan3A_143 step %scan3A_144 iter_args(%scan3A_148 = %scan3A_138) -> (i32)  : i32 {
        %mul3A_149 = arith.constant 16 : i32
        %mul3A_150 = arith.muli %scan3A_147, %mul3A_149 : i32
        %get3A_151 = arith.index_cast %mul3A_150 : i32 to index
        %get3A_152 = tpu.vector_load %arg8[%get3A_151] {strides = array<i32>} : memref<2048xi32, #tpu.memory_space<vmem>>, vector<16xi32>,
        %shift_right_logical3A_153 = arith.constant 7 : i32
        %shift_right_logical3A_154 = vector.broadcast %shift_right_logical3A_153 : i32 to vector<16xi32>
        %shift_right_logical3A_155 = arith.shrui %get3A_152, %shift_right_logical3A_154 : vector<16xi32>
        %sub3A_156 = vector.broadcast %mul3A_2 : i32 to vector<16xi32>
        %sub3A_157 = arith.subi %shift_right_logical3A_155, %sub3A_156 : vector<16xi32>
        %ge3A = arith.constant 0 : i32
        %ge3A_158 = vector.broadcast %ge3A : i32 to vector<16xi32>
        %ge3A_159 = arith.cmpi sge, %sub3A_157, %ge3A_158 : vector<16xi32>
        %lt3A = vector.broadcast %min3A_4 : i32 to vector<16xi32>
        %lt3A_160 = arith.cmpi slt, %sub3A_157, %lt3A : vector<16xi32>
        %and3A_161 = arith.andi %ge3A_159, %lt3A_160 : vector<16xi1>
        %mul3A_162 = arith.constant 2048 : i32
        %mul3A_163 = arith.muli %scan3A_137, %mul3A_162 : i32
        %mul3A_164 = arith.constant 16 : i32
        %mul3A_165 = arith.muli %scan3A_147, %mul3A_164 : i32
        %add3A_166 = arith.addi %mul3A_163, %mul3A_165 : i32
        %add3A_167 = vector.broadcast %add3A_166 : i32 to vector<16xi32>
        %add3A_168 = arith.addi %add3A_167, %iota3A : vector<16xi32>
        %and3A_169 = arith.constant 127 : i32
        %and3A_170 = vector.broadcast %and3A_169 : i32 to vector<16xi32>
        %and3A_171 = arith.andi %get3A_152, %and3A_170 : vector<16xi32>
        %shift_left3A = arith.constant 14 : i32
        %shift_left3A_172 = vector.broadcast %shift_left3A : i32 to vector<16xi32>
        %shift_left3A_173 = arith.shli %and3A_171, %shift_left3A_172 : vector<16xi32>
        %or3A = arith.ori %add3A_168, %shift_left3A_173 : vector<16xi32>
        %or3A_174 = arith.constant 4194304 : i32
        %or3A_175 = vector.broadcast %or3A_174 : i32 to vector<16xi32>
        %or3A_176 = arith.ori %or3A, %or3A_175 : vector<16xi32>
        %shift_left3A_177 = arith.constant 23 : i32
        %shift_left3A_178 = vector.broadcast %shift_left3A_177 : i32 to vector<16xi32>
        %shift_left3A_179 = arith.shli %sub3A_157, %shift_left3A_178 : vector<16xi32>
        %or3A_180 = arith.ori %or3A_176, %shift_left3A_179 : vector<16xi32>
        %jit3A = arith.constant 1 : i32
        %jit3A_181 = arith.constant 0 : i32
        %broadcast_in_dim3A_182 = vector.broadcast %jit3A : i32 to vector<16xi32>
        %broadcast_in_dim3A_183 = vector.broadcast %jit3A_181 : i32 to vector<16xi32>
        %select_n3A = arith.select %and3A_161, %broadcast_in_dim3A_182, %broadcast_in_dim3A_183 : vector<16xi1>, vector<16xi32>
        %broadcast_in_dim3A_184 = arith.constant true
        %broadcast_in_dim3A_185 = vector.broadcast %broadcast_in_dim3A_184 : i1 to vector<16xi1>
        %masked_cumsum3A = tpu.scan <sum>, %select_n3A masked %broadcast_in_dim3A_185 : vector<16xi32>, vector<16xi1> -> vector<16xi32>
        %add3A_186 = vector.broadcast %scan3A_148 : i32 to vector<16xi32>
        %add3A_187 = arith.addi %add3A_186, %masked_cumsum3A : vector<16xi32>
        %sub3A_188 = arith.constant 1 : i32
        %sub3A_189 = vector.broadcast %sub3A_188 : i32 to vector<16xi32>
        %sub3A_190 = arith.subi %add3A_187, %sub3A_189 : vector<16xi32>
        tpu.vector_store_idx %arg9[%sub3A_190], %or3A_180 masked %and3A_161 : memref<49168xi32, #tpu.memory_space<vmem>>[vector<16xi32>], vector<16xi32>, vector<16xi1>
        %all_reduce_population_count3A = tpu.all_reduce %and3A_161 {dim = 0 : i64, kind = #tpu.reduction_kind<sum>} : vector<16xi1> -> vector<16xi32>
        %slice3A = vector.extract_strided_slice %all_reduce_population_count3A {offsets = [0], sizes = [1], strides = [1]} : vector<16xi32> to vector<1xi32>
        %squeeze3A = vector.extract %slice3A[0] : i32 from vector<1xi32>
        %add3A_191 = arith.addi %scan3A_148, %squeeze3A : i32
        %scan3A_192 = arith.constant 1 : i32
        %scan3A_193 = arith.addi %scan3A_147, %scan3A_192 : i32
        %mul3A_194 = arith.constant 16 : i32
        %mul3A_195 = arith.muli %scan3A_193, %mul3A_194 : i32
        %get3A_196 = arith.index_cast %mul3A_195 : i32 to index
        %get3A_197 = tpu.vector_load %arg8[%get3A_196] {strides = array<i32>} : memref<2048xi32, #tpu.memory_space<vmem>>, vector<16xi32>,
        %shift_right_logical3A_198 = arith.constant 7 : i32
        %shift_right_logical3A_199 = vector.broadcast %shift_right_logical3A_198 : i32 to vector<16xi32>
        %shift_right_logical3A_200 = arith.shrui %get3A_197, %shift_right_logical3A_199 : vector<16xi32>
        %sub3A_201 = vector.broadcast %mul3A_2 : i32 to vector<16xi32>
        %sub3A_202 = arith.subi %shift_right_logical3A_200, %sub3A_201 : vector<16xi32>
        %ge3A_203 = arith.constant 0 : i32
        %ge3A_204 = vector.broadcast %ge3A_203 : i32 to vector<16xi32>
        %ge3A_205 = arith.cmpi sge, %sub3A_202, %ge3A_204 : vector<16xi32>
        %lt3A_206 = vector.broadcast %min3A_4 : i32 to vector<16xi32>
        %lt3A_207 = arith.cmpi slt, %sub3A_202, %lt3A_206 : vector<16xi32>
        %and3A_208 = arith.andi %ge3A_205, %lt3A_207 : vector<16xi1>
        %mul3A_209 = arith.constant 2048 : i32
        %mul3A_210 = arith.muli %scan3A_137, %mul3A_209 : i32
        %mul3A_211 = arith.constant 16 : i32
        %mul3A_212 = arith.muli %scan3A_193, %mul3A_211 : i32
        %add3A_213 = arith.addi %mul3A_210, %mul3A_212 : i32
        %add3A_214 = vector.broadcast %add3A_213 : i32 to vector<16xi32>
        %add3A_215 = arith.addi %add3A_214, %iota3A : vector<16xi32>
        %and3A_216 = arith.constant 127 : i32
        %and3A_217 = vector.broadcast %and3A_216 : i32 to vector<16xi32>
        %and3A_218 = arith.andi %get3A_197, %and3A_217 : vector<16xi32>
        %shift_left3A_219 = arith.constant 14 : i32
        %shift_left3A_220 = vector.broadcast %shift_left3A_219 : i32 to vector<16xi32>
        %shift_left3A_221 = arith.shli %and3A_218, %shift_left3A_220 : vector<16xi32>
        %or3A_222 = arith.ori %add3A_215, %shift_left3A_221 : vector<16xi32>
        %or3A_223 = arith.constant 4194304 : i32
        %or3A_224 = vector.broadcast %or3A_223 : i32 to vector<16xi32>
        %or3A_225 = arith.ori %or3A_222, %or3A_224 : vector<16xi32>
        %shift_left3A_226 = arith.constant 23 : i32
        %shift_left3A_227 = vector.broadcast %shift_left3A_226 : i32 to vector<16xi32>
        %shift_left3A_228 = arith.shli %sub3A_202, %shift_left3A_227 : vector<16xi32>
        %or3A_229 = arith.ori %or3A_225, %shift_left3A_228 : vector<16xi32>
        %jit3A_230 = arith.constant 1 : i32
        %jit3A_231 = arith.constant 0 : i32
        %broadcast_in_dim3A_232 = vector.broadcast %jit3A_230 : i32 to vector<16xi32>
        %broadcast_in_dim3A_233 = vector.broadcast %jit3A_231 : i32 to vector<16xi32>
        %select_n3A_234 = arith.select %and3A_208, %broadcast_in_dim3A_232, %broadcast_in_dim3A_233 : vector<16xi1>, vector<16xi32>
        %broadcast_in_dim3A_235 = arith.constant true
        %broadcast_in_dim3A_236 = vector.broadcast %broadcast_in_dim3A_235 : i1 to vector<16xi1>
        %masked_cumsum3A_237 = tpu.scan <sum>, %select_n3A_234 masked %broadcast_in_dim3A_236 : vector<16xi32>, vector<16xi1> -> vector<16xi32>
        %add3A_238 = vector.broadcast %add3A_191 : i32 to vector<16xi32>
        %add3A_239 = arith.addi %add3A_238, %masked_cumsum3A_237 : vector<16xi32>
        %sub3A_240 = arith.constant 1 : i32
        %sub3A_241 = vector.broadcast %sub3A_240 : i32 to vector<16xi32>
        %sub3A_242 = arith.subi %add3A_239, %sub3A_241 : vector<16xi32>
        tpu.vector_store_idx %arg9[%sub3A_242], %or3A_229 masked %and3A_208 : memref<49168xi32, #tpu.memory_space<vmem>>[vector<16xi32>], vector<16xi32>, vector<16xi1>
        %all_reduce_population_count3A_243 = tpu.all_reduce %and3A_208 {dim = 0 : i64, kind = #tpu.reduction_kind<sum>} : vector<16xi1> -> vector<16xi32>
        %slice3A_244 = vector.extract_strided_slice %all_reduce_population_count3A_243 {offsets = [0], sizes = [1], strides = [1]} : vector<16xi32> to vector<1xi32>
        %squeeze3A_245 = vector.extract %slice3A_244[0] : i32 from vector<1xi32>
        %add3A_246 = arith.addi %add3A_191, %squeeze3A_245 : i32
        %scan3A_247 = arith.constant 2 : i32
        %scan3A_248 = arith.addi %scan3A_147, %scan3A_247 : i32
        %mul3A_249 = arith.constant 16 : i32
        %mul3A_250 = arith.muli %scan3A_248, %mul3A_249 : i32
        %get3A_251 = arith.index_cast %mul3A_250 : i32 to index
        %get3A_252 = tpu.vector_load %arg8[%get3A_251] {strides = array<i32>} : memref<2048xi32, #tpu.memory_space<vmem>>, vector<16xi32>,
        %shift_right_logical3A_253 = arith.constant 7 : i32
        %shift_right_logical3A_254 = vector.broadcast %shift_right_logical3A_253 : i32 to vector<16xi32>
        %shift_right_logical3A_255 = arith.shrui %get3A_252, %shift_right_logical3A_254 : vector<16xi32>
        %sub3A_256 = vector.broadcast %mul3A_2 : i32 to vector<16xi32>
        %sub3A_257 = arith.subi %shift_right_logical3A_255, %sub3A_256 : vector<16xi32>
        %ge3A_258 = arith.constant 0 : i32
        %ge3A_259 = vector.broadcast %ge3A_258 : i32 to vector<16xi32>
        %ge3A_260 = arith.cmpi sge, %sub3A_257, %ge3A_259 : vector<16xi32>
        %lt3A_261 = vector.broadcast %min3A_4 : i32 to vector<16xi32>
        %lt3A_262 = arith.cmpi slt, %sub3A_257, %lt3A_261 : vector<16xi32>
        %and3A_263 = arith.andi %ge3A_260, %lt3A_262 : vector<16xi1>
        %mul3A_264 = arith.constant 2048 : i32
        %mul3A_265 = arith.muli %scan3A_137, %mul3A_264 : i32
        %mul3A_266 = arith.constant 16 : i32
        %mul3A_267 = arith.muli %scan3A_248, %mul3A_266 : i32
        %add3A_268 = arith.addi %mul3A_265, %mul3A_267 : i32
        %add3A_269 = vector.broadcast %add3A_268 : i32 to vector<16xi32>
        %add3A_270 = arith.addi %add3A_269, %iota3A : vector<16xi32>
        %and3A_271 = arith.constant 127 : i32
        %and3A_272 = vector.broadcast %and3A_271 : i32 to vector<16xi32>
        %and3A_273 = arith.andi %get3A_252, %and3A_272 : vector<16xi32>
        %shift_left3A_274 = arith.constant 14 : i32
        %shift_left3A_275 = vector.broadcast %shift_left3A_274 : i32 to vector<16xi32>
        %shift_left3A_276 = arith.shli %and3A_273, %shift_left3A_275 : vector<16xi32>
        %or3A_277 = arith.ori %add3A_270, %shift_left3A_276 : vector<16xi32>
        %or3A_278 = arith.constant 4194304 : i32
        %or3A_279 = vector.broadcast %or3A_278 : i32 to vector<16xi32>
        %or3A_280 = arith.ori %or3A_277, %or3A_279 : vector<16xi32>
        %shift_left3A_281 = arith.constant 23 : i32
        %shift_left3A_282 = vector.broadcast %shift_left3A_281 : i32 to vector<16xi32>
        %shift_left3A_283 = arith.shli %sub3A_257, %shift_left3A_282 : vector<16xi32>
        %or3A_284 = arith.ori %or3A_280, %shift_left3A_283 : vector<16xi32>
        %jit3A_285 = arith.constant 1 : i32
        %jit3A_286 = arith.constant 0 : i32
        %broadcast_in_dim3A_287 = vector.broadcast %jit3A_285 : i32 to vector<16xi32>
        %broadcast_in_dim3A_288 = vector.broadcast %jit3A_286 : i32 to vector<16xi32>
        %select_n3A_289 = arith.select %and3A_263, %broadcast_in_dim3A_287, %broadcast_in_dim3A_288 : vector<16xi1>, vector<16xi32>
        %broadcast_in_dim3A_290 = arith.constant true
        %broadcast_in_dim3A_291 = vector.broadcast %broadcast_in_dim3A_290 : i1 to vector<16xi1>
        %masked_cumsum3A_292 = tpu.scan <sum>, %select_n3A_289 masked %broadcast_in_dim3A_291 : vector<16xi32>, vector<16xi1> -> vector<16xi32>
        %add3A_293 = vector.broadcast %add3A_246 : i32 to vector<16xi32>
        %add3A_294 = arith.addi %add3A_293, %masked_cumsum3A_292 : vector<16xi32>
        %sub3A_295 = arith.constant 1 : i32
        %sub3A_296 = vector.broadcast %sub3A_295 : i32 to vector<16xi32>
        %sub3A_297 = arith.subi %add3A_294, %sub3A_296 : vector<16xi32>
        tpu.vector_store_idx %arg9[%sub3A_297], %or3A_284 masked %and3A_263 : memref<49168xi32, #tpu.memory_space<vmem>>[vector<16xi32>], vector<16xi32>, vector<16xi1>
        %all_reduce_population_count3A_298 = tpu.all_reduce %and3A_263 {dim = 0 : i64, kind = #tpu.reduction_kind<sum>} : vector<16xi1> -> vector<16xi32>
        %slice3A_299 = vector.extract_strided_slice %all_reduce_population_count3A_298 {offsets = [0], sizes = [1], strides = [1]} : vector<16xi32> to vector<1xi32>
        %squeeze3A_300 = vector.extract %slice3A_299[0] : i32 from vector<1xi32>
        %add3A_301 = arith.addi %add3A_246, %squeeze3A_300 : i32
        %scan3A_302 = arith.constant 3 : i32
        %scan3A_303 = arith.addi %scan3A_147, %scan3A_302 : i32
        %mul3A_304 = arith.constant 16 : i32
        %mul3A_305 = arith.muli %scan3A_303, %mul3A_304 : i32
        %get3A_306 = arith.index_cast %mul3A_305 : i32 to index
        %get3A_307 = tpu.vector_load %arg8[%get3A_306] {strides = array<i32>} : memref<2048xi32, #tpu.memory_space<vmem>>, vector<16xi32>,
        %shift_right_logical3A_308 = arith.constant 7 : i32
        %shift_right_logical3A_309 = vector.broadcast %shift_right_logical3A_308 : i32 to vector<16xi32>
        %shift_right_logical3A_310 = arith.shrui %get3A_307, %shift_right_logical3A_309 : vector<16xi32>
        %sub3A_311 = vector.broadcast %mul3A_2 : i32 to vector<16xi32>
        %sub3A_312 = arith.subi %shift_right_logical3A_310, %sub3A_311 : vector<16xi32>
        %ge3A_313 = arith.constant 0 : i32
        %ge3A_314 = vector.broadcast %ge3A_313 : i32 to vector<16xi32>
        %ge3A_315 = arith.cmpi sge, %sub3A_312, %ge3A_314 : vector<16xi32>
        %lt3A_316 = vector.broadcast %min3A_4 : i32 to vector<16xi32>
        %lt3A_317 = arith.cmpi slt, %sub3A_312, %lt3A_316 : vector<16xi32>
        %and3A_318 = arith.andi %ge3A_315, %lt3A_317 : vector<16xi1>
        %mul3A_319 = arith.constant 2048 : i32
        %mul3A_320 = arith.muli %scan3A_137, %mul3A_319 : i32
        %mul3A_321 = arith.constant 16 : i32
        %mul3A_322 = arith.muli %scan3A_303, %mul3A_321 : i32
        %add3A_323 = arith.addi %mul3A_320, %mul3A_322 : i32
        %add3A_324 = vector.broadcast %add3A_323 : i32 to vector<16xi32>
        %add3A_325 = arith.addi %add3A_324, %iota3A : vector<16xi32>
        %and3A_326 = arith.constant 127 : i32
        %and3A_327 = vector.broadcast %and3A_326 : i32 to vector<16xi32>
        %and3A_328 = arith.andi %get3A_307, %and3A_327 : vector<16xi32>
        %shift_left3A_329 = arith.constant 14 : i32
        %shift_left3A_330 = vector.broadcast %shift_left3A_329 : i32 to vector<16xi32>
        %shift_left3A_331 = arith.shli %and3A_328, %shift_left3A_330 : vector<16xi32>
        %or3A_332 = arith.ori %add3A_325, %shift_left3A_331 : vector<16xi32>
        %or3A_333 = arith.constant 4194304 : i32
        %or3A_334 = vector.broadcast %or3A_333 : i32 to vector<16xi32>
        %or3A_335 = arith.ori %or3A_332, %or3A_334 : vector<16xi32>
        %shift_left3A_336 = arith.constant 23 : i32
        %shift_left3A_337 = vector.broadcast %shift_left3A_336 : i32 to vector<16xi32>
        %shift_left3A_338 = arith.shli %sub3A_312, %shift_left3A_337 : vector<16xi32>
        %or3A_339 = arith.ori %or3A_335, %shift_left3A_338 : vector<16xi32>
        %jit3A_340 = arith.constant 1 : i32
        %jit3A_341 = arith.constant 0 : i32
        %broadcast_in_dim3A_342 = vector.broadcast %jit3A_340 : i32 to vector<16xi32>
        %broadcast_in_dim3A_343 = vector.broadcast %jit3A_341 : i32 to vector<16xi32>
        %select_n3A_344 = arith.select %and3A_318, %broadcast_in_dim3A_342, %broadcast_in_dim3A_343 : vector<16xi1>, vector<16xi32>
        %broadcast_in_dim3A_345 = arith.constant true
        %broadcast_in_dim3A_346 = vector.broadcast %broadcast_in_dim3A_345 : i1 to vector<16xi1>
        %masked_cumsum3A_347 = tpu.scan <sum>, %select_n3A_344 masked %broadcast_in_dim3A_346 : vector<16xi32>, vector<16xi1> -> vector<16xi32>
        %add3A_348 = vector.broadcast %add3A_301 : i32 to vector<16xi32>
        %add3A_349 = arith.addi %add3A_348, %masked_cumsum3A_347 : vector<16xi32>
        %sub3A_350 = arith.constant 1 : i32
        %sub3A_351 = vector.broadcast %sub3A_350 : i32 to vector<16xi32>
        %sub3A_352 = arith.subi %add3A_349, %sub3A_351 : vector<16xi32>
        tpu.vector_store_idx %arg9[%sub3A_352], %or3A_339 masked %and3A_318 : memref<49168xi32, #tpu.memory_space<vmem>>[vector<16xi32>], vector<16xi32>, vector<16xi1>
        %all_reduce_population_count3A_353 = tpu.all_reduce %and3A_318 {dim = 0 : i64, kind = #tpu.reduction_kind<sum>} : vector<16xi1> -> vector<16xi32>
        %slice3A_354 = vector.extract_strided_slice %all_reduce_population_count3A_353 {offsets = [0], sizes = [1], strides = [1]} : vector<16xi32> to vector<1xi32>
        %squeeze3A_355 = vector.extract %slice3A_354[0] : i32 from vector<1xi32>
        %add3A_356 = arith.addi %add3A_301, %squeeze3A_355 : i32
        scf.yield %add3A_356 : i32
      }
      %scan3A_146 = arith.constant 128 : i32
      scf.yield %scan3A_145 : i32
    }
    %scan3A_28 = arith.constant 8 : i32
    %swap3A = arith.constant 0 : i32
    %swap3A_29 = arith.constant 490 : i32
    %swap3A_30 = arith.index_cast %swap3A_29 : i32 to index
    %swap3A_31 = memref.load %arg13[%swap3A_30] : memref<492xi32, #tpu.memory_space<smem>>
    memref.store %swap3A, %arg13[%swap3A_30] : memref<492xi32, #tpu.memory_space<smem>>
    %swap3A_32 = arith.constant 0 : i32
    %swap3A_33 = arith.constant 491 : i32
    %swap3A_34 = arith.index_cast %swap3A_33 : i32 to index
    %swap3A_35 = memref.load %arg13[%swap3A_34] : memref<492xi32, #tpu.memory_space<smem>>
    memref.store %swap3A_32, %arg13[%swap3A_34] : memref<492xi32, #tpu.memory_space<smem>>
    %broadcast_in_dim3A = arith.constant 0 : i32
    %broadcast_in_dim3A_36 = vector.broadcast %broadcast_in_dim3A : i32 to vector<16xi32>
    %add3A_37 = arith.constant 0 : i32
    %add3A_38 = vector.broadcast %add3A_37 : i32 to vector<16xi32>
    %add3A_39 = arith.addi %iota3A, %add3A_38 : vector<16xi32>
    %add3A_40 = vector.broadcast %add3A_10 : i32 to vector<16xi32>
    %add3A_41 = arith.addi %add3A_40, %iota3A : vector<16xi32>
    %add3A_42 = arith.constant 0 : i32
    %add3A_43 = vector.broadcast %add3A_42 : i32 to vector<16xi32>
    %add3A_44 = arith.addi %add3A_41, %add3A_43 : vector<16xi32>
    tpu.vector_store_idx %arg12[%broadcast_in_dim3A_36, %add3A_39], %add3A_44 : memref<2x64xi32, #tpu.memory_space<vmem>>[vector<16xi32>, vector<16xi32>], vector<16xi32>,
    %broadcast_in_dim3A_45 = arith.constant 0 : i32
    %broadcast_in_dim3A_46 = vector.broadcast %broadcast_in_dim3A_45 : i32 to vector<16xi32>
    %add3A_47 = arith.constant 16 : i32
    %add3A_48 = vector.broadcast %add3A_47 : i32 to vector<16xi32>
    %add3A_49 = arith.addi %iota3A, %add3A_48 : vector<16xi32>
    %add3A_50 = vector.broadcast %add3A_10 : i32 to vector<16xi32>
    %add3A_51 = arith.addi %add3A_50, %iota3A : vector<16xi32>
    %add3A_52 = arith.constant 16 : i32
    %add3A_53 = vector.broadcast %add3A_52 : i32 to vector<16xi32>
    %add3A_54 = arith.addi %add3A_51, %add3A_53 : vector<16xi32>
    tpu.vector_store_idx %arg12[%broadcast_in_dim3A_46, %add3A_49], %add3A_54 : memref<2x64xi32, #tpu.memory_space<vmem>>[vector<16xi32>, vector<16xi32>], vector<16xi32>,
    %broadcast_in_dim3A_55 = arith.constant 0 : i32
    %broadcast_in_dim3A_56 = vector.broadcast %broadcast_in_dim3A_55 : i32 to vector<16xi32>
    %add3A_57 = arith.constant 32 : i32
    %add3A_58 = vector.broadcast %add3A_57 : i32 to vector<16xi32>
    %add3A_59 = arith.addi %iota3A, %add3A_58 : vector<16xi32>
    %add3A_60 = vector.broadcast %add3A_10 : i32 to vector<16xi32>
    %add3A_61 = arith.addi %add3A_60, %iota3A : vector<16xi32>
    %add3A_62 = arith.constant 32 : i32
    %add3A_63 = vector.broadcast %add3A_62 : i32 to vector<16xi32>
    %add3A_64 = arith.addi %add3A_61, %add3A_63 : vector<16xi32>
    tpu.vector_store_idx %arg12[%broadcast_in_dim3A_56, %add3A_59], %add3A_64 : memref<2x64xi32, #tpu.memory_space<vmem>>[vector<16xi32>, vector<16xi32>], vector<16xi32>,
    %broadcast_in_dim3A_65 = arith.constant 0 : i32
    %broadcast_in_dim3A_66 = vector.broadcast %broadcast_in_dim3A_65 : i32 to vector<16xi32>
    %add3A_67 = arith.constant 48 : i32
    %add3A_68 = vector.broadcast %add3A_67 : i32 to vector<16xi32>
    %add3A_69 = arith.addi %iota3A, %add3A_68 : vector<16xi32>
    %add3A_70 = vector.broadcast %add3A_10 : i32 to vector<16xi32>
    %add3A_71 = arith.addi %add3A_70, %iota3A : vector<16xi32>
    %add3A_72 = arith.constant 48 : i32
    %add3A_73 = vector.broadcast %add3A_72 : i32 to vector<16xi32>
    %add3A_74 = arith.addi %add3A_71, %add3A_73 : vector<16xi32>
    tpu.vector_store_idx %arg12[%broadcast_in_dim3A_66, %add3A_69], %add3A_74 : memref<2x64xi32, #tpu.memory_space<vmem>>[vector<16xi32>, vector<16xi32>], vector<16xi32>,
    %broadcast_in_dim3A_75 = arith.constant 1 : i32
    %broadcast_in_dim3A_76 = vector.broadcast %broadcast_in_dim3A_75 : i32 to vector<16xi32>
    %add3A_77 = arith.constant 0 : i32
    %add3A_78 = vector.broadcast %add3A_77 : i32 to vector<16xi32>
    %add3A_79 = arith.addi %iota3A, %add3A_78 : vector<16xi32>
    %add3A_80 = vector.broadcast %add3A_10 : i32 to vector<16xi32>
    %add3A_81 = arith.addi %add3A_80, %iota3A : vector<16xi32>
    %add3A_82 = arith.constant 0 : i32
    %add3A_83 = vector.broadcast %add3A_82 : i32 to vector<16xi32>
    %add3A_84 = arith.addi %add3A_81, %add3A_83 : vector<16xi32>
    tpu.vector_store_idx %arg12[%broadcast_in_dim3A_76, %add3A_79], %add3A_84 : memref<2x64xi32, #tpu.memory_space<vmem>>[vector<16xi32>, vector<16xi32>], vector<16xi32>,
    %broadcast_in_dim3A_85 = arith.constant 1 : i32
    %broadcast_in_dim3A_86 = vector.broadcast %broadcast_in_dim3A_85 : i32 to vector<16xi32>
    %add3A_87 = arith.constant 16 : i32
    %add3A_88 = vector.broadcast %add3A_87 : i32 to vector<16xi32>
    %add3A_89 = arith.addi %iota3A, %add3A_88 : vector<16xi32>
    %add3A_90 = vector.broadcast %add3A_10 : i32 to vector<16xi32>
    %add3A_91 = arith.addi %add3A_90, %iota3A : vector<16xi32>
    %add3A_92 = arith.constant 16 : i32
    %add3A_93 = vector.broadcast %add3A_92 : i32 to vector<16xi32>
    %add3A_94 = arith.addi %add3A_91, %add3A_93 : vector<16xi32>
    tpu.vector_store_idx %arg12[%broadcast_in_dim3A_86, %add3A_89], %add3A_94 : memref<2x64xi32, #tpu.memory_space<vmem>>[vector<16xi32>, vector<16xi32>], vector<16xi32>,
    %broadcast_in_dim3A_95 = arith.constant 1 : i32
    %broadcast_in_dim3A_96 = vector.broadcast %broadcast_in_dim3A_95 : i32 to vector<16xi32>
    %add3A_97 = arith.constant 32 : i32
    %add3A_98 = vector.broadcast %add3A_97 : i32 to vector<16xi32>
    %add3A_99 = arith.addi %iota3A, %add3A_98 : vector<16xi32>
    %add3A_100 = vector.broadcast %add3A_10 : i32 to vector<16xi32>
    %add3A_101 = arith.addi %add3A_100, %iota3A : vector<16xi32>
    %add3A_102 = arith.constant 32 : i32
    %add3A_103 = vector.broadcast %add3A_102 : i32 to vector<16xi32>
    %add3A_104 = arith.addi %add3A_101, %add3A_103 : vector<16xi32>
    tpu.vector_store_idx %arg12[%broadcast_in_dim3A_96, %add3A_99], %add3A_104 : memref<2x64xi32, #tpu.memory_space<vmem>>[vector<16xi32>, vector<16xi32>], vector<16xi32>,
    %broadcast_in_dim3A_105 = arith.constant 1 : i32
    %broadcast_in_dim3A_106 = vector.broadcast %broadcast_in_dim3A_105 : i32 to vector<16xi32>
    %add3A_107 = arith.constant 48 : i32
    %add3A_108 = vector.broadcast %add3A_107 : i32 to vector<16xi32>
    %add3A_109 = arith.addi %iota3A, %add3A_108 : vector<16xi32>
    %add3A_110 = vector.broadcast %add3A_10 : i32 to vector<16xi32>
    %add3A_111 = arith.addi %add3A_110, %iota3A : vector<16xi32>
    %add3A_112 = arith.constant 48 : i32
    %add3A_113 = vector.broadcast %add3A_112 : i32 to vector<16xi32>
    %add3A_114 = arith.addi %add3A_111, %add3A_113 : vector<16xi32>
    tpu.vector_store_idx %arg12[%broadcast_in_dim3A_106, %add3A_109], %add3A_114 : memref<2x64xi32, #tpu.memory_space<vmem>>[vector<16xi32>, vector<16xi32>], vector<16xi32>,
    %while3A = arith.constant 0 : i32
    %while3A_115:2 = scf.while (%while3A_137 = %scan3A_27, %while3A_138 = %while3A) : (i32, i32) -> (i32, i32) {
      %gt3A_139 = arith.constant 0 : i32
      %gt3A_140 = arith.cmpi sgt, %while3A_137, %gt3A_139 : i32
      scf.condition(%gt3A_140) %while3A_137, %while3A_138 : i32, i32
    } do {
    ^bb0(%while3A_137: i32, %while3A_138: i32):
      %scan3A_139 = arith.constant 0 : i32
      %scan3A_140 = arith.constant 0 : i32
      %scan3A_141 = arith.constant 490 : i32
      %scan3A_142 = arith.addi %scan3A_140, %scan3A_141 : i32
      %scan3A_143 = arith.constant 1 : i32
      %scan3A_144 = scf.for %scan3A_206 = %scan3A_140 to %scan3A_142 step %scan3A_143 iter_args(%scan3A_207 = %scan3A_139) -> (i32)  : i32 {
        %swap3A_208 = arith.constant 0 : i32
        %swap3A_209 = arith.index_cast %scan3A_206 : i32 to index
        %swap3A_210 = memref.load %arg13[%swap3A_209] : memref<492xi32, #tpu.memory_space<smem>>
        memref.store %swap3A_208, %arg13[%swap3A_209] : memref<492xi32, #tpu.memory_space<smem>>
        %scan3A_211 = arith.constant 0 : i32
        scf.yield %scan3A_211 : i32
      }
      %scan3A_145 = arith.constant 490 : i32
      %add3A_146 = arith.constant 16 : i32
      %add3A_147 = arith.addi %while3A_137, %add3A_146 : i32
      %sub3A_148 = arith.constant 1 : i32
      %sub3A_149 = arith.subi %add3A_147, %sub3A_148 : i32
      %jit3A = arith.constant 16 : i32
      %div3A = arith.divsi %sub3A_149, %jit3A : i32
      %sign3A = arith.constant 0 : i32
      %sign3A_150 = arith.cmpi sgt, %sub3A_149, %sign3A : i32
      %sign3A_151 = arith.extui %sign3A_150 : i1 to i32
      %sign3A_152 = arith.constant 0 : i32
      %sign3A_153 = arith.cmpi slt, %sub3A_149, %sign3A_152 : i32
      %sign3A_154 = arith.extui %sign3A_153 : i1 to i32
      %sign3A_155 = arith.subi %sign3A_151, %sign3A_154 : i32
      %sign3A_156 = arith.constant 0 : i32
      %sign3A_157 = arith.cmpi sgt, %jit3A, %sign3A_156 : i32
      %sign3A_158 = arith.extui %sign3A_157 : i1 to i32
      %sign3A_159 = arith.constant 0 : i32
      %sign3A_160 = arith.cmpi slt, %jit3A, %sign3A_159 : i32
      %sign3A_161 = arith.extui %sign3A_160 : i1 to i32
      %sign3A_162 = arith.subi %sign3A_158, %sign3A_161 : i32
      %ne3A = arith.cmpi ne, %sign3A_155, %sign3A_162 : i32
      %rem3A = arith.remsi %sub3A_149, %jit3A : i32
      %ne3A_163 = arith.constant 0 : i32
      %ne3A_164 = arith.cmpi ne, %rem3A, %ne3A_163 : i32
      %and3A_165 = arith.andi %ne3A, %ne3A_164 : i1
      %sub3A_166 = arith.constant 1 : i32
      %sub3A_167 = arith.subi %div3A, %sub3A_166 : i32
      %select_n3A = arith.select %and3A_165, %sub3A_167, %div3A : i32
      %while3A_168 = arith.constant 0 : i32
      %while3A_169 = arith.constant 0 : i32
      %while3A_170 = arith.subi %select_n3A, %while3A_168 : i32
      %while3A_171 = arith.addi %while3A_168, %while3A_170 : i32
      %while3A_172 = arith.constant 1 : i32
      %while3A_173 = arith.divsi %while3A_170, %while3A_172 : i32
      %while3A_174 = arith.muli %while3A_173, %while3A_172 : i32
      %while3A_175 = arith.addi %while3A_168, %while3A_174 : i32
      %while3A_176 = arith.constant 1 : i32
      %while3A_177 = scf.for %while3A_206 = %while3A_168 to %while3A_175 step %while3A_176 iter_args(%while3A_207 = %while3A_169) -> (i32)  : i32 {
        %mul3A_208 = arith.constant 16 : i32
        %mul3A_209 = arith.muli %while3A_206, %mul3A_208 : i32
        %get3A_210 = arith.index_cast %mul3A_209 : i32 to index
        %get3A_211 = tpu.vector_load %arg9[%get3A_210] {strides = array<i32>} : memref<49168xi32, #tpu.memory_space<vmem>>, vector<16xi32>,
        %slice3A = vector.extract_strided_slice %get3A_211 {offsets = [0], sizes = [1], strides = [1]} : vector<16xi32> to vector<1xi32>
        %squeeze3A = vector.extract %slice3A[0] : i32 from vector<1xi32>
        %mul3A_212 = arith.constant 16 : i32
        %mul3A_213 = arith.muli %while3A_206, %mul3A_212 : i32
        %add3A_214 = arith.constant 0 : i32
        %add3A_215 = arith.addi %mul3A_213, %add3A_214 : i32
        %lt3A = arith.cmpi slt, %add3A_215, %while3A_137 : i32
        %shift_right_logical3A_216 = arith.constant 23 : i32
        %shift_right_logical3A_217 = arith.shrui %squeeze3A, %shift_right_logical3A_216 : i32
        %min3A_218 = arith.constant 244 : i32
        %min3A_219 = arith.minsi %shift_right_logical3A_217, %min3A_218 : i32
        %get3A_220 = arith.index_cast %min3A_219 : i32 to index
        %get3A_221 = memref.load %arg13[%get3A_220] : memref<492xi32, #tpu.memory_space<smem>>
        %ge3A = arith.constant 32 : i32
        %ge3A_222 = arith.cmpi sge, %get3A_221, %ge3A : i32
        %shift_right_logical3A_223 = arith.constant 21 : i32
        %shift_right_logical3A_224 = arith.shrui %squeeze3A, %shift_right_logical3A_223 : i32
        %and3A_225 = arith.constant 3 : i32
        %and3A_226 = arith.andi %shift_right_logical3A_224, %and3A_225 : i32
        %not3A = arith.constant true
        %not3A_227 = arith.xori %ge3A_222, %not3A : i1
        %and3A_228 = arith.andi %lt3A, %not3A_227 : i1
        %convert_element_type3A_229 = arith.extui %and3A_228 : i1 to i32
        %cond3A_230 = arith.constant 0 : i32
        %cond3A_231 = arith.cmpi ne, %convert_element_type3A_229, %cond3A_230 : i32
        scf.if %cond3A_231 {
          %add3A_751 = arith.constant 1 : i32
          %add3A_752 = arith.addi %get3A_221, %add3A_751 : i32
          %swap3A_753 = arith.index_cast %min3A_219 : i32 to index
          %swap3A_754 = memref.load %arg13[%swap3A_753] : memref<492xi32, #tpu.memory_space<smem>>
          memref.store %add3A_752, %arg13[%swap3A_753] : memref<492xi32, #tpu.memory_space<smem>>
          %add3A_755 = arith.constant 245 : i32
          %add3A_756 = arith.addi %add3A_755, %min3A_219 : i32
          %get3A_757 = arith.index_cast %add3A_756 : i32 to index
          %get3A_758 = memref.load %arg13[%get3A_757] : memref<492xi32, #tpu.memory_space<smem>>
          %eq3A_759 = arith.constant 0 : i32
          %eq3A_760 = arith.cmpi eq, %and3A_226, %eq3A_759 : i32
          %jit3A_761 = arith.constant 1 : i32
          %jit3A_762 = arith.constant 2 : i32
          %select_n3A_763 = arith.select %eq3A_760, %jit3A_761, %jit3A_762 : i32
          %or3A = arith.ori %get3A_758, %select_n3A_763 : i32
          %add3A_764 = arith.constant 245 : i32
          %add3A_765 = arith.addi %add3A_764, %min3A_219 : i32
          %swap3A_766 = arith.index_cast %add3A_765 : i32 to index
          %swap3A_767 = memref.load %arg13[%swap3A_766] : memref<492xi32, #tpu.memory_space<smem>>
          memref.store %or3A, %arg13[%swap3A_766] : memref<492xi32, #tpu.memory_space<smem>>
          %mul3A_768 = arith.constant 48 : i32
          %mul3A_769 = arith.muli %min3A_219, %mul3A_768 : i32
          %add3A_770 = arith.addi %mul3A_769, %get3A_221 : i32
          %broadcast_in_dim3A_771 = vector.broadcast %add3A_770 : i32 to vector<16xi32>
          %broadcast_in_dim3A_772 = vector.broadcast %squeeze3A : i32 to vector<16xi32>
          tpu.vector_store_idx %arg10[%broadcast_in_dim3A_771], %broadcast_in_dim3A_772 masked %eq3A_6 : memref<11776xi32, #tpu.memory_space<vmem>>[vector<16xi32>], vector<16xi32>, vector<16xi1>
        } else {
        }
        %and3A_232 = arith.andi %lt3A, %ge3A_222 : i1
        %convert_element_type3A_233 = arith.extui %and3A_232 : i1 to i32
        %cond3A_234 = arith.constant 0 : i32
        %cond3A_235 = arith.cmpi ne, %convert_element_type3A_233, %cond3A_234 : i32
        scf.if %cond3A_235 {
          %broadcast_in_dim3A_751 = vector.broadcast %while3A_207 : i32 to vector<16xi32>
          %broadcast_in_dim3A_752 = vector.broadcast %squeeze3A : i32 to vector<16xi32>
          tpu.vector_store_idx %arg9[%broadcast_in_dim3A_751], %broadcast_in_dim3A_752 masked %eq3A_6 : memref<49168xi32, #tpu.memory_space<vmem>>[vector<16xi32>], vector<16xi32>, vector<16xi1>
        } else {
        }
        %and3A_236 = arith.andi %lt3A, %ge3A_222 : i1
        %jit3A_237 = arith.constant 1 : i32
        %jit3A_238 = arith.constant 0 : i32
        %select_n3A_239 = arith.select %and3A_236, %jit3A_237, %jit3A_238 : i32
        %add3A_240 = arith.addi %while3A_207, %select_n3A_239 : i32
        %slice3A_241 = vector.extract_strided_slice %get3A_211 {offsets = [1], sizes = [1], strides = [1]} : vector<16xi32> to vector<1xi32>
        %squeeze3A_242 = vector.extract %slice3A_241[0] : i32 from vector<1xi32>
        %mul3A_243 = arith.constant 16 : i32
        %mul3A_244 = arith.muli %while3A_206, %mul3A_243 : i32
        %add3A_245 = arith.constant 1 : i32
        %add3A_246 = arith.addi %mul3A_244, %add3A_245 : i32
        %lt3A_247 = arith.cmpi slt, %add3A_246, %while3A_137 : i32
        %shift_right_logical3A_248 = arith.constant 23 : i32
        %shift_right_logical3A_249 = arith.shrui %squeeze3A_242, %shift_right_logical3A_248 : i32
        %min3A_250 = arith.constant 244 : i32
        %min3A_251 = arith.minsi %shift_right_logical3A_249, %min3A_250 : i32
        %get3A_252 = arith.index_cast %min3A_251 : i32 to index
        %get3A_253 = memref.load %arg13[%get3A_252] : memref<492xi32, #tpu.memory_space<smem>>
        %ge3A_254 = arith.constant 32 : i32
        %ge3A_255 = arith.cmpi sge, %get3A_253, %ge3A_254 : i32
        %shift_right_logical3A_256 = arith.constant 21 : i32
        %shift_right_logical3A_257 = arith.shrui %squeeze3A_242, %shift_right_logical3A_256 : i32
        %and3A_258 = arith.constant 3 : i32
        %and3A_259 = arith.andi %shift_right_logical3A_257, %and3A_258 : i32
        %not3A_260 = arith.constant true
        %not3A_261 = arith.xori %ge3A_255, %not3A_260 : i1
        %and3A_262 = arith.andi %lt3A_247, %not3A_261 : i1
        %convert_element_type3A_263 = arith.extui %and3A_262 : i1 to i32
        %cond3A_264 = arith.constant 0 : i32
        %cond3A_265 = arith.cmpi ne, %convert_element_type3A_263, %cond3A_264 : i32
        scf.if %cond3A_265 {
          %add3A_751 = arith.constant 1 : i32
          %add3A_752 = arith.addi %get3A_253, %add3A_751 : i32
          %swap3A_753 = arith.index_cast %min3A_251 : i32 to index
          %swap3A_754 = memref.load %arg13[%swap3A_753] : memref<492xi32, #tpu.memory_space<smem>>
          memref.store %add3A_752, %arg13[%swap3A_753] : memref<492xi32, #tpu.memory_space<smem>>
          %add3A_755 = arith.constant 245 : i32
          %add3A_756 = arith.addi %add3A_755, %min3A_251 : i32
          %get3A_757 = arith.index_cast %add3A_756 : i32 to index
          %get3A_758 = memref.load %arg13[%get3A_757] : memref<492xi32, #tpu.memory_space<smem>>
          %eq3A_759 = arith.constant 0 : i32
          %eq3A_760 = arith.cmpi eq, %and3A_259, %eq3A_759 : i32
          %jit3A_761 = arith.constant 1 : i32
          %jit3A_762 = arith.constant 2 : i32
          %select_n3A_763 = arith.select %eq3A_760, %jit3A_761, %jit3A_762 : i32
          %or3A = arith.ori %get3A_758, %select_n3A_763 : i32
          %add3A_764 = arith.constant 245 : i32
          %add3A_765 = arith.addi %add3A_764, %min3A_251 : i32
          %swap3A_766 = arith.index_cast %add3A_765 : i32 to index
          %swap3A_767 = memref.load %arg13[%swap3A_766] : memref<492xi32, #tpu.memory_space<smem>>
          memref.store %or3A, %arg13[%swap3A_766] : memref<492xi32, #tpu.memory_space<smem>>
          %mul3A_768 = arith.constant 48 : i32
          %mul3A_769 = arith.muli %min3A_251, %mul3A_768 : i32
          %add3A_770 = arith.addi %mul3A_769, %get3A_253 : i32
          %broadcast_in_dim3A_771 = vector.broadcast %add3A_770 : i32 to vector<16xi32>
          %broadcast_in_dim3A_772 = vector.broadcast %squeeze3A_242 : i32 to vector<16xi32>
          tpu.vector_store_idx %arg10[%broadcast_in_dim3A_771], %broadcast_in_dim3A_772 masked %eq3A_6 : memref<11776xi32, #tpu.memory_space<vmem>>[vector<16xi32>], vector<16xi32>, vector<16xi1>
        } else {
        }
        %and3A_266 = arith.andi %lt3A_247, %ge3A_255 : i1
        %convert_element_type3A_267 = arith.extui %and3A_266 : i1 to i32
        %cond3A_268 = arith.constant 0 : i32
        %cond3A_269 = arith.cmpi ne, %convert_element_type3A_267, %cond3A_268 : i32
        scf.if %cond3A_269 {
          %broadcast_in_dim3A_751 = vector.broadcast %add3A_240 : i32 to vector<16xi32>
          %broadcast_in_dim3A_752 = vector.broadcast %squeeze3A_242 : i32 to vector<16xi32>
          tpu.vector_store_idx %arg9[%broadcast_in_dim3A_751], %broadcast_in_dim3A_752 masked %eq3A_6 : memref<49168xi32, #tpu.memory_space<vmem>>[vector<16xi32>], vector<16xi32>, vector<16xi1>
        } else {
        }
        %and3A_270 = arith.andi %lt3A_247, %ge3A_255 : i1
        %jit3A_271 = arith.constant 1 : i32
        %jit3A_272 = arith.constant 0 : i32
        %select_n3A_273 = arith.select %and3A_270, %jit3A_271, %jit3A_272 : i32
        %add3A_274 = arith.addi %add3A_240, %select_n3A_273 : i32
        %slice3A_275 = vector.extract_strided_slice %get3A_211 {offsets = [2], sizes = [1], strides = [1]} : vector<16xi32> to vector<1xi32>
        %squeeze3A_276 = vector.extract %slice3A_275[0] : i32 from vector<1xi32>
        %mul3A_277 = arith.constant 16 : i32
        %mul3A_278 = arith.muli %while3A_206, %mul3A_277 : i32
        %add3A_279 = arith.constant 2 : i32
        %add3A_280 = arith.addi %mul3A_278, %add3A_279 : i32
        %lt3A_281 = arith.cmpi slt, %add3A_280, %while3A_137 : i32
        %shift_right_logical3A_282 = arith.constant 23 : i32
        %shift_right_logical3A_283 = arith.shrui %squeeze3A_276, %shift_right_logical3A_282 : i32
        %min3A_284 = arith.constant 244 : i32
        %min3A_285 = arith.minsi %shift_right_logical3A_283, %min3A_284 : i32
        %get3A_286 = arith.index_cast %min3A_285 : i32 to index
        %get3A_287 = memref.load %arg13[%get3A_286] : memref<492xi32, #tpu.memory_space<smem>>
        %ge3A_288 = arith.constant 32 : i32
        %ge3A_289 = arith.cmpi sge, %get3A_287, %ge3A_288 : i32
        %shift_right_logical3A_290 = arith.constant 21 : i32
        %shift_right_logical3A_291 = arith.shrui %squeeze3A_276, %shift_right_logical3A_290 : i32
        %and3A_292 = arith.constant 3 : i32
        %and3A_293 = arith.andi %shift_right_logical3A_291, %and3A_292 : i32
        %not3A_294 = arith.constant true
        %not3A_295 = arith.xori %ge3A_289, %not3A_294 : i1
        %and3A_296 = arith.andi %lt3A_281, %not3A_295 : i1
        %convert_element_type3A_297 = arith.extui %and3A_296 : i1 to i32
        %cond3A_298 = arith.constant 0 : i32
        %cond3A_299 = arith.cmpi ne, %convert_element_type3A_297, %cond3A_298 : i32
        scf.if %cond3A_299 {
          %add3A_751 = arith.constant 1 : i32
          %add3A_752 = arith.addi %get3A_287, %add3A_751 : i32
          %swap3A_753 = arith.index_cast %min3A_285 : i32 to index
          %swap3A_754 = memref.load %arg13[%swap3A_753] : memref<492xi32, #tpu.memory_space<smem>>
          memref.store %add3A_752, %arg13[%swap3A_753] : memref<492xi32, #tpu.memory_space<smem>>
          %add3A_755 = arith.constant 245 : i32
          %add3A_756 = arith.addi %add3A_755, %min3A_285 : i32
          %get3A_757 = arith.index_cast %add3A_756 : i32 to index
          %get3A_758 = memref.load %arg13[%get3A_757] : memref<492xi32, #tpu.memory_space<smem>>
          %eq3A_759 = arith.constant 0 : i32
          %eq3A_760 = arith.cmpi eq, %and3A_293, %eq3A_759 : i32
          %jit3A_761 = arith.constant 1 : i32
          %jit3A_762 = arith.constant 2 : i32
          %select_n3A_763 = arith.select %eq3A_760, %jit3A_761, %jit3A_762 : i32
          %or3A = arith.ori %get3A_758, %select_n3A_763 : i32
          %add3A_764 = arith.constant 245 : i32
          %add3A_765 = arith.addi %add3A_764, %min3A_285 : i32
          %swap3A_766 = arith.index_cast %add3A_765 : i32 to index
          %swap3A_767 = memref.load %arg13[%swap3A_766] : memref<492xi32, #tpu.memory_space<smem>>
          memref.store %or3A, %arg13[%swap3A_766] : memref<492xi32, #tpu.memory_space<smem>>
          %mul3A_768 = arith.constant 48 : i32
          %mul3A_769 = arith.muli %min3A_285, %mul3A_768 : i32
          %add3A_770 = arith.addi %mul3A_769, %get3A_287 : i32
          %broadcast_in_dim3A_771 = vector.broadcast %add3A_770 : i32 to vector<16xi32>
          %broadcast_in_dim3A_772 = vector.broadcast %squeeze3A_276 : i32 to vector<16xi32>
          tpu.vector_store_idx %arg10[%broadcast_in_dim3A_771], %broadcast_in_dim3A_772 masked %eq3A_6 : memref<11776xi32, #tpu.memory_space<vmem>>[vector<16xi32>], vector<16xi32>, vector<16xi1>
        } else {
        }
        %and3A_300 = arith.andi %lt3A_281, %ge3A_289 : i1
        %convert_element_type3A_301 = arith.extui %and3A_300 : i1 to i32
        %cond3A_302 = arith.constant 0 : i32
        %cond3A_303 = arith.cmpi ne, %convert_element_type3A_301, %cond3A_302 : i32
        scf.if %cond3A_303 {
          %broadcast_in_dim3A_751 = vector.broadcast %add3A_274 : i32 to vector<16xi32>
          %broadcast_in_dim3A_752 = vector.broadcast %squeeze3A_276 : i32 to vector<16xi32>
          tpu.vector_store_idx %arg9[%broadcast_in_dim3A_751], %broadcast_in_dim3A_752 masked %eq3A_6 : memref<49168xi32, #tpu.memory_space<vmem>>[vector<16xi32>], vector<16xi32>, vector<16xi1>
        } else {
        }
        %and3A_304 = arith.andi %lt3A_281, %ge3A_289 : i1
        %jit3A_305 = arith.constant 1 : i32
        %jit3A_306 = arith.constant 0 : i32
        %select_n3A_307 = arith.select %and3A_304, %jit3A_305, %jit3A_306 : i32
        %add3A_308 = arith.addi %add3A_274, %select_n3A_307 : i32
        %slice3A_309 = vector.extract_strided_slice %get3A_211 {offsets = [3], sizes = [1], strides = [1]} : vector<16xi32> to vector<1xi32>
        %squeeze3A_310 = vector.extract %slice3A_309[0] : i32 from vector<1xi32>
        %mul3A_311 = arith.constant 16 : i32
        %mul3A_312 = arith.muli %while3A_206, %mul3A_311 : i32
        %add3A_313 = arith.constant 3 : i32
        %add3A_314 = arith.addi %mul3A_312, %add3A_313 : i32
        %lt3A_315 = arith.cmpi slt, %add3A_314, %while3A_137 : i32
        %shift_right_logical3A_316 = arith.constant 23 : i32
        %shift_right_logical3A_317 = arith.shrui %squeeze3A_310, %shift_right_logical3A_316 : i32
        %min3A_318 = arith.constant 244 : i32
        %min3A_319 = arith.minsi %shift_right_logical3A_317, %min3A_318 : i32
        %get3A_320 = arith.index_cast %min3A_319 : i32 to index
        %get3A_321 = memref.load %arg13[%get3A_320] : memref<492xi32, #tpu.memory_space<smem>>
        %ge3A_322 = arith.constant 32 : i32
        %ge3A_323 = arith.cmpi sge, %get3A_321, %ge3A_322 : i32
        %shift_right_logical3A_324 = arith.constant 21 : i32
        %shift_right_logical3A_325 = arith.shrui %squeeze3A_310, %shift_right_logical3A_324 : i32
        %and3A_326 = arith.constant 3 : i32
        %and3A_327 = arith.andi %shift_right_logical3A_325, %and3A_326 : i32
        %not3A_328 = arith.constant true
        %not3A_329 = arith.xori %ge3A_323, %not3A_328 : i1
        %and3A_330 = arith.andi %lt3A_315, %not3A_329 : i1
        %convert_element_type3A_331 = arith.extui %and3A_330 : i1 to i32
        %cond3A_332 = arith.constant 0 : i32
        %cond3A_333 = arith.cmpi ne, %convert_element_type3A_331, %cond3A_332 : i32
        scf.if %cond3A_333 {
          %add3A_751 = arith.constant 1 : i32
          %add3A_752 = arith.addi %get3A_321, %add3A_751 : i32
          %swap3A_753 = arith.index_cast %min3A_319 : i32 to index
          %swap3A_754 = memref.load %arg13[%swap3A_753] : memref<492xi32, #tpu.memory_space<smem>>
          memref.store %add3A_752, %arg13[%swap3A_753] : memref<492xi32, #tpu.memory_space<smem>>
          %add3A_755 = arith.constant 245 : i32
          %add3A_756 = arith.addi %add3A_755, %min3A_319 : i32
          %get3A_757 = arith.index_cast %add3A_756 : i32 to index
          %get3A_758 = memref.load %arg13[%get3A_757] : memref<492xi32, #tpu.memory_space<smem>>
          %eq3A_759 = arith.constant 0 : i32
          %eq3A_760 = arith.cmpi eq, %and3A_327, %eq3A_759 : i32
          %jit3A_761 = arith.constant 1 : i32
          %jit3A_762 = arith.constant 2 : i32
          %select_n3A_763 = arith.select %eq3A_760, %jit3A_761, %jit3A_762 : i32
          %or3A = arith.ori %get3A_758, %select_n3A_763 : i32
          %add3A_764 = arith.constant 245 : i32
          %add3A_765 = arith.addi %add3A_764, %min3A_319 : i32
          %swap3A_766 = arith.index_cast %add3A_765 : i32 to index
          %swap3A_767 = memref.load %arg13[%swap3A_766] : memref<492xi32, #tpu.memory_space<smem>>
          memref.store %or3A, %arg13[%swap3A_766] : memref<492xi32, #tpu.memory_space<smem>>
          %mul3A_768 = arith.constant 48 : i32
          %mul3A_769 = arith.muli %min3A_319, %mul3A_768 : i32
          %add3A_770 = arith.addi %mul3A_769, %get3A_321 : i32
          %broadcast_in_dim3A_771 = vector.broadcast %add3A_770 : i32 to vector<16xi32>
          %broadcast_in_dim3A_772 = vector.broadcast %squeeze3A_310 : i32 to vector<16xi32>
          tpu.vector_store_idx %arg10[%broadcast_in_dim3A_771], %broadcast_in_dim3A_772 masked %eq3A_6 : memref<11776xi32, #tpu.memory_space<vmem>>[vector<16xi32>], vector<16xi32>, vector<16xi1>
        } else {
        }
        %and3A_334 = arith.andi %lt3A_315, %ge3A_323 : i1
        %convert_element_type3A_335 = arith.extui %and3A_334 : i1 to i32
        %cond3A_336 = arith.constant 0 : i32
        %cond3A_337 = arith.cmpi ne, %convert_element_type3A_335, %cond3A_336 : i32
        scf.if %cond3A_337 {
          %broadcast_in_dim3A_751 = vector.broadcast %add3A_308 : i32 to vector<16xi32>
          %broadcast_in_dim3A_752 = vector.broadcast %squeeze3A_310 : i32 to vector<16xi32>
          tpu.vector_store_idx %arg9[%broadcast_in_dim3A_751], %broadcast_in_dim3A_752 masked %eq3A_6 : memref<49168xi32, #tpu.memory_space<vmem>>[vector<16xi32>], vector<16xi32>, vector<16xi1>
        } else {
        }
        %and3A_338 = arith.andi %lt3A_315, %ge3A_323 : i1
        %jit3A_339 = arith.constant 1 : i32
        %jit3A_340 = arith.constant 0 : i32
        %select_n3A_341 = arith.select %and3A_338, %jit3A_339, %jit3A_340 : i32
        %add3A_342 = arith.addi %add3A_308, %select_n3A_341 : i32
        %slice3A_343 = vector.extract_strided_slice %get3A_211 {offsets = [4], sizes = [1], strides = [1]} : vector<16xi32> to vector<1xi32>
        %squeeze3A_344 = vector.extract %slice3A_343[0] : i32 from vector<1xi32>
        %mul3A_345 = arith.constant 16 : i32
        %mul3A_346 = arith.muli %while3A_206, %mul3A_345 : i32
        %add3A_347 = arith.constant 4 : i32
        %add3A_348 = arith.addi %mul3A_346, %add3A_347 : i32
        %lt3A_349 = arith.cmpi slt, %add3A_348, %while3A_137 : i32
        %shift_right_logical3A_350 = arith.constant 23 : i32
        %shift_right_logical3A_351 = arith.shrui %squeeze3A_344, %shift_right_logical3A_350 : i32
        %min3A_352 = arith.constant 244 : i32
        %min3A_353 = arith.minsi %shift_right_logical3A_351, %min3A_352 : i32
        %get3A_354 = arith.index_cast %min3A_353 : i32 to index
        %get3A_355 = memref.load %arg13[%get3A_354] : memref<492xi32, #tpu.memory_space<smem>>
        %ge3A_356 = arith.constant 32 : i32
        %ge3A_357 = arith.cmpi sge, %get3A_355, %ge3A_356 : i32
        %shift_right_logical3A_358 = arith.constant 21 : i32
        %shift_right_logical3A_359 = arith.shrui %squeeze3A_344, %shift_right_logical3A_358 : i32
        %and3A_360 = arith.constant 3 : i32
        %and3A_361 = arith.andi %shift_right_logical3A_359, %and3A_360 : i32
        %not3A_362 = arith.constant true
        %not3A_363 = arith.xori %ge3A_357, %not3A_362 : i1
        %and3A_364 = arith.andi %lt3A_349, %not3A_363 : i1
        %convert_element_type3A_365 = arith.extui %and3A_364 : i1 to i32
        %cond3A_366 = arith.constant 0 : i32
        %cond3A_367 = arith.cmpi ne, %convert_element_type3A_365, %cond3A_366 : i32
        scf.if %cond3A_367 {
          %add3A_751 = arith.constant 1 : i32
          %add3A_752 = arith.addi %get3A_355, %add3A_751 : i32
          %swap3A_753 = arith.index_cast %min3A_353 : i32 to index
          %swap3A_754 = memref.load %arg13[%swap3A_753] : memref<492xi32, #tpu.memory_space<smem>>
          memref.store %add3A_752, %arg13[%swap3A_753] : memref<492xi32, #tpu.memory_space<smem>>
          %add3A_755 = arith.constant 245 : i32
          %add3A_756 = arith.addi %add3A_755, %min3A_353 : i32
          %get3A_757 = arith.index_cast %add3A_756 : i32 to index
          %get3A_758 = memref.load %arg13[%get3A_757] : memref<492xi32, #tpu.memory_space<smem>>
          %eq3A_759 = arith.constant 0 : i32
          %eq3A_760 = arith.cmpi eq, %and3A_361, %eq3A_759 : i32
          %jit3A_761 = arith.constant 1 : i32
          %jit3A_762 = arith.constant 2 : i32
          %select_n3A_763 = arith.select %eq3A_760, %jit3A_761, %jit3A_762 : i32
          %or3A = arith.ori %get3A_758, %select_n3A_763 : i32
          %add3A_764 = arith.constant 245 : i32
          %add3A_765 = arith.addi %add3A_764, %min3A_353 : i32
          %swap3A_766 = arith.index_cast %add3A_765 : i32 to index
          %swap3A_767 = memref.load %arg13[%swap3A_766] : memref<492xi32, #tpu.memory_space<smem>>
          memref.store %or3A, %arg13[%swap3A_766] : memref<492xi32, #tpu.memory_space<smem>>
          %mul3A_768 = arith.constant 48 : i32
          %mul3A_769 = arith.muli %min3A_353, %mul3A_768 : i32
          %add3A_770 = arith.addi %mul3A_769, %get3A_355 : i32
          %broadcast_in_dim3A_771 = vector.broadcast %add3A_770 : i32 to vector<16xi32>
          %broadcast_in_dim3A_772 = vector.broadcast %squeeze3A_344 : i32 to vector<16xi32>
          tpu.vector_store_idx %arg10[%broadcast_in_dim3A_771], %broadcast_in_dim3A_772 masked %eq3A_6 : memref<11776xi32, #tpu.memory_space<vmem>>[vector<16xi32>], vector<16xi32>, vector<16xi1>
        } else {
        }
        %and3A_368 = arith.andi %lt3A_349, %ge3A_357 : i1
        %convert_element_type3A_369 = arith.extui %and3A_368 : i1 to i32
        %cond3A_370 = arith.constant 0 : i32
        %cond3A_371 = arith.cmpi ne, %convert_element_type3A_369, %cond3A_370 : i32
        scf.if %cond3A_371 {
          %broadcast_in_dim3A_751 = vector.broadcast %add3A_342 : i32 to vector<16xi32>
          %broadcast_in_dim3A_752 = vector.broadcast %squeeze3A_344 : i32 to vector<16xi32>
          tpu.vector_store_idx %arg9[%broadcast_in_dim3A_751], %broadcast_in_dim3A_752 masked %eq3A_6 : memref<49168xi32, #tpu.memory_space<vmem>>[vector<16xi32>], vector<16xi32>, vector<16xi1>
        } else {
        }
        %and3A_372 = arith.andi %lt3A_349, %ge3A_357 : i1
        %jit3A_373 = arith.constant 1 : i32
        %jit3A_374 = arith.constant 0 : i32
        %select_n3A_375 = arith.select %and3A_372, %jit3A_373, %jit3A_374 : i32
        %add3A_376 = arith.addi %add3A_342, %select_n3A_375 : i32
        %slice3A_377 = vector.extract_strided_slice %get3A_211 {offsets = [5], sizes = [1], strides = [1]} : vector<16xi32> to vector<1xi32>
        %squeeze3A_378 = vector.extract %slice3A_377[0] : i32 from vector<1xi32>
        %mul3A_379 = arith.constant 16 : i32
        %mul3A_380 = arith.muli %while3A_206, %mul3A_379 : i32
        %add3A_381 = arith.constant 5 : i32
        %add3A_382 = arith.addi %mul3A_380, %add3A_381 : i32
        %lt3A_383 = arith.cmpi slt, %add3A_382, %while3A_137 : i32
        %shift_right_logical3A_384 = arith.constant 23 : i32
        %shift_right_logical3A_385 = arith.shrui %squeeze3A_378, %shift_right_logical3A_384 : i32
        %min3A_386 = arith.constant 244 : i32
        %min3A_387 = arith.minsi %shift_right_logical3A_385, %min3A_386 : i32
        %get3A_388 = arith.index_cast %min3A_387 : i32 to index
        %get3A_389 = memref.load %arg13[%get3A_388] : memref<492xi32, #tpu.memory_space<smem>>
        %ge3A_390 = arith.constant 32 : i32
        %ge3A_391 = arith.cmpi sge, %get3A_389, %ge3A_390 : i32
        %shift_right_logical3A_392 = arith.constant 21 : i32
        %shift_right_logical3A_393 = arith.shrui %squeeze3A_378, %shift_right_logical3A_392 : i32
        %and3A_394 = arith.constant 3 : i32
        %and3A_395 = arith.andi %shift_right_logical3A_393, %and3A_394 : i32
        %not3A_396 = arith.constant true
        %not3A_397 = arith.xori %ge3A_391, %not3A_396 : i1
        %and3A_398 = arith.andi %lt3A_383, %not3A_397 : i1
        %convert_element_type3A_399 = arith.extui %and3A_398 : i1 to i32
        %cond3A_400 = arith.constant 0 : i32
        %cond3A_401 = arith.cmpi ne, %convert_element_type3A_399, %cond3A_400 : i32
        scf.if %cond3A_401 {
          %add3A_751 = arith.constant 1 : i32
          %add3A_752 = arith.addi %get3A_389, %add3A_751 : i32
          %swap3A_753 = arith.index_cast %min3A_387 : i32 to index
          %swap3A_754 = memref.load %arg13[%swap3A_753] : memref<492xi32, #tpu.memory_space<smem>>
          memref.store %add3A_752, %arg13[%swap3A_753] : memref<492xi32, #tpu.memory_space<smem>>
          %add3A_755 = arith.constant 245 : i32
          %add3A_756 = arith.addi %add3A_755, %min3A_387 : i32
          %get3A_757 = arith.index_cast %add3A_756 : i32 to index
          %get3A_758 = memref.load %arg13[%get3A_757] : memref<492xi32, #tpu.memory_space<smem>>
          %eq3A_759 = arith.constant 0 : i32
          %eq3A_760 = arith.cmpi eq, %and3A_395, %eq3A_759 : i32
          %jit3A_761 = arith.constant 1 : i32
          %jit3A_762 = arith.constant 2 : i32
          %select_n3A_763 = arith.select %eq3A_760, %jit3A_761, %jit3A_762 : i32
          %or3A = arith.ori %get3A_758, %select_n3A_763 : i32
          %add3A_764 = arith.constant 245 : i32
          %add3A_765 = arith.addi %add3A_764, %min3A_387 : i32
          %swap3A_766 = arith.index_cast %add3A_765 : i32 to index
          %swap3A_767 = memref.load %arg13[%swap3A_766] : memref<492xi32, #tpu.memory_space<smem>>
          memref.store %or3A, %arg13[%swap3A_766] : memref<492xi32, #tpu.memory_space<smem>>
          %mul3A_768 = arith.constant 48 : i32
          %mul3A_769 = arith.muli %min3A_387, %mul3A_768 : i32
          %add3A_770 = arith.addi %mul3A_769, %get3A_389 : i32
          %broadcast_in_dim3A_771 = vector.broadcast %add3A_770 : i32 to vector<16xi32>
          %broadcast_in_dim3A_772 = vector.broadcast %squeeze3A_378 : i32 to vector<16xi32>
          tpu.vector_store_idx %arg10[%broadcast_in_dim3A_771], %broadcast_in_dim3A_772 masked %eq3A_6 : memref<11776xi32, #tpu.memory_space<vmem>>[vector<16xi32>], vector<16xi32>, vector<16xi1>
        } else {
        }
        %and3A_402 = arith.andi %lt3A_383, %ge3A_391 : i1
        %convert_element_type3A_403 = arith.extui %and3A_402 : i1 to i32
        %cond3A_404 = arith.constant 0 : i32
        %cond3A_405 = arith.cmpi ne, %convert_element_type3A_403, %cond3A_404 : i32
        scf.if %cond3A_405 {
          %broadcast_in_dim3A_751 = vector.broadcast %add3A_376 : i32 to vector<16xi32>
          %broadcast_in_dim3A_752 = vector.broadcast %squeeze3A_378 : i32 to vector<16xi32>
          tpu.vector_store_idx %arg9[%broadcast_in_dim3A_751], %broadcast_in_dim3A_752 masked %eq3A_6 : memref<49168xi32, #tpu.memory_space<vmem>>[vector<16xi32>], vector<16xi32>, vector<16xi1>
        } else {
        }
        %and3A_406 = arith.andi %lt3A_383, %ge3A_391 : i1
        %jit3A_407 = arith.constant 1 : i32
        %jit3A_408 = arith.constant 0 : i32
        %select_n3A_409 = arith.select %and3A_406, %jit3A_407, %jit3A_408 : i32
        %add3A_410 = arith.addi %add3A_376, %select_n3A_409 : i32
        %slice3A_411 = vector.extract_strided_slice %get3A_211 {offsets = [6], sizes = [1], strides = [1]} : vector<16xi32> to vector<1xi32>
        %squeeze3A_412 = vector.extract %slice3A_411[0] : i32 from vector<1xi32>
        %mul3A_413 = arith.constant 16 : i32
        %mul3A_414 = arith.muli %while3A_206, %mul3A_413 : i32
        %add3A_415 = arith.constant 6 : i32
        %add3A_416 = arith.addi %mul3A_414, %add3A_415 : i32
        %lt3A_417 = arith.cmpi slt, %add3A_416, %while3A_137 : i32
        %shift_right_logical3A_418 = arith.constant 23 : i32
        %shift_right_logical3A_419 = arith.shrui %squeeze3A_412, %shift_right_logical3A_418 : i32
        %min3A_420 = arith.constant 244 : i32
        %min3A_421 = arith.minsi %shift_right_logical3A_419, %min3A_420 : i32
        %get3A_422 = arith.index_cast %min3A_421 : i32 to index
        %get3A_423 = memref.load %arg13[%get3A_422] : memref<492xi32, #tpu.memory_space<smem>>
        %ge3A_424 = arith.constant 32 : i32
        %ge3A_425 = arith.cmpi sge, %get3A_423, %ge3A_424 : i32
        %shift_right_logical3A_426 = arith.constant 21 : i32
        %shift_right_logical3A_427 = arith.shrui %squeeze3A_412, %shift_right_logical3A_426 : i32
        %and3A_428 = arith.constant 3 : i32
        %and3A_429 = arith.andi %shift_right_logical3A_427, %and3A_428 : i32
        %not3A_430 = arith.constant true
        %not3A_431 = arith.xori %ge3A_425, %not3A_430 : i1
        %and3A_432 = arith.andi %lt3A_417, %not3A_431 : i1
        %convert_element_type3A_433 = arith.extui %and3A_432 : i1 to i32
        %cond3A_434 = arith.constant 0 : i32
        %cond3A_435 = arith.cmpi ne, %convert_element_type3A_433, %cond3A_434 : i32
        scf.if %cond3A_435 {
          %add3A_751 = arith.constant 1 : i32
          %add3A_752 = arith.addi %get3A_423, %add3A_751 : i32
          %swap3A_753 = arith.index_cast %min3A_421 : i32 to index
          %swap3A_754 = memref.load %arg13[%swap3A_753] : memref<492xi32, #tpu.memory_space<smem>>
          memref.store %add3A_752, %arg13[%swap3A_753] : memref<492xi32, #tpu.memory_space<smem>>
          %add3A_755 = arith.constant 245 : i32
          %add3A_756 = arith.addi %add3A_755, %min3A_421 : i32
          %get3A_757 = arith.index_cast %add3A_756 : i32 to index
          %get3A_758 = memref.load %arg13[%get3A_757] : memref<492xi32, #tpu.memory_space<smem>>
          %eq3A_759 = arith.constant 0 : i32
          %eq3A_760 = arith.cmpi eq, %and3A_429, %eq3A_759 : i32
          %jit3A_761 = arith.constant 1 : i32
          %jit3A_762 = arith.constant 2 : i32
          %select_n3A_763 = arith.select %eq3A_760, %jit3A_761, %jit3A_762 : i32
          %or3A = arith.ori %get3A_758, %select_n3A_763 : i32
          %add3A_764 = arith.constant 245 : i32
          %add3A_765 = arith.addi %add3A_764, %min3A_421 : i32
          %swap3A_766 = arith.index_cast %add3A_765 : i32 to index
          %swap3A_767 = memref.load %arg13[%swap3A_766] : memref<492xi32, #tpu.memory_space<smem>>
          memref.store %or3A, %arg13[%swap3A_766] : memref<492xi32, #tpu.memory_space<smem>>
          %mul3A_768 = arith.constant 48 : i32
          %mul3A_769 = arith.muli %min3A_421, %mul3A_768 : i32
          %add3A_770 = arith.addi %mul3A_769, %get3A_423 : i32
          %broadcast_in_dim3A_771 = vector.broadcast %add3A_770 : i32 to vector<16xi32>
          %broadcast_in_dim3A_772 = vector.broadcast %squeeze3A_412 : i32 to vector<16xi32>
          tpu.vector_store_idx %arg10[%broadcast_in_dim3A_771], %broadcast_in_dim3A_772 masked %eq3A_6 : memref<11776xi32, #tpu.memory_space<vmem>>[vector<16xi32>], vector<16xi32>, vector<16xi1>
        } else {
        }
        %and3A_436 = arith.andi %lt3A_417, %ge3A_425 : i1
        %convert_element_type3A_437 = arith.extui %and3A_436 : i1 to i32
        %cond3A_438 = arith.constant 0 : i32
        %cond3A_439 = arith.cmpi ne, %convert_element_type3A_437, %cond3A_438 : i32
        scf.if %cond3A_439 {
          %broadcast_in_dim3A_751 = vector.broadcast %add3A_410 : i32 to vector<16xi32>
          %broadcast_in_dim3A_752 = vector.broadcast %squeeze3A_412 : i32 to vector<16xi32>
          tpu.vector_store_idx %arg9[%broadcast_in_dim3A_751], %broadcast_in_dim3A_752 masked %eq3A_6 : memref<49168xi32, #tpu.memory_space<vmem>>[vector<16xi32>], vector<16xi32>, vector<16xi1>
        } else {
        }
        %and3A_440 = arith.andi %lt3A_417, %ge3A_425 : i1
        %jit3A_441 = arith.constant 1 : i32
        %jit3A_442 = arith.constant 0 : i32
        %select_n3A_443 = arith.select %and3A_440, %jit3A_441, %jit3A_442 : i32
        %add3A_444 = arith.addi %add3A_410, %select_n3A_443 : i32
        %slice3A_445 = vector.extract_strided_slice %get3A_211 {offsets = [7], sizes = [1], strides = [1]} : vector<16xi32> to vector<1xi32>
        %squeeze3A_446 = vector.extract %slice3A_445[0] : i32 from vector<1xi32>
        %mul3A_447 = arith.constant 16 : i32
        %mul3A_448 = arith.muli %while3A_206, %mul3A_447 : i32
        %add3A_449 = arith.constant 7 : i32
        %add3A_450 = arith.addi %mul3A_448, %add3A_449 : i32
        %lt3A_451 = arith.cmpi slt, %add3A_450, %while3A_137 : i32
        %shift_right_logical3A_452 = arith.constant 23 : i32
        %shift_right_logical3A_453 = arith.shrui %squeeze3A_446, %shift_right_logical3A_452 : i32
        %min3A_454 = arith.constant 244 : i32
        %min3A_455 = arith.minsi %shift_right_logical3A_453, %min3A_454 : i32
        %get3A_456 = arith.index_cast %min3A_455 : i32 to index
        %get3A_457 = memref.load %arg13[%get3A_456] : memref<492xi32, #tpu.memory_space<smem>>
        %ge3A_458 = arith.constant 32 : i32
        %ge3A_459 = arith.cmpi sge, %get3A_457, %ge3A_458 : i32
        %shift_right_logical3A_460 = arith.constant 21 : i32
        %shift_right_logical3A_461 = arith.shrui %squeeze3A_446, %shift_right_logical3A_460 : i32
        %and3A_462 = arith.constant 3 : i32
        %and3A_463 = arith.andi %shift_right_logical3A_461, %and3A_462 : i32
        %not3A_464 = arith.constant true
        %not3A_465 = arith.xori %ge3A_459, %not3A_464 : i1
        %and3A_466 = arith.andi %lt3A_451, %not3A_465 : i1
        %convert_element_type3A_467 = arith.extui %and3A_466 : i1 to i32
        %cond3A_468 = arith.constant 0 : i32
        %cond3A_469 = arith.cmpi ne, %convert_element_type3A_467, %cond3A_468 : i32
        scf.if %cond3A_469 {
          %add3A_751 = arith.constant 1 : i32
          %add3A_752 = arith.addi %get3A_457, %add3A_751 : i32
          %swap3A_753 = arith.index_cast %min3A_455 : i32 to index
          %swap3A_754 = memref.load %arg13[%swap3A_753] : memref<492xi32, #tpu.memory_space<smem>>
          memref.store %add3A_752, %arg13[%swap3A_753] : memref<492xi32, #tpu.memory_space<smem>>
          %add3A_755 = arith.constant 245 : i32
          %add3A_756 = arith.addi %add3A_755, %min3A_455 : i32
          %get3A_757 = arith.index_cast %add3A_756 : i32 to index
          %get3A_758 = memref.load %arg13[%get3A_757] : memref<492xi32, #tpu.memory_space<smem>>
          %eq3A_759 = arith.constant 0 : i32
          %eq3A_760 = arith.cmpi eq, %and3A_463, %eq3A_759 : i32
          %jit3A_761 = arith.constant 1 : i32
          %jit3A_762 = arith.constant 2 : i32
          %select_n3A_763 = arith.select %eq3A_760, %jit3A_761, %jit3A_762 : i32
          %or3A = arith.ori %get3A_758, %select_n3A_763 : i32
          %add3A_764 = arith.constant 245 : i32
          %add3A_765 = arith.addi %add3A_764, %min3A_455 : i32
          %swap3A_766 = arith.index_cast %add3A_765 : i32 to index
          %swap3A_767 = memref.load %arg13[%swap3A_766] : memref<492xi32, #tpu.memory_space<smem>>
          memref.store %or3A, %arg13[%swap3A_766] : memref<492xi32, #tpu.memory_space<smem>>
          %mul3A_768 = arith.constant 48 : i32
          %mul3A_769 = arith.muli %min3A_455, %mul3A_768 : i32
          %add3A_770 = arith.addi %mul3A_769, %get3A_457 : i32
          %broadcast_in_dim3A_771 = vector.broadcast %add3A_770 : i32 to vector<16xi32>
          %broadcast_in_dim3A_772 = vector.broadcast %squeeze3A_446 : i32 to vector<16xi32>
          tpu.vector_store_idx %arg10[%broadcast_in_dim3A_771], %broadcast_in_dim3A_772 masked %eq3A_6 : memref<11776xi32, #tpu.memory_space<vmem>>[vector<16xi32>], vector<16xi32>, vector<16xi1>
        } else {
        }
        %and3A_470 = arith.andi %lt3A_451, %ge3A_459 : i1
        %convert_element_type3A_471 = arith.extui %and3A_470 : i1 to i32
        %cond3A_472 = arith.constant 0 : i32
        %cond3A_473 = arith.cmpi ne, %convert_element_type3A_471, %cond3A_472 : i32
        scf.if %cond3A_473 {
          %broadcast_in_dim3A_751 = vector.broadcast %add3A_444 : i32 to vector<16xi32>
          %broadcast_in_dim3A_752 = vector.broadcast %squeeze3A_446 : i32 to vector<16xi32>
          tpu.vector_store_idx %arg9[%broadcast_in_dim3A_751], %broadcast_in_dim3A_752 masked %eq3A_6 : memref<49168xi32, #tpu.memory_space<vmem>>[vector<16xi32>], vector<16xi32>, vector<16xi1>
        } else {
        }
        %and3A_474 = arith.andi %lt3A_451, %ge3A_459 : i1
        %jit3A_475 = arith.constant 1 : i32
        %jit3A_476 = arith.constant 0 : i32
        %select_n3A_477 = arith.select %and3A_474, %jit3A_475, %jit3A_476 : i32
        %add3A_478 = arith.addi %add3A_444, %select_n3A_477 : i32
        %slice3A_479 = vector.extract_strided_slice %get3A_211 {offsets = [8], sizes = [1], strides = [1]} : vector<16xi32> to vector<1xi32>
        %squeeze3A_480 = vector.extract %slice3A_479[0] : i32 from vector<1xi32>
        %mul3A_481 = arith.constant 16 : i32
        %mul3A_482 = arith.muli %while3A_206, %mul3A_481 : i32
        %add3A_483 = arith.constant 8 : i32
        %add3A_484 = arith.addi %mul3A_482, %add3A_483 : i32
        %lt3A_485 = arith.cmpi slt, %add3A_484, %while3A_137 : i32
        %shift_right_logical3A_486 = arith.constant 23 : i32
        %shift_right_logical3A_487 = arith.shrui %squeeze3A_480, %shift_right_logical3A_486 : i32
        %min3A_488 = arith.constant 244 : i32
        %min3A_489 = arith.minsi %shift_right_logical3A_487, %min3A_488 : i32
        %get3A_490 = arith.index_cast %min3A_489 : i32 to index
        %get3A_491 = memref.load %arg13[%get3A_490] : memref<492xi32, #tpu.memory_space<smem>>
        %ge3A_492 = arith.constant 32 : i32
        %ge3A_493 = arith.cmpi sge, %get3A_491, %ge3A_492 : i32
        %shift_right_logical3A_494 = arith.constant 21 : i32
        %shift_right_logical3A_495 = arith.shrui %squeeze3A_480, %shift_right_logical3A_494 : i32
        %and3A_496 = arith.constant 3 : i32
        %and3A_497 = arith.andi %shift_right_logical3A_495, %and3A_496 : i32
        %not3A_498 = arith.constant true
        %not3A_499 = arith.xori %ge3A_493, %not3A_498 : i1
        %and3A_500 = arith.andi %lt3A_485, %not3A_499 : i1
        %convert_element_type3A_501 = arith.extui %and3A_500 : i1 to i32
        %cond3A_502 = arith.constant 0 : i32
        %cond3A_503 = arith.cmpi ne, %convert_element_type3A_501, %cond3A_502 : i32
        scf.if %cond3A_503 {
          %add3A_751 = arith.constant 1 : i32
          %add3A_752 = arith.addi %get3A_491, %add3A_751 : i32
          %swap3A_753 = arith.index_cast %min3A_489 : i32 to index
          %swap3A_754 = memref.load %arg13[%swap3A_753] : memref<492xi32, #tpu.memory_space<smem>>
          memref.store %add3A_752, %arg13[%swap3A_753] : memref<492xi32, #tpu.memory_space<smem>>
          %add3A_755 = arith.constant 245 : i32
          %add3A_756 = arith.addi %add3A_755, %min3A_489 : i32
          %get3A_757 = arith.index_cast %add3A_756 : i32 to index
          %get3A_758 = memref.load %arg13[%get3A_757] : memref<492xi32, #tpu.memory_space<smem>>
          %eq3A_759 = arith.constant 0 : i32
          %eq3A_760 = arith.cmpi eq, %and3A_497, %eq3A_759 : i32
          %jit3A_761 = arith.constant 1 : i32
          %jit3A_762 = arith.constant 2 : i32
          %select_n3A_763 = arith.select %eq3A_760, %jit3A_761, %jit3A_762 : i32
          %or3A = arith.ori %get3A_758, %select_n3A_763 : i32
          %add3A_764 = arith.constant 245 : i32
          %add3A_765 = arith.addi %add3A_764, %min3A_489 : i32
          %swap3A_766 = arith.index_cast %add3A_765 : i32 to index
          %swap3A_767 = memref.load %arg13[%swap3A_766] : memref<492xi32, #tpu.memory_space<smem>>
          memref.store %or3A, %arg13[%swap3A_766] : memref<492xi32, #tpu.memory_space<smem>>
          %mul3A_768 = arith.constant 48 : i32
          %mul3A_769 = arith.muli %min3A_489, %mul3A_768 : i32
          %add3A_770 = arith.addi %mul3A_769, %get3A_491 : i32
          %broadcast_in_dim3A_771 = vector.broadcast %add3A_770 : i32 to vector<16xi32>
          %broadcast_in_dim3A_772 = vector.broadcast %squeeze3A_480 : i32 to vector<16xi32>
          tpu.vector_store_idx %arg10[%broadcast_in_dim3A_771], %broadcast_in_dim3A_772 masked %eq3A_6 : memref<11776xi32, #tpu.memory_space<vmem>>[vector<16xi32>], vector<16xi32>, vector<16xi1>
        } else {
        }
        %and3A_504 = arith.andi %lt3A_485, %ge3A_493 : i1
        %convert_element_type3A_505 = arith.extui %and3A_504 : i1 to i32
        %cond3A_506 = arith.constant 0 : i32
        %cond3A_507 = arith.cmpi ne, %convert_element_type3A_505, %cond3A_506 : i32
        scf.if %cond3A_507 {
          %broadcast_in_dim3A_751 = vector.broadcast %add3A_478 : i32 to vector<16xi32>
          %broadcast_in_dim3A_752 = vector.broadcast %squeeze3A_480 : i32 to vector<16xi32>
          tpu.vector_store_idx %arg9[%broadcast_in_dim3A_751], %broadcast_in_dim3A_752 masked %eq3A_6 : memref<49168xi32, #tpu.memory_space<vmem>>[vector<16xi32>], vector<16xi32>, vector<16xi1>
        } else {
        }
        %and3A_508 = arith.andi %lt3A_485, %ge3A_493 : i1
        %jit3A_509 = arith.constant 1 : i32
        %jit3A_510 = arith.constant 0 : i32
        %select_n3A_511 = arith.select %and3A_508, %jit3A_509, %jit3A_510 : i32
        %add3A_512 = arith.addi %add3A_478, %select_n3A_511 : i32
        %slice3A_513 = vector.extract_strided_slice %get3A_211 {offsets = [9], sizes = [1], strides = [1]} : vector<16xi32> to vector<1xi32>
        %squeeze3A_514 = vector.extract %slice3A_513[0] : i32 from vector<1xi32>
        %mul3A_515 = arith.constant 16 : i32
        %mul3A_516 = arith.muli %while3A_206, %mul3A_515 : i32
        %add3A_517 = arith.constant 9 : i32
        %add3A_518 = arith.addi %mul3A_516, %add3A_517 : i32
        %lt3A_519 = arith.cmpi slt, %add3A_518, %while3A_137 : i32
        %shift_right_logical3A_520 = arith.constant 23 : i32
        %shift_right_logical3A_521 = arith.shrui %squeeze3A_514, %shift_right_logical3A_520 : i32
        %min3A_522 = arith.constant 244 : i32
        %min3A_523 = arith.minsi %shift_right_logical3A_521, %min3A_522 : i32
        %get3A_524 = arith.index_cast %min3A_523 : i32 to index
        %get3A_525 = memref.load %arg13[%get3A_524] : memref<492xi32, #tpu.memory_space<smem>>
        %ge3A_526 = arith.constant 32 : i32
        %ge3A_527 = arith.cmpi sge, %get3A_525, %ge3A_526 : i32
        %shift_right_logical3A_528 = arith.constant 21 : i32
        %shift_right_logical3A_529 = arith.shrui %squeeze3A_514, %shift_right_logical3A_528 : i32
        %and3A_530 = arith.constant 3 : i32
        %and3A_531 = arith.andi %shift_right_logical3A_529, %and3A_530 : i32
        %not3A_532 = arith.constant true
        %not3A_533 = arith.xori %ge3A_527, %not3A_532 : i1
        %and3A_534 = arith.andi %lt3A_519, %not3A_533 : i1
        %convert_element_type3A_535 = arith.extui %and3A_534 : i1 to i32
        %cond3A_536 = arith.constant 0 : i32
        %cond3A_537 = arith.cmpi ne, %convert_element_type3A_535, %cond3A_536 : i32
        scf.if %cond3A_537 {
          %add3A_751 = arith.constant 1 : i32
          %add3A_752 = arith.addi %get3A_525, %add3A_751 : i32
          %swap3A_753 = arith.index_cast %min3A_523 : i32 to index
          %swap3A_754 = memref.load %arg13[%swap3A_753] : memref<492xi32, #tpu.memory_space<smem>>
          memref.store %add3A_752, %arg13[%swap3A_753] : memref<492xi32, #tpu.memory_space<smem>>
          %add3A_755 = arith.constant 245 : i32
          %add3A_756 = arith.addi %add3A_755, %min3A_523 : i32
          %get3A_757 = arith.index_cast %add3A_756 : i32 to index
          %get3A_758 = memref.load %arg13[%get3A_757] : memref<492xi32, #tpu.memory_space<smem>>
          %eq3A_759 = arith.constant 0 : i32
          %eq3A_760 = arith.cmpi eq, %and3A_531, %eq3A_759 : i32
          %jit3A_761 = arith.constant 1 : i32
          %jit3A_762 = arith.constant 2 : i32
          %select_n3A_763 = arith.select %eq3A_760, %jit3A_761, %jit3A_762 : i32
          %or3A = arith.ori %get3A_758, %select_n3A_763 : i32
          %add3A_764 = arith.constant 245 : i32
          %add3A_765 = arith.addi %add3A_764, %min3A_523 : i32
          %swap3A_766 = arith.index_cast %add3A_765 : i32 to index
          %swap3A_767 = memref.load %arg13[%swap3A_766] : memref<492xi32, #tpu.memory_space<smem>>
          memref.store %or3A, %arg13[%swap3A_766] : memref<492xi32, #tpu.memory_space<smem>>
          %mul3A_768 = arith.constant 48 : i32
          %mul3A_769 = arith.muli %min3A_523, %mul3A_768 : i32
          %add3A_770 = arith.addi %mul3A_769, %get3A_525 : i32
          %broadcast_in_dim3A_771 = vector.broadcast %add3A_770 : i32 to vector<16xi32>
          %broadcast_in_dim3A_772 = vector.broadcast %squeeze3A_514 : i32 to vector<16xi32>
          tpu.vector_store_idx %arg10[%broadcast_in_dim3A_771], %broadcast_in_dim3A_772 masked %eq3A_6 : memref<11776xi32, #tpu.memory_space<vmem>>[vector<16xi32>], vector<16xi32>, vector<16xi1>
        } else {
        }
        %and3A_538 = arith.andi %lt3A_519, %ge3A_527 : i1
        %convert_element_type3A_539 = arith.extui %and3A_538 : i1 to i32
        %cond3A_540 = arith.constant 0 : i32
        %cond3A_541 = arith.cmpi ne, %convert_element_type3A_539, %cond3A_540 : i32
        scf.if %cond3A_541 {
          %broadcast_in_dim3A_751 = vector.broadcast %add3A_512 : i32 to vector<16xi32>
          %broadcast_in_dim3A_752 = vector.broadcast %squeeze3A_514 : i32 to vector<16xi32>
          tpu.vector_store_idx %arg9[%broadcast_in_dim3A_751], %broadcast_in_dim3A_752 masked %eq3A_6 : memref<49168xi32, #tpu.memory_space<vmem>>[vector<16xi32>], vector<16xi32>, vector<16xi1>
        } else {
        }
        %and3A_542 = arith.andi %lt3A_519, %ge3A_527 : i1
        %jit3A_543 = arith.constant 1 : i32
        %jit3A_544 = arith.constant 0 : i32
        %select_n3A_545 = arith.select %and3A_542, %jit3A_543, %jit3A_544 : i32
        %add3A_546 = arith.addi %add3A_512, %select_n3A_545 : i32
        %slice3A_547 = vector.extract_strided_slice %get3A_211 {offsets = [10], sizes = [1], strides = [1]} : vector<16xi32> to vector<1xi32>
        %squeeze3A_548 = vector.extract %slice3A_547[0] : i32 from vector<1xi32>
        %mul3A_549 = arith.constant 16 : i32
        %mul3A_550 = arith.muli %while3A_206, %mul3A_549 : i32
        %add3A_551 = arith.constant 10 : i32
        %add3A_552 = arith.addi %mul3A_550, %add3A_551 : i32
        %lt3A_553 = arith.cmpi slt, %add3A_552, %while3A_137 : i32
        %shift_right_logical3A_554 = arith.constant 23 : i32
        %shift_right_logical3A_555 = arith.shrui %squeeze3A_548, %shift_right_logical3A_554 : i32
        %min3A_556 = arith.constant 244 : i32
        %min3A_557 = arith.minsi %shift_right_logical3A_555, %min3A_556 : i32
        %get3A_558 = arith.index_cast %min3A_557 : i32 to index
        %get3A_559 = memref.load %arg13[%get3A_558] : memref<492xi32, #tpu.memory_space<smem>>
        %ge3A_560 = arith.constant 32 : i32
        %ge3A_561 = arith.cmpi sge, %get3A_559, %ge3A_560 : i32
        %shift_right_logical3A_562 = arith.constant 21 : i32
        %shift_right_logical3A_563 = arith.shrui %squeeze3A_548, %shift_right_logical3A_562 : i32
        %and3A_564 = arith.constant 3 : i32
        %and3A_565 = arith.andi %shift_right_logical3A_563, %and3A_564 : i32
        %not3A_566 = arith.constant true
        %not3A_567 = arith.xori %ge3A_561, %not3A_566 : i1
        %and3A_568 = arith.andi %lt3A_553, %not3A_567 : i1
        %convert_element_type3A_569 = arith.extui %and3A_568 : i1 to i32
        %cond3A_570 = arith.constant 0 : i32
        %cond3A_571 = arith.cmpi ne, %convert_element_type3A_569, %cond3A_570 : i32
        scf.if %cond3A_571 {
          %add3A_751 = arith.constant 1 : i32
          %add3A_752 = arith.addi %get3A_559, %add3A_751 : i32
          %swap3A_753 = arith.index_cast %min3A_557 : i32 to index
          %swap3A_754 = memref.load %arg13[%swap3A_753] : memref<492xi32, #tpu.memory_space<smem>>
          memref.store %add3A_752, %arg13[%swap3A_753] : memref<492xi32, #tpu.memory_space<smem>>
          %add3A_755 = arith.constant 245 : i32
          %add3A_756 = arith.addi %add3A_755, %min3A_557 : i32
          %get3A_757 = arith.index_cast %add3A_756 : i32 to index
          %get3A_758 = memref.load %arg13[%get3A_757] : memref<492xi32, #tpu.memory_space<smem>>
          %eq3A_759 = arith.constant 0 : i32
          %eq3A_760 = arith.cmpi eq, %and3A_565, %eq3A_759 : i32
          %jit3A_761 = arith.constant 1 : i32
          %jit3A_762 = arith.constant 2 : i32
          %select_n3A_763 = arith.select %eq3A_760, %jit3A_761, %jit3A_762 : i32
          %or3A = arith.ori %get3A_758, %select_n3A_763 : i32
          %add3A_764 = arith.constant 245 : i32
          %add3A_765 = arith.addi %add3A_764, %min3A_557 : i32
          %swap3A_766 = arith.index_cast %add3A_765 : i32 to index
          %swap3A_767 = memref.load %arg13[%swap3A_766] : memref<492xi32, #tpu.memory_space<smem>>
          memref.store %or3A, %arg13[%swap3A_766] : memref<492xi32, #tpu.memory_space<smem>>
          %mul3A_768 = arith.constant 48 : i32
          %mul3A_769 = arith.muli %min3A_557, %mul3A_768 : i32
          %add3A_770 = arith.addi %mul3A_769, %get3A_559 : i32
          %broadcast_in_dim3A_771 = vector.broadcast %add3A_770 : i32 to vector<16xi32>
          %broadcast_in_dim3A_772 = vector.broadcast %squeeze3A_548 : i32 to vector<16xi32>
          tpu.vector_store_idx %arg10[%broadcast_in_dim3A_771], %broadcast_in_dim3A_772 masked %eq3A_6 : memref<11776xi32, #tpu.memory_space<vmem>>[vector<16xi32>], vector<16xi32>, vector<16xi1>
        } else {
        }
        %and3A_572 = arith.andi %lt3A_553, %ge3A_561 : i1
        %convert_element_type3A_573 = arith.extui %and3A_572 : i1 to i32
        %cond3A_574 = arith.constant 0 : i32
        %cond3A_575 = arith.cmpi ne, %convert_element_type3A_573, %cond3A_574 : i32
        scf.if %cond3A_575 {
          %broadcast_in_dim3A_751 = vector.broadcast %add3A_546 : i32 to vector<16xi32>
          %broadcast_in_dim3A_752 = vector.broadcast %squeeze3A_548 : i32 to vector<16xi32>
          tpu.vector_store_idx %arg9[%broadcast_in_dim3A_751], %broadcast_in_dim3A_752 masked %eq3A_6 : memref<49168xi32, #tpu.memory_space<vmem>>[vector<16xi32>], vector<16xi32>, vector<16xi1>
        } else {
        }
        %and3A_576 = arith.andi %lt3A_553, %ge3A_561 : i1
        %jit3A_577 = arith.constant 1 : i32
        %jit3A_578 = arith.constant 0 : i32
        %select_n3A_579 = arith.select %and3A_576, %jit3A_577, %jit3A_578 : i32
        %add3A_580 = arith.addi %add3A_546, %select_n3A_579 : i32
        %slice3A_581 = vector.extract_strided_slice %get3A_211 {offsets = [11], sizes = [1], strides = [1]} : vector<16xi32> to vector<1xi32>
        %squeeze3A_582 = vector.extract %slice3A_581[0] : i32 from vector<1xi32>
        %mul3A_583 = arith.constant 16 : i32
        %mul3A_584 = arith.muli %while3A_206, %mul3A_583 : i32
        %add3A_585 = arith.constant 11 : i32
        %add3A_586 = arith.addi %mul3A_584, %add3A_585 : i32
        %lt3A_587 = arith.cmpi slt, %add3A_586, %while3A_137 : i32
        %shift_right_logical3A_588 = arith.constant 23 : i32
        %shift_right_logical3A_589 = arith.shrui %squeeze3A_582, %shift_right_logical3A_588 : i32
        %min3A_590 = arith.constant 244 : i32
        %min3A_591 = arith.minsi %shift_right_logical3A_589, %min3A_590 : i32
        %get3A_592 = arith.index_cast %min3A_591 : i32 to index
        %get3A_593 = memref.load %arg13[%get3A_592] : memref<492xi32, #tpu.memory_space<smem>>
        %ge3A_594 = arith.constant 32 : i32
        %ge3A_595 = arith.cmpi sge, %get3A_593, %ge3A_594 : i32
        %shift_right_logical3A_596 = arith.constant 21 : i32
        %shift_right_logical3A_597 = arith.shrui %squeeze3A_582, %shift_right_logical3A_596 : i32
        %and3A_598 = arith.constant 3 : i32
        %and3A_599 = arith.andi %shift_right_logical3A_597, %and3A_598 : i32
        %not3A_600 = arith.constant true
        %not3A_601 = arith.xori %ge3A_595, %not3A_600 : i1
        %and3A_602 = arith.andi %lt3A_587, %not3A_601 : i1
        %convert_element_type3A_603 = arith.extui %and3A_602 : i1 to i32
        %cond3A_604 = arith.constant 0 : i32
        %cond3A_605 = arith.cmpi ne, %convert_element_type3A_603, %cond3A_604 : i32
        scf.if %cond3A_605 {
          %add3A_751 = arith.constant 1 : i32
          %add3A_752 = arith.addi %get3A_593, %add3A_751 : i32
          %swap3A_753 = arith.index_cast %min3A_591 : i32 to index
          %swap3A_754 = memref.load %arg13[%swap3A_753] : memref<492xi32, #tpu.memory_space<smem>>
          memref.store %add3A_752, %arg13[%swap3A_753] : memref<492xi32, #tpu.memory_space<smem>>
          %add3A_755 = arith.constant 245 : i32
          %add3A_756 = arith.addi %add3A_755, %min3A_591 : i32
          %get3A_757 = arith.index_cast %add3A_756 : i32 to index
          %get3A_758 = memref.load %arg13[%get3A_757] : memref<492xi32, #tpu.memory_space<smem>>
          %eq3A_759 = arith.constant 0 : i32
          %eq3A_760 = arith.cmpi eq, %and3A_599, %eq3A_759 : i32
          %jit3A_761 = arith.constant 1 : i32
          %jit3A_762 = arith.constant 2 : i32
          %select_n3A_763 = arith.select %eq3A_760, %jit3A_761, %jit3A_762 : i32
          %or3A = arith.ori %get3A_758, %select_n3A_763 : i32
          %add3A_764 = arith.constant 245 : i32
          %add3A_765 = arith.addi %add3A_764, %min3A_591 : i32
          %swap3A_766 = arith.index_cast %add3A_765 : i32 to index
          %swap3A_767 = memref.load %arg13[%swap3A_766] : memref<492xi32, #tpu.memory_space<smem>>
          memref.store %or3A, %arg13[%swap3A_766] : memref<492xi32, #tpu.memory_space<smem>>
          %mul3A_768 = arith.constant 48 : i32
          %mul3A_769 = arith.muli %min3A_591, %mul3A_768 : i32
          %add3A_770 = arith.addi %mul3A_769, %get3A_593 : i32
          %broadcast_in_dim3A_771 = vector.broadcast %add3A_770 : i32 to vector<16xi32>
          %broadcast_in_dim3A_772 = vector.broadcast %squeeze3A_582 : i32 to vector<16xi32>
          tpu.vector_store_idx %arg10[%broadcast_in_dim3A_771], %broadcast_in_dim3A_772 masked %eq3A_6 : memref<11776xi32, #tpu.memory_space<vmem>>[vector<16xi32>], vector<16xi32>, vector<16xi1>
        } else {
        }
        %and3A_606 = arith.andi %lt3A_587, %ge3A_595 : i1
        %convert_element_type3A_607 = arith.extui %and3A_606 : i1 to i32
        %cond3A_608 = arith.constant 0 : i32
        %cond3A_609 = arith.cmpi ne, %convert_element_type3A_607, %cond3A_608 : i32
        scf.if %cond3A_609 {
          %broadcast_in_dim3A_751 = vector.broadcast %add3A_580 : i32 to vector<16xi32>
          %broadcast_in_dim3A_752 = vector.broadcast %squeeze3A_582 : i32 to vector<16xi32>
          tpu.vector_store_idx %arg9[%broadcast_in_dim3A_751], %broadcast_in_dim3A_752 masked %eq3A_6 : memref<49168xi32, #tpu.memory_space<vmem>>[vector<16xi32>], vector<16xi32>, vector<16xi1>
        } else {
        }
        %and3A_610 = arith.andi %lt3A_587, %ge3A_595 : i1
        %jit3A_611 = arith.constant 1 : i32
        %jit3A_612 = arith.constant 0 : i32
        %select_n3A_613 = arith.select %and3A_610, %jit3A_611, %jit3A_612 : i32
        %add3A_614 = arith.addi %add3A_580, %select_n3A_613 : i32
        %slice3A_615 = vector.extract_strided_slice %get3A_211 {offsets = [12], sizes = [1], strides = [1]} : vector<16xi32> to vector<1xi32>
        %squeeze3A_616 = vector.extract %slice3A_615[0] : i32 from vector<1xi32>
        %mul3A_617 = arith.constant 16 : i32
        %mul3A_618 = arith.muli %while3A_206, %mul3A_617 : i32
        %add3A_619 = arith.constant 12 : i32
        %add3A_620 = arith.addi %mul3A_618, %add3A_619 : i32
        %lt3A_621 = arith.cmpi slt, %add3A_620, %while3A_137 : i32
        %shift_right_logical3A_622 = arith.constant 23 : i32
        %shift_right_logical3A_623 = arith.shrui %squeeze3A_616, %shift_right_logical3A_622 : i32
        %min3A_624 = arith.constant 244 : i32
        %min3A_625 = arith.minsi %shift_right_logical3A_623, %min3A_624 : i32
        %get3A_626 = arith.index_cast %min3A_625 : i32 to index
        %get3A_627 = memref.load %arg13[%get3A_626] : memref<492xi32, #tpu.memory_space<smem>>
        %ge3A_628 = arith.constant 32 : i32
        %ge3A_629 = arith.cmpi sge, %get3A_627, %ge3A_628 : i32
        %shift_right_logical3A_630 = arith.constant 21 : i32
        %shift_right_logical3A_631 = arith.shrui %squeeze3A_616, %shift_right_logical3A_630 : i32
        %and3A_632 = arith.constant 3 : i32
        %and3A_633 = arith.andi %shift_right_logical3A_631, %and3A_632 : i32
        %not3A_634 = arith.constant true
        %not3A_635 = arith.xori %ge3A_629, %not3A_634 : i1
        %and3A_636 = arith.andi %lt3A_621, %not3A_635 : i1
        %convert_element_type3A_637 = arith.extui %and3A_636 : i1 to i32
        %cond3A_638 = arith.constant 0 : i32
        %cond3A_639 = arith.cmpi ne, %convert_element_type3A_637, %cond3A_638 : i32
        scf.if %cond3A_639 {
          %add3A_751 = arith.constant 1 : i32
          %add3A_752 = arith.addi %get3A_627, %add3A_751 : i32
          %swap3A_753 = arith.index_cast %min3A_625 : i32 to index
          %swap3A_754 = memref.load %arg13[%swap3A_753] : memref<492xi32, #tpu.memory_space<smem>>
          memref.store %add3A_752, %arg13[%swap3A_753] : memref<492xi32, #tpu.memory_space<smem>>
          %add3A_755 = arith.constant 245 : i32
          %add3A_756 = arith.addi %add3A_755, %min3A_625 : i32
          %get3A_757 = arith.index_cast %add3A_756 : i32 to index
          %get3A_758 = memref.load %arg13[%get3A_757] : memref<492xi32, #tpu.memory_space<smem>>
          %eq3A_759 = arith.constant 0 : i32
          %eq3A_760 = arith.cmpi eq, %and3A_633, %eq3A_759 : i32
          %jit3A_761 = arith.constant 1 : i32
          %jit3A_762 = arith.constant 2 : i32
          %select_n3A_763 = arith.select %eq3A_760, %jit3A_761, %jit3A_762 : i32
          %or3A = arith.ori %get3A_758, %select_n3A_763 : i32
          %add3A_764 = arith.constant 245 : i32
          %add3A_765 = arith.addi %add3A_764, %min3A_625 : i32
          %swap3A_766 = arith.index_cast %add3A_765 : i32 to index
          %swap3A_767 = memref.load %arg13[%swap3A_766] : memref<492xi32, #tpu.memory_space<smem>>
          memref.store %or3A, %arg13[%swap3A_766] : memref<492xi32, #tpu.memory_space<smem>>
          %mul3A_768 = arith.constant 48 : i32
          %mul3A_769 = arith.muli %min3A_625, %mul3A_768 : i32
          %add3A_770 = arith.addi %mul3A_769, %get3A_627 : i32
          %broadcast_in_dim3A_771 = vector.broadcast %add3A_770 : i32 to vector<16xi32>
          %broadcast_in_dim3A_772 = vector.broadcast %squeeze3A_616 : i32 to vector<16xi32>
          tpu.vector_store_idx %arg10[%broadcast_in_dim3A_771], %broadcast_in_dim3A_772 masked %eq3A_6 : memref<11776xi32, #tpu.memory_space<vmem>>[vector<16xi32>], vector<16xi32>, vector<16xi1>
        } else {
        }
        %and3A_640 = arith.andi %lt3A_621, %ge3A_629 : i1
        %convert_element_type3A_641 = arith.extui %and3A_640 : i1 to i32
        %cond3A_642 = arith.constant 0 : i32
        %cond3A_643 = arith.cmpi ne, %convert_element_type3A_641, %cond3A_642 : i32
        scf.if %cond3A_643 {
          %broadcast_in_dim3A_751 = vector.broadcast %add3A_614 : i32 to vector<16xi32>
          %broadcast_in_dim3A_752 = vector.broadcast %squeeze3A_616 : i32 to vector<16xi32>
          tpu.vector_store_idx %arg9[%broadcast_in_dim3A_751], %broadcast_in_dim3A_752 masked %eq3A_6 : memref<49168xi32, #tpu.memory_space<vmem>>[vector<16xi32>], vector<16xi32>, vector<16xi1>
        } else {
        }
        %and3A_644 = arith.andi %lt3A_621, %ge3A_629 : i1
        %jit3A_645 = arith.constant 1 : i32
        %jit3A_646 = arith.constant 0 : i32
        %select_n3A_647 = arith.select %and3A_644, %jit3A_645, %jit3A_646 : i32
        %add3A_648 = arith.addi %add3A_614, %select_n3A_647 : i32
        %slice3A_649 = vector.extract_strided_slice %get3A_211 {offsets = [13], sizes = [1], strides = [1]} : vector<16xi32> to vector<1xi32>
        %squeeze3A_650 = vector.extract %slice3A_649[0] : i32 from vector<1xi32>
        %mul3A_651 = arith.constant 16 : i32
        %mul3A_652 = arith.muli %while3A_206, %mul3A_651 : i32
        %add3A_653 = arith.constant 13 : i32
        %add3A_654 = arith.addi %mul3A_652, %add3A_653 : i32
        %lt3A_655 = arith.cmpi slt, %add3A_654, %while3A_137 : i32
        %shift_right_logical3A_656 = arith.constant 23 : i32
        %shift_right_logical3A_657 = arith.shrui %squeeze3A_650, %shift_right_logical3A_656 : i32
        %min3A_658 = arith.constant 244 : i32
        %min3A_659 = arith.minsi %shift_right_logical3A_657, %min3A_658 : i32
        %get3A_660 = arith.index_cast %min3A_659 : i32 to index
        %get3A_661 = memref.load %arg13[%get3A_660] : memref<492xi32, #tpu.memory_space<smem>>
        %ge3A_662 = arith.constant 32 : i32
        %ge3A_663 = arith.cmpi sge, %get3A_661, %ge3A_662 : i32
        %shift_right_logical3A_664 = arith.constant 21 : i32
        %shift_right_logical3A_665 = arith.shrui %squeeze3A_650, %shift_right_logical3A_664 : i32
        %and3A_666 = arith.constant 3 : i32
        %and3A_667 = arith.andi %shift_right_logical3A_665, %and3A_666 : i32
        %not3A_668 = arith.constant true
        %not3A_669 = arith.xori %ge3A_663, %not3A_668 : i1
        %and3A_670 = arith.andi %lt3A_655, %not3A_669 : i1
        %convert_element_type3A_671 = arith.extui %and3A_670 : i1 to i32
        %cond3A_672 = arith.constant 0 : i32
        %cond3A_673 = arith.cmpi ne, %convert_element_type3A_671, %cond3A_672 : i32
        scf.if %cond3A_673 {
          %add3A_751 = arith.constant 1 : i32
          %add3A_752 = arith.addi %get3A_661, %add3A_751 : i32
          %swap3A_753 = arith.index_cast %min3A_659 : i32 to index
          %swap3A_754 = memref.load %arg13[%swap3A_753] : memref<492xi32, #tpu.memory_space<smem>>
          memref.store %add3A_752, %arg13[%swap3A_753] : memref<492xi32, #tpu.memory_space<smem>>
          %add3A_755 = arith.constant 245 : i32
          %add3A_756 = arith.addi %add3A_755, %min3A_659 : i32
          %get3A_757 = arith.index_cast %add3A_756 : i32 to index
          %get3A_758 = memref.load %arg13[%get3A_757] : memref<492xi32, #tpu.memory_space<smem>>
          %eq3A_759 = arith.constant 0 : i32
          %eq3A_760 = arith.cmpi eq, %and3A_667, %eq3A_759 : i32
          %jit3A_761 = arith.constant 1 : i32
          %jit3A_762 = arith.constant 2 : i32
          %select_n3A_763 = arith.select %eq3A_760, %jit3A_761, %jit3A_762 : i32
          %or3A = arith.ori %get3A_758, %select_n3A_763 : i32
          %add3A_764 = arith.constant 245 : i32
          %add3A_765 = arith.addi %add3A_764, %min3A_659 : i32
          %swap3A_766 = arith.index_cast %add3A_765 : i32 to index
          %swap3A_767 = memref.load %arg13[%swap3A_766] : memref<492xi32, #tpu.memory_space<smem>>
          memref.store %or3A, %arg13[%swap3A_766] : memref<492xi32, #tpu.memory_space<smem>>
          %mul3A_768 = arith.constant 48 : i32
          %mul3A_769 = arith.muli %min3A_659, %mul3A_768 : i32
          %add3A_770 = arith.addi %mul3A_769, %get3A_661 : i32
          %broadcast_in_dim3A_771 = vector.broadcast %add3A_770 : i32 to vector<16xi32>
          %broadcast_in_dim3A_772 = vector.broadcast %squeeze3A_650 : i32 to vector<16xi32>
          tpu.vector_store_idx %arg10[%broadcast_in_dim3A_771], %broadcast_in_dim3A_772 masked %eq3A_6 : memref<11776xi32, #tpu.memory_space<vmem>>[vector<16xi32>], vector<16xi32>, vector<16xi1>
        } else {
        }
        %and3A_674 = arith.andi %lt3A_655, %ge3A_663 : i1
        %convert_element_type3A_675 = arith.extui %and3A_674 : i1 to i32
        %cond3A_676 = arith.constant 0 : i32
        %cond3A_677 = arith.cmpi ne, %convert_element_type3A_675, %cond3A_676 : i32
        scf.if %cond3A_677 {
          %broadcast_in_dim3A_751 = vector.broadcast %add3A_648 : i32 to vector<16xi32>
          %broadcast_in_dim3A_752 = vector.broadcast %squeeze3A_650 : i32 to vector<16xi32>
          tpu.vector_store_idx %arg9[%broadcast_in_dim3A_751], %broadcast_in_dim3A_752 masked %eq3A_6 : memref<49168xi32, #tpu.memory_space<vmem>>[vector<16xi32>], vector<16xi32>, vector<16xi1>
        } else {
        }
        %and3A_678 = arith.andi %lt3A_655, %ge3A_663 : i1
        %jit3A_679 = arith.constant 1 : i32
        %jit3A_680 = arith.constant 0 : i32
        %select_n3A_681 = arith.select %and3A_678, %jit3A_679, %jit3A_680 : i32
        %add3A_682 = arith.addi %add3A_648, %select_n3A_681 : i32
        %slice3A_683 = vector.extract_strided_slice %get3A_211 {offsets = [14], sizes = [1], strides = [1]} : vector<16xi32> to vector<1xi32>
        %squeeze3A_684 = vector.extract %slice3A_683[0] : i32 from vector<1xi32>
        %mul3A_685 = arith.constant 16 : i32
        %mul3A_686 = arith.muli %while3A_206, %mul3A_685 : i32
        %add3A_687 = arith.constant 14 : i32
        %add3A_688 = arith.addi %mul3A_686, %add3A_687 : i32
        %lt3A_689 = arith.cmpi slt, %add3A_688, %while3A_137 : i32
        %shift_right_logical3A_690 = arith.constant 23 : i32
        %shift_right_logical3A_691 = arith.shrui %squeeze3A_684, %shift_right_logical3A_690 : i32
        %min3A_692 = arith.constant 244 : i32
        %min3A_693 = arith.minsi %shift_right_logical3A_691, %min3A_692 : i32
        %get3A_694 = arith.index_cast %min3A_693 : i32 to index
        %get3A_695 = memref.load %arg13[%get3A_694] : memref<492xi32, #tpu.memory_space<smem>>
        %ge3A_696 = arith.constant 32 : i32
        %ge3A_697 = arith.cmpi sge, %get3A_695, %ge3A_696 : i32
        %shift_right_logical3A_698 = arith.constant 21 : i32
        %shift_right_logical3A_699 = arith.shrui %squeeze3A_684, %shift_right_logical3A_698 : i32
        %and3A_700 = arith.constant 3 : i32
        %and3A_701 = arith.andi %shift_right_logical3A_699, %and3A_700 : i32
        %not3A_702 = arith.constant true
        %not3A_703 = arith.xori %ge3A_697, %not3A_702 : i1
        %and3A_704 = arith.andi %lt3A_689, %not3A_703 : i1
        %convert_element_type3A_705 = arith.extui %and3A_704 : i1 to i32
        %cond3A_706 = arith.constant 0 : i32
        %cond3A_707 = arith.cmpi ne, %convert_element_type3A_705, %cond3A_706 : i32
        scf.if %cond3A_707 {
          %add3A_751 = arith.constant 1 : i32
          %add3A_752 = arith.addi %get3A_695, %add3A_751 : i32
          %swap3A_753 = arith.index_cast %min3A_693 : i32 to index
          %swap3A_754 = memref.load %arg13[%swap3A_753] : memref<492xi32, #tpu.memory_space<smem>>
          memref.store %add3A_752, %arg13[%swap3A_753] : memref<492xi32, #tpu.memory_space<smem>>
          %add3A_755 = arith.constant 245 : i32
          %add3A_756 = arith.addi %add3A_755, %min3A_693 : i32
          %get3A_757 = arith.index_cast %add3A_756 : i32 to index
          %get3A_758 = memref.load %arg13[%get3A_757] : memref<492xi32, #tpu.memory_space<smem>>
          %eq3A_759 = arith.constant 0 : i32
          %eq3A_760 = arith.cmpi eq, %and3A_701, %eq3A_759 : i32
          %jit3A_761 = arith.constant 1 : i32
          %jit3A_762 = arith.constant 2 : i32
          %select_n3A_763 = arith.select %eq3A_760, %jit3A_761, %jit3A_762 : i32
          %or3A = arith.ori %get3A_758, %select_n3A_763 : i32
          %add3A_764 = arith.constant 245 : i32
          %add3A_765 = arith.addi %add3A_764, %min3A_693 : i32
          %swap3A_766 = arith.index_cast %add3A_765 : i32 to index
          %swap3A_767 = memref.load %arg13[%swap3A_766] : memref<492xi32, #tpu.memory_space<smem>>
          memref.store %or3A, %arg13[%swap3A_766] : memref<492xi32, #tpu.memory_space<smem>>
          %mul3A_768 = arith.constant 48 : i32
          %mul3A_769 = arith.muli %min3A_693, %mul3A_768 : i32
          %add3A_770 = arith.addi %mul3A_769, %get3A_695 : i32
          %broadcast_in_dim3A_771 = vector.broadcast %add3A_770 : i32 to vector<16xi32>
          %broadcast_in_dim3A_772 = vector.broadcast %squeeze3A_684 : i32 to vector<16xi32>
          tpu.vector_store_idx %arg10[%broadcast_in_dim3A_771], %broadcast_in_dim3A_772 masked %eq3A_6 : memref<11776xi32, #tpu.memory_space<vmem>>[vector<16xi32>], vector<16xi32>, vector<16xi1>
        } else {
        }
        %and3A_708 = arith.andi %lt3A_689, %ge3A_697 : i1
        %convert_element_type3A_709 = arith.extui %and3A_708 : i1 to i32
        %cond3A_710 = arith.constant 0 : i32
        %cond3A_711 = arith.cmpi ne, %convert_element_type3A_709, %cond3A_710 : i32
        scf.if %cond3A_711 {
          %broadcast_in_dim3A_751 = vector.broadcast %add3A_682 : i32 to vector<16xi32>
          %broadcast_in_dim3A_752 = vector.broadcast %squeeze3A_684 : i32 to vector<16xi32>
          tpu.vector_store_idx %arg9[%broadcast_in_dim3A_751], %broadcast_in_dim3A_752 masked %eq3A_6 : memref<49168xi32, #tpu.memory_space<vmem>>[vector<16xi32>], vector<16xi32>, vector<16xi1>
        } else {
        }
        %and3A_712 = arith.andi %lt3A_689, %ge3A_697 : i1
        %jit3A_713 = arith.constant 1 : i32
        %jit3A_714 = arith.constant 0 : i32
        %select_n3A_715 = arith.select %and3A_712, %jit3A_713, %jit3A_714 : i32
        %add3A_716 = arith.addi %add3A_682, %select_n3A_715 : i32
        %slice3A_717 = vector.extract_strided_slice %get3A_211 {offsets = [15], sizes = [1], strides = [1]} : vector<16xi32> to vector<1xi32>
        %squeeze3A_718 = vector.extract %slice3A_717[0] : i32 from vector<1xi32>
        %mul3A_719 = arith.constant 16 : i32
        %mul3A_720 = arith.muli %while3A_206, %mul3A_719 : i32
        %add3A_721 = arith.constant 15 : i32
        %add3A_722 = arith.addi %mul3A_720, %add3A_721 : i32
        %lt3A_723 = arith.cmpi slt, %add3A_722, %while3A_137 : i32
        %shift_right_logical3A_724 = arith.constant 23 : i32
        %shift_right_logical3A_725 = arith.shrui %squeeze3A_718, %shift_right_logical3A_724 : i32
        %min3A_726 = arith.constant 244 : i32
        %min3A_727 = arith.minsi %shift_right_logical3A_725, %min3A_726 : i32
        %get3A_728 = arith.index_cast %min3A_727 : i32 to index
        %get3A_729 = memref.load %arg13[%get3A_728] : memref<492xi32, #tpu.memory_space<smem>>
        %ge3A_730 = arith.constant 32 : i32
        %ge3A_731 = arith.cmpi sge, %get3A_729, %ge3A_730 : i32
        %shift_right_logical3A_732 = arith.constant 21 : i32
        %shift_right_logical3A_733 = arith.shrui %squeeze3A_718, %shift_right_logical3A_732 : i32
        %and3A_734 = arith.constant 3 : i32
        %and3A_735 = arith.andi %shift_right_logical3A_733, %and3A_734 : i32
        %not3A_736 = arith.constant true
        %not3A_737 = arith.xori %ge3A_731, %not3A_736 : i1
        %and3A_738 = arith.andi %lt3A_723, %not3A_737 : i1
        %convert_element_type3A_739 = arith.extui %and3A_738 : i1 to i32
        %cond3A_740 = arith.constant 0 : i32
        %cond3A_741 = arith.cmpi ne, %convert_element_type3A_739, %cond3A_740 : i32
        scf.if %cond3A_741 {
          %add3A_751 = arith.constant 1 : i32
          %add3A_752 = arith.addi %get3A_729, %add3A_751 : i32
          %swap3A_753 = arith.index_cast %min3A_727 : i32 to index
          %swap3A_754 = memref.load %arg13[%swap3A_753] : memref<492xi32, #tpu.memory_space<smem>>
          memref.store %add3A_752, %arg13[%swap3A_753] : memref<492xi32, #tpu.memory_space<smem>>
          %add3A_755 = arith.constant 245 : i32
          %add3A_756 = arith.addi %add3A_755, %min3A_727 : i32
          %get3A_757 = arith.index_cast %add3A_756 : i32 to index
          %get3A_758 = memref.load %arg13[%get3A_757] : memref<492xi32, #tpu.memory_space<smem>>
          %eq3A_759 = arith.constant 0 : i32
          %eq3A_760 = arith.cmpi eq, %and3A_735, %eq3A_759 : i32
          %jit3A_761 = arith.constant 1 : i32
          %jit3A_762 = arith.constant 2 : i32
          %select_n3A_763 = arith.select %eq3A_760, %jit3A_761, %jit3A_762 : i32
          %or3A = arith.ori %get3A_758, %select_n3A_763 : i32
          %add3A_764 = arith.constant 245 : i32
          %add3A_765 = arith.addi %add3A_764, %min3A_727 : i32
          %swap3A_766 = arith.index_cast %add3A_765 : i32 to index
          %swap3A_767 = memref.load %arg13[%swap3A_766] : memref<492xi32, #tpu.memory_space<smem>>
          memref.store %or3A, %arg13[%swap3A_766] : memref<492xi32, #tpu.memory_space<smem>>
          %mul3A_768 = arith.constant 48 : i32
          %mul3A_769 = arith.muli %min3A_727, %mul3A_768 : i32
          %add3A_770 = arith.addi %mul3A_769, %get3A_729 : i32
          %broadcast_in_dim3A_771 = vector.broadcast %add3A_770 : i32 to vector<16xi32>
          %broadcast_in_dim3A_772 = vector.broadcast %squeeze3A_718 : i32 to vector<16xi32>
          tpu.vector_store_idx %arg10[%broadcast_in_dim3A_771], %broadcast_in_dim3A_772 masked %eq3A_6 : memref<11776xi32, #tpu.memory_space<vmem>>[vector<16xi32>], vector<16xi32>, vector<16xi1>
        } else {
        }
        %and3A_742 = arith.andi %lt3A_723, %ge3A_731 : i1
        %convert_element_type3A_743 = arith.extui %and3A_742 : i1 to i32
        %cond3A_744 = arith.constant 0 : i32
        %cond3A_745 = arith.cmpi ne, %convert_element_type3A_743, %cond3A_744 : i32
        scf.if %cond3A_745 {
          %broadcast_in_dim3A_751 = vector.broadcast %add3A_716 : i32 to vector<16xi32>
          %broadcast_in_dim3A_752 = vector.broadcast %squeeze3A_718 : i32 to vector<16xi32>
          tpu.vector_store_idx %arg9[%broadcast_in_dim3A_751], %broadcast_in_dim3A_752 masked %eq3A_6 : memref<49168xi32, #tpu.memory_space<vmem>>[vector<16xi32>], vector<16xi32>, vector<16xi1>
        } else {
        }
        %and3A_746 = arith.andi %lt3A_723, %ge3A_731 : i1
        %jit3A_747 = arith.constant 1 : i32
        %jit3A_748 = arith.constant 0 : i32
        %select_n3A_749 = arith.select %and3A_746, %jit3A_747, %jit3A_748 : i32
        %add3A_750 = arith.addi %add3A_716, %select_n3A_749 : i32
        scf.yield %add3A_750 : i32
      }
      %while3A_178 = arith.constant 1 : i32
      %while3A_179 = scf.for %while3A_206 = %while3A_175 to %while3A_171 step %while3A_178 iter_args(%while3A_207 = %while3A_177) -> (i32)  : i32 {
        %mul3A_208 = arith.constant 16 : i32
        %mul3A_209 = arith.muli %while3A_206, %mul3A_208 : i32
        %get3A_210 = arith.index_cast %mul3A_209 : i32 to index
        %get3A_211 = tpu.vector_load %arg9[%get3A_210] {strides = array<i32>} : memref<49168xi32, #tpu.memory_space<vmem>>, vector<16xi32>,
        %slice3A = vector.extract_strided_slice %get3A_211 {offsets = [0], sizes = [1], strides = [1]} : vector<16xi32> to vector<1xi32>
        %squeeze3A = vector.extract %slice3A[0] : i32 from vector<1xi32>
        %mul3A_212 = arith.constant 16 : i32
        %mul3A_213 = arith.muli %while3A_206, %mul3A_212 : i32
        %add3A_214 = arith.constant 0 : i32
        %add3A_215 = arith.addi %mul3A_213, %add3A_214 : i32
        %lt3A = arith.cmpi slt, %add3A_215, %while3A_137 : i32
        %shift_right_logical3A_216 = arith.constant 23 : i32
        %shift_right_logical3A_217 = arith.shrui %squeeze3A, %shift_right_logical3A_216 : i32
        %min3A_218 = arith.constant 244 : i32
        %min3A_219 = arith.minsi %shift_right_logical3A_217, %min3A_218 : i32
        %get3A_220 = arith.index_cast %min3A_219 : i32 to index
        %get3A_221 = memref.load %arg13[%get3A_220] : memref<492xi32, #tpu.memory_space<smem>>
        %ge3A = arith.constant 32 : i32
        %ge3A_222 = arith.cmpi sge, %get3A_221, %ge3A : i32
        %shift_right_logical3A_223 = arith.constant 21 : i32
        %shift_right_logical3A_224 = arith.shrui %squeeze3A, %shift_right_logical3A_223 : i32
        %and3A_225 = arith.constant 3 : i32
        %and3A_226 = arith.andi %shift_right_logical3A_224, %and3A_225 : i32
        %not3A = arith.constant true
        %not3A_227 = arith.xori %ge3A_222, %not3A : i1
        %and3A_228 = arith.andi %lt3A, %not3A_227 : i1
        %convert_element_type3A_229 = arith.extui %and3A_228 : i1 to i32
        %cond3A_230 = arith.constant 0 : i32
        %cond3A_231 = arith.cmpi ne, %convert_element_type3A_229, %cond3A_230 : i32
        scf.if %cond3A_231 {
          %add3A_751 = arith.constant 1 : i32
          %add3A_752 = arith.addi %get3A_221, %add3A_751 : i32
          %swap3A_753 = arith.index_cast %min3A_219 : i32 to index
          %swap3A_754 = memref.load %arg13[%swap3A_753] : memref<492xi32, #tpu.memory_space<smem>>
          memref.store %add3A_752, %arg13[%swap3A_753] : memref<492xi32, #tpu.memory_space<smem>>
          %add3A_755 = arith.constant 245 : i32
          %add3A_756 = arith.addi %add3A_755, %min3A_219 : i32
          %get3A_757 = arith.index_cast %add3A_756 : i32 to index
          %get3A_758 = memref.load %arg13[%get3A_757] : memref<492xi32, #tpu.memory_space<smem>>
          %eq3A_759 = arith.constant 0 : i32
          %eq3A_760 = arith.cmpi eq, %and3A_226, %eq3A_759 : i32
          %jit3A_761 = arith.constant 1 : i32
          %jit3A_762 = arith.constant 2 : i32
          %select_n3A_763 = arith.select %eq3A_760, %jit3A_761, %jit3A_762 : i32
          %or3A = arith.ori %get3A_758, %select_n3A_763 : i32
          %add3A_764 = arith.constant 245 : i32
          %add3A_765 = arith.addi %add3A_764, %min3A_219 : i32
          %swap3A_766 = arith.index_cast %add3A_765 : i32 to index
          %swap3A_767 = memref.load %arg13[%swap3A_766] : memref<492xi32, #tpu.memory_space<smem>>
          memref.store %or3A, %arg13[%swap3A_766] : memref<492xi32, #tpu.memory_space<smem>>
          %mul3A_768 = arith.constant 48 : i32
          %mul3A_769 = arith.muli %min3A_219, %mul3A_768 : i32
          %add3A_770 = arith.addi %mul3A_769, %get3A_221 : i32
          %broadcast_in_dim3A_771 = vector.broadcast %add3A_770 : i32 to vector<16xi32>
          %broadcast_in_dim3A_772 = vector.broadcast %squeeze3A : i32 to vector<16xi32>
          tpu.vector_store_idx %arg10[%broadcast_in_dim3A_771], %broadcast_in_dim3A_772 masked %eq3A_6 : memref<11776xi32, #tpu.memory_space<vmem>>[vector<16xi32>], vector<16xi32>, vector<16xi1>
        } else {
        }
        %and3A_232 = arith.andi %lt3A, %ge3A_222 : i1
        %convert_element_type3A_233 = arith.extui %and3A_232 : i1 to i32
        %cond3A_234 = arith.constant 0 : i32
        %cond3A_235 = arith.cmpi ne, %convert_element_type3A_233, %cond3A_234 : i32
        scf.if %cond3A_235 {
          %broadcast_in_dim3A_751 = vector.broadcast %while3A_207 : i32 to vector<16xi32>
          %broadcast_in_dim3A_752 = vector.broadcast %squeeze3A : i32 to vector<16xi32>
          tpu.vector_store_idx %arg9[%broadcast_in_dim3A_751], %broadcast_in_dim3A_752 masked %eq3A_6 : memref<49168xi32, #tpu.memory_space<vmem>>[vector<16xi32>], vector<16xi32>, vector<16xi1>
        } else {
        }
        %and3A_236 = arith.andi %lt3A, %ge3A_222 : i1
        %jit3A_237 = arith.constant 1 : i32
        %jit3A_238 = arith.constant 0 : i32
        %select_n3A_239 = arith.select %and3A_236, %jit3A_237, %jit3A_238 : i32
        %add3A_240 = arith.addi %while3A_207, %select_n3A_239 : i32
        %slice3A_241 = vector.extract_strided_slice %get3A_211 {offsets = [1], sizes = [1], strides = [1]} : vector<16xi32> to vector<1xi32>
        %squeeze3A_242 = vector.extract %slice3A_241[0] : i32 from vector<1xi32>
        %mul3A_243 = arith.constant 16 : i32
        %mul3A_244 = arith.muli %while3A_206, %mul3A_243 : i32
        %add3A_245 = arith.constant 1 : i32
        %add3A_246 = arith.addi %mul3A_244, %add3A_245 : i32
        %lt3A_247 = arith.cmpi slt, %add3A_246, %while3A_137 : i32
        %shift_right_logical3A_248 = arith.constant 23 : i32
        %shift_right_logical3A_249 = arith.shrui %squeeze3A_242, %shift_right_logical3A_248 : i32
        %min3A_250 = arith.constant 244 : i32
        %min3A_251 = arith.minsi %shift_right_logical3A_249, %min3A_250 : i32
        %get3A_252 = arith.index_cast %min3A_251 : i32 to index
        %get3A_253 = memref.load %arg13[%get3A_252] : memref<492xi32, #tpu.memory_space<smem>>
        %ge3A_254 = arith.constant 32 : i32
        %ge3A_255 = arith.cmpi sge, %get3A_253, %ge3A_254 : i32
        %shift_right_logical3A_256 = arith.constant 21 : i32
        %shift_right_logical3A_257 = arith.shrui %squeeze3A_242, %shift_right_logical3A_256 : i32
        %and3A_258 = arith.constant 3 : i32
        %and3A_259 = arith.andi %shift_right_logical3A_257, %and3A_258 : i32
        %not3A_260 = arith.constant true
        %not3A_261 = arith.xori %ge3A_255, %not3A_260 : i1
        %and3A_262 = arith.andi %lt3A_247, %not3A_261 : i1
        %convert_element_type3A_263 = arith.extui %and3A_262 : i1 to i32
        %cond3A_264 = arith.constant 0 : i32
        %cond3A_265 = arith.cmpi ne, %convert_element_type3A_263, %cond3A_264 : i32
        scf.if %cond3A_265 {
          %add3A_751 = arith.constant 1 : i32
          %add3A_752 = arith.addi %get3A_253, %add3A_751 : i32
          %swap3A_753 = arith.index_cast %min3A_251 : i32 to index
          %swap3A_754 = memref.load %arg13[%swap3A_753] : memref<492xi32, #tpu.memory_space<smem>>
          memref.store %add3A_752, %arg13[%swap3A_753] : memref<492xi32, #tpu.memory_space<smem>>
          %add3A_755 = arith.constant 245 : i32
          %add3A_756 = arith.addi %add3A_755, %min3A_251 : i32
          %get3A_757 = arith.index_cast %add3A_756 : i32 to index
          %get3A_758 = memref.load %arg13[%get3A_757] : memref<492xi32, #tpu.memory_space<smem>>
          %eq3A_759 = arith.constant 0 : i32
          %eq3A_760 = arith.cmpi eq, %and3A_259, %eq3A_759 : i32
          %jit3A_761 = arith.constant 1 : i32
          %jit3A_762 = arith.constant 2 : i32
          %select_n3A_763 = arith.select %eq3A_760, %jit3A_761, %jit3A_762 : i32
          %or3A = arith.ori %get3A_758, %select_n3A_763 : i32
          %add3A_764 = arith.constant 245 : i32
          %add3A_765 = arith.addi %add3A_764, %min3A_251 : i32
          %swap3A_766 = arith.index_cast %add3A_765 : i32 to index
          %swap3A_767 = memref.load %arg13[%swap3A_766] : memref<492xi32, #tpu.memory_space<smem>>
          memref.store %or3A, %arg13[%swap3A_766] : memref<492xi32, #tpu.memory_space<smem>>
          %mul3A_768 = arith.constant 48 : i32
          %mul3A_769 = arith.muli %min3A_251, %mul3A_768 : i32
          %add3A_770 = arith.addi %mul3A_769, %get3A_253 : i32
          %broadcast_in_dim3A_771 = vector.broadcast %add3A_770 : i32 to vector<16xi32>
          %broadcast_in_dim3A_772 = vector.broadcast %squeeze3A_242 : i32 to vector<16xi32>
          tpu.vector_store_idx %arg10[%broadcast_in_dim3A_771], %broadcast_in_dim3A_772 masked %eq3A_6 : memref<11776xi32, #tpu.memory_space<vmem>>[vector<16xi32>], vector<16xi32>, vector<16xi1>
        } else {
        }
        %and3A_266 = arith.andi %lt3A_247, %ge3A_255 : i1
        %convert_element_type3A_267 = arith.extui %and3A_266 : i1 to i32
        %cond3A_268 = arith.constant 0 : i32
        %cond3A_269 = arith.cmpi ne, %convert_element_type3A_267, %cond3A_268 : i32
        scf.if %cond3A_269 {
          %broadcast_in_dim3A_751 = vector.broadcast %add3A_240 : i32 to vector<16xi32>
          %broadcast_in_dim3A_752 = vector.broadcast %squeeze3A_242 : i32 to vector<16xi32>
          tpu.vector_store_idx %arg9[%broadcast_in_dim3A_751], %broadcast_in_dim3A_752 masked %eq3A_6 : memref<49168xi32, #tpu.memory_space<vmem>>[vector<16xi32>], vector<16xi32>, vector<16xi1>
        } else {
        }
        %and3A_270 = arith.andi %lt3A_247, %ge3A_255 : i1
        %jit3A_271 = arith.constant 1 : i32
        %jit3A_272 = arith.constant 0 : i32
        %select_n3A_273 = arith.select %and3A_270, %jit3A_271, %jit3A_272 : i32
        %add3A_274 = arith.addi %add3A_240, %select_n3A_273 : i32
        %slice3A_275 = vector.extract_strided_slice %get3A_211 {offsets = [2], sizes = [1], strides = [1]} : vector<16xi32> to vector<1xi32>
        %squeeze3A_276 = vector.extract %slice3A_275[0] : i32 from vector<1xi32>
        %mul3A_277 = arith.constant 16 : i32
        %mul3A_278 = arith.muli %while3A_206, %mul3A_277 : i32
        %add3A_279 = arith.constant 2 : i32
        %add3A_280 = arith.addi %mul3A_278, %add3A_279 : i32
        %lt3A_281 = arith.cmpi slt, %add3A_280, %while3A_137 : i32
        %shift_right_logical3A_282 = arith.constant 23 : i32
        %shift_right_logical3A_283 = arith.shrui %squeeze3A_276, %shift_right_logical3A_282 : i32
        %min3A_284 = arith.constant 244 : i32
        %min3A_285 = arith.minsi %shift_right_logical3A_283, %min3A_284 : i32
        %get3A_286 = arith.index_cast %min3A_285 : i32 to index
        %get3A_287 = memref.load %arg13[%get3A_286] : memref<492xi32, #tpu.memory_space<smem>>
        %ge3A_288 = arith.constant 32 : i32
        %ge3A_289 = arith.cmpi sge, %get3A_287, %ge3A_288 : i32
        %shift_right_logical3A_290 = arith.constant 21 : i32
        %shift_right_logical3A_291 = arith.shrui %squeeze3A_276, %shift_right_logical3A_290 : i32
        %and3A_292 = arith.constant 3 : i32
        %and3A_293 = arith.andi %shift_right_logical3A_291, %and3A_292 : i32
        %not3A_294 = arith.constant true
        %not3A_295 = arith.xori %ge3A_289, %not3A_294 : i1
        %and3A_296 = arith.andi %lt3A_281, %not3A_295 : i1
        %convert_element_type3A_297 = arith.extui %and3A_296 : i1 to i32
        %cond3A_298 = arith.constant 0 : i32
        %cond3A_299 = arith.cmpi ne, %convert_element_type3A_297, %cond3A_298 : i32
        scf.if %cond3A_299 {
          %add3A_751 = arith.constant 1 : i32
          %add3A_752 = arith.addi %get3A_287, %add3A_751 : i32
          %swap3A_753 = arith.index_cast %min3A_285 : i32 to index
          %swap3A_754 = memref.load %arg13[%swap3A_753] : memref<492xi32, #tpu.memory_space<smem>>
          memref.store %add3A_752, %arg13[%swap3A_753] : memref<492xi32, #tpu.memory_space<smem>>
          %add3A_755 = arith.constant 245 : i32
          %add3A_756 = arith.addi %add3A_755, %min3A_285 : i32
          %get3A_757 = arith.index_cast %add3A_756 : i32 to index
          %get3A_758 = memref.load %arg13[%get3A_757] : memref<492xi32, #tpu.memory_space<smem>>
          %eq3A_759 = arith.constant 0 : i32
          %eq3A_760 = arith.cmpi eq, %and3A_293, %eq3A_759 : i32
          %jit3A_761 = arith.constant 1 : i32
          %jit3A_762 = arith.constant 2 : i32
          %select_n3A_763 = arith.select %eq3A_760, %jit3A_761, %jit3A_762 : i32
          %or3A = arith.ori %get3A_758, %select_n3A_763 : i32
          %add3A_764 = arith.constant 245 : i32
          %add3A_765 = arith.addi %add3A_764, %min3A_285 : i32
          %swap3A_766 = arith.index_cast %add3A_765 : i32 to index
          %swap3A_767 = memref.load %arg13[%swap3A_766] : memref<492xi32, #tpu.memory_space<smem>>
          memref.store %or3A, %arg13[%swap3A_766] : memref<492xi32, #tpu.memory_space<smem>>
          %mul3A_768 = arith.constant 48 : i32
          %mul3A_769 = arith.muli %min3A_285, %mul3A_768 : i32
          %add3A_770 = arith.addi %mul3A_769, %get3A_287 : i32
          %broadcast_in_dim3A_771 = vector.broadcast %add3A_770 : i32 to vector<16xi32>
          %broadcast_in_dim3A_772 = vector.broadcast %squeeze3A_276 : i32 to vector<16xi32>
          tpu.vector_store_idx %arg10[%broadcast_in_dim3A_771], %broadcast_in_dim3A_772 masked %eq3A_6 : memref<11776xi32, #tpu.memory_space<vmem>>[vector<16xi32>], vector<16xi32>, vector<16xi1>
        } else {
        }
        %and3A_300 = arith.andi %lt3A_281, %ge3A_289 : i1
        %convert_element_type3A_301 = arith.extui %and3A_300 : i1 to i32
        %cond3A_302 = arith.constant 0 : i32
        %cond3A_303 = arith.cmpi ne, %convert_element_type3A_301, %cond3A_302 : i32
        scf.if %cond3A_303 {
          %broadcast_in_dim3A_751 = vector.broadcast %add3A_274 : i32 to vector<16xi32>
          %broadcast_in_dim3A_752 = vector.broadcast %squeeze3A_276 : i32 to vector<16xi32>
          tpu.vector_store_idx %arg9[%broadcast_in_dim3A_751], %broadcast_in_dim3A_752 masked %eq3A_6 : memref<49168xi32, #tpu.memory_space<vmem>>[vector<16xi32>], vector<16xi32>, vector<16xi1>
        } else {
        }
        %and3A_304 = arith.andi %lt3A_281, %ge3A_289 : i1
        %jit3A_305 = arith.constant 1 : i32
        %jit3A_306 = arith.constant 0 : i32
        %select_n3A_307 = arith.select %and3A_304, %jit3A_305, %jit3A_306 : i32
        %add3A_308 = arith.addi %add3A_274, %select_n3A_307 : i32
        %slice3A_309 = vector.extract_strided_slice %get3A_211 {offsets = [3], sizes = [1], strides = [1]} : vector<16xi32> to vector<1xi32>
        %squeeze3A_310 = vector.extract %slice3A_309[0] : i32 from vector<1xi32>
        %mul3A_311 = arith.constant 16 : i32
        %mul3A_312 = arith.muli %while3A_206, %mul3A_311 : i32
        %add3A_313 = arith.constant 3 : i32
        %add3A_314 = arith.addi %mul3A_312, %add3A_313 : i32
        %lt3A_315 = arith.cmpi slt, %add3A_314, %while3A_137 : i32
        %shift_right_logical3A_316 = arith.constant 23 : i32
        %shift_right_logical3A_317 = arith.shrui %squeeze3A_310, %shift_right_logical3A_316 : i32
        %min3A_318 = arith.constant 244 : i32
        %min3A_319 = arith.minsi %shift_right_logical3A_317, %min3A_318 : i32
        %get3A_320 = arith.index_cast %min3A_319 : i32 to index
        %get3A_321 = memref.load %arg13[%get3A_320] : memref<492xi32, #tpu.memory_space<smem>>
        %ge3A_322 = arith.constant 32 : i32
        %ge3A_323 = arith.cmpi sge, %get3A_321, %ge3A_322 : i32
        %shift_right_logical3A_324 = arith.constant 21 : i32
        %shift_right_logical3A_325 = arith.shrui %squeeze3A_310, %shift_right_logical3A_324 : i32
        %and3A_326 = arith.constant 3 : i32
        %and3A_327 = arith.andi %shift_right_logical3A_325, %and3A_326 : i32
        %not3A_328 = arith.constant true
        %not3A_329 = arith.xori %ge3A_323, %not3A_328 : i1
        %and3A_330 = arith.andi %lt3A_315, %not3A_329 : i1
        %convert_element_type3A_331 = arith.extui %and3A_330 : i1 to i32
        %cond3A_332 = arith.constant 0 : i32
        %cond3A_333 = arith.cmpi ne, %convert_element_type3A_331, %cond3A_332 : i32
        scf.if %cond3A_333 {
          %add3A_751 = arith.constant 1 : i32
          %add3A_752 = arith.addi %get3A_321, %add3A_751 : i32
          %swap3A_753 = arith.index_cast %min3A_319 : i32 to index
          %swap3A_754 = memref.load %arg13[%swap3A_753] : memref<492xi32, #tpu.memory_space<smem>>
          memref.store %add3A_752, %arg13[%swap3A_753] : memref<492xi32, #tpu.memory_space<smem>>
          %add3A_755 = arith.constant 245 : i32
          %add3A_756 = arith.addi %add3A_755, %min3A_319 : i32
          %get3A_757 = arith.index_cast %add3A_756 : i32 to index
          %get3A_758 = memref.load %arg13[%get3A_757] : memref<492xi32, #tpu.memory_space<smem>>
          %eq3A_759 = arith.constant 0 : i32
          %eq3A_760 = arith.cmpi eq, %and3A_327, %eq3A_759 : i32
          %jit3A_761 = arith.constant 1 : i32
          %jit3A_762 = arith.constant 2 : i32
          %select_n3A_763 = arith.select %eq3A_760, %jit3A_761, %jit3A_762 : i32
          %or3A = arith.ori %get3A_758, %select_n3A_763 : i32
          %add3A_764 = arith.constant 245 : i32
          %add3A_765 = arith.addi %add3A_764, %min3A_319 : i32
          %swap3A_766 = arith.index_cast %add3A_765 : i32 to index
          %swap3A_767 = memref.load %arg13[%swap3A_766] : memref<492xi32, #tpu.memory_space<smem>>
          memref.store %or3A, %arg13[%swap3A_766] : memref<492xi32, #tpu.memory_space<smem>>
          %mul3A_768 = arith.constant 48 : i32
          %mul3A_769 = arith.muli %min3A_319, %mul3A_768 : i32
          %add3A_770 = arith.addi %mul3A_769, %get3A_321 : i32
          %broadcast_in_dim3A_771 = vector.broadcast %add3A_770 : i32 to vector<16xi32>
          %broadcast_in_dim3A_772 = vector.broadcast %squeeze3A_310 : i32 to vector<16xi32>
          tpu.vector_store_idx %arg10[%broadcast_in_dim3A_771], %broadcast_in_dim3A_772 masked %eq3A_6 : memref<11776xi32, #tpu.memory_space<vmem>>[vector<16xi32>], vector<16xi32>, vector<16xi1>
        } else {
        }
        %and3A_334 = arith.andi %lt3A_315, %ge3A_323 : i1
        %convert_element_type3A_335 = arith.extui %and3A_334 : i1 to i32
        %cond3A_336 = arith.constant 0 : i32
        %cond3A_337 = arith.cmpi ne, %convert_element_type3A_335, %cond3A_336 : i32
        scf.if %cond3A_337 {
          %broadcast_in_dim3A_751 = vector.broadcast %add3A_308 : i32 to vector<16xi32>
          %broadcast_in_dim3A_752 = vector.broadcast %squeeze3A_310 : i32 to vector<16xi32>
          tpu.vector_store_idx %arg9[%broadcast_in_dim3A_751], %broadcast_in_dim3A_752 masked %eq3A_6 : memref<49168xi32, #tpu.memory_space<vmem>>[vector<16xi32>], vector<16xi32>, vector<16xi1>
        } else {
        }
        %and3A_338 = arith.andi %lt3A_315, %ge3A_323 : i1
        %jit3A_339 = arith.constant 1 : i32
        %jit3A_340 = arith.constant 0 : i32
        %select_n3A_341 = arith.select %and3A_338, %jit3A_339, %jit3A_340 : i32
        %add3A_342 = arith.addi %add3A_308, %select_n3A_341 : i32
        %slice3A_343 = vector.extract_strided_slice %get3A_211 {offsets = [4], sizes = [1], strides = [1]} : vector<16xi32> to vector<1xi32>
        %squeeze3A_344 = vector.extract %slice3A_343[0] : i32 from vector<1xi32>
        %mul3A_345 = arith.constant 16 : i32
        %mul3A_346 = arith.muli %while3A_206, %mul3A_345 : i32
        %add3A_347 = arith.constant 4 : i32
        %add3A_348 = arith.addi %mul3A_346, %add3A_347 : i32
        %lt3A_349 = arith.cmpi slt, %add3A_348, %while3A_137 : i32
        %shift_right_logical3A_350 = arith.constant 23 : i32
        %shift_right_logical3A_351 = arith.shrui %squeeze3A_344, %shift_right_logical3A_350 : i32
        %min3A_352 = arith.constant 244 : i32
        %min3A_353 = arith.minsi %shift_right_logical3A_351, %min3A_352 : i32
        %get3A_354 = arith.index_cast %min3A_353 : i32 to index
        %get3A_355 = memref.load %arg13[%get3A_354] : memref<492xi32, #tpu.memory_space<smem>>
        %ge3A_356 = arith.constant 32 : i32
        %ge3A_357 = arith.cmpi sge, %get3A_355, %ge3A_356 : i32
        %shift_right_logical3A_358 = arith.constant 21 : i32
        %shift_right_logical3A_359 = arith.shrui %squeeze3A_344, %shift_right_logical3A_358 : i32
        %and3A_360 = arith.constant 3 : i32
        %and3A_361 = arith.andi %shift_right_logical3A_359, %and3A_360 : i32
        %not3A_362 = arith.constant true
        %not3A_363 = arith.xori %ge3A_357, %not3A_362 : i1
        %and3A_364 = arith.andi %lt3A_349, %not3A_363 : i1
        %convert_element_type3A_365 = arith.extui %and3A_364 : i1 to i32
        %cond3A_366 = arith.constant 0 : i32
        %cond3A_367 = arith.cmpi ne, %convert_element_type3A_365, %cond3A_366 : i32
        scf.if %cond3A_367 {
          %add3A_751 = arith.constant 1 : i32
          %add3A_752 = arith.addi %get3A_355, %add3A_751 : i32
          %swap3A_753 = arith.index_cast %min3A_353 : i32 to index
          %swap3A_754 = memref.load %arg13[%swap3A_753] : memref<492xi32, #tpu.memory_space<smem>>
          memref.store %add3A_752, %arg13[%swap3A_753] : memref<492xi32, #tpu.memory_space<smem>>
          %add3A_755 = arith.constant 245 : i32
          %add3A_756 = arith.addi %add3A_755, %min3A_353 : i32
          %get3A_757 = arith.index_cast %add3A_756 : i32 to index
          %get3A_758 = memref.load %arg13[%get3A_757] : memref<492xi32, #tpu.memory_space<smem>>
          %eq3A_759 = arith.constant 0 : i32
          %eq3A_760 = arith.cmpi eq, %and3A_361, %eq3A_759 : i32
          %jit3A_761 = arith.constant 1 : i32
          %jit3A_762 = arith.constant 2 : i32
          %select_n3A_763 = arith.select %eq3A_760, %jit3A_761, %jit3A_762 : i32
          %or3A = arith.ori %get3A_758, %select_n3A_763 : i32
          %add3A_764 = arith.constant 245 : i32
          %add3A_765 = arith.addi %add3A_764, %min3A_353 : i32
          %swap3A_766 = arith.index_cast %add3A_765 : i32 to index
          %swap3A_767 = memref.load %arg13[%swap3A_766] : memref<492xi32, #tpu.memory_space<smem>>
          memref.store %or3A, %arg13[%swap3A_766] : memref<492xi32, #tpu.memory_space<smem>>
          %mul3A_768 = arith.constant 48 : i32
          %mul3A_769 = arith.muli %min3A_353, %mul3A_768 : i32
          %add3A_770 = arith.addi %mul3A_769, %get3A_355 : i32
          %broadcast_in_dim3A_771 = vector.broadcast %add3A_770 : i32 to vector<16xi32>
          %broadcast_in_dim3A_772 = vector.broadcast %squeeze3A_344 : i32 to vector<16xi32>
          tpu.vector_store_idx %arg10[%broadcast_in_dim3A_771], %broadcast_in_dim3A_772 masked %eq3A_6 : memref<11776xi32, #tpu.memory_space<vmem>>[vector<16xi32>], vector<16xi32>, vector<16xi1>
        } else {
        }
        %and3A_368 = arith.andi %lt3A_349, %ge3A_357 : i1
        %convert_element_type3A_369 = arith.extui %and3A_368 : i1 to i32
        %cond3A_370 = arith.constant 0 : i32
        %cond3A_371 = arith.cmpi ne, %convert_element_type3A_369, %cond3A_370 : i32
        scf.if %cond3A_371 {
          %broadcast_in_dim3A_751 = vector.broadcast %add3A_342 : i32 to vector<16xi32>
          %broadcast_in_dim3A_752 = vector.broadcast %squeeze3A_344 : i32 to vector<16xi32>
          tpu.vector_store_idx %arg9[%broadcast_in_dim3A_751], %broadcast_in_dim3A_752 masked %eq3A_6 : memref<49168xi32, #tpu.memory_space<vmem>>[vector<16xi32>], vector<16xi32>, vector<16xi1>
        } else {
        }
        %and3A_372 = arith.andi %lt3A_349, %ge3A_357 : i1
        %jit3A_373 = arith.constant 1 : i32
        %jit3A_374 = arith.constant 0 : i32
        %select_n3A_375 = arith.select %and3A_372, %jit3A_373, %jit3A_374 : i32
        %add3A_376 = arith.addi %add3A_342, %select_n3A_375 : i32
        %slice3A_377 = vector.extract_strided_slice %get3A_211 {offsets = [5], sizes = [1], strides = [1]} : vector<16xi32> to vector<1xi32>
        %squeeze3A_378 = vector.extract %slice3A_377[0] : i32 from vector<1xi32>
        %mul3A_379 = arith.constant 16 : i32
        %mul3A_380 = arith.muli %while3A_206, %mul3A_379 : i32
        %add3A_381 = arith.constant 5 : i32
        %add3A_382 = arith.addi %mul3A_380, %add3A_381 : i32
        %lt3A_383 = arith.cmpi slt, %add3A_382, %while3A_137 : i32
        %shift_right_logical3A_384 = arith.constant 23 : i32
        %shift_right_logical3A_385 = arith.shrui %squeeze3A_378, %shift_right_logical3A_384 : i32
        %min3A_386 = arith.constant 244 : i32
        %min3A_387 = arith.minsi %shift_right_logical3A_385, %min3A_386 : i32
        %get3A_388 = arith.index_cast %min3A_387 : i32 to index
        %get3A_389 = memref.load %arg13[%get3A_388] : memref<492xi32, #tpu.memory_space<smem>>
        %ge3A_390 = arith.constant 32 : i32
        %ge3A_391 = arith.cmpi sge, %get3A_389, %ge3A_390 : i32
        %shift_right_logical3A_392 = arith.constant 21 : i32
        %shift_right_logical3A_393 = arith.shrui %squeeze3A_378, %shift_right_logical3A_392 : i32
        %and3A_394 = arith.constant 3 : i32
        %and3A_395 = arith.andi %shift_right_logical3A_393, %and3A_394 : i32
        %not3A_396 = arith.constant true
        %not3A_397 = arith.xori %ge3A_391, %not3A_396 : i1
        %and3A_398 = arith.andi %lt3A_383, %not3A_397 : i1
        %convert_element_type3A_399 = arith.extui %and3A_398 : i1 to i32
        %cond3A_400 = arith.constant 0 : i32
        %cond3A_401 = arith.cmpi ne, %convert_element_type3A_399, %cond3A_400 : i32
        scf.if %cond3A_401 {
          %add3A_751 = arith.constant 1 : i32
          %add3A_752 = arith.addi %get3A_389, %add3A_751 : i32
          %swap3A_753 = arith.index_cast %min3A_387 : i32 to index
          %swap3A_754 = memref.load %arg13[%swap3A_753] : memref<492xi32, #tpu.memory_space<smem>>
          memref.store %add3A_752, %arg13[%swap3A_753] : memref<492xi32, #tpu.memory_space<smem>>
          %add3A_755 = arith.constant 245 : i32
          %add3A_756 = arith.addi %add3A_755, %min3A_387 : i32
          %get3A_757 = arith.index_cast %add3A_756 : i32 to index
          %get3A_758 = memref.load %arg13[%get3A_757] : memref<492xi32, #tpu.memory_space<smem>>
          %eq3A_759 = arith.constant 0 : i32
          %eq3A_760 = arith.cmpi eq, %and3A_395, %eq3A_759 : i32
          %jit3A_761 = arith.constant 1 : i32
          %jit3A_762 = arith.constant 2 : i32
          %select_n3A_763 = arith.select %eq3A_760, %jit3A_761, %jit3A_762 : i32
          %or3A = arith.ori %get3A_758, %select_n3A_763 : i32
          %add3A_764 = arith.constant 245 : i32
          %add3A_765 = arith.addi %add3A_764, %min3A_387 : i32
          %swap3A_766 = arith.index_cast %add3A_765 : i32 to index
          %swap3A_767 = memref.load %arg13[%swap3A_766] : memref<492xi32, #tpu.memory_space<smem>>
          memref.store %or3A, %arg13[%swap3A_766] : memref<492xi32, #tpu.memory_space<smem>>
          %mul3A_768 = arith.constant 48 : i32
          %mul3A_769 = arith.muli %min3A_387, %mul3A_768 : i32
          %add3A_770 = arith.addi %mul3A_769, %get3A_389 : i32
          %broadcast_in_dim3A_771 = vector.broadcast %add3A_770 : i32 to vector<16xi32>
          %broadcast_in_dim3A_772 = vector.broadcast %squeeze3A_378 : i32 to vector<16xi32>
          tpu.vector_store_idx %arg10[%broadcast_in_dim3A_771], %broadcast_in_dim3A_772 masked %eq3A_6 : memref<11776xi32, #tpu.memory_space<vmem>>[vector<16xi32>], vector<16xi32>, vector<16xi1>
        } else {
        }
        %and3A_402 = arith.andi %lt3A_383, %ge3A_391 : i1
        %convert_element_type3A_403 = arith.extui %and3A_402 : i1 to i32
        %cond3A_404 = arith.constant 0 : i32
        %cond3A_405 = arith.cmpi ne, %convert_element_type3A_403, %cond3A_404 : i32
        scf.if %cond3A_405 {
          %broadcast_in_dim3A_751 = vector.broadcast %add3A_376 : i32 to vector<16xi32>
          %broadcast_in_dim3A_752 = vector.broadcast %squeeze3A_378 : i32 to vector<16xi32>
          tpu.vector_store_idx %arg9[%broadcast_in_dim3A_751], %broadcast_in_dim3A_752 masked %eq3A_6 : memref<49168xi32, #tpu.memory_space<vmem>>[vector<16xi32>], vector<16xi32>, vector<16xi1>
        } else {
        }
        %and3A_406 = arith.andi %lt3A_383, %ge3A_391 : i1
        %jit3A_407 = arith.constant 1 : i32
        %jit3A_408 = arith.constant 0 : i32
        %select_n3A_409 = arith.select %and3A_406, %jit3A_407, %jit3A_408 : i32
        %add3A_410 = arith.addi %add3A_376, %select_n3A_409 : i32
        %slice3A_411 = vector.extract_strided_slice %get3A_211 {offsets = [6], sizes = [1], strides = [1]} : vector<16xi32> to vector<1xi32>
        %squeeze3A_412 = vector.extract %slice3A_411[0] : i32 from vector<1xi32>
        %mul3A_413 = arith.constant 16 : i32
        %mul3A_414 = arith.muli %while3A_206, %mul3A_413 : i32
        %add3A_415 = arith.constant 6 : i32
        %add3A_416 = arith.addi %mul3A_414, %add3A_415 : i32
        %lt3A_417 = arith.cmpi slt, %add3A_416, %while3A_137 : i32
        %shift_right_logical3A_418 = arith.constant 23 : i32
        %shift_right_logical3A_419 = arith.shrui %squeeze3A_412, %shift_right_logical3A_418 : i32
        %min3A_420 = arith.constant 244 : i32
        %min3A_421 = arith.minsi %shift_right_logical3A_419, %min3A_420 : i32
        %get3A_422 = arith.index_cast %min3A_421 : i32 to index
        %get3A_423 = memref.load %arg13[%get3A_422] : memref<492xi32, #tpu.memory_space<smem>>
        %ge3A_424 = arith.constant 32 : i32
        %ge3A_425 = arith.cmpi sge, %get3A_423, %ge3A_424 : i32
        %shift_right_logical3A_426 = arith.constant 21 : i32
        %shift_right_logical3A_427 = arith.shrui %squeeze3A_412, %shift_right_logical3A_426 : i32
        %and3A_428 = arith.constant 3 : i32
        %and3A_429 = arith.andi %shift_right_logical3A_427, %and3A_428 : i32
        %not3A_430 = arith.constant true
        %not3A_431 = arith.xori %ge3A_425, %not3A_430 : i1
        %and3A_432 = arith.andi %lt3A_417, %not3A_431 : i1
        %convert_element_type3A_433 = arith.extui %and3A_432 : i1 to i32
        %cond3A_434 = arith.constant 0 : i32
        %cond3A_435 = arith.cmpi ne, %convert_element_type3A_433, %cond3A_434 : i32
        scf.if %cond3A_435 {
          %add3A_751 = arith.constant 1 : i32
          %add3A_752 = arith.addi %get3A_423, %add3A_751 : i32
          %swap3A_753 = arith.index_cast %min3A_421 : i32 to index
          %swap3A_754 = memref.load %arg13[%swap3A_753] : memref<492xi32, #tpu.memory_space<smem>>
          memref.store %add3A_752, %arg13[%swap3A_753] : memref<492xi32, #tpu.memory_space<smem>>
          %add3A_755 = arith.constant 245 : i32
          %add3A_756 = arith.addi %add3A_755, %min3A_421 : i32
          %get3A_757 = arith.index_cast %add3A_756 : i32 to index
          %get3A_758 = memref.load %arg13[%get3A_757] : memref<492xi32, #tpu.memory_space<smem>>
          %eq3A_759 = arith.constant 0 : i32
          %eq3A_760 = arith.cmpi eq, %and3A_429, %eq3A_759 : i32
          %jit3A_761 = arith.constant 1 : i32
          %jit3A_762 = arith.constant 2 : i32
          %select_n3A_763 = arith.select %eq3A_760, %jit3A_761, %jit3A_762 : i32
          %or3A = arith.ori %get3A_758, %select_n3A_763 : i32
          %add3A_764 = arith.constant 245 : i32
          %add3A_765 = arith.addi %add3A_764, %min3A_421 : i32
          %swap3A_766 = arith.index_cast %add3A_765 : i32 to index
          %swap3A_767 = memref.load %arg13[%swap3A_766] : memref<492xi32, #tpu.memory_space<smem>>
          memref.store %or3A, %arg13[%swap3A_766] : memref<492xi32, #tpu.memory_space<smem>>
          %mul3A_768 = arith.constant 48 : i32
          %mul3A_769 = arith.muli %min3A_421, %mul3A_768 : i32
          %add3A_770 = arith.addi %mul3A_769, %get3A_423 : i32
          %broadcast_in_dim3A_771 = vector.broadcast %add3A_770 : i32 to vector<16xi32>
          %broadcast_in_dim3A_772 = vector.broadcast %squeeze3A_412 : i32 to vector<16xi32>
          tpu.vector_store_idx %arg10[%broadcast_in_dim3A_771], %broadcast_in_dim3A_772 masked %eq3A_6 : memref<11776xi32, #tpu.memory_space<vmem>>[vector<16xi32>], vector<16xi32>, vector<16xi1>
        } else {
        }
        %and3A_436 = arith.andi %lt3A_417, %ge3A_425 : i1
        %convert_element_type3A_437 = arith.extui %and3A_436 : i1 to i32
        %cond3A_438 = arith.constant 0 : i32
        %cond3A_439 = arith.cmpi ne, %convert_element_type3A_437, %cond3A_438 : i32
        scf.if %cond3A_439 {
          %broadcast_in_dim3A_751 = vector.broadcast %add3A_410 : i32 to vector<16xi32>
          %broadcast_in_dim3A_752 = vector.broadcast %squeeze3A_412 : i32 to vector<16xi32>
          tpu.vector_store_idx %arg9[%broadcast_in_dim3A_751], %broadcast_in_dim3A_752 masked %eq3A_6 : memref<49168xi32, #tpu.memory_space<vmem>>[vector<16xi32>], vector<16xi32>, vector<16xi1>
        } else {
        }
        %and3A_440 = arith.andi %lt3A_417, %ge3A_425 : i1
        %jit3A_441 = arith.constant 1 : i32
        %jit3A_442 = arith.constant 0 : i32
        %select_n3A_443 = arith.select %and3A_440, %jit3A_441, %jit3A_442 : i32
        %add3A_444 = arith.addi %add3A_410, %select_n3A_443 : i32
        %slice3A_445 = vector.extract_strided_slice %get3A_211 {offsets = [7], sizes = [1], strides = [1]} : vector<16xi32> to vector<1xi32>
        %squeeze3A_446 = vector.extract %slice3A_445[0] : i32 from vector<1xi32>
        %mul3A_447 = arith.constant 16 : i32
        %mul3A_448 = arith.muli %while3A_206, %mul3A_447 : i32
        %add3A_449 = arith.constant 7 : i32
        %add3A_450 = arith.addi %mul3A_448, %add3A_449 : i32
        %lt3A_451 = arith.cmpi slt, %add3A_450, %while3A_137 : i32
        %shift_right_logical3A_452 = arith.constant 23 : i32
        %shift_right_logical3A_453 = arith.shrui %squeeze3A_446, %shift_right_logical3A_452 : i32
        %min3A_454 = arith.constant 244 : i32
        %min3A_455 = arith.minsi %shift_right_logical3A_453, %min3A_454 : i32
        %get3A_456 = arith.index_cast %min3A_455 : i32 to index
        %get3A_457 = memref.load %arg13[%get3A_456] : memref<492xi32, #tpu.memory_space<smem>>
        %ge3A_458 = arith.constant 32 : i32
        %ge3A_459 = arith.cmpi sge, %get3A_457, %ge3A_458 : i32
        %shift_right_logical3A_460 = arith.constant 21 : i32
        %shift_right_logical3A_461 = arith.shrui %squeeze3A_446, %shift_right_logical3A_460 : i32
        %and3A_462 = arith.constant 3 : i32
        %and3A_463 = arith.andi %shift_right_logical3A_461, %and3A_462 : i32
        %not3A_464 = arith.constant true
        %not3A_465 = arith.xori %ge3A_459, %not3A_464 : i1
        %and3A_466 = arith.andi %lt3A_451, %not3A_465 : i1
        %convert_element_type3A_467 = arith.extui %and3A_466 : i1 to i32
        %cond3A_468 = arith.constant 0 : i32
        %cond3A_469 = arith.cmpi ne, %convert_element_type3A_467, %cond3A_468 : i32
        scf.if %cond3A_469 {
          %add3A_751 = arith.constant 1 : i32
          %add3A_752 = arith.addi %get3A_457, %add3A_751 : i32
          %swap3A_753 = arith.index_cast %min3A_455 : i32 to index
          %swap3A_754 = memref.load %arg13[%swap3A_753] : memref<492xi32, #tpu.memory_space<smem>>
          memref.store %add3A_752, %arg13[%swap3A_753] : memref<492xi32, #tpu.memory_space<smem>>
          %add3A_755 = arith.constant 245 : i32
          %add3A_756 = arith.addi %add3A_755, %min3A_455 : i32
          %get3A_757 = arith.index_cast %add3A_756 : i32 to index
          %get3A_758 = memref.load %arg13[%get3A_757] : memref<492xi32, #tpu.memory_space<smem>>
          %eq3A_759 = arith.constant 0 : i32
          %eq3A_760 = arith.cmpi eq, %and3A_463, %eq3A_759 : i32
          %jit3A_761 = arith.constant 1 : i32
          %jit3A_762 = arith.constant 2 : i32
          %select_n3A_763 = arith.select %eq3A_760, %jit3A_761, %jit3A_762 : i32
          %or3A = arith.ori %get3A_758, %select_n3A_763 : i32
          %add3A_764 = arith.constant 245 : i32
          %add3A_765 = arith.addi %add3A_764, %min3A_455 : i32
          %swap3A_766 = arith.index_cast %add3A_765 : i32 to index
          %swap3A_767 = memref.load %arg13[%swap3A_766] : memref<492xi32, #tpu.memory_space<smem>>
          memref.store %or3A, %arg13[%swap3A_766] : memref<492xi32, #tpu.memory_space<smem>>
          %mul3A_768 = arith.constant 48 : i32
          %mul3A_769 = arith.muli %min3A_455, %mul3A_768 : i32
          %add3A_770 = arith.addi %mul3A_769, %get3A_457 : i32
          %broadcast_in_dim3A_771 = vector.broadcast %add3A_770 : i32 to vector<16xi32>
          %broadcast_in_dim3A_772 = vector.broadcast %squeeze3A_446 : i32 to vector<16xi32>
          tpu.vector_store_idx %arg10[%broadcast_in_dim3A_771], %broadcast_in_dim3A_772 masked %eq3A_6 : memref<11776xi32, #tpu.memory_space<vmem>>[vector<16xi32>], vector<16xi32>, vector<16xi1>
        } else {
        }
        %and3A_470 = arith.andi %lt3A_451, %ge3A_459 : i1
        %convert_element_type3A_471 = arith.extui %and3A_470 : i1 to i32
        %cond3A_472 = arith.constant 0 : i32
        %cond3A_473 = arith.cmpi ne, %convert_element_type3A_471, %cond3A_472 : i32
        scf.if %cond3A_473 {
          %broadcast_in_dim3A_751 = vector.broadcast %add3A_444 : i32 to vector<16xi32>
          %broadcast_in_dim3A_752 = vector.broadcast %squeeze3A_446 : i32 to vector<16xi32>
          tpu.vector_store_idx %arg9[%broadcast_in_dim3A_751], %broadcast_in_dim3A_752 masked %eq3A_6 : memref<49168xi32, #tpu.memory_space<vmem>>[vector<16xi32>], vector<16xi32>, vector<16xi1>
        } else {
        }
        %and3A_474 = arith.andi %lt3A_451, %ge3A_459 : i1
        %jit3A_475 = arith.constant 1 : i32
        %jit3A_476 = arith.constant 0 : i32
        %select_n3A_477 = arith.select %and3A_474, %jit3A_475, %jit3A_476 : i32
        %add3A_478 = arith.addi %add3A_444, %select_n3A_477 : i32
        %slice3A_479 = vector.extract_strided_slice %get3A_211 {offsets = [8], sizes = [1], strides = [1]} : vector<16xi32> to vector<1xi32>
        %squeeze3A_480 = vector.extract %slice3A_479[0] : i32 from vector<1xi32>
        %mul3A_481 = arith.constant 16 : i32
        %mul3A_482 = arith.muli %while3A_206, %mul3A_481 : i32
        %add3A_483 = arith.constant 8 : i32
        %add3A_484 = arith.addi %mul3A_482, %add3A_483 : i32
        %lt3A_485 = arith.cmpi slt, %add3A_484, %while3A_137 : i32
        %shift_right_logical3A_486 = arith.constant 23 : i32
        %shift_right_logical3A_487 = arith.shrui %squeeze3A_480, %shift_right_logical3A_486 : i32
        %min3A_488 = arith.constant 244 : i32
        %min3A_489 = arith.minsi %shift_right_logical3A_487, %min3A_488 : i32
        %get3A_490 = arith.index_cast %min3A_489 : i32 to index
        %get3A_491 = memref.load %arg13[%get3A_490] : memref<492xi32, #tpu.memory_space<smem>>
        %ge3A_492 = arith.constant 32 : i32
        %ge3A_493 = arith.cmpi sge, %get3A_491, %ge3A_492 : i32
        %shift_right_logical3A_494 = arith.constant 21 : i32
        %shift_right_logical3A_495 = arith.shrui %squeeze3A_480, %shift_right_logical3A_494 : i32
        %and3A_496 = arith.constant 3 : i32
        %and3A_497 = arith.andi %shift_right_logical3A_495, %and3A_496 : i32
        %not3A_498 = arith.constant true
        %not3A_499 = arith.xori %ge3A_493, %not3A_498 : i1
        %and3A_500 = arith.andi %lt3A_485, %not3A_499 : i1
        %convert_element_type3A_501 = arith.extui %and3A_500 : i1 to i32
        %cond3A_502 = arith.constant 0 : i32
        %cond3A_503 = arith.cmpi ne, %convert_element_type3A_501, %cond3A_502 : i32
        scf.if %cond3A_503 {
          %add3A_751 = arith.constant 1 : i32
          %add3A_752 = arith.addi %get3A_491, %add3A_751 : i32
          %swap3A_753 = arith.index_cast %min3A_489 : i32 to index
          %swap3A_754 = memref.load %arg13[%swap3A_753] : memref<492xi32, #tpu.memory_space<smem>>
          memref.store %add3A_752, %arg13[%swap3A_753] : memref<492xi32, #tpu.memory_space<smem>>
          %add3A_755 = arith.constant 245 : i32
          %add3A_756 = arith.addi %add3A_755, %min3A_489 : i32
          %get3A_757 = arith.index_cast %add3A_756 : i32 to index
          %get3A_758 = memref.load %arg13[%get3A_757] : memref<492xi32, #tpu.memory_space<smem>>
          %eq3A_759 = arith.constant 0 : i32
          %eq3A_760 = arith.cmpi eq, %and3A_497, %eq3A_759 : i32
          %jit3A_761 = arith.constant 1 : i32
          %jit3A_762 = arith.constant 2 : i32
          %select_n3A_763 = arith.select %eq3A_760, %jit3A_761, %jit3A_762 : i32
          %or3A = arith.ori %get3A_758, %select_n3A_763 : i32
          %add3A_764 = arith.constant 245 : i32
          %add3A_765 = arith.addi %add3A_764, %min3A_489 : i32
          %swap3A_766 = arith.index_cast %add3A_765 : i32 to index
          %swap3A_767 = memref.load %arg13[%swap3A_766] : memref<492xi32, #tpu.memory_space<smem>>
          memref.store %or3A, %arg13[%swap3A_766] : memref<492xi32, #tpu.memory_space<smem>>
          %mul3A_768 = arith.constant 48 : i32
          %mul3A_769 = arith.muli %min3A_489, %mul3A_768 : i32
          %add3A_770 = arith.addi %mul3A_769, %get3A_491 : i32
          %broadcast_in_dim3A_771 = vector.broadcast %add3A_770 : i32 to vector<16xi32>
          %broadcast_in_dim3A_772 = vector.broadcast %squeeze3A_480 : i32 to vector<16xi32>
          tpu.vector_store_idx %arg10[%broadcast_in_dim3A_771], %broadcast_in_dim3A_772 masked %eq3A_6 : memref<11776xi32, #tpu.memory_space<vmem>>[vector<16xi32>], vector<16xi32>, vector<16xi1>
        } else {
        }
        %and3A_504 = arith.andi %lt3A_485, %ge3A_493 : i1
        %convert_element_type3A_505 = arith.extui %and3A_504 : i1 to i32
        %cond3A_506 = arith.constant 0 : i32
        %cond3A_507 = arith.cmpi ne, %convert_element_type3A_505, %cond3A_506 : i32
        scf.if %cond3A_507 {
          %broadcast_in_dim3A_751 = vector.broadcast %add3A_478 : i32 to vector<16xi32>
          %broadcast_in_dim3A_752 = vector.broadcast %squeeze3A_480 : i32 to vector<16xi32>
          tpu.vector_store_idx %arg9[%broadcast_in_dim3A_751], %broadcast_in_dim3A_752 masked %eq3A_6 : memref<49168xi32, #tpu.memory_space<vmem>>[vector<16xi32>], vector<16xi32>, vector<16xi1>
        } else {
        }
        %and3A_508 = arith.andi %lt3A_485, %ge3A_493 : i1
        %jit3A_509 = arith.constant 1 : i32
        %jit3A_510 = arith.constant 0 : i32
        %select_n3A_511 = arith.select %and3A_508, %jit3A_509, %jit3A_510 : i32
        %add3A_512 = arith.addi %add3A_478, %select_n3A_511 : i32
        %slice3A_513 = vector.extract_strided_slice %get3A_211 {offsets = [9], sizes = [1], strides = [1]} : vector<16xi32> to vector<1xi32>
        %squeeze3A_514 = vector.extract %slice3A_513[0] : i32 from vector<1xi32>
        %mul3A_515 = arith.constant 16 : i32
        %mul3A_516 = arith.muli %while3A_206, %mul3A_515 : i32
        %add3A_517 = arith.constant 9 : i32
        %add3A_518 = arith.addi %mul3A_516, %add3A_517 : i32
        %lt3A_519 = arith.cmpi slt, %add3A_518, %while3A_137 : i32
        %shift_right_logical3A_520 = arith.constant 23 : i32
        %shift_right_logical3A_521 = arith.shrui %squeeze3A_514, %shift_right_logical3A_520 : i32
        %min3A_522 = arith.constant 244 : i32
        %min3A_523 = arith.minsi %shift_right_logical3A_521, %min3A_522 : i32
        %get3A_524 = arith.index_cast %min3A_523 : i32 to index
        %get3A_525 = memref.load %arg13[%get3A_524] : memref<492xi32, #tpu.memory_space<smem>>
        %ge3A_526 = arith.constant 32 : i32
        %ge3A_527 = arith.cmpi sge, %get3A_525, %ge3A_526 : i32
        %shift_right_logical3A_528 = arith.constant 21 : i32
        %shift_right_logical3A_529 = arith.shrui %squeeze3A_514, %shift_right_logical3A_528 : i32
        %and3A_530 = arith.constant 3 : i32
        %and3A_531 = arith.andi %shift_right_logical3A_529, %and3A_530 : i32
        %not3A_532 = arith.constant true
        %not3A_533 = arith.xori %ge3A_527, %not3A_532 : i1
        %and3A_534 = arith.andi %lt3A_519, %not3A_533 : i1
        %convert_element_type3A_535 = arith.extui %and3A_534 : i1 to i32
        %cond3A_536 = arith.constant 0 : i32
        %cond3A_537 = arith.cmpi ne, %convert_element_type3A_535, %cond3A_536 : i32
        scf.if %cond3A_537 {
          %add3A_751 = arith.constant 1 : i32
          %add3A_752 = arith.addi %get3A_525, %add3A_751 : i32
          %swap3A_753 = arith.index_cast %min3A_523 : i32 to index
          %swap3A_754 = memref.load %arg13[%swap3A_753] : memref<492xi32, #tpu.memory_space<smem>>
          memref.store %add3A_752, %arg13[%swap3A_753] : memref<492xi32, #tpu.memory_space<smem>>
          %add3A_755 = arith.constant 245 : i32
          %add3A_756 = arith.addi %add3A_755, %min3A_523 : i32
          %get3A_757 = arith.index_cast %add3A_756 : i32 to index
          %get3A_758 = memref.load %arg13[%get3A_757] : memref<492xi32, #tpu.memory_space<smem>>
          %eq3A_759 = arith.constant 0 : i32
          %eq3A_760 = arith.cmpi eq, %and3A_531, %eq3A_759 : i32
          %jit3A_761 = arith.constant 1 : i32
          %jit3A_762 = arith.constant 2 : i32
          %select_n3A_763 = arith.select %eq3A_760, %jit3A_761, %jit3A_762 : i32
          %or3A = arith.ori %get3A_758, %select_n3A_763 : i32
          %add3A_764 = arith.constant 245 : i32
          %add3A_765 = arith.addi %add3A_764, %min3A_523 : i32
          %swap3A_766 = arith.index_cast %add3A_765 : i32 to index
          %swap3A_767 = memref.load %arg13[%swap3A_766] : memref<492xi32, #tpu.memory_space<smem>>
          memref.store %or3A, %arg13[%swap3A_766] : memref<492xi32, #tpu.memory_space<smem>>
          %mul3A_768 = arith.constant 48 : i32
          %mul3A_769 = arith.muli %min3A_523, %mul3A_768 : i32
          %add3A_770 = arith.addi %mul3A_769, %get3A_525 : i32
          %broadcast_in_dim3A_771 = vector.broadcast %add3A_770 : i32 to vector<16xi32>
          %broadcast_in_dim3A_772 = vector.broadcast %squeeze3A_514 : i32 to vector<16xi32>
          tpu.vector_store_idx %arg10[%broadcast_in_dim3A_771], %broadcast_in_dim3A_772 masked %eq3A_6 : memref<11776xi32, #tpu.memory_space<vmem>>[vector<16xi32>], vector<16xi32>, vector<16xi1>
        } else {
        }
        %and3A_538 = arith.andi %lt3A_519, %ge3A_527 : i1
        %convert_element_type3A_539 = arith.extui %and3A_538 : i1 to i32
        %cond3A_540 = arith.constant 0 : i32
        %cond3A_541 = arith.cmpi ne, %convert_element_type3A_539, %cond3A_540 : i32
        scf.if %cond3A_541 {
          %broadcast_in_dim3A_751 = vector.broadcast %add3A_512 : i32 to vector<16xi32>
          %broadcast_in_dim3A_752 = vector.broadcast %squeeze3A_514 : i32 to vector<16xi32>
          tpu.vector_store_idx %arg9[%broadcast_in_dim3A_751], %broadcast_in_dim3A_752 masked %eq3A_6 : memref<49168xi32, #tpu.memory_space<vmem>>[vector<16xi32>], vector<16xi32>, vector<16xi1>
        } else {
        }
        %and3A_542 = arith.andi %lt3A_519, %ge3A_527 : i1
        %jit3A_543 = arith.constant 1 : i32
        %jit3A_544 = arith.constant 0 : i32
        %select_n3A_545 = arith.select %and3A_542, %jit3A_543, %jit3A_544 : i32
        %add3A_546 = arith.addi %add3A_512, %select_n3A_545 : i32
        %slice3A_547 = vector.extract_strided_slice %get3A_211 {offsets = [10], sizes = [1], strides = [1]} : vector<16xi32> to vector<1xi32>
        %squeeze3A_548 = vector.extract %slice3A_547[0] : i32 from vector<1xi32>
        %mul3A_549 = arith.constant 16 : i32
        %mul3A_550 = arith.muli %while3A_206, %mul3A_549 : i32
        %add3A_551 = arith.constant 10 : i32
        %add3A_552 = arith.addi %mul3A_550, %add3A_551 : i32
        %lt3A_553 = arith.cmpi slt, %add3A_552, %while3A_137 : i32
        %shift_right_logical3A_554 = arith.constant 23 : i32
        %shift_right_logical3A_555 = arith.shrui %squeeze3A_548, %shift_right_logical3A_554 : i32
        %min3A_556 = arith.constant 244 : i32
        %min3A_557 = arith.minsi %shift_right_logical3A_555, %min3A_556 : i32
        %get3A_558 = arith.index_cast %min3A_557 : i32 to index
        %get3A_559 = memref.load %arg13[%get3A_558] : memref<492xi32, #tpu.memory_space<smem>>
        %ge3A_560 = arith.constant 32 : i32
        %ge3A_561 = arith.cmpi sge, %get3A_559, %ge3A_560 : i32
        %shift_right_logical3A_562 = arith.constant 21 : i32
        %shift_right_logical3A_563 = arith.shrui %squeeze3A_548, %shift_right_logical3A_562 : i32
        %and3A_564 = arith.constant 3 : i32
        %and3A_565 = arith.andi %shift_right_logical3A_563, %and3A_564 : i32
        %not3A_566 = arith.constant true
        %not3A_567 = arith.xori %ge3A_561, %not3A_566 : i1
        %and3A_568 = arith.andi %lt3A_553, %not3A_567 : i1
        %convert_element_type3A_569 = arith.extui %and3A_568 : i1 to i32
        %cond3A_570 = arith.constant 0 : i32
        %cond3A_571 = arith.cmpi ne, %convert_element_type3A_569, %cond3A_570 : i32
        scf.if %cond3A_571 {
          %add3A_751 = arith.constant 1 : i32
          %add3A_752 = arith.addi %get3A_559, %add3A_751 : i32
          %swap3A_753 = arith.index_cast %min3A_557 : i32 to index
          %swap3A_754 = memref.load %arg13[%swap3A_753] : memref<492xi32, #tpu.memory_space<smem>>
          memref.store %add3A_752, %arg13[%swap3A_753] : memref<492xi32, #tpu.memory_space<smem>>
          %add3A_755 = arith.constant 245 : i32
          %add3A_756 = arith.addi %add3A_755, %min3A_557 : i32
          %get3A_757 = arith.index_cast %add3A_756 : i32 to index
          %get3A_758 = memref.load %arg13[%get3A_757] : memref<492xi32, #tpu.memory_space<smem>>
          %eq3A_759 = arith.constant 0 : i32
          %eq3A_760 = arith.cmpi eq, %and3A_565, %eq3A_759 : i32
          %jit3A_761 = arith.constant 1 : i32
          %jit3A_762 = arith.constant 2 : i32
          %select_n3A_763 = arith.select %eq3A_760, %jit3A_761, %jit3A_762 : i32
          %or3A = arith.ori %get3A_758, %select_n3A_763 : i32
          %add3A_764 = arith.constant 245 : i32
          %add3A_765 = arith.addi %add3A_764, %min3A_557 : i32
          %swap3A_766 = arith.index_cast %add3A_765 : i32 to index
          %swap3A_767 = memref.load %arg13[%swap3A_766] : memref<492xi32, #tpu.memory_space<smem>>
          memref.store %or3A, %arg13[%swap3A_766] : memref<492xi32, #tpu.memory_space<smem>>
          %mul3A_768 = arith.constant 48 : i32
          %mul3A_769 = arith.muli %min3A_557, %mul3A_768 : i32
          %add3A_770 = arith.addi %mul3A_769, %get3A_559 : i32
          %broadcast_in_dim3A_771 = vector.broadcast %add3A_770 : i32 to vector<16xi32>
          %broadcast_in_dim3A_772 = vector.broadcast %squeeze3A_548 : i32 to vector<16xi32>
          tpu.vector_store_idx %arg10[%broadcast_in_dim3A_771], %broadcast_in_dim3A_772 masked %eq3A_6 : memref<11776xi32, #tpu.memory_space<vmem>>[vector<16xi32>], vector<16xi32>, vector<16xi1>
        } else {
        }
        %and3A_572 = arith.andi %lt3A_553, %ge3A_561 : i1
        %convert_element_type3A_573 = arith.extui %and3A_572 : i1 to i32
        %cond3A_574 = arith.constant 0 : i32
        %cond3A_575 = arith.cmpi ne, %convert_element_type3A_573, %cond3A_574 : i32
        scf.if %cond3A_575 {
          %broadcast_in_dim3A_751 = vector.broadcast %add3A_546 : i32 to vector<16xi32>
          %broadcast_in_dim3A_752 = vector.broadcast %squeeze3A_548 : i32 to vector<16xi32>
          tpu.vector_store_idx %arg9[%broadcast_in_dim3A_751], %broadcast_in_dim3A_752 masked %eq3A_6 : memref<49168xi32, #tpu.memory_space<vmem>>[vector<16xi32>], vector<16xi32>, vector<16xi1>
        } else {
        }
        %and3A_576 = arith.andi %lt3A_553, %ge3A_561 : i1
        %jit3A_577 = arith.constant 1 : i32
        %jit3A_578 = arith.constant 0 : i32
        %select_n3A_579 = arith.select %and3A_576, %jit3A_577, %jit3A_578 : i32
        %add3A_580 = arith.addi %add3A_546, %select_n3A_579 : i32
        %slice3A_581 = vector.extract_strided_slice %get3A_211 {offsets = [11], sizes = [1], strides = [1]} : vector<16xi32> to vector<1xi32>
        %squeeze3A_582 = vector.extract %slice3A_581[0] : i32 from vector<1xi32>
        %mul3A_583 = arith.constant 16 : i32
        %mul3A_584 = arith.muli %while3A_206, %mul3A_583 : i32
        %add3A_585 = arith.constant 11 : i32
        %add3A_586 = arith.addi %mul3A_584, %add3A_585 : i32
        %lt3A_587 = arith.cmpi slt, %add3A_586, %while3A_137 : i32
        %shift_right_logical3A_588 = arith.constant 23 : i32
        %shift_right_logical3A_589 = arith.shrui %squeeze3A_582, %shift_right_logical3A_588 : i32
        %min3A_590 = arith.constant 244 : i32
        %min3A_591 = arith.minsi %shift_right_logical3A_589, %min3A_590 : i32
        %get3A_592 = arith.index_cast %min3A_591 : i32 to index
        %get3A_593 = memref.load %arg13[%get3A_592] : memref<492xi32, #tpu.memory_space<smem>>
        %ge3A_594 = arith.constant 32 : i32
        %ge3A_595 = arith.cmpi sge, %get3A_593, %ge3A_594 : i32
        %shift_right_logical3A_596 = arith.constant 21 : i32
        %shift_right_logical3A_597 = arith.shrui %squeeze3A_582, %shift_right_logical3A_596 : i32
        %and3A_598 = arith.constant 3 : i32
        %and3A_599 = arith.andi %shift_right_logical3A_597, %and3A_598 : i32
        %not3A_600 = arith.constant true
        %not3A_601 = arith.xori %ge3A_595, %not3A_600 : i1
        %and3A_602 = arith.andi %lt3A_587, %not3A_601 : i1
        %convert_element_type3A_603 = arith.extui %and3A_602 : i1 to i32
        %cond3A_604 = arith.constant 0 : i32
        %cond3A_605 = arith.cmpi ne, %convert_element_type3A_603, %cond3A_604 : i32
        scf.if %cond3A_605 {
          %add3A_751 = arith.constant 1 : i32
          %add3A_752 = arith.addi %get3A_593, %add3A_751 : i32
          %swap3A_753 = arith.index_cast %min3A_591 : i32 to index
          %swap3A_754 = memref.load %arg13[%swap3A_753] : memref<492xi32, #tpu.memory_space<smem>>
          memref.store %add3A_752, %arg13[%swap3A_753] : memref<492xi32, #tpu.memory_space<smem>>
          %add3A_755 = arith.constant 245 : i32
          %add3A_756 = arith.addi %add3A_755, %min3A_591 : i32
          %get3A_757 = arith.index_cast %add3A_756 : i32 to index
          %get3A_758 = memref.load %arg13[%get3A_757] : memref<492xi32, #tpu.memory_space<smem>>
          %eq3A_759 = arith.constant 0 : i32
          %eq3A_760 = arith.cmpi eq, %and3A_599, %eq3A_759 : i32
          %jit3A_761 = arith.constant 1 : i32
          %jit3A_762 = arith.constant 2 : i32
          %select_n3A_763 = arith.select %eq3A_760, %jit3A_761, %jit3A_762 : i32
          %or3A = arith.ori %get3A_758, %select_n3A_763 : i32
          %add3A_764 = arith.constant 245 : i32
          %add3A_765 = arith.addi %add3A_764, %min3A_591 : i32
          %swap3A_766 = arith.index_cast %add3A_765 : i32 to index
          %swap3A_767 = memref.load %arg13[%swap3A_766] : memref<492xi32, #tpu.memory_space<smem>>
          memref.store %or3A, %arg13[%swap3A_766] : memref<492xi32, #tpu.memory_space<smem>>
          %mul3A_768 = arith.constant 48 : i32
          %mul3A_769 = arith.muli %min3A_591, %mul3A_768 : i32
          %add3A_770 = arith.addi %mul3A_769, %get3A_593 : i32
          %broadcast_in_dim3A_771 = vector.broadcast %add3A_770 : i32 to vector<16xi32>
          %broadcast_in_dim3A_772 = vector.broadcast %squeeze3A_582 : i32 to vector<16xi32>
          tpu.vector_store_idx %arg10[%broadcast_in_dim3A_771], %broadcast_in_dim3A_772 masked %eq3A_6 : memref<11776xi32, #tpu.memory_space<vmem>>[vector<16xi32>], vector<16xi32>, vector<16xi1>
        } else {
        }
        %and3A_606 = arith.andi %lt3A_587, %ge3A_595 : i1
        %convert_element_type3A_607 = arith.extui %and3A_606 : i1 to i32
        %cond3A_608 = arith.constant 0 : i32
        %cond3A_609 = arith.cmpi ne, %convert_element_type3A_607, %cond3A_608 : i32
        scf.if %cond3A_609 {
          %broadcast_in_dim3A_751 = vector.broadcast %add3A_580 : i32 to vector<16xi32>
          %broadcast_in_dim3A_752 = vector.broadcast %squeeze3A_582 : i32 to vector<16xi32>
          tpu.vector_store_idx %arg9[%broadcast_in_dim3A_751], %broadcast_in_dim3A_752 masked %eq3A_6 : memref<49168xi32, #tpu.memory_space<vmem>>[vector<16xi32>], vector<16xi32>, vector<16xi1>
        } else {
        }
        %and3A_610 = arith.andi %lt3A_587, %ge3A_595 : i1
        %jit3A_611 = arith.constant 1 : i32
        %jit3A_612 = arith.constant 0 : i32
        %select_n3A_613 = arith.select %and3A_610, %jit3A_611, %jit3A_612 : i32
        %add3A_614 = arith.addi %add3A_580, %select_n3A_613 : i32
        %slice3A_615 = vector.extract_strided_slice %get3A_211 {offsets = [12], sizes = [1], strides = [1]} : vector<16xi32> to vector<1xi32>
        %squeeze3A_616 = vector.extract %slice3A_615[0] : i32 from vector<1xi32>
        %mul3A_617 = arith.constant 16 : i32
        %mul3A_618 = arith.muli %while3A_206, %mul3A_617 : i32
        %add3A_619 = arith.constant 12 : i32
        %add3A_620 = arith.addi %mul3A_618, %add3A_619 : i32
        %lt3A_621 = arith.cmpi slt, %add3A_620, %while3A_137 : i32
        %shift_right_logical3A_622 = arith.constant 23 : i32
        %shift_right_logical3A_623 = arith.shrui %squeeze3A_616, %shift_right_logical3A_622 : i32
        %min3A_624 = arith.constant 244 : i32
        %min3A_625 = arith.minsi %shift_right_logical3A_623, %min3A_624 : i32
        %get3A_626 = arith.index_cast %min3A_625 : i32 to index
        %get3A_627 = memref.load %arg13[%get3A_626] : memref<492xi32, #tpu.memory_space<smem>>
        %ge3A_628 = arith.constant 32 : i32
        %ge3A_629 = arith.cmpi sge, %get3A_627, %ge3A_628 : i32
        %shift_right_logical3A_630 = arith.constant 21 : i32
        %shift_right_logical3A_631 = arith.shrui %squeeze3A_616, %shift_right_logical3A_630 : i32
        %and3A_632 = arith.constant 3 : i32
        %and3A_633 = arith.andi %shift_right_logical3A_631, %and3A_632 : i32
        %not3A_634 = arith.constant true
        %not3A_635 = arith.xori %ge3A_629, %not3A_634 : i1
        %and3A_636 = arith.andi %lt3A_621, %not3A_635 : i1
        %convert_element_type3A_637 = arith.extui %and3A_636 : i1 to i32
        %cond3A_638 = arith.constant 0 : i32
        %cond3A_639 = arith.cmpi ne, %convert_element_type3A_637, %cond3A_638 : i32
        scf.if %cond3A_639 {
          %add3A_751 = arith.constant 1 : i32
          %add3A_752 = arith.addi %get3A_627, %add3A_751 : i32
          %swap3A_753 = arith.index_cast %min3A_625 : i32 to index
          %swap3A_754 = memref.load %arg13[%swap3A_753] : memref<492xi32, #tpu.memory_space<smem>>
          memref.store %add3A_752, %arg13[%swap3A_753] : memref<492xi32, #tpu.memory_space<smem>>
          %add3A_755 = arith.constant 245 : i32
          %add3A_756 = arith.addi %add3A_755, %min3A_625 : i32
          %get3A_757 = arith.index_cast %add3A_756 : i32 to index
          %get3A_758 = memref.load %arg13[%get3A_757] : memref<492xi32, #tpu.memory_space<smem>>
          %eq3A_759 = arith.constant 0 : i32
          %eq3A_760 = arith.cmpi eq, %and3A_633, %eq3A_759 : i32
          %jit3A_761 = arith.constant 1 : i32
          %jit3A_762 = arith.constant 2 : i32
          %select_n3A_763 = arith.select %eq3A_760, %jit3A_761, %jit3A_762 : i32
          %or3A = arith.ori %get3A_758, %select_n3A_763 : i32
          %add3A_764 = arith.constant 245 : i32
          %add3A_765 = arith.addi %add3A_764, %min3A_625 : i32
          %swap3A_766 = arith.index_cast %add3A_765 : i32 to index
          %swap3A_767 = memref.load %arg13[%swap3A_766] : memref<492xi32, #tpu.memory_space<smem>>
          memref.store %or3A, %arg13[%swap3A_766] : memref<492xi32, #tpu.memory_space<smem>>
          %mul3A_768 = arith.constant 48 : i32
          %mul3A_769 = arith.muli %min3A_625, %mul3A_768 : i32
          %add3A_770 = arith.addi %mul3A_769, %get3A_627 : i32
          %broadcast_in_dim3A_771 = vector.broadcast %add3A_770 : i32 to vector<16xi32>
          %broadcast_in_dim3A_772 = vector.broadcast %squeeze3A_616 : i32 to vector<16xi32>
          tpu.vector_store_idx %arg10[%broadcast_in_dim3A_771], %broadcast_in_dim3A_772 masked %eq3A_6 : memref<11776xi32, #tpu.memory_space<vmem>>[vector<16xi32>], vector<16xi32>, vector<16xi1>
        } else {
        }
        %and3A_640 = arith.andi %lt3A_621, %ge3A_629 : i1
        %convert_element_type3A_641 = arith.extui %and3A_640 : i1 to i32
        %cond3A_642 = arith.constant 0 : i32
        %cond3A_643 = arith.cmpi ne, %convert_element_type3A_641, %cond3A_642 : i32
        scf.if %cond3A_643 {
          %broadcast_in_dim3A_751 = vector.broadcast %add3A_614 : i32 to vector<16xi32>
          %broadcast_in_dim3A_752 = vector.broadcast %squeeze3A_616 : i32 to vector<16xi32>
          tpu.vector_store_idx %arg9[%broadcast_in_dim3A_751], %broadcast_in_dim3A_752 masked %eq3A_6 : memref<49168xi32, #tpu.memory_space<vmem>>[vector<16xi32>], vector<16xi32>, vector<16xi1>
        } else {
        }
        %and3A_644 = arith.andi %lt3A_621, %ge3A_629 : i1
        %jit3A_645 = arith.constant 1 : i32
        %jit3A_646 = arith.constant 0 : i32
        %select_n3A_647 = arith.select %and3A_644, %jit3A_645, %jit3A_646 : i32
        %add3A_648 = arith.addi %add3A_614, %select_n3A_647 : i32
        %slice3A_649 = vector.extract_strided_slice %get3A_211 {offsets = [13], sizes = [1], strides = [1]} : vector<16xi32> to vector<1xi32>
        %squeeze3A_650 = vector.extract %slice3A_649[0] : i32 from vector<1xi32>
        %mul3A_651 = arith.constant 16 : i32
        %mul3A_652 = arith.muli %while3A_206, %mul3A_651 : i32
        %add3A_653 = arith.constant 13 : i32
        %add3A_654 = arith.addi %mul3A_652, %add3A_653 : i32
        %lt3A_655 = arith.cmpi slt, %add3A_654, %while3A_137 : i32
        %shift_right_logical3A_656 = arith.constant 23 : i32
        %shift_right_logical3A_657 = arith.shrui %squeeze3A_650, %shift_right_logical3A_656 : i32
        %min3A_658 = arith.constant 244 : i32
        %min3A_659 = arith.minsi %shift_right_logical3A_657, %min3A_658 : i32
        %get3A_660 = arith.index_cast %min3A_659 : i32 to index
        %get3A_661 = memref.load %arg13[%get3A_660] : memref<492xi32, #tpu.memory_space<smem>>
        %ge3A_662 = arith.constant 32 : i32
        %ge3A_663 = arith.cmpi sge, %get3A_661, %ge3A_662 : i32
        %shift_right_logical3A_664 = arith.constant 21 : i32
        %shift_right_logical3A_665 = arith.shrui %squeeze3A_650, %shift_right_logical3A_664 : i32
        %and3A_666 = arith.constant 3 : i32
        %and3A_667 = arith.andi %shift_right_logical3A_665, %and3A_666 : i32
        %not3A_668 = arith.constant true
        %not3A_669 = arith.xori %ge3A_663, %not3A_668 : i1
        %and3A_670 = arith.andi %lt3A_655, %not3A_669 : i1
        %convert_element_type3A_671 = arith.extui %and3A_670 : i1 to i32
        %cond3A_672 = arith.constant 0 : i32
        %cond3A_673 = arith.cmpi ne, %convert_element_type3A_671, %cond3A_672 : i32
        scf.if %cond3A_673 {
          %add3A_751 = arith.constant 1 : i32
          %add3A_752 = arith.addi %get3A_661, %add3A_751 : i32
          %swap3A_753 = arith.index_cast %min3A_659 : i32 to index
          %swap3A_754 = memref.load %arg13[%swap3A_753] : memref<492xi32, #tpu.memory_space<smem>>
          memref.store %add3A_752, %arg13[%swap3A_753] : memref<492xi32, #tpu.memory_space<smem>>
          %add3A_755 = arith.constant 245 : i32
          %add3A_756 = arith.addi %add3A_755, %min3A_659 : i32
          %get3A_757 = arith.index_cast %add3A_756 : i32 to index
          %get3A_758 = memref.load %arg13[%get3A_757] : memref<492xi32, #tpu.memory_space<smem>>
          %eq3A_759 = arith.constant 0 : i32
          %eq3A_760 = arith.cmpi eq, %and3A_667, %eq3A_759 : i32
          %jit3A_761 = arith.constant 1 : i32
          %jit3A_762 = arith.constant 2 : i32
          %select_n3A_763 = arith.select %eq3A_760, %jit3A_761, %jit3A_762 : i32
          %or3A = arith.ori %get3A_758, %select_n3A_763 : i32
          %add3A_764 = arith.constant 245 : i32
          %add3A_765 = arith.addi %add3A_764, %min3A_659 : i32
          %swap3A_766 = arith.index_cast %add3A_765 : i32 to index
          %swap3A_767 = memref.load %arg13[%swap3A_766] : memref<492xi32, #tpu.memory_space<smem>>
          memref.store %or3A, %arg13[%swap3A_766] : memref<492xi32, #tpu.memory_space<smem>>
          %mul3A_768 = arith.constant 48 : i32
          %mul3A_769 = arith.muli %min3A_659, %mul3A_768 : i32
          %add3A_770 = arith.addi %mul3A_769, %get3A_661 : i32
          %broadcast_in_dim3A_771 = vector.broadcast %add3A_770 : i32 to vector<16xi32>
          %broadcast_in_dim3A_772 = vector.broadcast %squeeze3A_650 : i32 to vector<16xi32>
          tpu.vector_store_idx %arg10[%broadcast_in_dim3A_771], %broadcast_in_dim3A_772 masked %eq3A_6 : memref<11776xi32, #tpu.memory_space<vmem>>[vector<16xi32>], vector<16xi32>, vector<16xi1>
        } else {
        }
        %and3A_674 = arith.andi %lt3A_655, %ge3A_663 : i1
        %convert_element_type3A_675 = arith.extui %and3A_674 : i1 to i32
        %cond3A_676 = arith.constant 0 : i32
        %cond3A_677 = arith.cmpi ne, %convert_element_type3A_675, %cond3A_676 : i32
        scf.if %cond3A_677 {
          %broadcast_in_dim3A_751 = vector.broadcast %add3A_648 : i32 to vector<16xi32>
          %broadcast_in_dim3A_752 = vector.broadcast %squeeze3A_650 : i32 to vector<16xi32>
          tpu.vector_store_idx %arg9[%broadcast_in_dim3A_751], %broadcast_in_dim3A_752 masked %eq3A_6 : memref<49168xi32, #tpu.memory_space<vmem>>[vector<16xi32>], vector<16xi32>, vector<16xi1>
        } else {
        }
        %and3A_678 = arith.andi %lt3A_655, %ge3A_663 : i1
        %jit3A_679 = arith.constant 1 : i32
        %jit3A_680 = arith.constant 0 : i32
        %select_n3A_681 = arith.select %and3A_678, %jit3A_679, %jit3A_680 : i32
        %add3A_682 = arith.addi %add3A_648, %select_n3A_681 : i32
        %slice3A_683 = vector.extract_strided_slice %get3A_211 {offsets = [14], sizes = [1], strides = [1]} : vector<16xi32> to vector<1xi32>
        %squeeze3A_684 = vector.extract %slice3A_683[0] : i32 from vector<1xi32>
        %mul3A_685 = arith.constant 16 : i32
        %mul3A_686 = arith.muli %while3A_206, %mul3A_685 : i32
        %add3A_687 = arith.constant 14 : i32
        %add3A_688 = arith.addi %mul3A_686, %add3A_687 : i32
        %lt3A_689 = arith.cmpi slt, %add3A_688, %while3A_137 : i32
        %shift_right_logical3A_690 = arith.constant 23 : i32
        %shift_right_logical3A_691 = arith.shrui %squeeze3A_684, %shift_right_logical3A_690 : i32
        %min3A_692 = arith.constant 244 : i32
        %min3A_693 = arith.minsi %shift_right_logical3A_691, %min3A_692 : i32
        %get3A_694 = arith.index_cast %min3A_693 : i32 to index
        %get3A_695 = memref.load %arg13[%get3A_694] : memref<492xi32, #tpu.memory_space<smem>>
        %ge3A_696 = arith.constant 32 : i32
        %ge3A_697 = arith.cmpi sge, %get3A_695, %ge3A_696 : i32
        %shift_right_logical3A_698 = arith.constant 21 : i32
        %shift_right_logical3A_699 = arith.shrui %squeeze3A_684, %shift_right_logical3A_698 : i32
        %and3A_700 = arith.constant 3 : i32
        %and3A_701 = arith.andi %shift_right_logical3A_699, %and3A_700 : i32
        %not3A_702 = arith.constant true
        %not3A_703 = arith.xori %ge3A_697, %not3A_702 : i1
        %and3A_704 = arith.andi %lt3A_689, %not3A_703 : i1
        %convert_element_type3A_705 = arith.extui %and3A_704 : i1 to i32
        %cond3A_706 = arith.constant 0 : i32
        %cond3A_707 = arith.cmpi ne, %convert_element_type3A_705, %cond3A_706 : i32
        scf.if %cond3A_707 {
          %add3A_751 = arith.constant 1 : i32
          %add3A_752 = arith.addi %get3A_695, %add3A_751 : i32
          %swap3A_753 = arith.index_cast %min3A_693 : i32 to index
          %swap3A_754 = memref.load %arg13[%swap3A_753] : memref<492xi32, #tpu.memory_space<smem>>
          memref.store %add3A_752, %arg13[%swap3A_753] : memref<492xi32, #tpu.memory_space<smem>>
          %add3A_755 = arith.constant 245 : i32
          %add3A_756 = arith.addi %add3A_755, %min3A_693 : i32
          %get3A_757 = arith.index_cast %add3A_756 : i32 to index
          %get3A_758 = memref.load %arg13[%get3A_757] : memref<492xi32, #tpu.memory_space<smem>>
          %eq3A_759 = arith.constant 0 : i32
          %eq3A_760 = arith.cmpi eq, %and3A_701, %eq3A_759 : i32
          %jit3A_761 = arith.constant 1 : i32
          %jit3A_762 = arith.constant 2 : i32
          %select_n3A_763 = arith.select %eq3A_760, %jit3A_761, %jit3A_762 : i32
          %or3A = arith.ori %get3A_758, %select_n3A_763 : i32
          %add3A_764 = arith.constant 245 : i32
          %add3A_765 = arith.addi %add3A_764, %min3A_693 : i32
          %swap3A_766 = arith.index_cast %add3A_765 : i32 to index
          %swap3A_767 = memref.load %arg13[%swap3A_766] : memref<492xi32, #tpu.memory_space<smem>>
          memref.store %or3A, %arg13[%swap3A_766] : memref<492xi32, #tpu.memory_space<smem>>
          %mul3A_768 = arith.constant 48 : i32
          %mul3A_769 = arith.muli %min3A_693, %mul3A_768 : i32
          %add3A_770 = arith.addi %mul3A_769, %get3A_695 : i32
          %broadcast_in_dim3A_771 = vector.broadcast %add3A_770 : i32 to vector<16xi32>
          %broadcast_in_dim3A_772 = vector.broadcast %squeeze3A_684 : i32 to vector<16xi32>
          tpu.vector_store_idx %arg10[%broadcast_in_dim3A_771], %broadcast_in_dim3A_772 masked %eq3A_6 : memref<11776xi32, #tpu.memory_space<vmem>>[vector<16xi32>], vector<16xi32>, vector<16xi1>
        } else {
        }
        %and3A_708 = arith.andi %lt3A_689, %ge3A_697 : i1
        %convert_element_type3A_709 = arith.extui %and3A_708 : i1 to i32
        %cond3A_710 = arith.constant 0 : i32
        %cond3A_711 = arith.cmpi ne, %convert_element_type3A_709, %cond3A_710 : i32
        scf.if %cond3A_711 {
          %broadcast_in_dim3A_751 = vector.broadcast %add3A_682 : i32 to vector<16xi32>
          %broadcast_in_dim3A_752 = vector.broadcast %squeeze3A_684 : i32 to vector<16xi32>
          tpu.vector_store_idx %arg9[%broadcast_in_dim3A_751], %broadcast_in_dim3A_752 masked %eq3A_6 : memref<49168xi32, #tpu.memory_space<vmem>>[vector<16xi32>], vector<16xi32>, vector<16xi1>
        } else {
        }
        %and3A_712 = arith.andi %lt3A_689, %ge3A_697 : i1
        %jit3A_713 = arith.constant 1 : i32
        %jit3A_714 = arith.constant 0 : i32
        %select_n3A_715 = arith.select %and3A_712, %jit3A_713, %jit3A_714 : i32
        %add3A_716 = arith.addi %add3A_682, %select_n3A_715 : i32
        %slice3A_717 = vector.extract_strided_slice %get3A_211 {offsets = [15], sizes = [1], strides = [1]} : vector<16xi32> to vector<1xi32>
        %squeeze3A_718 = vector.extract %slice3A_717[0] : i32 from vector<1xi32>
        %mul3A_719 = arith.constant 16 : i32
        %mul3A_720 = arith.muli %while3A_206, %mul3A_719 : i32
        %add3A_721 = arith.constant 15 : i32
        %add3A_722 = arith.addi %mul3A_720, %add3A_721 : i32
        %lt3A_723 = arith.cmpi slt, %add3A_722, %while3A_137 : i32
        %shift_right_logical3A_724 = arith.constant 23 : i32
        %shift_right_logical3A_725 = arith.shrui %squeeze3A_718, %shift_right_logical3A_724 : i32
        %min3A_726 = arith.constant 244 : i32
        %min3A_727 = arith.minsi %shift_right_logical3A_725, %min3A_726 : i32
        %get3A_728 = arith.index_cast %min3A_727 : i32 to index
        %get3A_729 = memref.load %arg13[%get3A_728] : memref<492xi32, #tpu.memory_space<smem>>
        %ge3A_730 = arith.constant 32 : i32
        %ge3A_731 = arith.cmpi sge, %get3A_729, %ge3A_730 : i32
        %shift_right_logical3A_732 = arith.constant 21 : i32
        %shift_right_logical3A_733 = arith.shrui %squeeze3A_718, %shift_right_logical3A_732 : i32
        %and3A_734 = arith.constant 3 : i32
        %and3A_735 = arith.andi %shift_right_logical3A_733, %and3A_734 : i32
        %not3A_736 = arith.constant true
        %not3A_737 = arith.xori %ge3A_731, %not3A_736 : i1
        %and3A_738 = arith.andi %lt3A_723, %not3A_737 : i1
        %convert_element_type3A_739 = arith.extui %and3A_738 : i1 to i32
        %cond3A_740 = arith.constant 0 : i32
        %cond3A_741 = arith.cmpi ne, %convert_element_type3A_739, %cond3A_740 : i32
        scf.if %cond3A_741 {
          %add3A_751 = arith.constant 1 : i32
          %add3A_752 = arith.addi %get3A_729, %add3A_751 : i32
          %swap3A_753 = arith.index_cast %min3A_727 : i32 to index
          %swap3A_754 = memref.load %arg13[%swap3A_753] : memref<492xi32, #tpu.memory_space<smem>>
          memref.store %add3A_752, %arg13[%swap3A_753] : memref<492xi32, #tpu.memory_space<smem>>
          %add3A_755 = arith.constant 245 : i32
          %add3A_756 = arith.addi %add3A_755, %min3A_727 : i32
          %get3A_757 = arith.index_cast %add3A_756 : i32 to index
          %get3A_758 = memref.load %arg13[%get3A_757] : memref<492xi32, #tpu.memory_space<smem>>
          %eq3A_759 = arith.constant 0 : i32
          %eq3A_760 = arith.cmpi eq, %and3A_735, %eq3A_759 : i32
          %jit3A_761 = arith.constant 1 : i32
          %jit3A_762 = arith.constant 2 : i32
          %select_n3A_763 = arith.select %eq3A_760, %jit3A_761, %jit3A_762 : i32
          %or3A = arith.ori %get3A_758, %select_n3A_763 : i32
          %add3A_764 = arith.constant 245 : i32
          %add3A_765 = arith.addi %add3A_764, %min3A_727 : i32
          %swap3A_766 = arith.index_cast %add3A_765 : i32 to index
          %swap3A_767 = memref.load %arg13[%swap3A_766] : memref<492xi32, #tpu.memory_space<smem>>
          memref.store %or3A, %arg13[%swap3A_766] : memref<492xi32, #tpu.memory_space<smem>>
          %mul3A_768 = arith.constant 48 : i32
          %mul3A_769 = arith.muli %min3A_727, %mul3A_768 : i32
          %add3A_770 = arith.addi %mul3A_769, %get3A_729 : i32
          %broadcast_in_dim3A_771 = vector.broadcast %add3A_770 : i32 to vector<16xi32>
          %broadcast_in_dim3A_772 = vector.broadcast %squeeze3A_718 : i32 to vector<16xi32>
          tpu.vector_store_idx %arg10[%broadcast_in_dim3A_771], %broadcast_in_dim3A_772 masked %eq3A_6 : memref<11776xi32, #tpu.memory_space<vmem>>[vector<16xi32>], vector<16xi32>, vector<16xi1>
        } else {
        }
        %and3A_742 = arith.andi %lt3A_723, %ge3A_731 : i1
        %convert_element_type3A_743 = arith.extui %and3A_742 : i1 to i32
        %cond3A_744 = arith.constant 0 : i32
        %cond3A_745 = arith.cmpi ne, %convert_element_type3A_743, %cond3A_744 : i32
        scf.if %cond3A_745 {
          %broadcast_in_dim3A_751 = vector.broadcast %add3A_716 : i32 to vector<16xi32>
          %broadcast_in_dim3A_752 = vector.broadcast %squeeze3A_718 : i32 to vector<16xi32>
          tpu.vector_store_idx %arg9[%broadcast_in_dim3A_751], %broadcast_in_dim3A_752 masked %eq3A_6 : memref<49168xi32, #tpu.memory_space<vmem>>[vector<16xi32>], vector<16xi32>, vector<16xi1>
        } else {
        }
        %and3A_746 = arith.andi %lt3A_723, %ge3A_731 : i1
        %jit3A_747 = arith.constant 1 : i32
        %jit3A_748 = arith.constant 0 : i32
        %select_n3A_749 = arith.select %and3A_746, %jit3A_747, %jit3A_748 : i32
        %add3A_750 = arith.addi %add3A_716, %select_n3A_749 : i32
        scf.yield %add3A_750 : i32
      }
      %gt3A_180 = arith.constant 0 : i32
      %gt3A_181 = arith.cmpi sgt, %min3A_4, %gt3A_180 : i32
      %convert_element_type3A_182 = arith.extui %gt3A_181 : i1 to i32
      %cond3A_183 = arith.constant 0 : i32
      %cond3A_184 = arith.cmpi ne, %convert_element_type3A_182, %cond3A_183 : i32
      scf.if %cond3A_184 {
        %rem3A_206 = arith.constant 0 : i32
        %rem3A_207 = arith.constant 3 : i32
        %rem3A_208 = arith.remsi %rem3A_206, %rem3A_207 : i32
        %add3A_209 = arith.constant 245 : i32
        %add3A_210 = arith.constant 0 : i32
        %add3A_211 = arith.addi %add3A_209, %add3A_210 : i32
        %get3A_212 = arith.index_cast %add3A_211 : i32 to index
        %get3A_213 = memref.load %arg13[%get3A_212] : memref<492xi32, #tpu.memory_space<smem>>
        %and3A_214 = arith.constant 1 : i32
        %and3A_215 = arith.andi %get3A_213, %and3A_214 : i32
        %gt3A_216 = arith.constant 0 : i32
        %gt3A_217 = arith.cmpi sgt, %and3A_215, %gt3A_216 : i32
        %convert_element_type3A_218 = arith.extui %gt3A_217 : i1 to i32
        %cond3A_219 = arith.constant 0 : i32
        %cond3A_220 = arith.constant 0 : i32
        %cond3A_221 = arith.cmpi ne, %convert_element_type3A_218, %cond3A_220 : i32
        scf.if %cond3A_221 {
          %add3A_230 = arith.addi %mul3A_2, %cond3A_219 : i32
          %mul3A_231 = arith.constant 128 : i32
          %mul3A_232 = arith.muli %add3A_230, %mul3A_231 : i32
          %dma_start3A = arith.constant 0 : i32
          %dma_start3A_233 = arith.constant 0 : i32
          %dma_start3A_234 = tpu.memref_slice %arg14[%rem3A_208, %dma_start3A, %dma_start3A_233] : memref<3x64x128xf32, #tpu.memory_space<vmem>> -> memref<1x64x128xf32, #tpu.memory_space<vmem>>
          %dma_start3A_235 = tpu.memref_squeeze %dma_start3A_234 : memref<1x64x128xf32, #tpu.memory_space<vmem>> -> memref<64x128xf32, #tpu.memory_space<vmem>>
          %dma_start3A_236 = arith.constant 0 : i32
          %dma_start3A_237 = tpu.memref_slice %arg5[%dma_start3A_236, %mul3A_232] : memref<64x1000001xf32, #tpu.memory_space<hbm>> -> memref<64x128xf32, #tpu.memory_space<hbm>>
          %dma_start3A_238 = tpu.memref_slice %arg16[%rem3A_208] : memref<3x!tpu.dma_semaphore, #tpu.memory_space<semaphore_mem>> -> memref<1x!tpu.dma_semaphore, #tpu.memory_space<semaphore_mem>>
          %dma_start3A_239 = tpu.memref_squeeze %dma_start3A_238 : memref<1x!tpu.dma_semaphore, #tpu.memory_space<semaphore_mem>> -> memref<!tpu.dma_semaphore, #tpu.memory_space<semaphore_mem>>
          %dma_start3A_240 = arith.constant 0 : i32
          %dma_start3A_241 = arith.constant 0 : i32
          %dma_start3A_242 = tpu.memref_slice %arg14[%rem3A_208, %dma_start3A_240, %dma_start3A_241] : memref<3x64x128xf32, #tpu.memory_space<vmem>> -> memref<1x64x128xf32, #tpu.memory_space<vmem>>
          %dma_start3A_243 = tpu.memref_squeeze %dma_start3A_242 : memref<1x64x128xf32, #tpu.memory_space<vmem>> -> memref<64x128xf32, #tpu.memory_space<vmem>>
          %dma_start3A_244 = arith.constant 0 : i32
          %dma_start3A_245 = tpu.memref_slice %arg5[%dma_start3A_244, %mul3A_232] : memref<64x1000001xf32, #tpu.memory_space<hbm>> -> memref<64x128xf32, #tpu.memory_space<hbm>>
          tpu.enqueue_dma source(%dma_start3A_245 : memref<64x128xf32, #tpu.memory_space<hbm>>) target(%dma_start3A_243 : memref<64x128xf32, #tpu.memory_space<vmem>>) target_semaphore(%dma_start3A_239 : memref<!tpu.dma_semaphore, #tpu.memory_space<semaphore_mem>>)
        } else {
        }
        %and3A_222 = arith.constant 2 : i32
        %and3A_223 = arith.andi %get3A_213, %and3A_222 : i32
        %gt3A_224 = arith.constant 0 : i32
        %gt3A_225 = arith.cmpi sgt, %and3A_223, %gt3A_224 : i32
        %convert_element_type3A_226 = arith.extui %gt3A_225 : i1 to i32
        %cond3A_227 = arith.constant 0 : i32
        %cond3A_228 = arith.constant 0 : i32
        %cond3A_229 = arith.cmpi ne, %convert_element_type3A_226, %cond3A_228 : i32
        scf.if %cond3A_229 {
          %add3A_230 = arith.addi %mul3A_2, %cond3A_227 : i32
          %mul3A_231 = arith.constant 128 : i32
          %mul3A_232 = arith.muli %add3A_230, %mul3A_231 : i32
          %dma_start3A = arith.constant 0 : i32
          %dma_start3A_233 = arith.constant 0 : i32
          %dma_start3A_234 = tpu.memref_slice %arg15[%rem3A_208, %dma_start3A, %dma_start3A_233] : memref<3x64x128xf32, #tpu.memory_space<vmem>> -> memref<1x64x128xf32, #tpu.memory_space<vmem>>
          %dma_start3A_235 = tpu.memref_squeeze %dma_start3A_234 : memref<1x64x128xf32, #tpu.memory_space<vmem>> -> memref<64x128xf32, #tpu.memory_space<vmem>>
          %dma_start3A_236 = arith.constant 0 : i32
          %dma_start3A_237 = tpu.memref_slice %arg6[%dma_start3A_236, %mul3A_232] : memref<64x1000001xf32, #tpu.memory_space<hbm>> -> memref<64x128xf32, #tpu.memory_space<hbm>>
          %dma_start3A_238 = tpu.memref_slice %arg17[%rem3A_208] : memref<3x!tpu.dma_semaphore, #tpu.memory_space<semaphore_mem>> -> memref<1x!tpu.dma_semaphore, #tpu.memory_space<semaphore_mem>>
          %dma_start3A_239 = tpu.memref_squeeze %dma_start3A_238 : memref<1x!tpu.dma_semaphore, #tpu.memory_space<semaphore_mem>> -> memref<!tpu.dma_semaphore, #tpu.memory_space<semaphore_mem>>
          %dma_start3A_240 = arith.constant 0 : i32
          %dma_start3A_241 = arith.constant 0 : i32
          %dma_start3A_242 = tpu.memref_slice %arg15[%rem3A_208, %dma_start3A_240, %dma_start3A_241] : memref<3x64x128xf32, #tpu.memory_space<vmem>> -> memref<1x64x128xf32, #tpu.memory_space<vmem>>
          %dma_start3A_243 = tpu.memref_squeeze %dma_start3A_242 : memref<1x64x128xf32, #tpu.memory_space<vmem>> -> memref<64x128xf32, #tpu.memory_space<vmem>>
          %dma_start3A_244 = arith.constant 0 : i32
          %dma_start3A_245 = tpu.memref_slice %arg6[%dma_start3A_244, %mul3A_232] : memref<64x1000001xf32, #tpu.memory_space<hbm>> -> memref<64x128xf32, #tpu.memory_space<hbm>>
          tpu.enqueue_dma source(%dma_start3A_245 : memref<64x128xf32, #tpu.memory_space<hbm>>) target(%dma_start3A_243 : memref<64x128xf32, #tpu.memory_space<vmem>>) target_semaphore(%dma_start3A_239 : memref<!tpu.dma_semaphore, #tpu.memory_space<semaphore_mem>>)
        } else {
        }
      } else {
      }
      %gt3A_185 = arith.constant 1 : i32
      %gt3A_186 = arith.cmpi sgt, %min3A_4, %gt3A_185 : i32
      %convert_element_type3A_187 = arith.extui %gt3A_186 : i1 to i32
      %cond3A_188 = arith.constant 0 : i32
      %cond3A_189 = arith.cmpi ne, %convert_element_type3A_187, %cond3A_188 : i32
      scf.if %cond3A_189 {
        %rem3A_206 = arith.constant 1 : i32
        %rem3A_207 = arith.constant 3 : i32
        %rem3A_208 = arith.remsi %rem3A_206, %rem3A_207 : i32
        %add3A_209 = arith.constant 245 : i32
        %add3A_210 = arith.constant 1 : i32
        %add3A_211 = arith.addi %add3A_209, %add3A_210 : i32
        %get3A_212 = arith.index_cast %add3A_211 : i32 to index
        %get3A_213 = memref.load %arg13[%get3A_212] : memref<492xi32, #tpu.memory_space<smem>>
        %and3A_214 = arith.constant 1 : i32
        %and3A_215 = arith.andi %get3A_213, %and3A_214 : i32
        %gt3A_216 = arith.constant 0 : i32
        %gt3A_217 = arith.cmpi sgt, %and3A_215, %gt3A_216 : i32
        %convert_element_type3A_218 = arith.extui %gt3A_217 : i1 to i32
        %cond3A_219 = arith.constant 1 : i32
        %cond3A_220 = arith.constant 0 : i32
        %cond3A_221 = arith.cmpi ne, %convert_element_type3A_218, %cond3A_220 : i32
        scf.if %cond3A_221 {
          %add3A_230 = arith.addi %mul3A_2, %cond3A_219 : i32
          %mul3A_231 = arith.constant 128 : i32
          %mul3A_232 = arith.muli %add3A_230, %mul3A_231 : i32
          %dma_start3A = arith.constant 0 : i32
          %dma_start3A_233 = arith.constant 0 : i32
          %dma_start3A_234 = tpu.memref_slice %arg14[%rem3A_208, %dma_start3A, %dma_start3A_233] : memref<3x64x128xf32, #tpu.memory_space<vmem>> -> memref<1x64x128xf32, #tpu.memory_space<vmem>>
          %dma_start3A_235 = tpu.memref_squeeze %dma_start3A_234 : memref<1x64x128xf32, #tpu.memory_space<vmem>> -> memref<64x128xf32, #tpu.memory_space<vmem>>
          %dma_start3A_236 = arith.constant 0 : i32
          %dma_start3A_237 = tpu.memref_slice %arg5[%dma_start3A_236, %mul3A_232] : memref<64x1000001xf32, #tpu.memory_space<hbm>> -> memref<64x128xf32, #tpu.memory_space<hbm>>
          %dma_start3A_238 = tpu.memref_slice %arg16[%rem3A_208] : memref<3x!tpu.dma_semaphore, #tpu.memory_space<semaphore_mem>> -> memref<1x!tpu.dma_semaphore, #tpu.memory_space<semaphore_mem>>
          %dma_start3A_239 = tpu.memref_squeeze %dma_start3A_238 : memref<1x!tpu.dma_semaphore, #tpu.memory_space<semaphore_mem>> -> memref<!tpu.dma_semaphore, #tpu.memory_space<semaphore_mem>>
          %dma_start3A_240 = arith.constant 0 : i32
          %dma_start3A_241 = arith.constant 0 : i32
          %dma_start3A_242 = tpu.memref_slice %arg14[%rem3A_208, %dma_start3A_240, %dma_start3A_241] : memref<3x64x128xf32, #tpu.memory_space<vmem>> -> memref<1x64x128xf32, #tpu.memory_space<vmem>>
          %dma_start3A_243 = tpu.memref_squeeze %dma_start3A_242 : memref<1x64x128xf32, #tpu.memory_space<vmem>> -> memref<64x128xf32, #tpu.memory_space<vmem>>
          %dma_start3A_244 = arith.constant 0 : i32
          %dma_start3A_245 = tpu.memref_slice %arg5[%dma_start3A_244, %mul3A_232] : memref<64x1000001xf32, #tpu.memory_space<hbm>> -> memref<64x128xf32, #tpu.memory_space<hbm>>
          tpu.enqueue_dma source(%dma_start3A_245 : memref<64x128xf32, #tpu.memory_space<hbm>>) target(%dma_start3A_243 : memref<64x128xf32, #tpu.memory_space<vmem>>) target_semaphore(%dma_start3A_239 : memref<!tpu.dma_semaphore, #tpu.memory_space<semaphore_mem>>)
        } else {
        }
        %and3A_222 = arith.constant 2 : i32
        %and3A_223 = arith.andi %get3A_213, %and3A_222 : i32
        %gt3A_224 = arith.constant 0 : i32
        %gt3A_225 = arith.cmpi sgt, %and3A_223, %gt3A_224 : i32
        %convert_element_type3A_226 = arith.extui %gt3A_225 : i1 to i32
        %cond3A_227 = arith.constant 1 : i32
        %cond3A_228 = arith.constant 0 : i32
        %cond3A_229 = arith.cmpi ne, %convert_element_type3A_226, %cond3A_228 : i32
        scf.if %cond3A_229 {
          %add3A_230 = arith.addi %mul3A_2, %cond3A_227 : i32
          %mul3A_231 = arith.constant 128 : i32
          %mul3A_232 = arith.muli %add3A_230, %mul3A_231 : i32
          %dma_start3A = arith.constant 0 : i32
          %dma_start3A_233 = arith.constant 0 : i32
          %dma_start3A_234 = tpu.memref_slice %arg15[%rem3A_208, %dma_start3A, %dma_start3A_233] : memref<3x64x128xf32, #tpu.memory_space<vmem>> -> memref<1x64x128xf32, #tpu.memory_space<vmem>>
          %dma_start3A_235 = tpu.memref_squeeze %dma_start3A_234 : memref<1x64x128xf32, #tpu.memory_space<vmem>> -> memref<64x128xf32, #tpu.memory_space<vmem>>
          %dma_start3A_236 = arith.constant 0 : i32
          %dma_start3A_237 = tpu.memref_slice %arg6[%dma_start3A_236, %mul3A_232] : memref<64x1000001xf32, #tpu.memory_space<hbm>> -> memref<64x128xf32, #tpu.memory_space<hbm>>
          %dma_start3A_238 = tpu.memref_slice %arg17[%rem3A_208] : memref<3x!tpu.dma_semaphore, #tpu.memory_space<semaphore_mem>> -> memref<1x!tpu.dma_semaphore, #tpu.memory_space<semaphore_mem>>
          %dma_start3A_239 = tpu.memref_squeeze %dma_start3A_238 : memref<1x!tpu.dma_semaphore, #tpu.memory_space<semaphore_mem>> -> memref<!tpu.dma_semaphore, #tpu.memory_space<semaphore_mem>>
          %dma_start3A_240 = arith.constant 0 : i32
          %dma_start3A_241 = arith.constant 0 : i32
          %dma_start3A_242 = tpu.memref_slice %arg15[%rem3A_208, %dma_start3A_240, %dma_start3A_241] : memref<3x64x128xf32, #tpu.memory_space<vmem>> -> memref<1x64x128xf32, #tpu.memory_space<vmem>>
          %dma_start3A_243 = tpu.memref_squeeze %dma_start3A_242 : memref<1x64x128xf32, #tpu.memory_space<vmem>> -> memref<64x128xf32, #tpu.memory_space<vmem>>
          %dma_start3A_244 = arith.constant 0 : i32
          %dma_start3A_245 = tpu.memref_slice %arg6[%dma_start3A_244, %mul3A_232] : memref<64x1000001xf32, #tpu.memory_space<hbm>> -> memref<64x128xf32, #tpu.memory_space<hbm>>
          tpu.enqueue_dma source(%dma_start3A_245 : memref<64x128xf32, #tpu.memory_space<hbm>>) target(%dma_start3A_243 : memref<64x128xf32, #tpu.memory_space<vmem>>) target_semaphore(%dma_start3A_239 : memref<!tpu.dma_semaphore, #tpu.memory_space<semaphore_mem>>)
        } else {
        }
      } else {
      }
      %gt3A_190 = arith.constant 2 : i32
      %gt3A_191 = arith.cmpi sgt, %min3A_4, %gt3A_190 : i32
      %convert_element_type3A_192 = arith.extui %gt3A_191 : i1 to i32
      %cond3A_193 = arith.constant 0 : i32
      %cond3A_194 = arith.cmpi ne, %convert_element_type3A_192, %cond3A_193 : i32
      scf.if %cond3A_194 {
        %rem3A_206 = arith.constant 2 : i32
        %rem3A_207 = arith.constant 3 : i32
        %rem3A_208 = arith.remsi %rem3A_206, %rem3A_207 : i32
        %add3A_209 = arith.constant 245 : i32
        %add3A_210 = arith.constant 2 : i32
        %add3A_211 = arith.addi %add3A_209, %add3A_210 : i32
        %get3A_212 = arith.index_cast %add3A_211 : i32 to index
        %get3A_213 = memref.load %arg13[%get3A_212] : memref<492xi32, #tpu.memory_space<smem>>
        %and3A_214 = arith.constant 1 : i32
        %and3A_215 = arith.andi %get3A_213, %and3A_214 : i32
        %gt3A_216 = arith.constant 0 : i32
        %gt3A_217 = arith.cmpi sgt, %and3A_215, %gt3A_216 : i32
        %convert_element_type3A_218 = arith.extui %gt3A_217 : i1 to i32
        %cond3A_219 = arith.constant 2 : i32
        %cond3A_220 = arith.constant 0 : i32
        %cond3A_221 = arith.cmpi ne, %convert_element_type3A_218, %cond3A_220 : i32
        scf.if %cond3A_221 {
          %add3A_230 = arith.addi %mul3A_2, %cond3A_219 : i32
          %mul3A_231 = arith.constant 128 : i32
          %mul3A_232 = arith.muli %add3A_230, %mul3A_231 : i32
          %dma_start3A = arith.constant 0 : i32
          %dma_start3A_233 = arith.constant 0 : i32
          %dma_start3A_234 = tpu.memref_slice %arg14[%rem3A_208, %dma_start3A, %dma_start3A_233] : memref<3x64x128xf32, #tpu.memory_space<vmem>> -> memref<1x64x128xf32, #tpu.memory_space<vmem>>
          %dma_start3A_235 = tpu.memref_squeeze %dma_start3A_234 : memref<1x64x128xf32, #tpu.memory_space<vmem>> -> memref<64x128xf32, #tpu.memory_space<vmem>>
          %dma_start3A_236 = arith.constant 0 : i32
          %dma_start3A_237 = tpu.memref_slice %arg5[%dma_start3A_236, %mul3A_232] : memref<64x1000001xf32, #tpu.memory_space<hbm>> -> memref<64x128xf32, #tpu.memory_space<hbm>>
          %dma_start3A_238 = tpu.memref_slice %arg16[%rem3A_208] : memref<3x!tpu.dma_semaphore, #tpu.memory_space<semaphore_mem>> -> memref<1x!tpu.dma_semaphore, #tpu.memory_space<semaphore_mem>>
          %dma_start3A_239 = tpu.memref_squeeze %dma_start3A_238 : memref<1x!tpu.dma_semaphore, #tpu.memory_space<semaphore_mem>> -> memref<!tpu.dma_semaphore, #tpu.memory_space<semaphore_mem>>
          %dma_start3A_240 = arith.constant 0 : i32
          %dma_start3A_241 = arith.constant 0 : i32
          %dma_start3A_242 = tpu.memref_slice %arg14[%rem3A_208, %dma_start3A_240, %dma_start3A_241] : memref<3x64x128xf32, #tpu.memory_space<vmem>> -> memref<1x64x128xf32, #tpu.memory_space<vmem>>
          %dma_start3A_243 = tpu.memref_squeeze %dma_start3A_242 : memref<1x64x128xf32, #tpu.memory_space<vmem>> -> memref<64x128xf32, #tpu.memory_space<vmem>>
          %dma_start3A_244 = arith.constant 0 : i32
          %dma_start3A_245 = tpu.memref_slice %arg5[%dma_start3A_244, %mul3A_232] : memref<64x1000001xf32, #tpu.memory_space<hbm>> -> memref<64x128xf32, #tpu.memory_space<hbm>>
          tpu.enqueue_dma source(%dma_start3A_245 : memref<64x128xf32, #tpu.memory_space<hbm>>) target(%dma_start3A_243 : memref<64x128xf32, #tpu.memory_space<vmem>>) target_semaphore(%dma_start3A_239 : memref<!tpu.dma_semaphore, #tpu.memory_space<semaphore_mem>>)
        } else {
        }
        %and3A_222 = arith.constant 2 : i32
        %and3A_223 = arith.andi %get3A_213, %and3A_222 : i32
        %gt3A_224 = arith.constant 0 : i32
        %gt3A_225 = arith.cmpi sgt, %and3A_223, %gt3A_224 : i32
        %convert_element_type3A_226 = arith.extui %gt3A_225 : i1 to i32
        %cond3A_227 = arith.constant 2 : i32
        %cond3A_228 = arith.constant 0 : i32
        %cond3A_229 = arith.cmpi ne, %convert_element_type3A_226, %cond3A_228 : i32
        scf.if %cond3A_229 {
          %add3A_230 = arith.addi %mul3A_2, %cond3A_227 : i32
          %mul3A_231 = arith.constant 128 : i32
          %mul3A_232 = arith.muli %add3A_230, %mul3A_231 : i32
          %dma_start3A = arith.constant 0 : i32
          %dma_start3A_233 = arith.constant 0 : i32
          %dma_start3A_234 = tpu.memref_slice %arg15[%rem3A_208, %dma_start3A, %dma_start3A_233] : memref<3x64x128xf32, #tpu.memory_space<vmem>> -> memref<1x64x128xf32, #tpu.memory_space<vmem>>
          %dma_start3A_235 = tpu.memref_squeeze %dma_start3A_234 : memref<1x64x128xf32, #tpu.memory_space<vmem>> -> memref<64x128xf32, #tpu.memory_space<vmem>>
          %dma_start3A_236 = arith.constant 0 : i32
          %dma_start3A_237 = tpu.memref_slice %arg6[%dma_start3A_236, %mul3A_232] : memref<64x1000001xf32, #tpu.memory_space<hbm>> -> memref<64x128xf32, #tpu.memory_space<hbm>>
          %dma_start3A_238 = tpu.memref_slice %arg17[%rem3A_208] : memref<3x!tpu.dma_semaphore, #tpu.memory_space<semaphore_mem>> -> memref<1x!tpu.dma_semaphore, #tpu.memory_space<semaphore_mem>>
          %dma_start3A_239 = tpu.memref_squeeze %dma_start3A_238 : memref<1x!tpu.dma_semaphore, #tpu.memory_space<semaphore_mem>> -> memref<!tpu.dma_semaphore, #tpu.memory_space<semaphore_mem>>
          %dma_start3A_240 = arith.constant 0 : i32
          %dma_start3A_241 = arith.constant 0 : i32
          %dma_start3A_242 = tpu.memref_slice %arg15[%rem3A_208, %dma_start3A_240, %dma_start3A_241] : memref<3x64x128xf32, #tpu.memory_space<vmem>> -> memref<1x64x128xf32, #tpu.memory_space<vmem>>
          %dma_start3A_243 = tpu.memref_squeeze %dma_start3A_242 : memref<1x64x128xf32, #tpu.memory_space<vmem>> -> memref<64x128xf32, #tpu.memory_space<vmem>>
          %dma_start3A_244 = arith.constant 0 : i32
          %dma_start3A_245 = tpu.memref_slice %arg6[%dma_start3A_244, %mul3A_232] : memref<64x1000001xf32, #tpu.memory_space<hbm>> -> memref<64x128xf32, #tpu.memory_space<hbm>>
          tpu.enqueue_dma source(%dma_start3A_245 : memref<64x128xf32, #tpu.memory_space<hbm>>) target(%dma_start3A_243 : memref<64x128xf32, #tpu.memory_space<vmem>>) target_semaphore(%dma_start3A_239 : memref<!tpu.dma_semaphore, #tpu.memory_space<semaphore_mem>>)
        } else {
        }
      } else {
      }
      %while3A_195 = arith.constant 0 : i32
      %while3A_196 = arith.subi %min3A_4, %while3A_195 : i32
      %while3A_197 = arith.addi %while3A_195, %while3A_196 : i32
      %while3A_198 = arith.constant 1 : i32
      %while3A_199 = arith.divsi %while3A_196, %while3A_198 : i32
      %while3A_200 = arith.muli %while3A_199, %while3A_198 : i32
      %while3A_201 = arith.addi %while3A_195, %while3A_200 : i32
      %while3A_202 = arith.constant 1 : i32
      %while3A_203 = scf.for %while3A_206 = %while3A_195 to %while3A_201 step %while3A_202 iter_args(%while3A_207 = %while3A_138) -> (i32)  : i32 {
        %rem3A_208 = arith.constant 3 : i32
        %rem3A_209 = arith.remsi %while3A_206, %rem3A_208 : i32
        %add3A_210 = arith.constant 245 : i32
        %add3A_211 = arith.addi %add3A_210, %while3A_206 : i32
        %get3A_212 = arith.index_cast %add3A_211 : i32 to index
        %get3A_213 = memref.load %arg13[%get3A_212] : memref<492xi32, #tpu.memory_space<smem>>
        %and3A_214 = arith.constant 1 : i32
        %and3A_215 = arith.andi %get3A_213, %and3A_214 : i32
        %gt3A_216 = arith.constant 0 : i32
        %gt3A_217 = arith.cmpi sgt, %and3A_215, %gt3A_216 : i32
        %convert_element_type3A_218 = arith.extui %gt3A_217 : i1 to i32
        %cond3A_219 = arith.constant 0 : i32
        %cond3A_220 = arith.cmpi ne, %convert_element_type3A_218, %cond3A_219 : i32
        scf.if %cond3A_220 {
          %dma_wait3A = arith.constant 0 : i32
          %dma_wait3A_246 = arith.constant 0 : i32
          %dma_wait3A_247 = arith.constant 0 : i32
          %dma_wait3A_248 = tpu.memref_slice %arg14[%dma_wait3A, %dma_wait3A_246, %dma_wait3A_247] : memref<3x64x128xf32, #tpu.memory_space<vmem>> -> memref<1x64x128xf32, #tpu.memory_space<vmem>>
          %dma_wait3A_249 = tpu.memref_squeeze %dma_wait3A_248 : memref<1x64x128xf32, #tpu.memory_space<vmem>> -> memref<64x128xf32, #tpu.memory_space<vmem>>
          %dma_wait3A_250 = arith.constant 0 : i32
          %dma_wait3A_251 = arith.constant 0 : i32
          %dma_wait3A_252 = tpu.memref_slice %arg5[%dma_wait3A_250, %dma_wait3A_251] : memref<64x1000001xf32, #tpu.memory_space<hbm>> -> memref<64x128xf32, #tpu.memory_space<hbm>>
          %dma_wait3A_253 = tpu.memref_slice %arg16[%rem3A_209] : memref<3x!tpu.dma_semaphore, #tpu.memory_space<semaphore_mem>> -> memref<1x!tpu.dma_semaphore, #tpu.memory_space<semaphore_mem>>
          %dma_wait3A_254 = tpu.memref_squeeze %dma_wait3A_253 : memref<1x!tpu.dma_semaphore, #tpu.memory_space<semaphore_mem>> -> memref<!tpu.dma_semaphore, #tpu.memory_space<semaphore_mem>>
          %dma_wait3A_255 = arith.constant 0 : i32
          %dma_wait3A_256 = arith.constant 0 : i32
          %dma_wait3A_257 = tpu.memref_slice %arg14[%dma_wait3A, %dma_wait3A_255, %dma_wait3A_256] : memref<3x64x128xf32, #tpu.memory_space<vmem>> -> memref<1x64x128xf32, #tpu.memory_space<vmem>>
          %dma_wait3A_258 = tpu.memref_squeeze %dma_wait3A_257 : memref<1x64x128xf32, #tpu.memory_space<vmem>> -> memref<64x128xf32, #tpu.memory_space<vmem>>
          %dma_wait3A_259 = arith.constant 0 : i32
          %dma_wait3A_260 = arith.constant 0 : i32
          %dma_wait3A_261 = tpu.memref_slice %arg5[%dma_wait3A_259, %dma_wait3A_260] : memref<64x1000001xf32, #tpu.memory_space<hbm>> -> memref<64x128xf32, #tpu.memory_space<hbm>>
          tpu.wait_dma2 semaphore(%dma_wait3A_254 : memref<!tpu.dma_semaphore, #tpu.memory_space<semaphore_mem>>) src(%dma_wait3A_261 : memref<64x128xf32, #tpu.memory_space<hbm>>) dst(%dma_wait3A_258 : memref<64x128xf32, #tpu.memory_space<vmem>>)
        } else {
        }
        %and3A_221 = arith.constant 2 : i32
        %and3A_222 = arith.andi %get3A_213, %and3A_221 : i32
        %gt3A_223 = arith.constant 0 : i32
        %gt3A_224 = arith.cmpi sgt, %and3A_222, %gt3A_223 : i32
        %convert_element_type3A_225 = arith.extui %gt3A_224 : i1 to i32
        %cond3A_226 = arith.constant 0 : i32
        %cond3A_227 = arith.cmpi ne, %convert_element_type3A_225, %cond3A_226 : i32
        scf.if %cond3A_227 {
          %dma_wait3A = arith.constant 0 : i32
          %dma_wait3A_246 = arith.constant 0 : i32
          %dma_wait3A_247 = arith.constant 0 : i32
          %dma_wait3A_248 = tpu.memref_slice %arg15[%dma_wait3A, %dma_wait3A_246, %dma_wait3A_247] : memref<3x64x128xf32, #tpu.memory_space<vmem>> -> memref<1x64x128xf32, #tpu.memory_space<vmem>>
          %dma_wait3A_249 = tpu.memref_squeeze %dma_wait3A_248 : memref<1x64x128xf32, #tpu.memory_space<vmem>> -> memref<64x128xf32, #tpu.memory_space<vmem>>
          %dma_wait3A_250 = arith.constant 0 : i32
          %dma_wait3A_251 = arith.constant 0 : i32
          %dma_wait3A_252 = tpu.memref_slice %arg6[%dma_wait3A_250, %dma_wait3A_251] : memref<64x1000001xf32, #tpu.memory_space<hbm>> -> memref<64x128xf32, #tpu.memory_space<hbm>>
          %dma_wait3A_253 = tpu.memref_slice %arg17[%rem3A_209] : memref<3x!tpu.dma_semaphore, #tpu.memory_space<semaphore_mem>> -> memref<1x!tpu.dma_semaphore, #tpu.memory_space<semaphore_mem>>
          %dma_wait3A_254 = tpu.memref_squeeze %dma_wait3A_253 : memref<1x!tpu.dma_semaphore, #tpu.memory_space<semaphore_mem>> -> memref<!tpu.dma_semaphore, #tpu.memory_space<semaphore_mem>>
          %dma_wait3A_255 = arith.constant 0 : i32
          %dma_wait3A_256 = arith.constant 0 : i32
          %dma_wait3A_257 = tpu.memref_slice %arg15[%dma_wait3A, %dma_wait3A_255, %dma_wait3A_256] : memref<3x64x128xf32, #tpu.memory_space<vmem>> -> memref<1x64x128xf32, #tpu.memory_space<vmem>>
          %dma_wait3A_258 = tpu.memref_squeeze %dma_wait3A_257 : memref<1x64x128xf32, #tpu.memory_space<vmem>> -> memref<64x128xf32, #tpu.memory_space<vmem>>
          %dma_wait3A_259 = arith.constant 0 : i32
          %dma_wait3A_260 = arith.constant 0 : i32
          %dma_wait3A_261 = tpu.memref_slice %arg6[%dma_wait3A_259, %dma_wait3A_260] : memref<64x1000001xf32, #tpu.memory_space<hbm>> -> memref<64x128xf32, #tpu.memory_space<hbm>>
          tpu.wait_dma2 semaphore(%dma_wait3A_254 : memref<!tpu.dma_semaphore, #tpu.memory_space<semaphore_mem>>) src(%dma_wait3A_261 : memref<64x128xf32, #tpu.memory_space<hbm>>) dst(%dma_wait3A_258 : memref<64x128xf32, #tpu.memory_space<vmem>>)
        } else {
        }
        %get3A_228 = arith.index_cast %while3A_206 : i32 to index
        %get3A_229 = memref.load %arg13[%get3A_228] : memref<492xi32, #tpu.memory_space<smem>>
        %while3A_230 = arith.constant 0 : i32
        %while3A_231 = arith.subi %get3A_229, %while3A_230 : i32
        %while3A_232 = arith.addi %while3A_230, %while3A_231 : i32
        %while3A_233 = arith.constant 1 : i32
        %while3A_234 = arith.divsi %while3A_231, %while3A_233 : i32
        %while3A_235 = arith.muli %while3A_234, %while3A_233 : i32
        %while3A_236 = arith.addi %while3A_230, %while3A_235 : i32
        %while3A_237 = arith.constant 1 : i32
        %while3A_238 = scf.for %while3A_246 = %while3A_230 to %while3A_236 step %while3A_237 iter_args(%while3A_247 = %while3A_207) -> (i32)  : i32 {
          %mul3A_248 = arith.constant 48 : i32
          %mul3A_249 = arith.muli %while3A_206, %mul3A_248 : i32
          %add3A_250 = arith.addi %mul3A_249, %while3A_246 : i32
          %get3A_251 = arith.index_cast %add3A_250 : i32 to index
          %get3A_252 = tpu.vector_load %arg10[%get3A_251] {strides = array<i32>} : memref<11776xi32, #tpu.memory_space<vmem>>, vector<16xi32>,
          %slice3A = vector.extract_strided_slice %get3A_252 {offsets = [0], sizes = [1], strides = [1]} : vector<16xi32> to vector<1xi32>
          %squeeze3A = vector.extract %slice3A[0] : i32 from vector<1xi32>
          %and3A_253 = arith.constant 16383 : i32
          %and3A_254 = arith.andi %squeeze3A, %and3A_253 : i32
          %shift_right_logical3A_255 = arith.constant 14 : i32
          %shift_right_logical3A_256 = arith.shrui %squeeze3A, %shift_right_logical3A_255 : i32
          %and3A_257 = arith.constant 127 : i32
          %and3A_258 = arith.andi %shift_right_logical3A_256, %and3A_257 : i32
          %shift_right_logical3A_259 = arith.constant 21 : i32
          %shift_right_logical3A_260 = arith.shrui %squeeze3A, %shift_right_logical3A_259 : i32
          %and3A_261 = arith.constant 3 : i32
          %and3A_262 = arith.andi %shift_right_logical3A_260, %and3A_261 : i32
          %shift_right_logical3A_263 = arith.constant 6 : i32
          %shift_right_logical3A_264 = arith.shrui %while3A_247, %shift_right_logical3A_263 : i32
          %and3A_265 = arith.constant 1 : i32
          %and3A_266 = arith.andi %shift_right_logical3A_264, %and3A_265 : i32
          %and3A_267 = arith.constant 63 : i32
          %and3A_268 = arith.andi %while3A_247, %and3A_267 : i32
          %eq3A_269 = arith.constant 0 : i32
          %eq3A_270 = arith.cmpi eq, %and3A_268, %eq3A_269 : i32
          %convert_element_type3A_271 = arith.extui %eq3A_270 : i1 to i32
          %cond3A_272 = arith.constant 0 : i32
          %cond3A_273 = arith.cmpi ne, %convert_element_type3A_271, %cond3A_272 : i32
          scf.if %cond3A_273 {
            %add3A_298 = arith.constant 490 : i32
            %add3A_299 = arith.addi %add3A_298, %and3A_266 : i32
            %get3A_300 = arith.index_cast %add3A_299 : i32 to index
            %get3A_301 = memref.load %arg13[%get3A_300] : memref<492xi32, #tpu.memory_space<smem>>
            %gt3A_302 = arith.constant 0 : i32
            %gt3A_303 = arith.cmpi sgt, %get3A_301, %gt3A_302 : i32
            %convert_element_type3A_304 = arith.extui %gt3A_303 : i1 to i32
            %cond3A_305 = arith.constant 0 : i32
            %cond3A_306 = arith.cmpi ne, %convert_element_type3A_304, %cond3A_305 : i32
            scf.if %cond3A_306 {
              %dma_wait3A = arith.constant 0 : i32
              %dma_wait3A_343 = arith.constant 0 : i32
              %dma_wait3A_344 = arith.constant 0 : i32
              %dma_wait3A_345 = arith.constant 0 : i32
              %dma_wait3A_346 = tpu.memref_slice %arg11[%dma_wait3A, %dma_wait3A_344, %dma_wait3A_345] : memref<2x64x128xf32, #tpu.memory_space<vmem>> -> memref<1x64x128xf32, #tpu.memory_space<vmem>>
              %dma_wait3A_347 = tpu.memref_squeeze %dma_wait3A_346 : memref<1x64x128xf32, #tpu.memory_space<vmem>> -> memref<64x128xf32, #tpu.memory_space<vmem>>
              %dma_wait3A_348 = arith.constant 0 : i32
              %dma_wait3A_349 = tpu.memref_slice %arg12[%dma_wait3A_343, %dma_wait3A_348] : memref<2x64xi32, #tpu.memory_space<vmem>> -> memref<1x64xi32, #tpu.memory_space<vmem>>
              %dma_wait3A_350 = tpu.memref_squeeze %dma_wait3A_349 : memref<1x64xi32, #tpu.memory_space<vmem>> -> memref<64xi32, #tpu.memory_space<vmem>>
              %dma_wait3A_351 = arith.constant 0 : i32
              %dma_wait3A_352 = arith.constant 0 : i32
              %dma_wait3A_353 = tpu.memref_slice %arg7[%dma_wait3A_351, %dma_wait3A_352] : memref<51200x128xf32, #tpu.memory_space<hbm>> -> memref<51200x128xf32, #tpu.memory_space<hbm>>
              %dma_wait3A_354 = tpu.memref_slice %arg18[%and3A_266] : memref<2x!tpu.dma_semaphore, #tpu.memory_space<semaphore_mem>> -> memref<1x!tpu.dma_semaphore, #tpu.memory_space<semaphore_mem>>
              %dma_wait3A_355 = tpu.memref_squeeze %dma_wait3A_354 : memref<1x!tpu.dma_semaphore, #tpu.memory_space<semaphore_mem>> -> memref<!tpu.dma_semaphore, #tpu.memory_space<semaphore_mem>>
              tpu.wait_indirect_dma semaphore(%dma_wait3A_355 : memref<!tpu.dma_semaphore, #tpu.memory_space<semaphore_mem>>) src(%dma_wait3A_347 : memref<64x128xf32, #tpu.memory_space<vmem>>) dst(%dma_wait3A_353 : memref<51200x128xf32, #tpu.memory_space<hbm>>)
              %add3A_356 = arith.constant 490 : i32
              %add3A_357 = arith.addi %add3A_356, %and3A_266 : i32
              %get3A_358 = arith.index_cast %add3A_357 : i32 to index
              %get3A_359 = memref.load %arg13[%get3A_358] : memref<492xi32, #tpu.memory_space<smem>>
              %sub3A_360 = arith.constant 1 : i32
              %sub3A_361 = arith.subi %get3A_359, %sub3A_360 : i32
              %add3A_362 = arith.constant 490 : i32
              %add3A_363 = arith.addi %add3A_362, %and3A_266 : i32
              %swap3A_364 = arith.index_cast %add3A_363 : i32 to index
              %swap3A_365 = memref.load %arg13[%swap3A_364] : memref<492xi32, #tpu.memory_space<smem>>
              memref.store %sub3A_361, %arg13[%swap3A_364] : memref<492xi32, #tpu.memory_space<smem>>
            } else {
            }
            %broadcast_in_dim3A_307 = vector.broadcast %and3A_266 : i32 to vector<16xi32>
            %add3A_308 = arith.constant 0 : i32
            %add3A_309 = vector.broadcast %add3A_308 : i32 to vector<16xi32>
            %add3A_310 = arith.addi %iota3A, %add3A_309 : vector<16xi32>
            %add3A_311 = vector.broadcast %add3A_10 : i32 to vector<16xi32>
            %add3A_312 = arith.addi %add3A_311, %iota3A : vector<16xi32>
            %add3A_313 = arith.constant 0 : i32
            %add3A_314 = vector.broadcast %add3A_313 : i32 to vector<16xi32>
            %add3A_315 = arith.addi %add3A_312, %add3A_314 : vector<16xi32>
            tpu.vector_store_idx %arg12[%broadcast_in_dim3A_307, %add3A_310], %add3A_315 : memref<2x64xi32, #tpu.memory_space<vmem>>[vector<16xi32>, vector<16xi32>], vector<16xi32>,
            %broadcast_in_dim3A_316 = vector.broadcast %and3A_266 : i32 to vector<16xi32>
            %add3A_317 = arith.constant 16 : i32
            %add3A_318 = vector.broadcast %add3A_317 : i32 to vector<16xi32>
            %add3A_319 = arith.addi %iota3A, %add3A_318 : vector<16xi32>
            %add3A_320 = vector.broadcast %add3A_10 : i32 to vector<16xi32>
            %add3A_321 = arith.addi %add3A_320, %iota3A : vector<16xi32>
            %add3A_322 = arith.constant 16 : i32
            %add3A_323 = vector.broadcast %add3A_322 : i32 to vector<16xi32>
            %add3A_324 = arith.addi %add3A_321, %add3A_323 : vector<16xi32>
            tpu.vector_store_idx %arg12[%broadcast_in_dim3A_316, %add3A_319], %add3A_324 : memref<2x64xi32, #tpu.memory_space<vmem>>[vector<16xi32>, vector<16xi32>], vector<16xi32>,
            %broadcast_in_dim3A_325 = vector.broadcast %and3A_266 : i32 to vector<16xi32>
            %add3A_326 = arith.constant 32 : i32
            %add3A_327 = vector.broadcast %add3A_326 : i32 to vector<16xi32>
            %add3A_328 = arith.addi %iota3A, %add3A_327 : vector<16xi32>
            %add3A_329 = vector.broadcast %add3A_10 : i32 to vector<16xi32>
            %add3A_330 = arith.addi %add3A_329, %iota3A : vector<16xi32>
            %add3A_331 = arith.constant 32 : i32
            %add3A_332 = vector.broadcast %add3A_331 : i32 to vector<16xi32>
            %add3A_333 = arith.addi %add3A_330, %add3A_332 : vector<16xi32>
            tpu.vector_store_idx %arg12[%broadcast_in_dim3A_325, %add3A_328], %add3A_333 : memref<2x64xi32, #tpu.memory_space<vmem>>[vector<16xi32>, vector<16xi32>], vector<16xi32>,
            %broadcast_in_dim3A_334 = vector.broadcast %and3A_266 : i32 to vector<16xi32>
            %add3A_335 = arith.constant 48 : i32
            %add3A_336 = vector.broadcast %add3A_335 : i32 to vector<16xi32>
            %add3A_337 = arith.addi %iota3A, %add3A_336 : vector<16xi32>
            %add3A_338 = vector.broadcast %add3A_10 : i32 to vector<16xi32>
            %add3A_339 = arith.addi %add3A_338, %iota3A : vector<16xi32>
            %add3A_340 = arith.constant 48 : i32
            %add3A_341 = vector.broadcast %add3A_340 : i32 to vector<16xi32>
            %add3A_342 = arith.addi %add3A_339, %add3A_341 : vector<16xi32>
            tpu.vector_store_idx %arg12[%broadcast_in_dim3A_334, %add3A_337], %add3A_342 : memref<2x64xi32, #tpu.memory_space<vmem>>[vector<16xi32>, vector<16xi32>], vector<16xi32>,
          } else {
          }
          %broadcast_in_dim3A_274 = vector.broadcast %and3A_258 : i32 to vector<16xi32>
          %eq3A_275 = arith.constant 0 : i32
          %eq3A_276 = arith.cmpi eq, %and3A_262, %eq3A_275 : i32
          %convert_element_type3A_277 = arith.extui %eq3A_276 : i1 to i32
          %cond3A_278 = arith.constant 0 : i32
          %cond3A_279 = arith.cmpi ne, %convert_element_type3A_277, %cond3A_278 : i32
          scf.if %cond3A_279 {
            %add3A_298 = arith.constant 0 : i32
            %add3A_299 = vector.broadcast %add3A_298 : i32 to vector<16xi32>
            %add3A_300 = arith.addi %iota3A, %add3A_299 : vector<16xi32>
            %broadcast_in_dim3A_301 = vector.broadcast %rem3A_209 : i32 to vector<16xi32>
            %gather3A = tpu.vector_load_idx %arg14[%broadcast_in_dim3A_301, %add3A_300, %broadcast_in_dim3A_274] : memref<3x64x128xf32, #tpu.memory_space<vmem>>[vector<16xi32>, vector<16xi32>, vector<16xi32>], vector<16xf32>,
            %broadcast_in_dim3A_302 = vector.broadcast %and3A_266 : i32 to vector<16xi32>
            %broadcast_in_dim3A_303 = vector.broadcast %and3A_268 : i32 to vector<16xi32>
            tpu.vector_store_idx %arg11[%broadcast_in_dim3A_302, %broadcast_in_dim3A_303, %add3A_300], %gather3A : memref<2x64x128xf32, #tpu.memory_space<vmem>>[vector<16xi32>, vector<16xi32>, vector<16xi32>], vector<16xf32>,
            %add3A_304 = arith.constant 16 : i32
            %add3A_305 = vector.broadcast %add3A_304 : i32 to vector<16xi32>
            %add3A_306 = arith.addi %iota3A, %add3A_305 : vector<16xi32>
            %broadcast_in_dim3A_307 = vector.broadcast %rem3A_209 : i32 to vector<16xi32>
            %gather3A_308 = tpu.vector_load_idx %arg14[%broadcast_in_dim3A_307, %add3A_306, %broadcast_in_dim3A_274] : memref<3x64x128xf32, #tpu.memory_space<vmem>>[vector<16xi32>, vector<16xi32>, vector<16xi32>], vector<16xf32>,
            %broadcast_in_dim3A_309 = vector.broadcast %and3A_266 : i32 to vector<16xi32>
            %broadcast_in_dim3A_310 = vector.broadcast %and3A_268 : i32 to vector<16xi32>
            tpu.vector_store_idx %arg11[%broadcast_in_dim3A_309, %broadcast_in_dim3A_310, %add3A_306], %gather3A_308 : memref<2x64x128xf32, #tpu.memory_space<vmem>>[vector<16xi32>, vector<16xi32>, vector<16xi32>], vector<16xf32>,
            %add3A_311 = arith.constant 32 : i32
            %add3A_312 = vector.broadcast %add3A_311 : i32 to vector<16xi32>
            %add3A_313 = arith.addi %iota3A, %add3A_312 : vector<16xi32>
            %broadcast_in_dim3A_314 = vector.broadcast %rem3A_209 : i32 to vector<16xi32>
            %gather3A_315 = tpu.vector_load_idx %arg14[%broadcast_in_dim3A_314, %add3A_313, %broadcast_in_dim3A_274] : memref<3x64x128xf32, #tpu.memory_space<vmem>>[vector<16xi32>, vector<16xi32>, vector<16xi32>], vector<16xf32>,
            %broadcast_in_dim3A_316 = vector.broadcast %and3A_266 : i32 to vector<16xi32>
            %broadcast_in_dim3A_317 = vector.broadcast %and3A_268 : i32 to vector<16xi32>
            tpu.vector_store_idx %arg11[%broadcast_in_dim3A_316, %broadcast_in_dim3A_317, %add3A_313], %gather3A_315 : memref<2x64x128xf32, #tpu.memory_space<vmem>>[vector<16xi32>, vector<16xi32>, vector<16xi32>], vector<16xf32>,
            %add3A_318 = arith.constant 48 : i32
            %add3A_319 = vector.broadcast %add3A_318 : i32 to vector<16xi32>
            %add3A_320 = arith.addi %iota3A, %add3A_319 : vector<16xi32>
            %broadcast_in_dim3A_321 = vector.broadcast %rem3A_209 : i32 to vector<16xi32>
            %gather3A_322 = tpu.vector_load_idx %arg14[%broadcast_in_dim3A_321, %add3A_320, %broadcast_in_dim3A_274] : memref<3x64x128xf32, #tpu.memory_space<vmem>>[vector<16xi32>, vector<16xi32>, vector<16xi32>], vector<16xf32>,
            %broadcast_in_dim3A_323 = vector.broadcast %and3A_266 : i32 to vector<16xi32>
            %broadcast_in_dim3A_324 = vector.broadcast %and3A_268 : i32 to vector<16xi32>
            tpu.vector_store_idx %arg11[%broadcast_in_dim3A_323, %broadcast_in_dim3A_324, %add3A_320], %gather3A_322 : memref<2x64x128xf32, #tpu.memory_space<vmem>>[vector<16xi32>, vector<16xi32>, vector<16xi32>], vector<16xf32>,
          } else {
          }
          %ne3A_280 = arith.constant 0 : i32
          %ne3A_281 = arith.cmpi ne, %and3A_262, %ne3A_280 : i32
          %convert_element_type3A_282 = arith.extui %ne3A_281 : i1 to i32
          %cond3A_283 = arith.constant 0 : i32
          %cond3A_284 = arith.cmpi ne, %convert_element_type3A_282, %cond3A_283 : i32
          scf.if %cond3A_284 {
            %add3A_298 = arith.constant 0 : i32
            %add3A_299 = vector.broadcast %add3A_298 : i32 to vector<16xi32>
            %add3A_300 = arith.addi %iota3A, %add3A_299 : vector<16xi32>
            %broadcast_in_dim3A_301 = vector.broadcast %rem3A_209 : i32 to vector<16xi32>
            %gather3A = tpu.vector_load_idx %arg15[%broadcast_in_dim3A_301, %add3A_300, %broadcast_in_dim3A_274] : memref<3x64x128xf32, #tpu.memory_space<vmem>>[vector<16xi32>, vector<16xi32>, vector<16xi32>], vector<16xf32>,
            %broadcast_in_dim3A_302 = vector.broadcast %and3A_266 : i32 to vector<16xi32>
            %broadcast_in_dim3A_303 = vector.broadcast %and3A_268 : i32 to vector<16xi32>
            tpu.vector_store_idx %arg11[%broadcast_in_dim3A_302, %broadcast_in_dim3A_303, %add3A_300], %gather3A : memref<2x64x128xf32, #tpu.memory_space<vmem>>[vector<16xi32>, vector<16xi32>, vector<16xi32>], vector<16xf32>,
            %add3A_304 = arith.constant 16 : i32
            %add3A_305 = vector.broadcast %add3A_304 : i32 to vector<16xi32>
            %add3A_306 = arith.addi %iota3A, %add3A_305 : vector<16xi32>
            %broadcast_in_dim3A_307 = vector.broadcast %rem3A_209 : i32 to vector<16xi32>
            %gather3A_308 = tpu.vector_load_idx %arg15[%broadcast_in_dim3A_307, %add3A_306, %broadcast_in_dim3A_274] : memref<3x64x128xf32, #tpu.memory_space<vmem>>[vector<16xi32>, vector<16xi32>, vector<16xi32>], vector<16xf32>,
            %broadcast_in_dim3A_309 = vector.broadcast %and3A_266 : i32 to vector<16xi32>
            %broadcast_in_dim3A_310 = vector.broadcast %and3A_268 : i32 to vector<16xi32>
            tpu.vector_store_idx %arg11[%broadcast_in_dim3A_309, %broadcast_in_dim3A_310, %add3A_306], %gather3A_308 : memref<2x64x128xf32, #tpu.memory_space<vmem>>[vector<16xi32>, vector<16xi32>, vector<16xi32>], vector<16xf32>,
            %add3A_311 = arith.constant 32 : i32
            %add3A_312 = vector.broadcast %add3A_311 : i32 to vector<16xi32>
            %add3A_313 = arith.addi %iota3A, %add3A_312 : vector<16xi32>
            %broadcast_in_dim3A_314 = vector.broadcast %rem3A_209 : i32 to vector<16xi32>
            %gather3A_315 = tpu.vector_load_idx %arg15[%broadcast_in_dim3A_314, %add3A_313, %broadcast_in_dim3A_274] : memref<3x64x128xf32, #tpu.memory_space<vmem>>[vector<16xi32>, vector<16xi32>, vector<16xi32>], vector<16xf32>,
            %broadcast_in_dim3A_316 = vector.broadcast %and3A_266 : i32 to vector<16xi32>
            %broadcast_in_dim3A_317 = vector.broadcast %and3A_268 : i32 to vector<16xi32>
            tpu.vector_store_idx %arg11[%broadcast_in_dim3A_316, %broadcast_in_dim3A_317, %add3A_313], %gather3A_315 : memref<2x64x128xf32, #tpu.memory_space<vmem>>[vector<16xi32>, vector<16xi32>, vector<16xi32>], vector<16xf32>,
            %add3A_318 = arith.constant 48 : i32
            %add3A_319 = vector.broadcast %add3A_318 : i32 to vector<16xi32>
            %add3A_320 = arith.addi %iota3A, %add3A_319 : vector<16xi32>
            %broadcast_in_dim3A_321 = vector.broadcast %rem3A_209 : i32 to vector<16xi32>
            %gather3A_322 = tpu.vector_load_idx %arg15[%broadcast_in_dim3A_321, %add3A_320, %broadcast_in_dim3A_274] : memref<3x64x128xf32, #tpu.memory_space<vmem>>[vector<16xi32>, vector<16xi32>, vector<16xi32>], vector<16xf32>,
            %broadcast_in_dim3A_323 = vector.broadcast %and3A_266 : i32 to vector<16xi32>
            %broadcast_in_dim3A_324 = vector.broadcast %and3A_268 : i32 to vector<16xi32>
            tpu.vector_store_idx %arg11[%broadcast_in_dim3A_323, %broadcast_in_dim3A_324, %add3A_320], %gather3A_322 : memref<2x64x128xf32, #tpu.memory_space<vmem>>[vector<16xi32>, vector<16xi32>, vector<16xi32>], vector<16xf32>,
          } else {
          }
          %broadcast_in_dim3A_285 = vector.broadcast %and3A_266 : i32 to vector<16xi32>
          %broadcast_in_dim3A_286 = vector.broadcast %and3A_268 : i32 to vector<16xi32>
          %mul3A_287 = arith.constant 16384 : i32
          %mul3A_288 = arith.muli %and3A_262, %mul3A_287 : i32
          %add3A_289 = arith.addi %mul3A_288, %and3A_254 : i32
          %broadcast_in_dim3A_290 = vector.broadcast %add3A_289 : i32 to vector<16xi32>
          tpu.vector_store_idx %arg12[%broadcast_in_dim3A_285, %broadcast_in_dim3A_286], %broadcast_in_dim3A_290 masked %eq3A_6 : memref<2x64xi32, #tpu.memory_space<vmem>>[vector<16xi32>, vector<16xi32>], vector<16xi32>, vector<16xi1>
          %eq3A_291 = arith.constant 63 : i32
          %eq3A_292 = arith.cmpi eq, %and3A_268, %eq3A_291 : i32
          %convert_element_type3A_293 = arith.extui %eq3A_292 : i1 to i32
          %cond3A_294 = arith.constant 0 : i32
          %cond3A_295 = arith.cmpi ne, %convert_element_type3A_293, %cond3A_294 : i32
          scf.if %cond3A_295 {
            %add3A_298 = arith.constant 490 : i32
            %add3A_299 = arith.addi %add3A_298, %and3A_266 : i32
            %get3A_300 = arith.index_cast %add3A_299 : i32 to index
            %get3A_301 = memref.load %arg13[%get3A_300] : memref<492xi32, #tpu.memory_space<smem>>
            %add3A_302 = arith.constant 1 : i32
            %add3A_303 = arith.addi %get3A_301, %add3A_302 : i32
            %add3A_304 = arith.constant 490 : i32
            %add3A_305 = arith.addi %add3A_304, %and3A_266 : i32
            %swap3A_306 = arith.index_cast %add3A_305 : i32 to index
            %swap3A_307 = memref.load %arg13[%swap3A_306] : memref<492xi32, #tpu.memory_space<smem>>
            memref.store %add3A_303, %arg13[%swap3A_306] : memref<492xi32, #tpu.memory_space<smem>>
            %dma_start3A = arith.constant 0 : i32
            %dma_start3A_308 = arith.constant 0 : i32
            %dma_start3A_309 = tpu.memref_slice %arg11[%and3A_266, %dma_start3A, %dma_start3A_308] : memref<2x64x128xf32, #tpu.memory_space<vmem>> -> memref<1x64x128xf32, #tpu.memory_space<vmem>>
            %dma_start3A_310 = tpu.memref_squeeze %dma_start3A_309 : memref<1x64x128xf32, #tpu.memory_space<vmem>> -> memref<64x128xf32, #tpu.memory_space<vmem>>
            %dma_start3A_311 = arith.constant 0 : i32
            %dma_start3A_312 = tpu.memref_slice %arg12[%and3A_266, %dma_start3A_311] : memref<2x64xi32, #tpu.memory_space<vmem>> -> memref<1x64xi32, #tpu.memory_space<vmem>>
            %dma_start3A_313 = tpu.memref_squeeze %dma_start3A_312 : memref<1x64xi32, #tpu.memory_space<vmem>> -> memref<64xi32, #tpu.memory_space<vmem>>
            %dma_start3A_314 = arith.constant 0 : i32
            %dma_start3A_315 = arith.constant 0 : i32
            %dma_start3A_316 = tpu.memref_slice %arg7[%dma_start3A_314, %dma_start3A_315] : memref<51200x128xf32, #tpu.memory_space<hbm>> -> memref<51200x128xf32, #tpu.memory_space<hbm>>
            %dma_start3A_317 = tpu.memref_slice %arg18[%and3A_266] : memref<2x!tpu.dma_semaphore, #tpu.memory_space<semaphore_mem>> -> memref<1x!tpu.dma_semaphore, #tpu.memory_space<semaphore_mem>>
            %dma_start3A_318 = tpu.memref_squeeze %dma_start3A_317 : memref<1x!tpu.dma_semaphore, #tpu.memory_space<semaphore_mem>> -> memref<!tpu.dma_semaphore, #tpu.memory_space<semaphore_mem>>
            tpu.enqueue_indirect_dma source(%dma_start3A_310 : memref<64x128xf32, #tpu.memory_space<vmem>>) target(%dma_start3A_316 : memref<51200x128xf32, #tpu.memory_space<hbm>>) offsets(%dma_start3A_313 : memref<64xi32, #tpu.memory_space<vmem>>) semaphore(%dma_start3A_318 : memref<!tpu.dma_semaphore, #tpu.memory_space<semaphore_mem>>)
          } else {
          }
          %add3A_296 = arith.constant 1 : i32
          %add3A_297 = arith.addi %while3A_247, %add3A_296 : i32
          scf.yield %add3A_297 : i32
        }
        %while3A_239 = arith.constant 1 : i32
        %while3A_240 = scf.for %while3A_246 = %while3A_236 to %while3A_232 step %while3A_239 iter_args(%while3A_247 = %while3A_238) -> (i32)  : i32 {
          %mul3A_248 = arith.constant 48 : i32
          %mul3A_249 = arith.muli %while3A_206, %mul3A_248 : i32
          %add3A_250 = arith.addi %mul3A_249, %while3A_246 : i32
          %get3A_251 = arith.index_cast %add3A_250 : i32 to index
          %get3A_252 = tpu.vector_load %arg10[%get3A_251] {strides = array<i32>} : memref<11776xi32, #tpu.memory_space<vmem>>, vector<16xi32>,
          %slice3A = vector.extract_strided_slice %get3A_252 {offsets = [0], sizes = [1], strides = [1]} : vector<16xi32> to vector<1xi32>
          %squeeze3A = vector.extract %slice3A[0] : i32 from vector<1xi32>
          %and3A_253 = arith.constant 16383 : i32
          %and3A_254 = arith.andi %squeeze3A, %and3A_253 : i32
          %shift_right_logical3A_255 = arith.constant 14 : i32
          %shift_right_logical3A_256 = arith.shrui %squeeze3A, %shift_right_logical3A_255 : i32
          %and3A_257 = arith.constant 127 : i32
          %and3A_258 = arith.andi %shift_right_logical3A_256, %and3A_257 : i32
          %shift_right_logical3A_259 = arith.constant 21 : i32
          %shift_right_logical3A_260 = arith.shrui %squeeze3A, %shift_right_logical3A_259 : i32
          %and3A_261 = arith.constant 3 : i32
          %and3A_262 = arith.andi %shift_right_logical3A_260, %and3A_261 : i32
          %shift_right_logical3A_263 = arith.constant 6 : i32
          %shift_right_logical3A_264 = arith.shrui %while3A_247, %shift_right_logical3A_263 : i32
          %and3A_265 = arith.constant 1 : i32
          %and3A_266 = arith.andi %shift_right_logical3A_264, %and3A_265 : i32
          %and3A_267 = arith.constant 63 : i32
          %and3A_268 = arith.andi %while3A_247, %and3A_267 : i32
          %eq3A_269 = arith.constant 0 : i32
          %eq3A_270 = arith.cmpi eq, %and3A_268, %eq3A_269 : i32
          %convert_element_type3A_271 = arith.extui %eq3A_270 : i1 to i32
          %cond3A_272 = arith.constant 0 : i32
          %cond3A_273 = arith.cmpi ne, %convert_element_type3A_271, %cond3A_272 : i32
          scf.if %cond3A_273 {
            %add3A_298 = arith.constant 490 : i32
            %add3A_299 = arith.addi %add3A_298, %and3A_266 : i32
            %get3A_300 = arith.index_cast %add3A_299 : i32 to index
            %get3A_301 = memref.load %arg13[%get3A_300] : memref<492xi32, #tpu.memory_space<smem>>
            %gt3A_302 = arith.constant 0 : i32
            %gt3A_303 = arith.cmpi sgt, %get3A_301, %gt3A_302 : i32
            %convert_element_type3A_304 = arith.extui %gt3A_303 : i1 to i32
            %cond3A_305 = arith.constant 0 : i32
            %cond3A_306 = arith.cmpi ne, %convert_element_type3A_304, %cond3A_305 : i32
            scf.if %cond3A_306 {
              %dma_wait3A = arith.constant 0 : i32
              %dma_wait3A_343 = arith.constant 0 : i32
              %dma_wait3A_344 = arith.constant 0 : i32
              %dma_wait3A_345 = arith.constant 0 : i32
              %dma_wait3A_346 = tpu.memref_slice %arg11[%dma_wait3A, %dma_wait3A_344, %dma_wait3A_345] : memref<2x64x128xf32, #tpu.memory_space<vmem>> -> memref<1x64x128xf32, #tpu.memory_space<vmem>>
              %dma_wait3A_347 = tpu.memref_squeeze %dma_wait3A_346 : memref<1x64x128xf32, #tpu.memory_space<vmem>> -> memref<64x128xf32, #tpu.memory_space<vmem>>
              %dma_wait3A_348 = arith.constant 0 : i32
              %dma_wait3A_349 = tpu.memref_slice %arg12[%dma_wait3A_343, %dma_wait3A_348] : memref<2x64xi32, #tpu.memory_space<vmem>> -> memref<1x64xi32, #tpu.memory_space<vmem>>
              %dma_wait3A_350 = tpu.memref_squeeze %dma_wait3A_349 : memref<1x64xi32, #tpu.memory_space<vmem>> -> memref<64xi32, #tpu.memory_space<vmem>>
              %dma_wait3A_351 = arith.constant 0 : i32
              %dma_wait3A_352 = arith.constant 0 : i32
              %dma_wait3A_353 = tpu.memref_slice %arg7[%dma_wait3A_351, %dma_wait3A_352] : memref<51200x128xf32, #tpu.memory_space<hbm>> -> memref<51200x128xf32, #tpu.memory_space<hbm>>
              %dma_wait3A_354 = tpu.memref_slice %arg18[%and3A_266] : memref<2x!tpu.dma_semaphore, #tpu.memory_space<semaphore_mem>> -> memref<1x!tpu.dma_semaphore, #tpu.memory_space<semaphore_mem>>
              %dma_wait3A_355 = tpu.memref_squeeze %dma_wait3A_354 : memref<1x!tpu.dma_semaphore, #tpu.memory_space<semaphore_mem>> -> memref<!tpu.dma_semaphore, #tpu.memory_space<semaphore_mem>>
              tpu.wait_indirect_dma semaphore(%dma_wait3A_355 : memref<!tpu.dma_semaphore, #tpu.memory_space<semaphore_mem>>) src(%dma_wait3A_347 : memref<64x128xf32, #tpu.memory_space<vmem>>) dst(%dma_wait3A_353 : memref<51200x128xf32, #tpu.memory_space<hbm>>)
              %add3A_356 = arith.constant 490 : i32
              %add3A_357 = arith.addi %add3A_356, %and3A_266 : i32
              %get3A_358 = arith.index_cast %add3A_357 : i32 to index
              %get3A_359 = memref.load %arg13[%get3A_358] : memref<492xi32, #tpu.memory_space<smem>>
              %sub3A_360 = arith.constant 1 : i32
              %sub3A_361 = arith.subi %get3A_359, %sub3A_360 : i32
              %add3A_362 = arith.constant 490 : i32
              %add3A_363 = arith.addi %add3A_362, %and3A_266 : i32
              %swap3A_364 = arith.index_cast %add3A_363 : i32 to index
              %swap3A_365 = memref.load %arg13[%swap3A_364] : memref<492xi32, #tpu.memory_space<smem>>
              memref.store %sub3A_361, %arg13[%swap3A_364] : memref<492xi32, #tpu.memory_space<smem>>
            } else {
            }
            %broadcast_in_dim3A_307 = vector.broadcast %and3A_266 : i32 to vector<16xi32>
            %add3A_308 = arith.constant 0 : i32
            %add3A_309 = vector.broadcast %add3A_308 : i32 to vector<16xi32>
            %add3A_310 = arith.addi %iota3A, %add3A_309 : vector<16xi32>
            %add3A_311 = vector.broadcast %add3A_10 : i32 to vector<16xi32>
            %add3A_312 = arith.addi %add3A_311, %iota3A : vector<16xi32>
            %add3A_313 = arith.constant 0 : i32
            %add3A_314 = vector.broadcast %add3A_313 : i32 to vector<16xi32>
            %add3A_315 = arith.addi %add3A_312, %add3A_314 : vector<16xi32>
            tpu.vector_store_idx %arg12[%broadcast_in_dim3A_307, %add3A_310], %add3A_315 : memref<2x64xi32, #tpu.memory_space<vmem>>[vector<16xi32>, vector<16xi32>], vector<16xi32>,
            %broadcast_in_dim3A_316 = vector.broadcast %and3A_266 : i32 to vector<16xi32>
            %add3A_317 = arith.constant 16 : i32
            %add3A_318 = vector.broadcast %add3A_317 : i32 to vector<16xi32>
            %add3A_319 = arith.addi %iota3A, %add3A_318 : vector<16xi32>
            %add3A_320 = vector.broadcast %add3A_10 : i32 to vector<16xi32>
            %add3A_321 = arith.addi %add3A_320, %iota3A : vector<16xi32>
            %add3A_322 = arith.constant 16 : i32
            %add3A_323 = vector.broadcast %add3A_322 : i32 to vector<16xi32>
            %add3A_324 = arith.addi %add3A_321, %add3A_323 : vector<16xi32>
            tpu.vector_store_idx %arg12[%broadcast_in_dim3A_316, %add3A_319], %add3A_324 : memref<2x64xi32, #tpu.memory_space<vmem>>[vector<16xi32>, vector<16xi32>], vector<16xi32>,
            %broadcast_in_dim3A_325 = vector.broadcast %and3A_266 : i32 to vector<16xi32>
            %add3A_326 = arith.constant 32 : i32
            %add3A_327 = vector.broadcast %add3A_326 : i32 to vector<16xi32>
            %add3A_328 = arith.addi %iota3A, %add3A_327 : vector<16xi32>
            %add3A_329 = vector.broadcast %add3A_10 : i32 to vector<16xi32>
            %add3A_330 = arith.addi %add3A_329, %iota3A : vector<16xi32>
            %add3A_331 = arith.constant 32 : i32
            %add3A_332 = vector.broadcast %add3A_331 : i32 to vector<16xi32>
            %add3A_333 = arith.addi %add3A_330, %add3A_332 : vector<16xi32>
            tpu.vector_store_idx %arg12[%broadcast_in_dim3A_325, %add3A_328], %add3A_333 : memref<2x64xi32, #tpu.memory_space<vmem>>[vector<16xi32>, vector<16xi32>], vector<16xi32>,
            %broadcast_in_dim3A_334 = vector.broadcast %and3A_266 : i32 to vector<16xi32>
            %add3A_335 = arith.constant 48 : i32
            %add3A_336 = vector.broadcast %add3A_335 : i32 to vector<16xi32>
            %add3A_337 = arith.addi %iota3A, %add3A_336 : vector<16xi32>
            %add3A_338 = vector.broadcast %add3A_10 : i32 to vector<16xi32>
            %add3A_339 = arith.addi %add3A_338, %iota3A : vector<16xi32>
            %add3A_340 = arith.constant 48 : i32
            %add3A_341 = vector.broadcast %add3A_340 : i32 to vector<16xi32>
            %add3A_342 = arith.addi %add3A_339, %add3A_341 : vector<16xi32>
            tpu.vector_store_idx %arg12[%broadcast_in_dim3A_334, %add3A_337], %add3A_342 : memref<2x64xi32, #tpu.memory_space<vmem>>[vector<16xi32>, vector<16xi32>], vector<16xi32>,
          } else {
          }
          %broadcast_in_dim3A_274 = vector.broadcast %and3A_258 : i32 to vector<16xi32>
          %eq3A_275 = arith.constant 0 : i32
          %eq3A_276 = arith.cmpi eq, %and3A_262, %eq3A_275 : i32
          %convert_element_type3A_277 = arith.extui %eq3A_276 : i1 to i32
          %cond3A_278 = arith.constant 0 : i32
          %cond3A_279 = arith.cmpi ne, %convert_element_type3A_277, %cond3A_278 : i32
          scf.if %cond3A_279 {
            %add3A_298 = arith.constant 0 : i32
            %add3A_299 = vector.broadcast %add3A_298 : i32 to vector<16xi32>
            %add3A_300 = arith.addi %iota3A, %add3A_299 : vector<16xi32>
            %broadcast_in_dim3A_301 = vector.broadcast %rem3A_209 : i32 to vector<16xi32>
            %gather3A = tpu.vector_load_idx %arg14[%broadcast_in_dim3A_301, %add3A_300, %broadcast_in_dim3A_274] : memref<3x64x128xf32, #tpu.memory_space<vmem>>[vector<16xi32>, vector<16xi32>, vector<16xi32>], vector<16xf32>,
            %broadcast_in_dim3A_302 = vector.broadcast %and3A_266 : i32 to vector<16xi32>
            %broadcast_in_dim3A_303 = vector.broadcast %and3A_268 : i32 to vector<16xi32>
            tpu.vector_store_idx %arg11[%broadcast_in_dim3A_302, %broadcast_in_dim3A_303, %add3A_300], %gather3A : memref<2x64x128xf32, #tpu.memory_space<vmem>>[vector<16xi32>, vector<16xi32>, vector<16xi32>], vector<16xf32>,
            %add3A_304 = arith.constant 16 : i32
            %add3A_305 = vector.broadcast %add3A_304 : i32 to vector<16xi32>
            %add3A_306 = arith.addi %iota3A, %add3A_305 : vector<16xi32>
            %broadcast_in_dim3A_307 = vector.broadcast %rem3A_209 : i32 to vector<16xi32>
            %gather3A_308 = tpu.vector_load_idx %arg14[%broadcast_in_dim3A_307, %add3A_306, %broadcast_in_dim3A_274] : memref<3x64x128xf32, #tpu.memory_space<vmem>>[vector<16xi32>, vector<16xi32>, vector<16xi32>], vector<16xf32>,
            %broadcast_in_dim3A_309 = vector.broadcast %and3A_266 : i32 to vector<16xi32>
            %broadcast_in_dim3A_310 = vector.broadcast %and3A_268 : i32 to vector<16xi32>
            tpu.vector_store_idx %arg11[%broadcast_in_dim3A_309, %broadcast_in_dim3A_310, %add3A_306], %gather3A_308 : memref<2x64x128xf32, #tpu.memory_space<vmem>>[vector<16xi32>, vector<16xi32>, vector<16xi32>], vector<16xf32>,
            %add3A_311 = arith.constant 32 : i32
            %add3A_312 = vector.broadcast %add3A_311 : i32 to vector<16xi32>
            %add3A_313 = arith.addi %iota3A, %add3A_312 : vector<16xi32>
            %broadcast_in_dim3A_314 = vector.broadcast %rem3A_209 : i32 to vector<16xi32>
            %gather3A_315 = tpu.vector_load_idx %arg14[%broadcast_in_dim3A_314, %add3A_313, %broadcast_in_dim3A_274] : memref<3x64x128xf32, #tpu.memory_space<vmem>>[vector<16xi32>, vector<16xi32>, vector<16xi32>], vector<16xf32>,
            %broadcast_in_dim3A_316 = vector.broadcast %and3A_266 : i32 to vector<16xi32>
            %broadcast_in_dim3A_317 = vector.broadcast %and3A_268 : i32 to vector<16xi32>
            tpu.vector_store_idx %arg11[%broadcast_in_dim3A_316, %broadcast_in_dim3A_317, %add3A_313], %gather3A_315 : memref<2x64x128xf32, #tpu.memory_space<vmem>>[vector<16xi32>, vector<16xi32>, vector<16xi32>], vector<16xf32>,
            %add3A_318 = arith.constant 48 : i32
            %add3A_319 = vector.broadcast %add3A_318 : i32 to vector<16xi32>
            %add3A_320 = arith.addi %iota3A, %add3A_319 : vector<16xi32>
            %broadcast_in_dim3A_321 = vector.broadcast %rem3A_209 : i32 to vector<16xi32>
            %gather3A_322 = tpu.vector_load_idx %arg14[%broadcast_in_dim3A_321, %add3A_320, %broadcast_in_dim3A_274] : memref<3x64x128xf32, #tpu.memory_space<vmem>>[vector<16xi32>, vector<16xi32>, vector<16xi32>], vector<16xf32>,
            %broadcast_in_dim3A_323 = vector.broadcast %and3A_266 : i32 to vector<16xi32>
            %broadcast_in_dim3A_324 = vector.broadcast %and3A_268 : i32 to vector<16xi32>
            tpu.vector_store_idx %arg11[%broadcast_in_dim3A_323, %broadcast_in_dim3A_324, %add3A_320], %gather3A_322 : memref<2x64x128xf32, #tpu.memory_space<vmem>>[vector<16xi32>, vector<16xi32>, vector<16xi32>], vector<16xf32>,
          } else {
          }
          %ne3A_280 = arith.constant 0 : i32
          %ne3A_281 = arith.cmpi ne, %and3A_262, %ne3A_280 : i32
          %convert_element_type3A_282 = arith.extui %ne3A_281 : i1 to i32
          %cond3A_283 = arith.constant 0 : i32
          %cond3A_284 = arith.cmpi ne, %convert_element_type3A_282, %cond3A_283 : i32
          scf.if %cond3A_284 {
            %add3A_298 = arith.constant 0 : i32
            %add3A_299 = vector.broadcast %add3A_298 : i32 to vector<16xi32>
            %add3A_300 = arith.addi %iota3A, %add3A_299 : vector<16xi32>
            %broadcast_in_dim3A_301 = vector.broadcast %rem3A_209 : i32 to vector<16xi32>
            %gather3A = tpu.vector_load_idx %arg15[%broadcast_in_dim3A_301, %add3A_300, %broadcast_in_dim3A_274] : memref<3x64x128xf32, #tpu.memory_space<vmem>>[vector<16xi32>, vector<16xi32>, vector<16xi32>], vector<16xf32>,
            %broadcast_in_dim3A_302 = vector.broadcast %and3A_266 : i32 to vector<16xi32>
            %broadcast_in_dim3A_303 = vector.broadcast %and3A_268 : i32 to vector<16xi32>
            tpu.vector_store_idx %arg11[%broadcast_in_dim3A_302, %broadcast_in_dim3A_303, %add3A_300], %gather3A : memref<2x64x128xf32, #tpu.memory_space<vmem>>[vector<16xi32>, vector<16xi32>, vector<16xi32>], vector<16xf32>,
            %add3A_304 = arith.constant 16 : i32
            %add3A_305 = vector.broadcast %add3A_304 : i32 to vector<16xi32>
            %add3A_306 = arith.addi %iota3A, %add3A_305 : vector<16xi32>
            %broadcast_in_dim3A_307 = vector.broadcast %rem3A_209 : i32 to vector<16xi32>
            %gather3A_308 = tpu.vector_load_idx %arg15[%broadcast_in_dim3A_307, %add3A_306, %broadcast_in_dim3A_274] : memref<3x64x128xf32, #tpu.memory_space<vmem>>[vector<16xi32>, vector<16xi32>, vector<16xi32>], vector<16xf32>,
            %broadcast_in_dim3A_309 = vector.broadcast %and3A_266 : i32 to vector<16xi32>
            %broadcast_in_dim3A_310 = vector.broadcast %and3A_268 : i32 to vector<16xi32>
            tpu.vector_store_idx %arg11[%broadcast_in_dim3A_309, %broadcast_in_dim3A_310, %add3A_306], %gather3A_308 : memref<2x64x128xf32, #tpu.memory_space<vmem>>[vector<16xi32>, vector<16xi32>, vector<16xi32>], vector<16xf32>,
            %add3A_311 = arith.constant 32 : i32
            %add3A_312 = vector.broadcast %add3A_311 : i32 to vector<16xi32>
            %add3A_313 = arith.addi %iota3A, %add3A_312 : vector<16xi32>
            %broadcast_in_dim3A_314 = vector.broadcast %rem3A_209 : i32 to vector<16xi32>
            %gather3A_315 = tpu.vector_load_idx %arg15[%broadcast_in_dim3A_314, %add3A_313, %broadcast_in_dim3A_274] : memref<3x64x128xf32, #tpu.memory_space<vmem>>[vector<16xi32>, vector<16xi32>, vector<16xi32>], vector<16xf32>,
            %broadcast_in_dim3A_316 = vector.broadcast %and3A_266 : i32 to vector<16xi32>
            %broadcast_in_dim3A_317 = vector.broadcast %and3A_268 : i32 to vector<16xi32>
            tpu.vector_store_idx %arg11[%broadcast_in_dim3A_316, %broadcast_in_dim3A_317, %add3A_313], %gather3A_315 : memref<2x64x128xf32, #tpu.memory_space<vmem>>[vector<16xi32>, vector<16xi32>, vector<16xi32>], vector<16xf32>,
            %add3A_318 = arith.constant 48 : i32
            %add3A_319 = vector.broadcast %add3A_318 : i32 to vector<16xi32>
            %add3A_320 = arith.addi %iota3A, %add3A_319 : vector<16xi32>
            %broadcast_in_dim3A_321 = vector.broadcast %rem3A_209 : i32 to vector<16xi32>
            %gather3A_322 = tpu.vector_load_idx %arg15[%broadcast_in_dim3A_321, %add3A_320, %broadcast_in_dim3A_274] : memref<3x64x128xf32, #tpu.memory_space<vmem>>[vector<16xi32>, vector<16xi32>, vector<16xi32>], vector<16xf32>,
            %broadcast_in_dim3A_323 = vector.broadcast %and3A_266 : i32 to vector<16xi32>
            %broadcast_in_dim3A_324 = vector.broadcast %and3A_268 : i32 to vector<16xi32>
            tpu.vector_store_idx %arg11[%broadcast_in_dim3A_323, %broadcast_in_dim3A_324, %add3A_320], %gather3A_322 : memref<2x64x128xf32, #tpu.memory_space<vmem>>[vector<16xi32>, vector<16xi32>, vector<16xi32>], vector<16xf32>,
          } else {
          }
          %broadcast_in_dim3A_285 = vector.broadcast %and3A_266 : i32 to vector<16xi32>
          %broadcast_in_dim3A_286 = vector.broadcast %and3A_268 : i32 to vector<16xi32>
          %mul3A_287 = arith.constant 16384 : i32
          %mul3A_288 = arith.muli %and3A_262, %mul3A_287 : i32
          %add3A_289 = arith.addi %mul3A_288, %and3A_254 : i32
          %broadcast_in_dim3A_290 = vector.broadcast %add3A_289 : i32 to vector<16xi32>
          tpu.vector_store_idx %arg12[%broadcast_in_dim3A_285, %broadcast_in_dim3A_286], %broadcast_in_dim3A_290 masked %eq3A_6 : memref<2x64xi32, #tpu.memory_space<vmem>>[vector<16xi32>, vector<16xi32>], vector<16xi32>, vector<16xi1>
          %eq3A_291 = arith.constant 63 : i32
          %eq3A_292 = arith.cmpi eq, %and3A_268, %eq3A_291 : i32
          %convert_element_type3A_293 = arith.extui %eq3A_292 : i1 to i32
          %cond3A_294 = arith.constant 0 : i32
          %cond3A_295 = arith.cmpi ne, %convert_element_type3A_293, %cond3A_294 : i32
          scf.if %cond3A_295 {
            %add3A_298 = arith.constant 490 : i32
            %add3A_299 = arith.addi %add3A_298, %and3A_266 : i32
            %get3A_300 = arith.index_cast %add3A_299 : i32 to index
            %get3A_301 = memref.load %arg13[%get3A_300] : memref<492xi32, #tpu.memory_space<smem>>
            %add3A_302 = arith.constant 1 : i32
            %add3A_303 = arith.addi %get3A_301, %add3A_302 : i32
            %add3A_304 = arith.constant 490 : i32
            %add3A_305 = arith.addi %add3A_304, %and3A_266 : i32
            %swap3A_306 = arith.index_cast %add3A_305 : i32 to index
            %swap3A_307 = memref.load %arg13[%swap3A_306] : memref<492xi32, #tpu.memory_space<smem>>
            memref.store %add3A_303, %arg13[%swap3A_306] : memref<492xi32, #tpu.memory_space<smem>>
            %dma_start3A = arith.constant 0 : i32
            %dma_start3A_308 = arith.constant 0 : i32
            %dma_start3A_309 = tpu.memref_slice %arg11[%and3A_266, %dma_start3A, %dma_start3A_308] : memref<2x64x128xf32, #tpu.memory_space<vmem>> -> memref<1x64x128xf32, #tpu.memory_space<vmem>>
            %dma_start3A_310 = tpu.memref_squeeze %dma_start3A_309 : memref<1x64x128xf32, #tpu.memory_space<vmem>> -> memref<64x128xf32, #tpu.memory_space<vmem>>
            %dma_start3A_311 = arith.constant 0 : i32
            %dma_start3A_312 = tpu.memref_slice %arg12[%and3A_266, %dma_start3A_311] : memref<2x64xi32, #tpu.memory_space<vmem>> -> memref<1x64xi32, #tpu.memory_space<vmem>>
            %dma_start3A_313 = tpu.memref_squeeze %dma_start3A_312 : memref<1x64xi32, #tpu.memory_space<vmem>> -> memref<64xi32, #tpu.memory_space<vmem>>
            %dma_start3A_314 = arith.constant 0 : i32
            %dma_start3A_315 = arith.constant 0 : i32
            %dma_start3A_316 = tpu.memref_slice %arg7[%dma_start3A_314, %dma_start3A_315] : memref<51200x128xf32, #tpu.memory_space<hbm>> -> memref<51200x128xf32, #tpu.memory_space<hbm>>
            %dma_start3A_317 = tpu.memref_slice %arg18[%and3A_266] : memref<2x!tpu.dma_semaphore, #tpu.memory_space<semaphore_mem>> -> memref<1x!tpu.dma_semaphore, #tpu.memory_space<semaphore_mem>>
            %dma_start3A_318 = tpu.memref_squeeze %dma_start3A_317 : memref<1x!tpu.dma_semaphore, #tpu.memory_space<semaphore_mem>> -> memref<!tpu.dma_semaphore, #tpu.memory_space<semaphore_mem>>
            tpu.enqueue_indirect_dma source(%dma_start3A_310 : memref<64x128xf32, #tpu.memory_space<vmem>>) target(%dma_start3A_316 : memref<51200x128xf32, #tpu.memory_space<hbm>>) offsets(%dma_start3A_313 : memref<64xi32, #tpu.memory_space<vmem>>) semaphore(%dma_start3A_318 : memref<!tpu.dma_semaphore, #tpu.memory_space<semaphore_mem>>)
          } else {
          }
          %add3A_296 = arith.constant 1 : i32
          %add3A_297 = arith.addi %while3A_247, %add3A_296 : i32
          scf.yield %add3A_297 : i32
        }
        %add3A_241 = arith.constant 3 : i32
        %add3A_242 = arith.addi %while3A_206, %add3A_241 : i32
        %lt3A = arith.cmpi slt, %add3A_242, %min3A_4 : i32
        %convert_element_type3A_243 = arith.extui %lt3A : i1 to i32
        %cond3A_244 = arith.constant 0 : i32
        %cond3A_245 = arith.cmpi ne, %convert_element_type3A_243, %cond3A_244 : i32
        scf.if %cond3A_245 {
          %add3A_246 = arith.constant 3 : i32
          %add3A_247 = arith.addi %while3A_206, %add3A_246 : i32
          %rem3A_248 = arith.constant 3 : i32
          %rem3A_249 = arith.remsi %add3A_247, %rem3A_248 : i32
          %add3A_250 = arith.constant 245 : i32
          %add3A_251 = arith.addi %add3A_250, %add3A_247 : i32
          %get3A_252 = arith.index_cast %add3A_251 : i32 to index
          %get3A_253 = memref.load %arg13[%get3A_252] : memref<492xi32, #tpu.memory_space<smem>>
          %and3A_254 = arith.constant 1 : i32
          %and3A_255 = arith.andi %get3A_253, %and3A_254 : i32
          %gt3A_256 = arith.constant 0 : i32
          %gt3A_257 = arith.cmpi sgt, %and3A_255, %gt3A_256 : i32
          %convert_element_type3A_258 = arith.extui %gt3A_257 : i1 to i32
          %cond3A_259 = arith.constant 0 : i32
          %cond3A_260 = arith.cmpi ne, %convert_element_type3A_258, %cond3A_259 : i32
          scf.if %cond3A_260 {
            %add3A_268 = arith.addi %mul3A_2, %add3A_247 : i32
            %mul3A_269 = arith.constant 128 : i32
            %mul3A_270 = arith.muli %add3A_268, %mul3A_269 : i32
            %dma_start3A = arith.constant 0 : i32
            %dma_start3A_271 = arith.constant 0 : i32
            %dma_start3A_272 = tpu.memref_slice %arg14[%rem3A_249, %dma_start3A, %dma_start3A_271] : memref<3x64x128xf32, #tpu.memory_space<vmem>> -> memref<1x64x128xf32, #tpu.memory_space<vmem>>
            %dma_start3A_273 = tpu.memref_squeeze %dma_start3A_272 : memref<1x64x128xf32, #tpu.memory_space<vmem>> -> memref<64x128xf32, #tpu.memory_space<vmem>>
            %dma_start3A_274 = arith.constant 0 : i32
            %dma_start3A_275 = tpu.memref_slice %arg5[%dma_start3A_274, %mul3A_270] : memref<64x1000001xf32, #tpu.memory_space<hbm>> -> memref<64x128xf32, #tpu.memory_space<hbm>>
            %dma_start3A_276 = tpu.memref_slice %arg16[%rem3A_249] : memref<3x!tpu.dma_semaphore, #tpu.memory_space<semaphore_mem>> -> memref<1x!tpu.dma_semaphore, #tpu.memory_space<semaphore_mem>>
            %dma_start3A_277 = tpu.memref_squeeze %dma_start3A_276 : memref<1x!tpu.dma_semaphore, #tpu.memory_space<semaphore_mem>> -> memref<!tpu.dma_semaphore, #tpu.memory_space<semaphore_mem>>
            %dma_start3A_278 = arith.constant 0 : i32
            %dma_start3A_279 = arith.constant 0 : i32
            %dma_start3A_280 = tpu.memref_slice %arg14[%rem3A_249, %dma_start3A_278, %dma_start3A_279] : memref<3x64x128xf32, #tpu.memory_space<vmem>> -> memref<1x64x128xf32, #tpu.memory_space<vmem>>
            %dma_start3A_281 = tpu.memref_squeeze %dma_start3A_280 : memref<1x64x128xf32, #tpu.memory_space<vmem>> -> memref<64x128xf32, #tpu.memory_space<vmem>>
            %dma_start3A_282 = arith.constant 0 : i32
            %dma_start3A_283 = tpu.memref_slice %arg5[%dma_start3A_282, %mul3A_270] : memref<64x1000001xf32, #tpu.memory_space<hbm>> -> memref<64x128xf32, #tpu.memory_space<hbm>>
            tpu.enqueue_dma source(%dma_start3A_283 : memref<64x128xf32, #tpu.memory_space<hbm>>) target(%dma_start3A_281 : memref<64x128xf32, #tpu.memory_space<vmem>>) target_semaphore(%dma_start3A_277 : memref<!tpu.dma_semaphore, #tpu.memory_space<semaphore_mem>>)
          } else {
          }
          %and3A_261 = arith.constant 2 : i32
          %and3A_262 = arith.andi %get3A_253, %and3A_261 : i32
          %gt3A_263 = arith.constant 0 : i32
          %gt3A_264 = arith.cmpi sgt, %and3A_262, %gt3A_263 : i32
          %convert_element_type3A_265 = arith.extui %gt3A_264 : i1 to i32
          %cond3A_266 = arith.constant 0 : i32
          %cond3A_267 = arith.cmpi ne, %convert_element_type3A_265, %cond3A_266 : i32
          scf.if %cond3A_267 {
            %add3A_268 = arith.addi %mul3A_2, %add3A_247 : i32
            %mul3A_269 = arith.constant 128 : i32
            %mul3A_270 = arith.muli %add3A_268, %mul3A_269 : i32
            %dma_start3A = arith.constant 0 : i32
            %dma_start3A_271 = arith.constant 0 : i32
            %dma_start3A_272 = tpu.memref_slice %arg15[%rem3A_249, %dma_start3A, %dma_start3A_271] : memref<3x64x128xf32, #tpu.memory_space<vmem>> -> memref<1x64x128xf32, #tpu.memory_space<vmem>>
            %dma_start3A_273 = tpu.memref_squeeze %dma_start3A_272 : memref<1x64x128xf32, #tpu.memory_space<vmem>> -> memref<64x128xf32, #tpu.memory_space<vmem>>
            %dma_start3A_274 = arith.constant 0 : i32
            %dma_start3A_275 = tpu.memref_slice %arg6[%dma_start3A_274, %mul3A_270] : memref<64x1000001xf32, #tpu.memory_space<hbm>> -> memref<64x128xf32, #tpu.memory_space<hbm>>
            %dma_start3A_276 = tpu.memref_slice %arg17[%rem3A_249] : memref<3x!tpu.dma_semaphore, #tpu.memory_space<semaphore_mem>> -> memref<1x!tpu.dma_semaphore, #tpu.memory_space<semaphore_mem>>
            %dma_start3A_277 = tpu.memref_squeeze %dma_start3A_276 : memref<1x!tpu.dma_semaphore, #tpu.memory_space<semaphore_mem>> -> memref<!tpu.dma_semaphore, #tpu.memory_space<semaphore_mem>>
            %dma_start3A_278 = arith.constant 0 : i32
            %dma_start3A_279 = arith.constant 0 : i32
            %dma_start3A_280 = tpu.memref_slice %arg15[%rem3A_249, %dma_start3A_278, %dma_start3A_279] : memref<3x64x128xf32, #tpu.memory_space<vmem>> -> memref<1x64x128xf32, #tpu.memory_space<vmem>>
            %dma_start3A_281 = tpu.memref_squeeze %dma_start3A_280 : memref<1x64x128xf32, #tpu.memory_space<vmem>> -> memref<64x128xf32, #tpu.memory_space<vmem>>
            %dma_start3A_282 = arith.constant 0 : i32
            %dma_start3A_283 = tpu.memref_slice %arg6[%dma_start3A_282, %mul3A_270] : memref<64x1000001xf32, #tpu.memory_space<hbm>> -> memref<64x128xf32, #tpu.memory_space<hbm>>
            tpu.enqueue_dma source(%dma_start3A_283 : memref<64x128xf32, #tpu.memory_space<hbm>>) target(%dma_start3A_281 : memref<64x128xf32, #tpu.memory_space<vmem>>) target_semaphore(%dma_start3A_277 : memref<!tpu.dma_semaphore, #tpu.memory_space<semaphore_mem>>)
          } else {
          }
        } else {
        }
        scf.yield %while3A_240 : i32
      }
      %while3A_204 = arith.constant 1 : i32
      %while3A_205 = scf.for %while3A_206 = %while3A_201 to %while3A_197 step %while3A_204 iter_args(%while3A_207 = %while3A_203) -> (i32)  : i32 {
        %rem3A_208 = arith.constant 3 : i32
        %rem3A_209 = arith.remsi %while3A_206, %rem3A_208 : i32
        %add3A_210 = arith.constant 245 : i32
        %add3A_211 = arith.addi %add3A_210, %while3A_206 : i32
        %get3A_212 = arith.index_cast %add3A_211 : i32 to index
        %get3A_213 = memref.load %arg13[%get3A_212] : memref<492xi32, #tpu.memory_space<smem>>
        %and3A_214 = arith.constant 1 : i32
        %and3A_215 = arith.andi %get3A_213, %and3A_214 : i32
        %gt3A_216 = arith.constant 0 : i32
        %gt3A_217 = arith.cmpi sgt, %and3A_215, %gt3A_216 : i32
        %convert_element_type3A_218 = arith.extui %gt3A_217 : i1 to i32
        %cond3A_219 = arith.constant 0 : i32
        %cond3A_220 = arith.cmpi ne, %convert_element_type3A_218, %cond3A_219 : i32
        scf.if %cond3A_220 {
          %dma_wait3A = arith.constant 0 : i32
          %dma_wait3A_246 = arith.constant 0 : i32
          %dma_wait3A_247 = arith.constant 0 : i32
          %dma_wait3A_248 = tpu.memref_slice %arg14[%dma_wait3A, %dma_wait3A_246, %dma_wait3A_247] : memref<3x64x128xf32, #tpu.memory_space<vmem>> -> memref<1x64x128xf32, #tpu.memory_space<vmem>>
          %dma_wait3A_249 = tpu.memref_squeeze %dma_wait3A_248 : memref<1x64x128xf32, #tpu.memory_space<vmem>> -> memref<64x128xf32, #tpu.memory_space<vmem>>
          %dma_wait3A_250 = arith.constant 0 : i32
          %dma_wait3A_251 = arith.constant 0 : i32
          %dma_wait3A_252 = tpu.memref_slice %arg5[%dma_wait3A_250, %dma_wait3A_251] : memref<64x1000001xf32, #tpu.memory_space<hbm>> -> memref<64x128xf32, #tpu.memory_space<hbm>>
          %dma_wait3A_253 = tpu.memref_slice %arg16[%rem3A_209] : memref<3x!tpu.dma_semaphore, #tpu.memory_space<semaphore_mem>> -> memref<1x!tpu.dma_semaphore, #tpu.memory_space<semaphore_mem>>
          %dma_wait3A_254 = tpu.memref_squeeze %dma_wait3A_253 : memref<1x!tpu.dma_semaphore, #tpu.memory_space<semaphore_mem>> -> memref<!tpu.dma_semaphore, #tpu.memory_space<semaphore_mem>>
          %dma_wait3A_255 = arith.constant 0 : i32
          %dma_wait3A_256 = arith.constant 0 : i32
          %dma_wait3A_257 = tpu.memref_slice %arg14[%dma_wait3A, %dma_wait3A_255, %dma_wait3A_256] : memref<3x64x128xf32, #tpu.memory_space<vmem>> -> memref<1x64x128xf32, #tpu.memory_space<vmem>>
          %dma_wait3A_258 = tpu.memref_squeeze %dma_wait3A_257 : memref<1x64x128xf32, #tpu.memory_space<vmem>> -> memref<64x128xf32, #tpu.memory_space<vmem>>
          %dma_wait3A_259 = arith.constant 0 : i32
          %dma_wait3A_260 = arith.constant 0 : i32
          %dma_wait3A_261 = tpu.memref_slice %arg5[%dma_wait3A_259, %dma_wait3A_260] : memref<64x1000001xf32, #tpu.memory_space<hbm>> -> memref<64x128xf32, #tpu.memory_space<hbm>>
          tpu.wait_dma2 semaphore(%dma_wait3A_254 : memref<!tpu.dma_semaphore, #tpu.memory_space<semaphore_mem>>) src(%dma_wait3A_261 : memref<64x128xf32, #tpu.memory_space<hbm>>) dst(%dma_wait3A_258 : memref<64x128xf32, #tpu.memory_space<vmem>>)
        } else {
        }
        %and3A_221 = arith.constant 2 : i32
        %and3A_222 = arith.andi %get3A_213, %and3A_221 : i32
        %gt3A_223 = arith.constant 0 : i32
        %gt3A_224 = arith.cmpi sgt, %and3A_222, %gt3A_223 : i32
        %convert_element_type3A_225 = arith.extui %gt3A_224 : i1 to i32
        %cond3A_226 = arith.constant 0 : i32
        %cond3A_227 = arith.cmpi ne, %convert_element_type3A_225, %cond3A_226 : i32
        scf.if %cond3A_227 {
          %dma_wait3A = arith.constant 0 : i32
          %dma_wait3A_246 = arith.constant 0 : i32
          %dma_wait3A_247 = arith.constant 0 : i32
          %dma_wait3A_248 = tpu.memref_slice %arg15[%dma_wait3A, %dma_wait3A_246, %dma_wait3A_247] : memref<3x64x128xf32, #tpu.memory_space<vmem>> -> memref<1x64x128xf32, #tpu.memory_space<vmem>>
          %dma_wait3A_249 = tpu.memref_squeeze %dma_wait3A_248 : memref<1x64x128xf32, #tpu.memory_space<vmem>> -> memref<64x128xf32, #tpu.memory_space<vmem>>
          %dma_wait3A_250 = arith.constant 0 : i32
          %dma_wait3A_251 = arith.constant 0 : i32
          %dma_wait3A_252 = tpu.memref_slice %arg6[%dma_wait3A_250, %dma_wait3A_251] : memref<64x1000001xf32, #tpu.memory_space<hbm>> -> memref<64x128xf32, #tpu.memory_space<hbm>>
          %dma_wait3A_253 = tpu.memref_slice %arg17[%rem3A_209] : memref<3x!tpu.dma_semaphore, #tpu.memory_space<semaphore_mem>> -> memref<1x!tpu.dma_semaphore, #tpu.memory_space<semaphore_mem>>
          %dma_wait3A_254 = tpu.memref_squeeze %dma_wait3A_253 : memref<1x!tpu.dma_semaphore, #tpu.memory_space<semaphore_mem>> -> memref<!tpu.dma_semaphore, #tpu.memory_space<semaphore_mem>>
          %dma_wait3A_255 = arith.constant 0 : i32
          %dma_wait3A_256 = arith.constant 0 : i32
          %dma_wait3A_257 = tpu.memref_slice %arg15[%dma_wait3A, %dma_wait3A_255, %dma_wait3A_256] : memref<3x64x128xf32, #tpu.memory_space<vmem>> -> memref<1x64x128xf32, #tpu.memory_space<vmem>>
          %dma_wait3A_258 = tpu.memref_squeeze %dma_wait3A_257 : memref<1x64x128xf32, #tpu.memory_space<vmem>> -> memref<64x128xf32, #tpu.memory_space<vmem>>
          %dma_wait3A_259 = arith.constant 0 : i32
          %dma_wait3A_260 = arith.constant 0 : i32
          %dma_wait3A_261 = tpu.memref_slice %arg6[%dma_wait3A_259, %dma_wait3A_260] : memref<64x1000001xf32, #tpu.memory_space<hbm>> -> memref<64x128xf32, #tpu.memory_space<hbm>>
          tpu.wait_dma2 semaphore(%dma_wait3A_254 : memref<!tpu.dma_semaphore, #tpu.memory_space<semaphore_mem>>) src(%dma_wait3A_261 : memref<64x128xf32, #tpu.memory_space<hbm>>) dst(%dma_wait3A_258 : memref<64x128xf32, #tpu.memory_space<vmem>>)
        } else {
        }
        %get3A_228 = arith.index_cast %while3A_206 : i32 to index
        %get3A_229 = memref.load %arg13[%get3A_228] : memref<492xi32, #tpu.memory_space<smem>>
        %while3A_230 = arith.constant 0 : i32
        %while3A_231 = arith.subi %get3A_229, %while3A_230 : i32
        %while3A_232 = arith.addi %while3A_230, %while3A_231 : i32
        %while3A_233 = arith.constant 1 : i32
        %while3A_234 = arith.divsi %while3A_231, %while3A_233 : i32
        %while3A_235 = arith.muli %while3A_234, %while3A_233 : i32
        %while3A_236 = arith.addi %while3A_230, %while3A_235 : i32
        %while3A_237 = arith.constant 1 : i32
        %while3A_238 = scf.for %while3A_246 = %while3A_230 to %while3A_236 step %while3A_237 iter_args(%while3A_247 = %while3A_207) -> (i32)  : i32 {
          %mul3A_248 = arith.constant 48 : i32
          %mul3A_249 = arith.muli %while3A_206, %mul3A_248 : i32
          %add3A_250 = arith.addi %mul3A_249, %while3A_246 : i32
          %get3A_251 = arith.index_cast %add3A_250 : i32 to index
          %get3A_252 = tpu.vector_load %arg10[%get3A_251] {strides = array<i32>} : memref<11776xi32, #tpu.memory_space<vmem>>, vector<16xi32>,
          %slice3A = vector.extract_strided_slice %get3A_252 {offsets = [0], sizes = [1], strides = [1]} : vector<16xi32> to vector<1xi32>
          %squeeze3A = vector.extract %slice3A[0] : i32 from vector<1xi32>
          %and3A_253 = arith.constant 16383 : i32
          %and3A_254 = arith.andi %squeeze3A, %and3A_253 : i32
          %shift_right_logical3A_255 = arith.constant 14 : i32
          %shift_right_logical3A_256 = arith.shrui %squeeze3A, %shift_right_logical3A_255 : i32
          %and3A_257 = arith.constant 127 : i32
          %and3A_258 = arith.andi %shift_right_logical3A_256, %and3A_257 : i32
          %shift_right_logical3A_259 = arith.constant 21 : i32
          %shift_right_logical3A_260 = arith.shrui %squeeze3A, %shift_right_logical3A_259 : i32
          %and3A_261 = arith.constant 3 : i32
          %and3A_262 = arith.andi %shift_right_logical3A_260, %and3A_261 : i32
          %shift_right_logical3A_263 = arith.constant 6 : i32
          %shift_right_logical3A_264 = arith.shrui %while3A_247, %shift_right_logical3A_263 : i32
          %and3A_265 = arith.constant 1 : i32
          %and3A_266 = arith.andi %shift_right_logical3A_264, %and3A_265 : i32
          %and3A_267 = arith.constant 63 : i32
          %and3A_268 = arith.andi %while3A_247, %and3A_267 : i32
          %eq3A_269 = arith.constant 0 : i32
          %eq3A_270 = arith.cmpi eq, %and3A_268, %eq3A_269 : i32
          %convert_element_type3A_271 = arith.extui %eq3A_270 : i1 to i32
          %cond3A_272 = arith.constant 0 : i32
          %cond3A_273 = arith.cmpi ne, %convert_element_type3A_271, %cond3A_272 : i32
          scf.if %cond3A_273 {
            %add3A_298 = arith.constant 490 : i32
            %add3A_299 = arith.addi %add3A_298, %and3A_266 : i32
            %get3A_300 = arith.index_cast %add3A_299 : i32 to index
            %get3A_301 = memref.load %arg13[%get3A_300] : memref<492xi32, #tpu.memory_space<smem>>
            %gt3A_302 = arith.constant 0 : i32
            %gt3A_303 = arith.cmpi sgt, %get3A_301, %gt3A_302 : i32
            %convert_element_type3A_304 = arith.extui %gt3A_303 : i1 to i32
            %cond3A_305 = arith.constant 0 : i32
            %cond3A_306 = arith.cmpi ne, %convert_element_type3A_304, %cond3A_305 : i32
            scf.if %cond3A_306 {
              %dma_wait3A = arith.constant 0 : i32
              %dma_wait3A_343 = arith.constant 0 : i32
              %dma_wait3A_344 = arith.constant 0 : i32
              %dma_wait3A_345 = arith.constant 0 : i32
              %dma_wait3A_346 = tpu.memref_slice %arg11[%dma_wait3A, %dma_wait3A_344, %dma_wait3A_345] : memref<2x64x128xf32, #tpu.memory_space<vmem>> -> memref<1x64x128xf32, #tpu.memory_space<vmem>>
              %dma_wait3A_347 = tpu.memref_squeeze %dma_wait3A_346 : memref<1x64x128xf32, #tpu.memory_space<vmem>> -> memref<64x128xf32, #tpu.memory_space<vmem>>
              %dma_wait3A_348 = arith.constant 0 : i32
              %dma_wait3A_349 = tpu.memref_slice %arg12[%dma_wait3A_343, %dma_wait3A_348] : memref<2x64xi32, #tpu.memory_space<vmem>> -> memref<1x64xi32, #tpu.memory_space<vmem>>
              %dma_wait3A_350 = tpu.memref_squeeze %dma_wait3A_349 : memref<1x64xi32, #tpu.memory_space<vmem>> -> memref<64xi32, #tpu.memory_space<vmem>>
              %dma_wait3A_351 = arith.constant 0 : i32
              %dma_wait3A_352 = arith.constant 0 : i32
              %dma_wait3A_353 = tpu.memref_slice %arg7[%dma_wait3A_351, %dma_wait3A_352] : memref<51200x128xf32, #tpu.memory_space<hbm>> -> memref<51200x128xf32, #tpu.memory_space<hbm>>
              %dma_wait3A_354 = tpu.memref_slice %arg18[%and3A_266] : memref<2x!tpu.dma_semaphore, #tpu.memory_space<semaphore_mem>> -> memref<1x!tpu.dma_semaphore, #tpu.memory_space<semaphore_mem>>
              %dma_wait3A_355 = tpu.memref_squeeze %dma_wait3A_354 : memref<1x!tpu.dma_semaphore, #tpu.memory_space<semaphore_mem>> -> memref<!tpu.dma_semaphore, #tpu.memory_space<semaphore_mem>>
              tpu.wait_indirect_dma semaphore(%dma_wait3A_355 : memref<!tpu.dma_semaphore, #tpu.memory_space<semaphore_mem>>) src(%dma_wait3A_347 : memref<64x128xf32, #tpu.memory_space<vmem>>) dst(%dma_wait3A_353 : memref<51200x128xf32, #tpu.memory_space<hbm>>)
              %add3A_356 = arith.constant 490 : i32
              %add3A_357 = arith.addi %add3A_356, %and3A_266 : i32
              %get3A_358 = arith.index_cast %add3A_357 : i32 to index
              %get3A_359 = memref.load %arg13[%get3A_358] : memref<492xi32, #tpu.memory_space<smem>>
              %sub3A_360 = arith.constant 1 : i32
              %sub3A_361 = arith.subi %get3A_359, %sub3A_360 : i32
              %add3A_362 = arith.constant 490 : i32
              %add3A_363 = arith.addi %add3A_362, %and3A_266 : i32
              %swap3A_364 = arith.index_cast %add3A_363 : i32 to index
              %swap3A_365 = memref.load %arg13[%swap3A_364] : memref<492xi32, #tpu.memory_space<smem>>
              memref.store %sub3A_361, %arg13[%swap3A_364] : memref<492xi32, #tpu.memory_space<smem>>
            } else {
            }
            %broadcast_in_dim3A_307 = vector.broadcast %and3A_266 : i32 to vector<16xi32>
            %add3A_308 = arith.constant 0 : i32
            %add3A_309 = vector.broadcast %add3A_308 : i32 to vector<16xi32>
            %add3A_310 = arith.addi %iota3A, %add3A_309 : vector<16xi32>
            %add3A_311 = vector.broadcast %add3A_10 : i32 to vector<16xi32>
            %add3A_312 = arith.addi %add3A_311, %iota3A : vector<16xi32>
            %add3A_313 = arith.constant 0 : i32
            %add3A_314 = vector.broadcast %add3A_313 : i32 to vector<16xi32>
            %add3A_315 = arith.addi %add3A_312, %add3A_314 : vector<16xi32>
            tpu.vector_store_idx %arg12[%broadcast_in_dim3A_307, %add3A_310], %add3A_315 : memref<2x64xi32, #tpu.memory_space<vmem>>[vector<16xi32>, vector<16xi32>], vector<16xi32>,
            %broadcast_in_dim3A_316 = vector.broadcast %and3A_266 : i32 to vector<16xi32>
            %add3A_317 = arith.constant 16 : i32
            %add3A_318 = vector.broadcast %add3A_317 : i32 to vector<16xi32>
            %add3A_319 = arith.addi %iota3A, %add3A_318 : vector<16xi32>
            %add3A_320 = vector.broadcast %add3A_10 : i32 to vector<16xi32>
            %add3A_321 = arith.addi %add3A_320, %iota3A : vector<16xi32>
            %add3A_322 = arith.constant 16 : i32
            %add3A_323 = vector.broadcast %add3A_322 : i32 to vector<16xi32>
            %add3A_324 = arith.addi %add3A_321, %add3A_323 : vector<16xi32>
            tpu.vector_store_idx %arg12[%broadcast_in_dim3A_316, %add3A_319], %add3A_324 : memref<2x64xi32, #tpu.memory_space<vmem>>[vector<16xi32>, vector<16xi32>], vector<16xi32>,
            %broadcast_in_dim3A_325 = vector.broadcast %and3A_266 : i32 to vector<16xi32>
            %add3A_326 = arith.constant 32 : i32
            %add3A_327 = vector.broadcast %add3A_326 : i32 to vector<16xi32>
            %add3A_328 = arith.addi %iota3A, %add3A_327 : vector<16xi32>
            %add3A_329 = vector.broadcast %add3A_10 : i32 to vector<16xi32>
            %add3A_330 = arith.addi %add3A_329, %iota3A : vector<16xi32>
            %add3A_331 = arith.constant 32 : i32
            %add3A_332 = vector.broadcast %add3A_331 : i32 to vector<16xi32>
            %add3A_333 = arith.addi %add3A_330, %add3A_332 : vector<16xi32>
            tpu.vector_store_idx %arg12[%broadcast_in_dim3A_325, %add3A_328], %add3A_333 : memref<2x64xi32, #tpu.memory_space<vmem>>[vector<16xi32>, vector<16xi32>], vector<16xi32>,
            %broadcast_in_dim3A_334 = vector.broadcast %and3A_266 : i32 to vector<16xi32>
            %add3A_335 = arith.constant 48 : i32
            %add3A_336 = vector.broadcast %add3A_335 : i32 to vector<16xi32>
            %add3A_337 = arith.addi %iota3A, %add3A_336 : vector<16xi32>
            %add3A_338 = vector.broadcast %add3A_10 : i32 to vector<16xi32>
            %add3A_339 = arith.addi %add3A_338, %iota3A : vector<16xi32>
            %add3A_340 = arith.constant 48 : i32
            %add3A_341 = vector.broadcast %add3A_340 : i32 to vector<16xi32>
            %add3A_342 = arith.addi %add3A_339, %add3A_341 : vector<16xi32>
            tpu.vector_store_idx %arg12[%broadcast_in_dim3A_334, %add3A_337], %add3A_342 : memref<2x64xi32, #tpu.memory_space<vmem>>[vector<16xi32>, vector<16xi32>], vector<16xi32>,
          } else {
          }
          %broadcast_in_dim3A_274 = vector.broadcast %and3A_258 : i32 to vector<16xi32>
          %eq3A_275 = arith.constant 0 : i32
          %eq3A_276 = arith.cmpi eq, %and3A_262, %eq3A_275 : i32
          %convert_element_type3A_277 = arith.extui %eq3A_276 : i1 to i32
          %cond3A_278 = arith.constant 0 : i32
          %cond3A_279 = arith.cmpi ne, %convert_element_type3A_277, %cond3A_278 : i32
          scf.if %cond3A_279 {
            %add3A_298 = arith.constant 0 : i32
            %add3A_299 = vector.broadcast %add3A_298 : i32 to vector<16xi32>
            %add3A_300 = arith.addi %iota3A, %add3A_299 : vector<16xi32>
            %broadcast_in_dim3A_301 = vector.broadcast %rem3A_209 : i32 to vector<16xi32>
            %gather3A = tpu.vector_load_idx %arg14[%broadcast_in_dim3A_301, %add3A_300, %broadcast_in_dim3A_274] : memref<3x64x128xf32, #tpu.memory_space<vmem>>[vector<16xi32>, vector<16xi32>, vector<16xi32>], vector<16xf32>,
            %broadcast_in_dim3A_302 = vector.broadcast %and3A_266 : i32 to vector<16xi32>
            %broadcast_in_dim3A_303 = vector.broadcast %and3A_268 : i32 to vector<16xi32>
            tpu.vector_store_idx %arg11[%broadcast_in_dim3A_302, %broadcast_in_dim3A_303, %add3A_300], %gather3A : memref<2x64x128xf32, #tpu.memory_space<vmem>>[vector<16xi32>, vector<16xi32>, vector<16xi32>], vector<16xf32>,
            %add3A_304 = arith.constant 16 : i32
            %add3A_305 = vector.broadcast %add3A_304 : i32 to vector<16xi32>
            %add3A_306 = arith.addi %iota3A, %add3A_305 : vector<16xi32>
            %broadcast_in_dim3A_307 = vector.broadcast %rem3A_209 : i32 to vector<16xi32>
            %gather3A_308 = tpu.vector_load_idx %arg14[%broadcast_in_dim3A_307, %add3A_306, %broadcast_in_dim3A_274] : memref<3x64x128xf32, #tpu.memory_space<vmem>>[vector<16xi32>, vector<16xi32>, vector<16xi32>], vector<16xf32>,
            %broadcast_in_dim3A_309 = vector.broadcast %and3A_266 : i32 to vector<16xi32>
            %broadcast_in_dim3A_310 = vector.broadcast %and3A_268 : i32 to vector<16xi32>
            tpu.vector_store_idx %arg11[%broadcast_in_dim3A_309, %broadcast_in_dim3A_310, %add3A_306], %gather3A_308 : memref<2x64x128xf32, #tpu.memory_space<vmem>>[vector<16xi32>, vector<16xi32>, vector<16xi32>], vector<16xf32>,
            %add3A_311 = arith.constant 32 : i32
            %add3A_312 = vector.broadcast %add3A_311 : i32 to vector<16xi32>
            %add3A_313 = arith.addi %iota3A, %add3A_312 : vector<16xi32>
            %broadcast_in_dim3A_314 = vector.broadcast %rem3A_209 : i32 to vector<16xi32>
            %gather3A_315 = tpu.vector_load_idx %arg14[%broadcast_in_dim3A_314, %add3A_313, %broadcast_in_dim3A_274] : memref<3x64x128xf32, #tpu.memory_space<vmem>>[vector<16xi32>, vector<16xi32>, vector<16xi32>], vector<16xf32>,
            %broadcast_in_dim3A_316 = vector.broadcast %and3A_266 : i32 to vector<16xi32>
            %broadcast_in_dim3A_317 = vector.broadcast %and3A_268 : i32 to vector<16xi32>
            tpu.vector_store_idx %arg11[%broadcast_in_dim3A_316, %broadcast_in_dim3A_317, %add3A_313], %gather3A_315 : memref<2x64x128xf32, #tpu.memory_space<vmem>>[vector<16xi32>, vector<16xi32>, vector<16xi32>], vector<16xf32>,
            %add3A_318 = arith.constant 48 : i32
            %add3A_319 = vector.broadcast %add3A_318 : i32 to vector<16xi32>
            %add3A_320 = arith.addi %iota3A, %add3A_319 : vector<16xi32>
            %broadcast_in_dim3A_321 = vector.broadcast %rem3A_209 : i32 to vector<16xi32>
            %gather3A_322 = tpu.vector_load_idx %arg14[%broadcast_in_dim3A_321, %add3A_320, %broadcast_in_dim3A_274] : memref<3x64x128xf32, #tpu.memory_space<vmem>>[vector<16xi32>, vector<16xi32>, vector<16xi32>], vector<16xf32>,
            %broadcast_in_dim3A_323 = vector.broadcast %and3A_266 : i32 to vector<16xi32>
            %broadcast_in_dim3A_324 = vector.broadcast %and3A_268 : i32 to vector<16xi32>
            tpu.vector_store_idx %arg11[%broadcast_in_dim3A_323, %broadcast_in_dim3A_324, %add3A_320], %gather3A_322 : memref<2x64x128xf32, #tpu.memory_space<vmem>>[vector<16xi32>, vector<16xi32>, vector<16xi32>], vector<16xf32>,
          } else {
          }
          %ne3A_280 = arith.constant 0 : i32
          %ne3A_281 = arith.cmpi ne, %and3A_262, %ne3A_280 : i32
          %convert_element_type3A_282 = arith.extui %ne3A_281 : i1 to i32
          %cond3A_283 = arith.constant 0 : i32
          %cond3A_284 = arith.cmpi ne, %convert_element_type3A_282, %cond3A_283 : i32
          scf.if %cond3A_284 {
            %add3A_298 = arith.constant 0 : i32
            %add3A_299 = vector.broadcast %add3A_298 : i32 to vector<16xi32>
            %add3A_300 = arith.addi %iota3A, %add3A_299 : vector<16xi32>
            %broadcast_in_dim3A_301 = vector.broadcast %rem3A_209 : i32 to vector<16xi32>
            %gather3A = tpu.vector_load_idx %arg15[%broadcast_in_dim3A_301, %add3A_300, %broadcast_in_dim3A_274] : memref<3x64x128xf32, #tpu.memory_space<vmem>>[vector<16xi32>, vector<16xi32>, vector<16xi32>], vector<16xf32>,
            %broadcast_in_dim3A_302 = vector.broadcast %and3A_266 : i32 to vector<16xi32>
            %broadcast_in_dim3A_303 = vector.broadcast %and3A_268 : i32 to vector<16xi32>
            tpu.vector_store_idx %arg11[%broadcast_in_dim3A_302, %broadcast_in_dim3A_303, %add3A_300], %gather3A : memref<2x64x128xf32, #tpu.memory_space<vmem>>[vector<16xi32>, vector<16xi32>, vector<16xi32>], vector<16xf32>,
            %add3A_304 = arith.constant 16 : i32
            %add3A_305 = vector.broadcast %add3A_304 : i32 to vector<16xi32>
            %add3A_306 = arith.addi %iota3A, %add3A_305 : vector<16xi32>
            %broadcast_in_dim3A_307 = vector.broadcast %rem3A_209 : i32 to vector<16xi32>
            %gather3A_308 = tpu.vector_load_idx %arg15[%broadcast_in_dim3A_307, %add3A_306, %broadcast_in_dim3A_274] : memref<3x64x128xf32, #tpu.memory_space<vmem>>[vector<16xi32>, vector<16xi32>, vector<16xi32>], vector<16xf32>,
            %broadcast_in_dim3A_309 = vector.broadcast %and3A_266 : i32 to vector<16xi32>
            %broadcast_in_dim3A_310 = vector.broadcast %and3A_268 : i32 to vector<16xi32>
            tpu.vector_store_idx %arg11[%broadcast_in_dim3A_309, %broadcast_in_dim3A_310, %add3A_306], %gather3A_308 : memref<2x64x128xf32, #tpu.memory_space<vmem>>[vector<16xi32>, vector<16xi32>, vector<16xi32>], vector<16xf32>,
            %add3A_311 = arith.constant 32 : i32
            %add3A_312 = vector.broadcast %add3A_311 : i32 to vector<16xi32>
            %add3A_313 = arith.addi %iota3A, %add3A_312 : vector<16xi32>
            %broadcast_in_dim3A_314 = vector.broadcast %rem3A_209 : i32 to vector<16xi32>
            %gather3A_315 = tpu.vector_load_idx %arg15[%broadcast_in_dim3A_314, %add3A_313, %broadcast_in_dim3A_274] : memref<3x64x128xf32, #tpu.memory_space<vmem>>[vector<16xi32>, vector<16xi32>, vector<16xi32>], vector<16xf32>,
            %broadcast_in_dim3A_316 = vector.broadcast %and3A_266 : i32 to vector<16xi32>
            %broadcast_in_dim3A_317 = vector.broadcast %and3A_268 : i32 to vector<16xi32>
            tpu.vector_store_idx %arg11[%broadcast_in_dim3A_316, %broadcast_in_dim3A_317, %add3A_313], %gather3A_315 : memref<2x64x128xf32, #tpu.memory_space<vmem>>[vector<16xi32>, vector<16xi32>, vector<16xi32>], vector<16xf32>,
            %add3A_318 = arith.constant 48 : i32
            %add3A_319 = vector.broadcast %add3A_318 : i32 to vector<16xi32>
            %add3A_320 = arith.addi %iota3A, %add3A_319 : vector<16xi32>
            %broadcast_in_dim3A_321 = vector.broadcast %rem3A_209 : i32 to vector<16xi32>
            %gather3A_322 = tpu.vector_load_idx %arg15[%broadcast_in_dim3A_321, %add3A_320, %broadcast_in_dim3A_274] : memref<3x64x128xf32, #tpu.memory_space<vmem>>[vector<16xi32>, vector<16xi32>, vector<16xi32>], vector<16xf32>,
            %broadcast_in_dim3A_323 = vector.broadcast %and3A_266 : i32 to vector<16xi32>
            %broadcast_in_dim3A_324 = vector.broadcast %and3A_268 : i32 to vector<16xi32>
            tpu.vector_store_idx %arg11[%broadcast_in_dim3A_323, %broadcast_in_dim3A_324, %add3A_320], %gather3A_322 : memref<2x64x128xf32, #tpu.memory_space<vmem>>[vector<16xi32>, vector<16xi32>, vector<16xi32>], vector<16xf32>,
          } else {
          }
          %broadcast_in_dim3A_285 = vector.broadcast %and3A_266 : i32 to vector<16xi32>
          %broadcast_in_dim3A_286 = vector.broadcast %and3A_268 : i32 to vector<16xi32>
          %mul3A_287 = arith.constant 16384 : i32
          %mul3A_288 = arith.muli %and3A_262, %mul3A_287 : i32
          %add3A_289 = arith.addi %mul3A_288, %and3A_254 : i32
          %broadcast_in_dim3A_290 = vector.broadcast %add3A_289 : i32 to vector<16xi32>
          tpu.vector_store_idx %arg12[%broadcast_in_dim3A_285, %broadcast_in_dim3A_286], %broadcast_in_dim3A_290 masked %eq3A_6 : memref<2x64xi32, #tpu.memory_space<vmem>>[vector<16xi32>, vector<16xi32>], vector<16xi32>, vector<16xi1>
          %eq3A_291 = arith.constant 63 : i32
          %eq3A_292 = arith.cmpi eq, %and3A_268, %eq3A_291 : i32
          %convert_element_type3A_293 = arith.extui %eq3A_292 : i1 to i32
          %cond3A_294 = arith.constant 0 : i32
          %cond3A_295 = arith.cmpi ne, %convert_element_type3A_293, %cond3A_294 : i32
          scf.if %cond3A_295 {
            %add3A_298 = arith.constant 490 : i32
            %add3A_299 = arith.addi %add3A_298, %and3A_266 : i32
            %get3A_300 = arith.index_cast %add3A_299 : i32 to index
            %get3A_301 = memref.load %arg13[%get3A_300] : memref<492xi32, #tpu.memory_space<smem>>
            %add3A_302 = arith.constant 1 : i32
            %add3A_303 = arith.addi %get3A_301, %add3A_302 : i32
            %add3A_304 = arith.constant 490 : i32
            %add3A_305 = arith.addi %add3A_304, %and3A_266 : i32
            %swap3A_306 = arith.index_cast %add3A_305 : i32 to index
            %swap3A_307 = memref.load %arg13[%swap3A_306] : memref<492xi32, #tpu.memory_space<smem>>
            memref.store %add3A_303, %arg13[%swap3A_306] : memref<492xi32, #tpu.memory_space<smem>>
            %dma_start3A = arith.constant 0 : i32
            %dma_start3A_308 = arith.constant 0 : i32
            %dma_start3A_309 = tpu.memref_slice %arg11[%and3A_266, %dma_start3A, %dma_start3A_308] : memref<2x64x128xf32, #tpu.memory_space<vmem>> -> memref<1x64x128xf32, #tpu.memory_space<vmem>>
            %dma_start3A_310 = tpu.memref_squeeze %dma_start3A_309 : memref<1x64x128xf32, #tpu.memory_space<vmem>> -> memref<64x128xf32, #tpu.memory_space<vmem>>
            %dma_start3A_311 = arith.constant 0 : i32
            %dma_start3A_312 = tpu.memref_slice %arg12[%and3A_266, %dma_start3A_311] : memref<2x64xi32, #tpu.memory_space<vmem>> -> memref<1x64xi32, #tpu.memory_space<vmem>>
            %dma_start3A_313 = tpu.memref_squeeze %dma_start3A_312 : memref<1x64xi32, #tpu.memory_space<vmem>> -> memref<64xi32, #tpu.memory_space<vmem>>
            %dma_start3A_314 = arith.constant 0 : i32
            %dma_start3A_315 = arith.constant 0 : i32
            %dma_start3A_316 = tpu.memref_slice %arg7[%dma_start3A_314, %dma_start3A_315] : memref<51200x128xf32, #tpu.memory_space<hbm>> -> memref<51200x128xf32, #tpu.memory_space<hbm>>
            %dma_start3A_317 = tpu.memref_slice %arg18[%and3A_266] : memref<2x!tpu.dma_semaphore, #tpu.memory_space<semaphore_mem>> -> memref<1x!tpu.dma_semaphore, #tpu.memory_space<semaphore_mem>>
            %dma_start3A_318 = tpu.memref_squeeze %dma_start3A_317 : memref<1x!tpu.dma_semaphore, #tpu.memory_space<semaphore_mem>> -> memref<!tpu.dma_semaphore, #tpu.memory_space<semaphore_mem>>
            tpu.enqueue_indirect_dma source(%dma_start3A_310 : memref<64x128xf32, #tpu.memory_space<vmem>>) target(%dma_start3A_316 : memref<51200x128xf32, #tpu.memory_space<hbm>>) offsets(%dma_start3A_313 : memref<64xi32, #tpu.memory_space<vmem>>) semaphore(%dma_start3A_318 : memref<!tpu.dma_semaphore, #tpu.memory_space<semaphore_mem>>)
          } else {
          }
          %add3A_296 = arith.constant 1 : i32
          %add3A_297 = arith.addi %while3A_247, %add3A_296 : i32
          scf.yield %add3A_297 : i32
        }
        %while3A_239 = arith.constant 1 : i32
        %while3A_240 = scf.for %while3A_246 = %while3A_236 to %while3A_232 step %while3A_239 iter_args(%while3A_247 = %while3A_238) -> (i32)  : i32 {
          %mul3A_248 = arith.constant 48 : i32
          %mul3A_249 = arith.muli %while3A_206, %mul3A_248 : i32
          %add3A_250 = arith.addi %mul3A_249, %while3A_246 : i32
          %get3A_251 = arith.index_cast %add3A_250 : i32 to index
          %get3A_252 = tpu.vector_load %arg10[%get3A_251] {strides = array<i32>} : memref<11776xi32, #tpu.memory_space<vmem>>, vector<16xi32>,
          %slice3A = vector.extract_strided_slice %get3A_252 {offsets = [0], sizes = [1], strides = [1]} : vector<16xi32> to vector<1xi32>
          %squeeze3A = vector.extract %slice3A[0] : i32 from vector<1xi32>
          %and3A_253 = arith.constant 16383 : i32
          %and3A_254 = arith.andi %squeeze3A, %and3A_253 : i32
          %shift_right_logical3A_255 = arith.constant 14 : i32
          %shift_right_logical3A_256 = arith.shrui %squeeze3A, %shift_right_logical3A_255 : i32
          %and3A_257 = arith.constant 127 : i32
          %and3A_258 = arith.andi %shift_right_logical3A_256, %and3A_257 : i32
          %shift_right_logical3A_259 = arith.constant 21 : i32
          %shift_right_logical3A_260 = arith.shrui %squeeze3A, %shift_right_logical3A_259 : i32
          %and3A_261 = arith.constant 3 : i32
          %and3A_262 = arith.andi %shift_right_logical3A_260, %and3A_261 : i32
          %shift_right_logical3A_263 = arith.constant 6 : i32
          %shift_right_logical3A_264 = arith.shrui %while3A_247, %shift_right_logical3A_263 : i32
          %and3A_265 = arith.constant 1 : i32
          %and3A_266 = arith.andi %shift_right_logical3A_264, %and3A_265 : i32
          %and3A_267 = arith.constant 63 : i32
          %and3A_268 = arith.andi %while3A_247, %and3A_267 : i32
          %eq3A_269 = arith.constant 0 : i32
          %eq3A_270 = arith.cmpi eq, %and3A_268, %eq3A_269 : i32
          %convert_element_type3A_271 = arith.extui %eq3A_270 : i1 to i32
          %cond3A_272 = arith.constant 0 : i32
          %cond3A_273 = arith.cmpi ne, %convert_element_type3A_271, %cond3A_272 : i32
          scf.if %cond3A_273 {
            %add3A_298 = arith.constant 490 : i32
            %add3A_299 = arith.addi %add3A_298, %and3A_266 : i32
            %get3A_300 = arith.index_cast %add3A_299 : i32 to index
            %get3A_301 = memref.load %arg13[%get3A_300] : memref<492xi32, #tpu.memory_space<smem>>
            %gt3A_302 = arith.constant 0 : i32
            %gt3A_303 = arith.cmpi sgt, %get3A_301, %gt3A_302 : i32
            %convert_element_type3A_304 = arith.extui %gt3A_303 : i1 to i32
            %cond3A_305 = arith.constant 0 : i32
            %cond3A_306 = arith.cmpi ne, %convert_element_type3A_304, %cond3A_305 : i32
            scf.if %cond3A_306 {
              %dma_wait3A = arith.constant 0 : i32
              %dma_wait3A_343 = arith.constant 0 : i32
              %dma_wait3A_344 = arith.constant 0 : i32
              %dma_wait3A_345 = arith.constant 0 : i32
              %dma_wait3A_346 = tpu.memref_slice %arg11[%dma_wait3A, %dma_wait3A_344, %dma_wait3A_345] : memref<2x64x128xf32, #tpu.memory_space<vmem>> -> memref<1x64x128xf32, #tpu.memory_space<vmem>>
              %dma_wait3A_347 = tpu.memref_squeeze %dma_wait3A_346 : memref<1x64x128xf32, #tpu.memory_space<vmem>> -> memref<64x128xf32, #tpu.memory_space<vmem>>
              %dma_wait3A_348 = arith.constant 0 : i32
              %dma_wait3A_349 = tpu.memref_slice %arg12[%dma_wait3A_343, %dma_wait3A_348] : memref<2x64xi32, #tpu.memory_space<vmem>> -> memref<1x64xi32, #tpu.memory_space<vmem>>
              %dma_wait3A_350 = tpu.memref_squeeze %dma_wait3A_349 : memref<1x64xi32, #tpu.memory_space<vmem>> -> memref<64xi32, #tpu.memory_space<vmem>>
              %dma_wait3A_351 = arith.constant 0 : i32
              %dma_wait3A_352 = arith.constant 0 : i32
              %dma_wait3A_353 = tpu.memref_slice %arg7[%dma_wait3A_351, %dma_wait3A_352] : memref<51200x128xf32, #tpu.memory_space<hbm>> -> memref<51200x128xf32, #tpu.memory_space<hbm>>
              %dma_wait3A_354 = tpu.memref_slice %arg18[%and3A_266] : memref<2x!tpu.dma_semaphore, #tpu.memory_space<semaphore_mem>> -> memref<1x!tpu.dma_semaphore, #tpu.memory_space<semaphore_mem>>
              %dma_wait3A_355 = tpu.memref_squeeze %dma_wait3A_354 : memref<1x!tpu.dma_semaphore, #tpu.memory_space<semaphore_mem>> -> memref<!tpu.dma_semaphore, #tpu.memory_space<semaphore_mem>>
              tpu.wait_indirect_dma semaphore(%dma_wait3A_355 : memref<!tpu.dma_semaphore, #tpu.memory_space<semaphore_mem>>) src(%dma_wait3A_347 : memref<64x128xf32, #tpu.memory_space<vmem>>) dst(%dma_wait3A_353 : memref<51200x128xf32, #tpu.memory_space<hbm>>)
              %add3A_356 = arith.constant 490 : i32
              %add3A_357 = arith.addi %add3A_356, %and3A_266 : i32
              %get3A_358 = arith.index_cast %add3A_357 : i32 to index
              %get3A_359 = memref.load %arg13[%get3A_358] : memref<492xi32, #tpu.memory_space<smem>>
              %sub3A_360 = arith.constant 1 : i32
              %sub3A_361 = arith.subi %get3A_359, %sub3A_360 : i32
              %add3A_362 = arith.constant 490 : i32
              %add3A_363 = arith.addi %add3A_362, %and3A_266 : i32
              %swap3A_364 = arith.index_cast %add3A_363 : i32 to index
              %swap3A_365 = memref.load %arg13[%swap3A_364] : memref<492xi32, #tpu.memory_space<smem>>
              memref.store %sub3A_361, %arg13[%swap3A_364] : memref<492xi32, #tpu.memory_space<smem>>
            } else {
            }
            %broadcast_in_dim3A_307 = vector.broadcast %and3A_266 : i32 to vector<16xi32>
            %add3A_308 = arith.constant 0 : i32
            %add3A_309 = vector.broadcast %add3A_308 : i32 to vector<16xi32>
            %add3A_310 = arith.addi %iota3A, %add3A_309 : vector<16xi32>
            %add3A_311 = vector.broadcast %add3A_10 : i32 to vector<16xi32>
            %add3A_312 = arith.addi %add3A_311, %iota3A : vector<16xi32>
            %add3A_313 = arith.constant 0 : i32
            %add3A_314 = vector.broadcast %add3A_313 : i32 to vector<16xi32>
            %add3A_315 = arith.addi %add3A_312, %add3A_314 : vector<16xi32>
            tpu.vector_store_idx %arg12[%broadcast_in_dim3A_307, %add3A_310], %add3A_315 : memref<2x64xi32, #tpu.memory_space<vmem>>[vector<16xi32>, vector<16xi32>], vector<16xi32>,
            %broadcast_in_dim3A_316 = vector.broadcast %and3A_266 : i32 to vector<16xi32>
            %add3A_317 = arith.constant 16 : i32
            %add3A_318 = vector.broadcast %add3A_317 : i32 to vector<16xi32>
            %add3A_319 = arith.addi %iota3A, %add3A_318 : vector<16xi32>
            %add3A_320 = vector.broadcast %add3A_10 : i32 to vector<16xi32>
            %add3A_321 = arith.addi %add3A_320, %iota3A : vector<16xi32>
            %add3A_322 = arith.constant 16 : i32
            %add3A_323 = vector.broadcast %add3A_322 : i32 to vector<16xi32>
            %add3A_324 = arith.addi %add3A_321, %add3A_323 : vector<16xi32>
            tpu.vector_store_idx %arg12[%broadcast_in_dim3A_316, %add3A_319], %add3A_324 : memref<2x64xi32, #tpu.memory_space<vmem>>[vector<16xi32>, vector<16xi32>], vector<16xi32>,
            %broadcast_in_dim3A_325 = vector.broadcast %and3A_266 : i32 to vector<16xi32>
            %add3A_326 = arith.constant 32 : i32
            %add3A_327 = vector.broadcast %add3A_326 : i32 to vector<16xi32>
            %add3A_328 = arith.addi %iota3A, %add3A_327 : vector<16xi32>
            %add3A_329 = vector.broadcast %add3A_10 : i32 to vector<16xi32>
            %add3A_330 = arith.addi %add3A_329, %iota3A : vector<16xi32>
            %add3A_331 = arith.constant 32 : i32
            %add3A_332 = vector.broadcast %add3A_331 : i32 to vector<16xi32>
            %add3A_333 = arith.addi %add3A_330, %add3A_332 : vector<16xi32>
            tpu.vector_store_idx %arg12[%broadcast_in_dim3A_325, %add3A_328], %add3A_333 : memref<2x64xi32, #tpu.memory_space<vmem>>[vector<16xi32>, vector<16xi32>], vector<16xi32>,
            %broadcast_in_dim3A_334 = vector.broadcast %and3A_266 : i32 to vector<16xi32>
            %add3A_335 = arith.constant 48 : i32
            %add3A_336 = vector.broadcast %add3A_335 : i32 to vector<16xi32>
            %add3A_337 = arith.addi %iota3A, %add3A_336 : vector<16xi32>
            %add3A_338 = vector.broadcast %add3A_10 : i32 to vector<16xi32>
            %add3A_339 = arith.addi %add3A_338, %iota3A : vector<16xi32>
            %add3A_340 = arith.constant 48 : i32
            %add3A_341 = vector.broadcast %add3A_340 : i32 to vector<16xi32>
            %add3A_342 = arith.addi %add3A_339, %add3A_341 : vector<16xi32>
            tpu.vector_store_idx %arg12[%broadcast_in_dim3A_334, %add3A_337], %add3A_342 : memref<2x64xi32, #tpu.memory_space<vmem>>[vector<16xi32>, vector<16xi32>], vector<16xi32>,
          } else {
          }
          %broadcast_in_dim3A_274 = vector.broadcast %and3A_258 : i32 to vector<16xi32>
          %eq3A_275 = arith.constant 0 : i32
          %eq3A_276 = arith.cmpi eq, %and3A_262, %eq3A_275 : i32
          %convert_element_type3A_277 = arith.extui %eq3A_276 : i1 to i32
          %cond3A_278 = arith.constant 0 : i32
          %cond3A_279 = arith.cmpi ne, %convert_element_type3A_277, %cond3A_278 : i32
          scf.if %cond3A_279 {
            %add3A_298 = arith.constant 0 : i32
            %add3A_299 = vector.broadcast %add3A_298 : i32 to vector<16xi32>
            %add3A_300 = arith.addi %iota3A, %add3A_299 : vector<16xi32>
            %broadcast_in_dim3A_301 = vector.broadcast %rem3A_209 : i32 to vector<16xi32>
            %gather3A = tpu.vector_load_idx %arg14[%broadcast_in_dim3A_301, %add3A_300, %broadcast_in_dim3A_274] : memref<3x64x128xf32, #tpu.memory_space<vmem>>[vector<16xi32>, vector<16xi32>, vector<16xi32>], vector<16xf32>,
            %broadcast_in_dim3A_302 = vector.broadcast %and3A_266 : i32 to vector<16xi32>
            %broadcast_in_dim3A_303 = vector.broadcast %and3A_268 : i32 to vector<16xi32>
            tpu.vector_store_idx %arg11[%broadcast_in_dim3A_302, %broadcast_in_dim3A_303, %add3A_300], %gather3A : memref<2x64x128xf32, #tpu.memory_space<vmem>>[vector<16xi32>, vector<16xi32>, vector<16xi32>], vector<16xf32>,
            %add3A_304 = arith.constant 16 : i32
            %add3A_305 = vector.broadcast %add3A_304 : i32 to vector<16xi32>
            %add3A_306 = arith.addi %iota3A, %add3A_305 : vector<16xi32>
            %broadcast_in_dim3A_307 = vector.broadcast %rem3A_209 : i32 to vector<16xi32>
            %gather3A_308 = tpu.vector_load_idx %arg14[%broadcast_in_dim3A_307, %add3A_306, %broadcast_in_dim3A_274] : memref<3x64x128xf32, #tpu.memory_space<vmem>>[vector<16xi32>, vector<16xi32>, vector<16xi32>], vector<16xf32>,
            %broadcast_in_dim3A_309 = vector.broadcast %and3A_266 : i32 to vector<16xi32>
            %broadcast_in_dim3A_310 = vector.broadcast %and3A_268 : i32 to vector<16xi32>
            tpu.vector_store_idx %arg11[%broadcast_in_dim3A_309, %broadcast_in_dim3A_310, %add3A_306], %gather3A_308 : memref<2x64x128xf32, #tpu.memory_space<vmem>>[vector<16xi32>, vector<16xi32>, vector<16xi32>], vector<16xf32>,
            %add3A_311 = arith.constant 32 : i32
            %add3A_312 = vector.broadcast %add3A_311 : i32 to vector<16xi32>
            %add3A_313 = arith.addi %iota3A, %add3A_312 : vector<16xi32>
            %broadcast_in_dim3A_314 = vector.broadcast %rem3A_209 : i32 to vector<16xi32>
            %gather3A_315 = tpu.vector_load_idx %arg14[%broadcast_in_dim3A_314, %add3A_313, %broadcast_in_dim3A_274] : memref<3x64x128xf32, #tpu.memory_space<vmem>>[vector<16xi32>, vector<16xi32>, vector<16xi32>], vector<16xf32>,
            %broadcast_in_dim3A_316 = vector.broadcast %and3A_266 : i32 to vector<16xi32>
            %broadcast_in_dim3A_317 = vector.broadcast %and3A_268 : i32 to vector<16xi32>
            tpu.vector_store_idx %arg11[%broadcast_in_dim3A_316, %broadcast_in_dim3A_317, %add3A_313], %gather3A_315 : memref<2x64x128xf32, #tpu.memory_space<vmem>>[vector<16xi32>, vector<16xi32>, vector<16xi32>], vector<16xf32>,
            %add3A_318 = arith.constant 48 : i32
            %add3A_319 = vector.broadcast %add3A_318 : i32 to vector<16xi32>
            %add3A_320 = arith.addi %iota3A, %add3A_319 : vector<16xi32>
            %broadcast_in_dim3A_321 = vector.broadcast %rem3A_209 : i32 to vector<16xi32>
            %gather3A_322 = tpu.vector_load_idx %arg14[%broadcast_in_dim3A_321, %add3A_320, %broadcast_in_dim3A_274] : memref<3x64x128xf32, #tpu.memory_space<vmem>>[vector<16xi32>, vector<16xi32>, vector<16xi32>], vector<16xf32>,
            %broadcast_in_dim3A_323 = vector.broadcast %and3A_266 : i32 to vector<16xi32>
            %broadcast_in_dim3A_324 = vector.broadcast %and3A_268 : i32 to vector<16xi32>
            tpu.vector_store_idx %arg11[%broadcast_in_dim3A_323, %broadcast_in_dim3A_324, %add3A_320], %gather3A_322 : memref<2x64x128xf32, #tpu.memory_space<vmem>>[vector<16xi32>, vector<16xi32>, vector<16xi32>], vector<16xf32>,
          } else {
          }
          %ne3A_280 = arith.constant 0 : i32
          %ne3A_281 = arith.cmpi ne, %and3A_262, %ne3A_280 : i32
          %convert_element_type3A_282 = arith.extui %ne3A_281 : i1 to i32
          %cond3A_283 = arith.constant 0 : i32
          %cond3A_284 = arith.cmpi ne, %convert_element_type3A_282, %cond3A_283 : i32
          scf.if %cond3A_284 {
            %add3A_298 = arith.constant 0 : i32
            %add3A_299 = vector.broadcast %add3A_298 : i32 to vector<16xi32>
            %add3A_300 = arith.addi %iota3A, %add3A_299 : vector<16xi32>
            %broadcast_in_dim3A_301 = vector.broadcast %rem3A_209 : i32 to vector<16xi32>
            %gather3A = tpu.vector_load_idx %arg15[%broadcast_in_dim3A_301, %add3A_300, %broadcast_in_dim3A_274] : memref<3x64x128xf32, #tpu.memory_space<vmem>>[vector<16xi32>, vector<16xi32>, vector<16xi32>], vector<16xf32>,
            %broadcast_in_dim3A_302 = vector.broadcast %and3A_266 : i32 to vector<16xi32>
            %broadcast_in_dim3A_303 = vector.broadcast %and3A_268 : i32 to vector<16xi32>
            tpu.vector_store_idx %arg11[%broadcast_in_dim3A_302, %broadcast_in_dim3A_303, %add3A_300], %gather3A : memref<2x64x128xf32, #tpu.memory_space<vmem>>[vector<16xi32>, vector<16xi32>, vector<16xi32>], vector<16xf32>,
            %add3A_304 = arith.constant 16 : i32
            %add3A_305 = vector.broadcast %add3A_304 : i32 to vector<16xi32>
            %add3A_306 = arith.addi %iota3A, %add3A_305 : vector<16xi32>
            %broadcast_in_dim3A_307 = vector.broadcast %rem3A_209 : i32 to vector<16xi32>
            %gather3A_308 = tpu.vector_load_idx %arg15[%broadcast_in_dim3A_307, %add3A_306, %broadcast_in_dim3A_274] : memref<3x64x128xf32, #tpu.memory_space<vmem>>[vector<16xi32>, vector<16xi32>, vector<16xi32>], vector<16xf32>,
            %broadcast_in_dim3A_309 = vector.broadcast %and3A_266 : i32 to vector<16xi32>
            %broadcast_in_dim3A_310 = vector.broadcast %and3A_268 : i32 to vector<16xi32>
            tpu.vector_store_idx %arg11[%broadcast_in_dim3A_309, %broadcast_in_dim3A_310, %add3A_306], %gather3A_308 : memref<2x64x128xf32, #tpu.memory_space<vmem>>[vector<16xi32>, vector<16xi32>, vector<16xi32>], vector<16xf32>,
            %add3A_311 = arith.constant 32 : i32
            %add3A_312 = vector.broadcast %add3A_311 : i32 to vector<16xi32>
            %add3A_313 = arith.addi %iota3A, %add3A_312 : vector<16xi32>
            %broadcast_in_dim3A_314 = vector.broadcast %rem3A_209 : i32 to vector<16xi32>
            %gather3A_315 = tpu.vector_load_idx %arg15[%broadcast_in_dim3A_314, %add3A_313, %broadcast_in_dim3A_274] : memref<3x64x128xf32, #tpu.memory_space<vmem>>[vector<16xi32>, vector<16xi32>, vector<16xi32>], vector<16xf32>,
            %broadcast_in_dim3A_316 = vector.broadcast %and3A_266 : i32 to vector<16xi32>
            %broadcast_in_dim3A_317 = vector.broadcast %and3A_268 : i32 to vector<16xi32>
            tpu.vector_store_idx %arg11[%broadcast_in_dim3A_316, %broadcast_in_dim3A_317, %add3A_313], %gather3A_315 : memref<2x64x128xf32, #tpu.memory_space<vmem>>[vector<16xi32>, vector<16xi32>, vector<16xi32>], vector<16xf32>,
            %add3A_318 = arith.constant 48 : i32
            %add3A_319 = vector.broadcast %add3A_318 : i32 to vector<16xi32>
            %add3A_320 = arith.addi %iota3A, %add3A_319 : vector<16xi32>
            %broadcast_in_dim3A_321 = vector.broadcast %rem3A_209 : i32 to vector<16xi32>
            %gather3A_322 = tpu.vector_load_idx %arg15[%broadcast_in_dim3A_321, %add3A_320, %broadcast_in_dim3A_274] : memref<3x64x128xf32, #tpu.memory_space<vmem>>[vector<16xi32>, vector<16xi32>, vector<16xi32>], vector<16xf32>,
            %broadcast_in_dim3A_323 = vector.broadcast %and3A_266 : i32 to vector<16xi32>
            %broadcast_in_dim3A_324 = vector.broadcast %and3A_268 : i32 to vector<16xi32>
            tpu.vector_store_idx %arg11[%broadcast_in_dim3A_323, %broadcast_in_dim3A_324, %add3A_320], %gather3A_322 : memref<2x64x128xf32, #tpu.memory_space<vmem>>[vector<16xi32>, vector<16xi32>, vector<16xi32>], vector<16xf32>,
          } else {
          }
          %broadcast_in_dim3A_285 = vector.broadcast %and3A_266 : i32 to vector<16xi32>
          %broadcast_in_dim3A_286 = vector.broadcast %and3A_268 : i32 to vector<16xi32>
          %mul3A_287 = arith.constant 16384 : i32
          %mul3A_288 = arith.muli %and3A_262, %mul3A_287 : i32
          %add3A_289 = arith.addi %mul3A_288, %and3A_254 : i32
          %broadcast_in_dim3A_290 = vector.broadcast %add3A_289 : i32 to vector<16xi32>
          tpu.vector_store_idx %arg12[%broadcast_in_dim3A_285, %broadcast_in_dim3A_286], %broadcast_in_dim3A_290 masked %eq3A_6 : memref<2x64xi32, #tpu.memory_space<vmem>>[vector<16xi32>, vector<16xi32>], vector<16xi32>, vector<16xi1>
          %eq3A_291 = arith.constant 63 : i32
          %eq3A_292 = arith.cmpi eq, %and3A_268, %eq3A_291 : i32
          %convert_element_type3A_293 = arith.extui %eq3A_292 : i1 to i32
          %cond3A_294 = arith.constant 0 : i32
          %cond3A_295 = arith.cmpi ne, %convert_element_type3A_293, %cond3A_294 : i32
          scf.if %cond3A_295 {
            %add3A_298 = arith.constant 490 : i32
            %add3A_299 = arith.addi %add3A_298, %and3A_266 : i32
            %get3A_300 = arith.index_cast %add3A_299 : i32 to index
            %get3A_301 = memref.load %arg13[%get3A_300] : memref<492xi32, #tpu.memory_space<smem>>
            %add3A_302 = arith.constant 1 : i32
            %add3A_303 = arith.addi %get3A_301, %add3A_302 : i32
            %add3A_304 = arith.constant 490 : i32
            %add3A_305 = arith.addi %add3A_304, %and3A_266 : i32
            %swap3A_306 = arith.index_cast %add3A_305 : i32 to index
            %swap3A_307 = memref.load %arg13[%swap3A_306] : memref<492xi32, #tpu.memory_space<smem>>
            memref.store %add3A_303, %arg13[%swap3A_306] : memref<492xi32, #tpu.memory_space<smem>>
            %dma_start3A = arith.constant 0 : i32
            %dma_start3A_308 = arith.constant 0 : i32
            %dma_start3A_309 = tpu.memref_slice %arg11[%and3A_266, %dma_start3A, %dma_start3A_308] : memref<2x64x128xf32, #tpu.memory_space<vmem>> -> memref<1x64x128xf32, #tpu.memory_space<vmem>>
            %dma_start3A_310 = tpu.memref_squeeze %dma_start3A_309 : memref<1x64x128xf32, #tpu.memory_space<vmem>> -> memref<64x128xf32, #tpu.memory_space<vmem>>
            %dma_start3A_311 = arith.constant 0 : i32
            %dma_start3A_312 = tpu.memref_slice %arg12[%and3A_266, %dma_start3A_311] : memref<2x64xi32, #tpu.memory_space<vmem>> -> memref<1x64xi32, #tpu.memory_space<vmem>>
            %dma_start3A_313 = tpu.memref_squeeze %dma_start3A_312 : memref<1x64xi32, #tpu.memory_space<vmem>> -> memref<64xi32, #tpu.memory_space<vmem>>
            %dma_start3A_314 = arith.constant 0 : i32
            %dma_start3A_315 = arith.constant 0 : i32
            %dma_start3A_316 = tpu.memref_slice %arg7[%dma_start3A_314, %dma_start3A_315] : memref<51200x128xf32, #tpu.memory_space<hbm>> -> memref<51200x128xf32, #tpu.memory_space<hbm>>
            %dma_start3A_317 = tpu.memref_slice %arg18[%and3A_266] : memref<2x!tpu.dma_semaphore, #tpu.memory_space<semaphore_mem>> -> memref<1x!tpu.dma_semaphore, #tpu.memory_space<semaphore_mem>>
            %dma_start3A_318 = tpu.memref_squeeze %dma_start3A_317 : memref<1x!tpu.dma_semaphore, #tpu.memory_space<semaphore_mem>> -> memref<!tpu.dma_semaphore, #tpu.memory_space<semaphore_mem>>
            tpu.enqueue_indirect_dma source(%dma_start3A_310 : memref<64x128xf32, #tpu.memory_space<vmem>>) target(%dma_start3A_316 : memref<51200x128xf32, #tpu.memory_space<hbm>>) offsets(%dma_start3A_313 : memref<64xi32, #tpu.memory_space<vmem>>) semaphore(%dma_start3A_318 : memref<!tpu.dma_semaphore, #tpu.memory_space<semaphore_mem>>)
          } else {
          }
          %add3A_296 = arith.constant 1 : i32
          %add3A_297 = arith.addi %while3A_247, %add3A_296 : i32
          scf.yield %add3A_297 : i32
        }
        %add3A_241 = arith.constant 3 : i32
        %add3A_242 = arith.addi %while3A_206, %add3A_241 : i32
        %lt3A = arith.cmpi slt, %add3A_242, %min3A_4 : i32
        %convert_element_type3A_243 = arith.extui %lt3A : i1 to i32
        %cond3A_244 = arith.constant 0 : i32
        %cond3A_245 = arith.cmpi ne, %convert_element_type3A_243, %cond3A_244 : i32
        scf.if %cond3A_245 {
          %add3A_246 = arith.constant 3 : i32
          %add3A_247 = arith.addi %while3A_206, %add3A_246 : i32
          %rem3A_248 = arith.constant 3 : i32
          %rem3A_249 = arith.remsi %add3A_247, %rem3A_248 : i32
          %add3A_250 = arith.constant 245 : i32
          %add3A_251 = arith.addi %add3A_250, %add3A_247 : i32
          %get3A_252 = arith.index_cast %add3A_251 : i32 to index
          %get3A_253 = memref.load %arg13[%get3A_252] : memref<492xi32, #tpu.memory_space<smem>>
          %and3A_254 = arith.constant 1 : i32
          %and3A_255 = arith.andi %get3A_253, %and3A_254 : i32
          %gt3A_256 = arith.constant 0 : i32
          %gt3A_257 = arith.cmpi sgt, %and3A_255, %gt3A_256 : i32
          %convert_element_type3A_258 = arith.extui %gt3A_257 : i1 to i32
          %cond3A_259 = arith.constant 0 : i32
          %cond3A_260 = arith.cmpi ne, %convert_element_type3A_258, %cond3A_259 : i32
          scf.if %cond3A_260 {
            %add3A_268 = arith.addi %mul3A_2, %add3A_247 : i32
            %mul3A_269 = arith.constant 128 : i32
            %mul3A_270 = arith.muli %add3A_268, %mul3A_269 : i32
            %dma_start3A = arith.constant 0 : i32
            %dma_start3A_271 = arith.constant 0 : i32
            %dma_start3A_272 = tpu.memref_slice %arg14[%rem3A_249, %dma_start3A, %dma_start3A_271] : memref<3x64x128xf32, #tpu.memory_space<vmem>> -> memref<1x64x128xf32, #tpu.memory_space<vmem>>
            %dma_start3A_273 = tpu.memref_squeeze %dma_start3A_272 : memref<1x64x128xf32, #tpu.memory_space<vmem>> -> memref<64x128xf32, #tpu.memory_space<vmem>>
            %dma_start3A_274 = arith.constant 0 : i32
            %dma_start3A_275 = tpu.memref_slice %arg5[%dma_start3A_274, %mul3A_270] : memref<64x1000001xf32, #tpu.memory_space<hbm>> -> memref<64x128xf32, #tpu.memory_space<hbm>>
            %dma_start3A_276 = tpu.memref_slice %arg16[%rem3A_249] : memref<3x!tpu.dma_semaphore, #tpu.memory_space<semaphore_mem>> -> memref<1x!tpu.dma_semaphore, #tpu.memory_space<semaphore_mem>>
            %dma_start3A_277 = tpu.memref_squeeze %dma_start3A_276 : memref<1x!tpu.dma_semaphore, #tpu.memory_space<semaphore_mem>> -> memref<!tpu.dma_semaphore, #tpu.memory_space<semaphore_mem>>
            %dma_start3A_278 = arith.constant 0 : i32
            %dma_start3A_279 = arith.constant 0 : i32
            %dma_start3A_280 = tpu.memref_slice %arg14[%rem3A_249, %dma_start3A_278, %dma_start3A_279] : memref<3x64x128xf32, #tpu.memory_space<vmem>> -> memref<1x64x128xf32, #tpu.memory_space<vmem>>
            %dma_start3A_281 = tpu.memref_squeeze %dma_start3A_280 : memref<1x64x128xf32, #tpu.memory_space<vmem>> -> memref<64x128xf32, #tpu.memory_space<vmem>>
            %dma_start3A_282 = arith.constant 0 : i32
            %dma_start3A_283 = tpu.memref_slice %arg5[%dma_start3A_282, %mul3A_270] : memref<64x1000001xf32, #tpu.memory_space<hbm>> -> memref<64x128xf32, #tpu.memory_space<hbm>>
            tpu.enqueue_dma source(%dma_start3A_283 : memref<64x128xf32, #tpu.memory_space<hbm>>) target(%dma_start3A_281 : memref<64x128xf32, #tpu.memory_space<vmem>>) target_semaphore(%dma_start3A_277 : memref<!tpu.dma_semaphore, #tpu.memory_space<semaphore_mem>>)
          } else {
          }
          %and3A_261 = arith.constant 2 : i32
          %and3A_262 = arith.andi %get3A_253, %and3A_261 : i32
          %gt3A_263 = arith.constant 0 : i32
          %gt3A_264 = arith.cmpi sgt, %and3A_262, %gt3A_263 : i32
          %convert_element_type3A_265 = arith.extui %gt3A_264 : i1 to i32
          %cond3A_266 = arith.constant 0 : i32
          %cond3A_267 = arith.cmpi ne, %convert_element_type3A_265, %cond3A_266 : i32
          scf.if %cond3A_267 {
            %add3A_268 = arith.addi %mul3A_2, %add3A_247 : i32
            %mul3A_269 = arith.constant 128 : i32
            %mul3A_270 = arith.muli %add3A_268, %mul3A_269 : i32
            %dma_start3A = arith.constant 0 : i32
            %dma_start3A_271 = arith.constant 0 : i32
            %dma_start3A_272 = tpu.memref_slice %arg15[%rem3A_249, %dma_start3A, %dma_start3A_271] : memref<3x64x128xf32, #tpu.memory_space<vmem>> -> memref<1x64x128xf32, #tpu.memory_space<vmem>>
            %dma_start3A_273 = tpu.memref_squeeze %dma_start3A_272 : memref<1x64x128xf32, #tpu.memory_space<vmem>> -> memref<64x128xf32, #tpu.memory_space<vmem>>
            %dma_start3A_274 = arith.constant 0 : i32
            %dma_start3A_275 = tpu.memref_slice %arg6[%dma_start3A_274, %mul3A_270] : memref<64x1000001xf32, #tpu.memory_space<hbm>> -> memref<64x128xf32, #tpu.memory_space<hbm>>
            %dma_start3A_276 = tpu.memref_slice %arg17[%rem3A_249] : memref<3x!tpu.dma_semaphore, #tpu.memory_space<semaphore_mem>> -> memref<1x!tpu.dma_semaphore, #tpu.memory_space<semaphore_mem>>
            %dma_start3A_277 = tpu.memref_squeeze %dma_start3A_276 : memref<1x!tpu.dma_semaphore, #tpu.memory_space<semaphore_mem>> -> memref<!tpu.dma_semaphore, #tpu.memory_space<semaphore_mem>>
            %dma_start3A_278 = arith.constant 0 : i32
            %dma_start3A_279 = arith.constant 0 : i32
            %dma_start3A_280 = tpu.memref_slice %arg15[%rem3A_249, %dma_start3A_278, %dma_start3A_279] : memref<3x64x128xf32, #tpu.memory_space<vmem>> -> memref<1x64x128xf32, #tpu.memory_space<vmem>>
            %dma_start3A_281 = tpu.memref_squeeze %dma_start3A_280 : memref<1x64x128xf32, #tpu.memory_space<vmem>> -> memref<64x128xf32, #tpu.memory_space<vmem>>
            %dma_start3A_282 = arith.constant 0 : i32
            %dma_start3A_283 = tpu.memref_slice %arg6[%dma_start3A_282, %mul3A_270] : memref<64x1000001xf32, #tpu.memory_space<hbm>> -> memref<64x128xf32, #tpu.memory_space<hbm>>
            tpu.enqueue_dma source(%dma_start3A_283 : memref<64x128xf32, #tpu.memory_space<hbm>>) target(%dma_start3A_281 : memref<64x128xf32, #tpu.memory_space<vmem>>) target_semaphore(%dma_start3A_277 : memref<!tpu.dma_semaphore, #tpu.memory_space<semaphore_mem>>)
          } else {
          }
        } else {
        }
        scf.yield %while3A_240 : i32
      }
      scf.yield %while3A_179, %while3A_205 : i32, i32
    }
    %shift_right_logical3A = arith.constant 6 : i32
    %shift_right_logical3A_116 = arith.shrui %while3A_115#1, %shift_right_logical3A : i32
    %and3A = arith.constant 1 : i32
    %and3A_117 = arith.andi %shift_right_logical3A_116, %and3A : i32
    %and3A_118 = arith.constant 63 : i32
    %and3A_119 = arith.andi %while3A_115#1, %and3A_118 : i32
    %gt3A = arith.constant 0 : i32
    %gt3A_120 = arith.cmpi sgt, %and3A_119, %gt3A : i32
    %convert_element_type3A = arith.extui %gt3A_120 : i1 to i32
    %cond3A = arith.constant 0 : i32
    %cond3A_121 = arith.cmpi ne, %convert_element_type3A, %cond3A : i32
    scf.if %cond3A_121 {
      %add3A_137 = arith.constant 490 : i32
      %add3A_138 = arith.addi %add3A_137, %and3A_117 : i32
      %get3A_139 = arith.index_cast %add3A_138 : i32 to index
      %get3A_140 = memref.load %arg13[%get3A_139] : memref<492xi32, #tpu.memory_space<smem>>
      %gt3A_141 = arith.constant 0 : i32
      %gt3A_142 = arith.cmpi sgt, %get3A_140, %gt3A_141 : i32
      %convert_element_type3A_143 = arith.extui %gt3A_142 : i1 to i32
      %cond3A_144 = arith.constant 0 : i32
      %cond3A_145 = arith.cmpi ne, %convert_element_type3A_143, %cond3A_144 : i32
      scf.if %cond3A_145 {
        %dma_wait3A = arith.constant 0 : i32
        %dma_wait3A_167 = arith.constant 0 : i32
        %dma_wait3A_168 = arith.constant 0 : i32
        %dma_wait3A_169 = arith.constant 0 : i32
        %dma_wait3A_170 = tpu.memref_slice %arg11[%dma_wait3A, %dma_wait3A_168, %dma_wait3A_169] : memref<2x64x128xf32, #tpu.memory_space<vmem>> -> memref<1x64x128xf32, #tpu.memory_space<vmem>>
        %dma_wait3A_171 = tpu.memref_squeeze %dma_wait3A_170 : memref<1x64x128xf32, #tpu.memory_space<vmem>> -> memref<64x128xf32, #tpu.memory_space<vmem>>
        %dma_wait3A_172 = arith.constant 0 : i32
        %dma_wait3A_173 = tpu.memref_slice %arg12[%dma_wait3A_167, %dma_wait3A_172] : memref<2x64xi32, #tpu.memory_space<vmem>> -> memref<1x64xi32, #tpu.memory_space<vmem>>
        %dma_wait3A_174 = tpu.memref_squeeze %dma_wait3A_173 : memref<1x64xi32, #tpu.memory_space<vmem>> -> memref<64xi32, #tpu.memory_space<vmem>>
        %dma_wait3A_175 = arith.constant 0 : i32
        %dma_wait3A_176 = arith.constant 0 : i32
        %dma_wait3A_177 = tpu.memref_slice %arg7[%dma_wait3A_175, %dma_wait3A_176] : memref<51200x128xf32, #tpu.memory_space<hbm>> -> memref<51200x128xf32, #tpu.memory_space<hbm>>
        %dma_wait3A_178 = tpu.memref_slice %arg18[%and3A_117] : memref<2x!tpu.dma_semaphore, #tpu.memory_space<semaphore_mem>> -> memref<1x!tpu.dma_semaphore, #tpu.memory_space<semaphore_mem>>
        %dma_wait3A_179 = tpu.memref_squeeze %dma_wait3A_178 : memref<1x!tpu.dma_semaphore, #tpu.memory_space<semaphore_mem>> -> memref<!tpu.dma_semaphore, #tpu.memory_space<semaphore_mem>>
        tpu.wait_indirect_dma semaphore(%dma_wait3A_179 : memref<!tpu.dma_semaphore, #tpu.memory_space<semaphore_mem>>) src(%dma_wait3A_171 : memref<64x128xf32, #tpu.memory_space<vmem>>) dst(%dma_wait3A_177 : memref<51200x128xf32, #tpu.memory_space<hbm>>)
        %add3A_180 = arith.constant 490 : i32
        %add3A_181 = arith.addi %add3A_180, %and3A_117 : i32
        %get3A_182 = arith.index_cast %add3A_181 : i32 to index
        %get3A_183 = memref.load %arg13[%get3A_182] : memref<492xi32, #tpu.memory_space<smem>>
        %sub3A_184 = arith.constant 1 : i32
        %sub3A_185 = arith.subi %get3A_183, %sub3A_184 : i32
        %add3A_186 = arith.constant 490 : i32
        %add3A_187 = arith.addi %add3A_186, %and3A_117 : i32
        %swap3A_188 = arith.index_cast %add3A_187 : i32 to index
        %swap3A_189 = memref.load %arg13[%swap3A_188] : memref<492xi32, #tpu.memory_space<smem>>
        memref.store %sub3A_185, %arg13[%swap3A_188] : memref<492xi32, #tpu.memory_space<smem>>
      } else {
      }
      %add3A_146 = arith.constant 490 : i32
      %add3A_147 = arith.addi %add3A_146, %and3A_117 : i32
      %get3A_148 = arith.index_cast %add3A_147 : i32 to index
      %get3A_149 = memref.load %arg13[%get3A_148] : memref<492xi32, #tpu.memory_space<smem>>
      %add3A_150 = arith.constant 1 : i32
      %add3A_151 = arith.addi %get3A_149, %add3A_150 : i32
      %add3A_152 = arith.constant 490 : i32
      %add3A_153 = arith.addi %add3A_152, %and3A_117 : i32
      %swap3A_154 = arith.index_cast %add3A_153 : i32 to index
      %swap3A_155 = memref.load %arg13[%swap3A_154] : memref<492xi32, #tpu.memory_space<smem>>
      memref.store %add3A_151, %arg13[%swap3A_154] : memref<492xi32, #tpu.memory_space<smem>>
      %dma_start3A = arith.constant 0 : i32
      %dma_start3A_156 = arith.constant 0 : i32
      %dma_start3A_157 = tpu.memref_slice %arg11[%and3A_117, %dma_start3A, %dma_start3A_156] : memref<2x64x128xf32, #tpu.memory_space<vmem>> -> memref<1x64x128xf32, #tpu.memory_space<vmem>>
      %dma_start3A_158 = tpu.memref_squeeze %dma_start3A_157 : memref<1x64x128xf32, #tpu.memory_space<vmem>> -> memref<64x128xf32, #tpu.memory_space<vmem>>
      %dma_start3A_159 = arith.constant 0 : i32
      %dma_start3A_160 = tpu.memref_slice %arg12[%and3A_117, %dma_start3A_159] : memref<2x64xi32, #tpu.memory_space<vmem>> -> memref<1x64xi32, #tpu.memory_space<vmem>>
      %dma_start3A_161 = tpu.memref_squeeze %dma_start3A_160 : memref<1x64xi32, #tpu.memory_space<vmem>> -> memref<64xi32, #tpu.memory_space<vmem>>
      %dma_start3A_162 = arith.constant 0 : i32
      %dma_start3A_163 = arith.constant 0 : i32
      %dma_start3A_164 = tpu.memref_slice %arg7[%dma_start3A_162, %dma_start3A_163] : memref<51200x128xf32, #tpu.memory_space<hbm>> -> memref<51200x128xf32, #tpu.memory_space<hbm>>
      %dma_start3A_165 = tpu.memref_slice %arg18[%and3A_117] : memref<2x!tpu.dma_semaphore, #tpu.memory_space<semaphore_mem>> -> memref<1x!tpu.dma_semaphore, #tpu.memory_space<semaphore_mem>>
      %dma_start3A_166 = tpu.memref_squeeze %dma_start3A_165 : memref<1x!tpu.dma_semaphore, #tpu.memory_space<semaphore_mem>> -> memref<!tpu.dma_semaphore, #tpu.memory_space<semaphore_mem>>
      tpu.enqueue_indirect_dma source(%dma_start3A_158 : memref<64x128xf32, #tpu.memory_space<vmem>>) target(%dma_start3A_164 : memref<51200x128xf32, #tpu.memory_space<hbm>>) offsets(%dma_start3A_161 : memref<64xi32, #tpu.memory_space<vmem>>) semaphore(%dma_start3A_166 : memref<!tpu.dma_semaphore, #tpu.memory_space<semaphore_mem>>)
    } else {
    }
    %get3A = arith.constant 490 : i32
    %get3A_122 = arith.index_cast %get3A : i32 to index
    %get3A_123 = memref.load %arg13[%get3A_122] : memref<492xi32, #tpu.memory_space<smem>>
    %gt3A_124 = arith.constant 0 : i32
    %gt3A_125 = arith.cmpi sgt, %get3A_123, %gt3A_124 : i32
    %convert_element_type3A_126 = arith.extui %gt3A_125 : i1 to i32
    %cond3A_127 = arith.constant 0 : i32
    %cond3A_128 = arith.cmpi ne, %convert_element_type3A_126, %cond3A_127 : i32
    scf.if %cond3A_128 {
      %dma_wait3A = arith.constant 0 : i32
      %dma_wait3A_137 = arith.constant 0 : i32
      %dma_wait3A_138 = arith.constant 0 : i32
      %dma_wait3A_139 = arith.constant 0 : i32
      %dma_wait3A_140 = arith.constant 0 : i32
      %dma_wait3A_141 = tpu.memref_slice %arg11[%dma_wait3A, %dma_wait3A_139, %dma_wait3A_140] : memref<2x64x128xf32, #tpu.memory_space<vmem>> -> memref<1x64x128xf32, #tpu.memory_space<vmem>>
      %dma_wait3A_142 = tpu.memref_squeeze %dma_wait3A_141 : memref<1x64x128xf32, #tpu.memory_space<vmem>> -> memref<64x128xf32, #tpu.memory_space<vmem>>
      %dma_wait3A_143 = arith.constant 0 : i32
      %dma_wait3A_144 = tpu.memref_slice %arg12[%dma_wait3A_137, %dma_wait3A_143] : memref<2x64xi32, #tpu.memory_space<vmem>> -> memref<1x64xi32, #tpu.memory_space<vmem>>
      %dma_wait3A_145 = tpu.memref_squeeze %dma_wait3A_144 : memref<1x64xi32, #tpu.memory_space<vmem>> -> memref<64xi32, #tpu.memory_space<vmem>>
      %dma_wait3A_146 = arith.constant 0 : i32
      %dma_wait3A_147 = arith.constant 0 : i32
      %dma_wait3A_148 = tpu.memref_slice %arg7[%dma_wait3A_146, %dma_wait3A_147] : memref<51200x128xf32, #tpu.memory_space<hbm>> -> memref<51200x128xf32, #tpu.memory_space<hbm>>
      %dma_wait3A_149 = tpu.memref_slice %arg18[%dma_wait3A_138] : memref<2x!tpu.dma_semaphore, #tpu.memory_space<semaphore_mem>> -> memref<1x!tpu.dma_semaphore, #tpu.memory_space<semaphore_mem>>
      %dma_wait3A_150 = tpu.memref_squeeze %dma_wait3A_149 : memref<1x!tpu.dma_semaphore, #tpu.memory_space<semaphore_mem>> -> memref<!tpu.dma_semaphore, #tpu.memory_space<semaphore_mem>>
      tpu.wait_indirect_dma semaphore(%dma_wait3A_150 : memref<!tpu.dma_semaphore, #tpu.memory_space<semaphore_mem>>) src(%dma_wait3A_142 : memref<64x128xf32, #tpu.memory_space<vmem>>) dst(%dma_wait3A_148 : memref<51200x128xf32, #tpu.memory_space<hbm>>)
      %get3A_151 = arith.constant 490 : i32
      %get3A_152 = arith.index_cast %get3A_151 : i32 to index
      %get3A_153 = memref.load %arg13[%get3A_152] : memref<492xi32, #tpu.memory_space<smem>>
      %sub3A_154 = arith.constant 1 : i32
      %sub3A_155 = arith.subi %get3A_153, %sub3A_154 : i32
      %swap3A_156 = arith.constant 490 : i32
      %swap3A_157 = arith.index_cast %swap3A_156 : i32 to index
      %swap3A_158 = memref.load %arg13[%swap3A_157] : memref<492xi32, #tpu.memory_space<smem>>
      memref.store %sub3A_155, %arg13[%swap3A_157] : memref<492xi32, #tpu.memory_space<smem>>
    } else {
    }
    %get3A_129 = arith.constant 491 : i32
    %get3A_130 = arith.index_cast %get3A_129 : i32 to index
    %get3A_131 = memref.load %arg13[%get3A_130] : memref<492xi32, #tpu.memory_space<smem>>
    %gt3A_132 = arith.constant 0 : i32
    %gt3A_133 = arith.cmpi sgt, %get3A_131, %gt3A_132 : i32
    %convert_element_type3A_134 = arith.extui %gt3A_133 : i1 to i32
    %cond3A_135 = arith.constant 0 : i32
    %cond3A_136 = arith.cmpi ne, %convert_element_type3A_134, %cond3A_135 : i32
    scf.if %cond3A_136 {
      %dma_wait3A = arith.constant 0 : i32
      %dma_wait3A_137 = arith.constant 0 : i32
      %dma_wait3A_138 = arith.constant 1 : i32
      %dma_wait3A_139 = arith.constant 0 : i32
      %dma_wait3A_140 = arith.constant 0 : i32
      %dma_wait3A_141 = tpu.memref_slice %arg11[%dma_wait3A, %dma_wait3A_139, %dma_wait3A_140] : memref<2x64x128xf32, #tpu.memory_space<vmem>> -> memref<1x64x128xf32, #tpu.memory_space<vmem>>
      %dma_wait3A_142 = tpu.memref_squeeze %dma_wait3A_141 : memref<1x64x128xf32, #tpu.memory_space<vmem>> -> memref<64x128xf32, #tpu.memory_space<vmem>>
      %dma_wait3A_143 = arith.constant 0 : i32
      %dma_wait3A_144 = tpu.memref_slice %arg12[%dma_wait3A_137, %dma_wait3A_143] : memref<2x64xi32, #tpu.memory_space<vmem>> -> memref<1x64xi32, #tpu.memory_space<vmem>>
      %dma_wait3A_145 = tpu.memref_squeeze %dma_wait3A_144 : memref<1x64xi32, #tpu.memory_space<vmem>> -> memref<64xi32, #tpu.memory_space<vmem>>
      %dma_wait3A_146 = arith.constant 0 : i32
      %dma_wait3A_147 = arith.constant 0 : i32
      %dma_wait3A_148 = tpu.memref_slice %arg7[%dma_wait3A_146, %dma_wait3A_147] : memref<51200x128xf32, #tpu.memory_space<hbm>> -> memref<51200x128xf32, #tpu.memory_space<hbm>>
      %dma_wait3A_149 = tpu.memref_slice %arg18[%dma_wait3A_138] : memref<2x!tpu.dma_semaphore, #tpu.memory_space<semaphore_mem>> -> memref<1x!tpu.dma_semaphore, #tpu.memory_space<semaphore_mem>>
      %dma_wait3A_150 = tpu.memref_squeeze %dma_wait3A_149 : memref<1x!tpu.dma_semaphore, #tpu.memory_space<semaphore_mem>> -> memref<!tpu.dma_semaphore, #tpu.memory_space<semaphore_mem>>
      tpu.wait_indirect_dma semaphore(%dma_wait3A_150 : memref<!tpu.dma_semaphore, #tpu.memory_space<semaphore_mem>>) src(%dma_wait3A_142 : memref<64x128xf32, #tpu.memory_space<vmem>>) dst(%dma_wait3A_148 : memref<51200x128xf32, #tpu.memory_space<hbm>>)
      %get3A_151 = arith.constant 491 : i32
      %get3A_152 = arith.index_cast %get3A_151 : i32 to index
      %get3A_153 = memref.load %arg13[%get3A_152] : memref<492xi32, #tpu.memory_space<smem>>
      %sub3A_154 = arith.constant 1 : i32
      %sub3A_155 = arith.subi %get3A_153, %sub3A_154 : i32
      %swap3A_156 = arith.constant 491 : i32
      %swap3A_157 = arith.index_cast %swap3A_156 : i32 to index
      %swap3A_158 = memref.load %arg13[%swap3A_157] : memref<492xi32, #tpu.memory_space<smem>>
      memref.store %sub3A_155, %arg13[%swap3A_157] : memref<492xi32, #tpu.memory_space<smem>>
    } else {
    }
    return
  }
}

</mosaic_0001>

<sc_bundles>
// kernel: kernel.3.cloned.1.call-start
scs
__scs_entry_jumppad:
0x0: {  	(pc) =	sbr.rel $0x88, $3  }
0x1: {  	(tag) =	ssettag $0x0;
	lr =	simm.s32 $0x1  }
0x2: {  	[smem:$0x3F9C] =	sst lr;
	_ =	strace $0xD0000000  }
0x3: {  	_ = 	snop  }
0x4: {  	_ = 	snop  }
0x5: {  	_ = 	snop  }
0x6: {  	_ = 	snop  }
0x7: {  	_ = 	snop  }
__scs_overlays_trampoline_lowered:
0x8: {  	[smem:$0x3FAB] =	sst s0  }
0x9: {  	[smem:$0x3FAC] =	sst s1  }
0xa: {  	[smem:$0x3FAD] =	sst s2  }
0xb: {  	[smem:$0x3FAE] =	sst s3  }
0xc: {  	[smem:$0x3FAF] =	sst s4  }
0xd: {  	[smem:$0x3FB0] =	sst s5  }
0xe: {  	[smem:$0x3FB1] =	sst s6  }
0xf: {  	[smem:$0x3FB2] =	sst s7  }
0x10: {  	[smem:$0x3FB3] =	sst s8  }
0x11: {  	[smem:$0x3FB4] =	sst s9;
	s0 =	simm.s32 @!p0 $0x0  }
0x12: {  	s1 =	sld [smem:$0x3F9A];
	s0 =	simm.s32 @p0 $0x1  }
0x13: {  	[smem:$0x3FB5] =	sst s0;
	s0 =	simm.s32 @!p1 $0x0  }
0x14: {  	s2 =	sld [smem:$0x3F99];
	s0 =	simm.s32 @p1 $0x1  }
0x15: {  	[smem:$0x3FB6] =	sst s0;
	s0 =	simm.s32 @!p2 $0x0  }
0x16: {  	s3 =	sld [smem:$0x3FDB];
	s0 =	simm.s32 @p2 $0x1  }
0x17: {  	s4 =	simm.s32 $0x1BF5;
	[smem:$0x3FB8] =	sst s0  }
0x18: {  	s0 =	sld [smem:$0x3F9B];
	_ =	swait.ge [sflag:s4], $0x0  }
0x19: {  	s7 =	sld [smem:$0x3F9C]  }
0x1a: {  	s8 =	sadd.s32 $0xFFFFE003, lr  }
0x1b: {  	s9 =	sadd.s32 $0xFFFFFEF7, lr;
	s5 =	simm.s32 $0xFFFFFFFF;
	p2 =	slt.u32 s8, $0xFFFFF086  }
0x1c: {  	p1 =	slt.u32 s9, $0xF7A;
	s5 =	simm.s32 @!p2 $0x0  }
0x1d: {  	s5 =	simm.s32 @p1 $0x1;
	p0 =	seq.s32 s7, s2  }
0x1e: {  	s7 =	smul.u32 @!p0 $0xF7A, s2;
	p2 =	seq.s32 @!p0 s5, $0x0  }
0x1f: {  	s9 =	smul.u32 $0xF7A, s1;
	s8 =	simm.s32 @!p0 $0x1BF5;
	p2 =	por !p2, p0  }
0x20: {  	[sflag:s8] =	ssyncset.s32 @!p0 $0xFFFFF086;
	s6 =	sadd.s32 @!p0 s3, s7;
	s7 =	simm.s32 @!p0 $0x108  }
0x21: {  	s3 =	sadd.s32 s3, s9;
	s6 =	sadd.s32 @!p0 $0x88, s6;
	s7 =	simm.s32 @p2 $0x1082  }
0x22: {  	[simem:s7], [sflag:s8] =	dma.local @!p0 [hbm:s6], $0xF7A  }
0x23: {  	s9 =	sor.u32 $0xD0000000, s2;
	s6 =	simm.s32 $0x108;
	_ =	swait.ge @!p0 [sflag:s8], $0x0  }
0x24: {  	s3 =	sadd.s32 $0x88, s3;
	s6 =	simm.s32 @!p1 $0x1082;
	[sflag:s4] =	ssyncset.s32 $0xFFFFF086  }
0x25: {  	[simem:s6], [sflag:s4] =	dma.local [hbm:s3], $0xF7A  }
0x26: {  	[smem:$0x3F9C] =	sst s1;
	(tag) =	ssettag s2;
	_ =	strace s9  }
0x27: {  	s1 =	sld [smem:$0x3FAC]  }
0x28: {  	s2 =	sld [smem:$0x3FAD]  }
0x29: {  	s4 =	sld [smem:$0x3FAF]  }
0x2a: {  	p0 =	seq.s32 s5, $0x0;
	s5 =	sld [smem:$0x3FB0]  }
0x2b: {  	s6 =	sld [smem:$0x3FB1]  }
0x2c: {  	s7 =	sld [smem:$0x3FB2]  }
0x2d: {  	s3 =	simm.s32 $0x108;
	s8 =	sld [smem:$0x3FB3]  }
0x2e: {  	s3 =	simm.s32 @!p0 $0x1082;
	s9 =	sld [smem:$0x3FB4]  }
0x2f: {  	lr =	sadd.s32 s0, s3;
	s0 =	sld [smem:$0x3FAB]  }
0x30: {  	s3 =	sld [smem:$0x3FAE]  }
0x31: {  	[smem:$0x3FB7] =	sst s10  }
0x32: {  	s10 =	sld [smem:$0x3FB5];
	_ =	sdelay $0x3  }
0x33: {  	p0 =	seq.s32 s10, $0x1;
	s10 =	sld [smem:$0x3FB7];
	_ =	sdelay $0x3  }
0x34: {  	[smem:$0x3FB7] =	sst s10  }
0x35: {  	s10 =	sld [smem:$0x3FB6];
	_ =	sdelay $0x3  }
0x36: {  	p1 =	seq.s32 s10, $0x1;
	s10 =	sld [smem:$0x3FB7];
	_ =	sdelay $0x3  }
0x37: {  	[smem:$0x3FB7] =	sst s10  }
0x38: {  	s10 =	sld [smem:$0x3FB8]  }
0x39: {  	_ = 	snop;
	(pc) =	sbr.ind lr, $3  }
0x3a: {  	_ = 	snop  }
0x3b: {  	_ = 	snop  }
0x3c: {  	p2 =	seq.s32 s10, $0x1;
	s10 =	sld [smem:$0x3FB7]  }
0x3d: {  	_ =	shalt  }
0x3e: {  	_ =	shalt  }
0x3f: {  	_ =	shalt  }
0x40: {  	_ =	shalt  }
0x41: {  	_ =	shalt  }
0x42: {  	_ =	shalt  }
0x43: {  	_ =	shalt  }
0x44: {  	_ =	shalt  }
0x45: {  	_ =	shalt  }
0x46: {  	_ =	shalt  }
0x47: {  	_ =	shalt  }
0x48: {  	_ =	shalt  }
0x49: {  	_ =	shalt  }
0x4a: {  	_ =	shalt  }
0x4b: {  	_ =	shalt  }
0x4c: {  	_ =	shalt  }
0x4d: {  	_ =	shalt  }
0x4e: {  	_ =	shalt  }
0x4f: {  	_ =	shalt  }
0x50: {  	_ =	shalt  }
0x51: {  	_ =	shalt  }
0x52: {  	_ =	shalt  }
0x53: {  	_ =	shalt  }
0x54: {  	_ =	shalt  }
0x55: {  	_ =	shalt  }
0x56: {  	_ =	shalt  }
0x57: {  	_ =	shalt  }
0x58: {  	_ =	shalt  }
0x59: {  	_ =	shalt  }
0x5a: {  	_ =	shalt  }
0x5b: {  	_ =	shalt  }
0x5c: {  	_ =	shalt  }
0x5d: {  	_ =	shalt  }
0x5e: {  	_ =	shalt  }
0x5f: {  	_ =	shalt  }
0x60: {  	_ =	shalt  }
0x61: {  	_ =	shalt  }
0x62: {  	_ =	shalt  }
0x63: {  	_ =	shalt  }
0x64: {  	_ =	shalt  }
0x65: {  	_ =	shalt  }
0x66: {  	_ =	shalt  }
0x67: {  	_ =	shalt  }
0x68: {  	_ =	shalt  }
0x69: {  	_ =	shalt  }
0x6a: {  	_ =	shalt  }
0x6b: {  	_ =	shalt  }
0x6c: {  	_ =	shalt  }
0x6d: {  	_ =	shalt  }
0x6e: {  	_ =	shalt  }
0x6f: {  	_ =	shalt  }
0x70: {  	_ =	shalt  }
0x71: {  	_ =	shalt  }
0x72: {  	_ =	shalt  }
0x73: {  	_ =	shalt  }
0x74: {  	_ =	shalt  }
0x75: {  	_ =	shalt  }
0x76: {  	_ =	shalt  }
0x77: {  	_ =	shalt  }
0x78: {  	_ =	shalt  }
0x79: {  	_ =	shalt  }
0x7a: {  	_ =	shalt  }
0x7b: {  	_ =	shalt  }
0x7c: {  	_ =	shalt  }
0x7d: {  	_ =	shalt  }
0x7e: {  	_ =	shalt  }
0x7f: {  	_ =	shalt  }
0x80: {  	_ =	shalt  }
0x81: {  	_ =	shalt  }
0x82: {  	_ =	shalt  }
0x83: {  	_ =	shalt  }
0x84: {  	_ =	shalt  }
0x85: {  	_ =	shalt  }
0x86: {  	_ =	shalt  }
0x87: {  	_ =	shalt  }
.Lfunc_end0:
.L_simem_size_0:
called_computation_lowered:
.L_overlay_start_0:
0x88: {  	s2 =	sld [smem:$0x3FD9]  }
0x89: {  	s3 =	sld [smem:$0x3FFE];
	_ =	sdelay $0x1  }
0x8a: {  	s1 =	srdreg.scid  }
0x8b: {  	s0 =	sand.u32 $0x1, s1  }
0x8c: {  	s17 =	sshll.u32 s0, $0xA;
	s2 =	sadd.s32 s3, s2  }
0x8d: {  	s2 =	sadd.s32 s2, s17  }
0x8e: {  	[smem:$0x3FC3] =	sst s2  }
0x8f: {  	_ = 	snop  }
0x90: {  	s2 =	sld [smem:$0x3FC9]  }
0x91: {  	s18 =	sld [smem:$0x3FC8]  }
0x92: {  	s4 =	sld [smem:$0x3FC7]  }
0x93: {  	s5 =	sld [smem:$0x3FC6]  }
0x94: {  	s6 =	sld [smem:$0x3FC5];
	(tm) =	ssettm $0x1  }
0x95: {  	s7 =	sld [smem:$0x3FFB];
	_ =	sdelay $0x3  }
0x96: {  	_ =	strace s7  }
0x97: {  	s7 =	sld [smem:$0x3FFC];
	_ =	sdelay $0x3  }
0x98: {  	_ =	strace s7  }
0x99: {  	s7 =	sld [smem:$0x3FFD];
	_ =	sdelay $0x3  }
0x9a: {  	_ =	strace s7  }
0x9b: {  	_ =	strace $0x8FFFFFFF  }
0x9c: {  	s19 =	sld [smem:$0x3FDB];
	_ =	sdelay $0x1  }
0x9d: {  	s8 =	simm.s32 $_scs_section_size  }
0x9e: {  	s9 =	simm.s32 $_size__tile_overlayer_lowered;
	s10 =	simm.s32 $_tile_overlayer_lowered  }
0x9f: {  	s22 =	simm.s32 $0x1BFF;
	s21 =	sshll.u32 s10, $0x1;
	s7 =	sadd.s32 s8, s19  }
0xa0: {  	s11 =	simm.s32 $0x0;
	s20 =	sshll.u32 s9, $0x1;
	s9 =	sadd.s32 s21, s7  }
0xa1: {  	[timem:s11], [sflag:s22] =	dma.local [hbm:s9], s20  }
0xa2: {  	_ =	swait.ge [sflag:s22], s20  }
0xa3: {  	s8 =	ssub.s32 $0x0, s20;
	[sflag:s22] =	ssyncset.done $0x0  }
0xa4: {  	[sflag:s22] =	ssyncadd.s32 s8;
	_ =	sdelay $0x1  }
0xa5: {  	s23 =	simm.s32 $0x1B8B  }
0xa6: {  	_ =	swait.ge [sflag:s23], $0x1  }
0xa7: {  	[sflag:s23] =	ssyncset.done $0x0  }
0xa8: {  	s25 =	simm.s32 $0x1B8E;
	s24 =	sld [smem:$0x3FFE];
	[sflag:s23] =	ssyncadd.s32 $0xFFFFFFFF  }
0xa9: {  	s26 =	simm.s32 $execute0_lowered;
	[smem:$0x3FD2] =	sst s25  }
0xaa: {  	s9 =	sshll.u32 s26, $0x1;
	_ =	strace $0x80000046;
	[dreg:$0x1] =	wrdreg $0xFFFFFFFF  }
0xab: {  	s28 =	simm.s32 $_size_execute0_lowered;
	s7 =	sadd.s32 s7, s9;
	[dreg:$0x0] =	wrdreg $0x0  }
0xac: {  	s9 =	sshll.u32 s28, $0x1;
	[dreg:$0x2] =	wrdreg s7  }
0xad: {  	[dreg:$0x3] =	wrdreg s9  }
0xae: {  	[dreg:$0x4] =	wrdreg $0xC0  }
0xaf: {  	_ =	task [dreg:s11], $0x5FFFF  }
0xb0: {  	[dreg:$0x1] =	wrdreg $0xFFFFFFFF  }
0xb1: {  	[dreg:$0x0] =	wrdreg $0x60  }
0xb2: {  	[dreg:$0x2] =	wrdreg s2  }
0xb3: {  	[dreg:$0x3] =	wrdreg s18  }
0xb4: {  	[dreg:$0x4] =	wrdreg s4  }
0xb5: {  	[dreg:$0x5] =	wrdreg s5  }
0xb6: {  	[dreg:$0x6] =	wrdreg s6  }
0xb7: {  	[dreg:$0x7] =	wrdreg s24  }
0xb8: {  	[dreg:$0x8] =	wrdreg $0x9  }
0xb9: {  	_ =	task.clear_ibuf [dreg:s11], $0x9FFFF;
	_ =	strace $0x90000046  }
0xba: {  	s29 =	simm.s32 $0x9;
	_ =	strace $0x80000048  }
0xbb: {  	_ =	swait.ge [sflag:s29], $0x1  }
0xbc: {  	[sflag:s29] =	ssyncadd.s32 $0xFFFFFFFF  }
0xbd: {  	_ =	strace $0x90000048  }
0xbe: {  	_ =	sfence  }
0xbf: {  	s30 =	sld [smem:$0x0];
	_ =	sdelay $0x2  }
0xc0: {  	s31 =	sshll.u32 s1, $0xD;
	s1 =	sshrl.u32 s1, $0x2  }
0xc1: {  	s3 =	sand.u32 $0x4000, s31;
	s1 =	sadd.s32 s1, s30  }
0xc2: {  	s0 =	sor.u32 s3, s0;
	s1 =	sshll.u32 s1, $0x11  }
0xc3: {  	s0 =	sor.u32 s1, s0  }
0xc4: {  	s0 =	sadd.s32 $0x8F2B, s0  }
0xc5: {  	[sflag:s0] =	ssyncadd.remote.s32 $0x1  }
0xc6: {  	_ =	sfence.sel $0xFFFF  }
0xc7: {  	[dreg:$0x0] =	wrdreg $0xFFFFFFFF;
	(pc) =	sbr.abs _section_cstart, $3  }
0xc8: {  	[dreg:$0x1] =	wrdreg $0xFFFFFFFF  }
0xc9: {  	_ =	task.clear_ibuf [dreg:s11], $0x2FFFF;
	_ =	strace $0x9FFFFFFF  }
0xca: {  	(tm) =	ssettm $0x7FFFFFFF  }
0xcb: {  	_ =	shalt  }
tec
execute0_lowered:
.L_overlay_start_1:
0x0: {  	(tag) =	ssettag $0x1  }
0x1: {  	s1 =	rddreg [dreg:$0x0]  }
0x2: {  	s4 =	rddreg [dreg:$0x3]  }
0x3: {  	s6 =	rddreg [dreg:$0x4];
	s0 =	srdreg.scid  }
0x4: {  	s3 =	stileid.u32;
	s2 =	rddreg [dreg:$0x5];
	s7 =	simm.s32 $0x0  }
0x5: {  	s19 =	simm.s32 $0x9;
	s20 =	simm.s32 $0x800;
	s21 =	simm.s32 $0x13680  }
0x6: {  	s31 =	simm.s32 $0x13780;
	s22 =	simm.s32 $0xF680;
	s0 =	sand.u32 $0x1, s0  }
0x7: {  	s5 =	sshll.u32 s3, $0x1;
	[smem:$0x7FF] =	sst s7;
	s16 =	smul.u32 $0xFFFFFE16, s3  }
0x8: {  	s5 =	sor.u32 s0, s5;
	s26 =	ssub.s32 $0x2, s0;
	s0 =	smul.u32 $0xFFFFFF0B, s0  }
0x9: {  	s9 =	sadd.s32 $0x600, s2;
	_ =	strace $0x80000047;
	s8 =	smul.u32 $0xF5, s5  }
0xa: {  	[dreg:$0x7] =	wrdreg s31;
	s10 =	sshrl.u32 s26, $0x1;
	s12 =	smul.u32 $0x3D400, s5  }
0xb: {  	v2 =	vlaneseq.u32;
	s13 =	smul.u32 $0x7A80, s5;
	s5 =	sshll.u32 s5, $0x6;
	s2 =	ssub.s32 s26, s10  }
0xc: {  	v10 =	vimm.s32 $0x0;
	v4 =	vor.u32 $0x10, v2;
	s5 =	sor.u32 $0xC000, s5;
	s0 =	sadd.s32 s16, s0;
	s11 =	ssub.s32 $0x1E85, s8  }
0xd: {  	v5 =	vor.u32 $0x20, v2;
	v8 =	vor.u32 $0x30, v2;
	v11 =	vor.u32 $0x200000, v2;
	s15 =	sshrl.u32 s12, $0x3;
	s28 =	sadd.s32 s4, s13;
	s29 =	sadd.s32 s6, s13  }
.Ltmp0:
0xe: {  	v12 =	vor.u32 $0x400000, v2;
	v13 =	vor.u32 $0x80, v2;
	v14 =	vmul.u32 $0x80, v2;
	s0 =	sadd.s32 $0x1E85, s0;
	s30 =	smax.u32 s2, $0x1;
	(pc) =	sbr.rel .LBB2_1-.Ltmp0, $4  }
0xf: {  	v15 =	vor.u32 $0x90, v2;
	v16 =	vor.u32 $0xA0, v2;
	v17 =	vor.u32 $0xB0, v2;
	s2 =	simm.s32 $0x0;
	s10 =	smin.u32 s11, $0xF5;
	[dreg:$0x8] =	wrdreg s28  }
0x10: {  	v18 =	vor.u32 $0x800, v14;
	v19 =	vor.u32 $0x1000, v14;
	v20 =	vor.u32 $0x1800, v14;
	s14 =	sadd.s32 $0x80, s15;
	[dreg:$0x9] =	wrdreg s29;
	s17 =	sadd.s32 $0x100, s15  }
0x11: {  	v0 =	vmov s8;
	v3 =	vor.u32 s5, v2;
	v6 =	vor.u32 s5, v4;
	[dreg:$0xa] =	wrdreg s30;
	s13 =	sadd.s32 s4, s14;
	s14 =	sadd.s32 s6, s14  }
0x12: {  	v7 =	vor.u32 s5, v5;
	v9 =	vor.u32 s5, v8;
	v1 =	vmov s10;
	s15 =	sadd.s32 s4, s17;
	s16 =	sadd.s32 s6, s17;
	s17 =	smin.u32 s0, $0xF5  }
.LBB2_106:
0x13: {  	s0 =	sshrl.u32 s25, $0x6;
	s1 =	sand.u32 $0x3F, s25  }
0x14: {  	s0 =	sand.u32 $0x1, s0;
	p0 =	seq.s32 s1, $0x0  }
0x15: {  	s1 =	sor.u32 @!p0 $0x1EA, s0  }
0x16: {  	s1 =	sld @!p0 [smem:s1+$0x0];
	_ =	sdelay $0x2  }
0x17: {  	p1 =	slt.s32 @!p0 s1, $0x1  }
0x18: {  	p2 =	por p1, p0  }
0x19: {  	s2 =	sadd.s32 @!p2 $0x7, s0  }
0x1a: {  	_ =	swait.ge @!p2 [sflag:s2], $0x2000  }
0x1b: {  	s3 =	sshll.u32 @!p0 s0, $0xD;
	[sflag:s2] =	ssyncset.done @!p2 $0x0  }
0x1c: {  	[sflag:s2] =	ssyncadd.s32 @!p2 $0xFFFFE000;
	s2 =	sadd.s32 @!p0 $0xF680, s3;
	s3 =	sshll.u32 @!p0 s0, $0x7  }
0x1d: {  	s5 =	sadd.s32 @!p0 $0x7, s0;
	s11 =	simm.s32 @!p0 $0x40;
	s3 =	sadd.s32 @!p0 $0x13680, s3  }
0x1e: {  	[hbm4b:s9+s11] =	stream.indirect.scatter @!p0 [tilespmem:s2], [sflag:s5], $0x80, s3, s11, $0xb8;
	[tilespmem:$0x1F780] =	vst v63  }
0x1f: {  	p1 =	por !p1, p0;
	s2 =	sadd.s32 @!p2 $0xFFFFFFFF, s1  }
0x20: {  	s1 =	smov.u32 @p1 s2  }
0x21: {  	s1 =	sadd.s32 @!p0 $0x1, s1  }
0x22: {  	[smem:s0+$0x1EA] =	sst @!p0 s1  }
.LBB2_107:
0x23: {  	s0 =	sld [smem:$0x1EA];
	_ =	sdelay $0x2  }
0x24: {  	p0 =	slt.s32 s0, $0x1  }
0x25: {  	s1 =	simm.s32 @!p0 $0x7  }
0x26: {  	_ =	swait.ge @!p0 [sflag:s1], $0x2000  }
0x27: {  	[sflag:s1] =	ssyncset.done @!p0 $0x0  }
0x28: {  	s0 =	sadd.s32 @!p0 $0xFFFFFFFF, s0;
	[sflag:s1] =	ssyncadd.s32 @!p0 $0xFFFFE000  }
0x29: {  	[smem:$0x1EA] =	sst @!p0 s0  }
0x2a: {  	s0 =	sld [smem:$0x1EB];
	_ =	sdelay $0x2  }
0x2b: {  	p0 =	slt.s32 s0, $0x1  }
0x2c: {  	s1 =	simm.s32 @!p0 $0x8  }
0x2d: {  	_ =	swait.ge @!p0 [sflag:s1], $0x2000  }
0x2e: {  	s2 =	rddreg [dreg:$0xb]  }
0x2f: {  	s31 =	rddreg [dreg:$0xa];
	s2 =	sadd.s32 $0x1, s2  }
0x30: {  	p1 =	sne.s32 s2, s31  }
.Ltmp1:
0x31: {  	_ = 	snop;
	(pc) =	sbr.rel @!p1 .LBB2_108-.Ltmp1, $4  }
0x32: {  	[sflag:s1] =	ssyncset.done @!p0 $0x0  }
0x33: {  	s0 =	sadd.s32 @!p0 $0xFFFFFFFF, s0;
	[sflag:s1] =	ssyncadd.s32 @!p0 $0xFFFFE000  }
0x34: {  	[smem:$0x1EB] =	sst @!p0 s0  }
0x35: {  	s1 =	rddreg [dreg:$0x0]  }
.LBB2_1:
0x36: {  	[dreg:$0xb] =	wrdreg s2  }
0x37: {  	s25 =	simm.s32 $0x30;
	s3 =	rddreg [dreg:$0x1]  }
0x38: {  	s24 =	simm.s32 $0x0;
	s26 =	simm.s32 $0x0;
	s5 =	rddreg [dreg:$0x2]  }
.LBB2_2:
0x39: {  	s0 =	sshll.u32 s26, $0x8  }
0x3a: {  	s0 =	sadd.s32 s1, s0  }
0x3b: {  	[tilespmem:s7], [sflag:$0x9] =	stream.linear.gather [hbm4b:s0+s7], $0x800, $0x38;
	[tilespmem:$0x1F780] =	vst v63  }
0x3c: {  	_ =	swait.ge [sflag:s19], $0x800  }
0x3d: {  	s28 =	simm.s32 $0xFFFFFFFC;
	[sflag:s19] =	ssyncset.done $0x0  }
0x3e: {  	s29 =	simm.s32 $0x20;
	s30 =	smov.u32 s25;
	[sflag:s19] =	ssyncadd.s32 $0xFFFFF800  }
.LBB2_3:
0x3f: {  	v21 =	vld [tilespmem:s29+$0xFFFFFFE0];
	_ =	sdelay $0x4  }
0x40: {  	v22 =	vshrl.u32 v21, $0x7  }
0x41: {  	v22 =	vsub.s32 v22, v0  }
0x42: {  	vm0 =	vgt.s32 v22, $0xFFFFFFFF;
	vm1 =	vlt.s32 v22, v1  }
0x43: {  	vm0 =	vmand vm0, vm1  }
0x44: {  	v23 =	vsel vm0, $0x1, v10  }
0x45: {  	(xrf0) =	vadd.scan.msk.s32 $0xffff, v23;
	_ =	sdelay $0x2  }
0x46: {  	v23 =	vmov s24  }
0x47: {  	v23 =	vadd.s32 $0xFFFFFFFF, v23  }
0x48: {  	v23 =	vbroadcast v23, $0x0  }
0x49: {  	v24, _, _ =	vpop (xrf0)  }
0x4a: {  	v21 =	vshll.u32 v21, $0xE;
	v59 =	vmpcnt.ones.xlane vm0;
	v23 =	vadd.s32 v24, v23  }
0x4b: {  	s0 =	sadd.s32 $0xFFFFFFD0, s30;
	v21 =	vand.u32 $0x1FC000, v21  }
0x4c: {  	v21 =	vor.u32 s0, v21;
	v22 =	vshll.u32 v22, $0x17;
	(v2sf) =	vpush v59, $0x0  }
0x4d: {  	v21 =	vor.u32 v22, v21  }
0x4e: {  	v21 =	vor.u32 v2, v21  }
0x4f: {  	[tilespmem:v23+s20+$0x0] =	vst.idx.msk vm0, v21  }
0x50: {  	v21 =	vld [tilespmem:s29+$0xFFFFFFF0];
	_ =	sdelay $0x4  }
0x51: {  	v22 =	vshrl.u32 v21, $0x7  }
0x52: {  	v22 =	vsub.s32 v22, v0  }
0x53: {  	vm10 =	vgt.s32 v22, $0xFFFFFFFF;
	vm11 =	vlt.s32 v22, v1  }
0x54: {  	vm0 =	vmand vm10, vm11  }
0x55: {  	v23 =	vsel vm0, $0x1, v10  }
0x56: {  	(xrf0) =	vadd.scan.msk.s32 $0xffff, v23  }
0x57: {  	s12 =	spop (v2sf)  }
0x58: {  	s0 =	sadd.s32 s24, s12  }
0x59: {  	v23 =	vmov s0  }
0x5a: {  	v23 =	vadd.s32 $0xFFFFFFFF, v23  }
0x5b: {  	v23 =	vbroadcast v23, $0x0  }
0x5c: {  	v60, _, _ =	vpop (xrf0)  }
0x5d: {  	v21 =	vshll.u32 v21, $0xE;
	v61 =	vmpcnt.ones.xlane vm0;
	v23 =	vadd.s32 v60, v23  }
0x5e: {  	s2 =	sadd.s32 $0xFFFFFFE0, s30;
	v21 =	vand.u32 $0x1FC000, v21  }
0x5f: {  	v21 =	vor.u32 s2, v21;
	v22 =	vshll.u32 v22, $0x17;
	(v2sf) =	vpush v61, $0x0  }
0x60: {  	v21 =	vor.u32 v22, v21  }
0x61: {  	v21 =	vor.u32 v2, v21  }
0x62: {  	[tilespmem:v23+s20+$0x0] =	vst.idx.msk vm0, v21  }
0x63: {  	v21 =	vld [tilespmem:s29+$0x0];
	_ =	sdelay $0x4  }
0x64: {  	v22 =	vshrl.u32 v21, $0x7  }
0x65: {  	v22 =	vsub.s32 v22, v0  }
0x66: {  	vm12 =	vgt.s32 v22, $0xFFFFFFFF;
	vm13 =	vlt.s32 v22, v1  }
0x67: {  	vm0 =	vmand vm12, vm13  }
0x68: {  	v23 =	vsel vm0, $0x1, v10  }
0x69: {  	(xrf0) =	vadd.scan.msk.s32 $0xffff, v23  }
0x6a: {  	s18 =	spop (v2sf)  }
0x6b: {  	s0 =	sadd.s32 s0, s18  }
0x6c: {  	v23 =	vmov s0  }
0x6d: {  	v23 =	vadd.s32 $0xFFFFFFFF, v23  }
0x6e: {  	v23 =	vbroadcast v23, $0x0  }
0x6f: {  	v62, _, _ =	vpop (xrf0)  }
0x70: {  	v21 =	vshll.u32 v21, $0xE;
	v23 =	vadd.s32 v62, v23  }
0x71: {  	s23 =	sadd.s32 $0xFFFFFFF0, s30;
	v21 =	vand.u32 $0x1FC000, v21  }
0x72: {  	v21 =	vor.u32 s23, v21;
	v22 =	vshll.u32 v22, $0x17  }
0x73: {  	v21 =	vor.u32 v22, v21  }
0x74: {  	v21 =	vor.u32 v2, v21  }
0x75: {  	[tilespmem:v23+s20+$0x0] =	vst.idx.msk vm0, v21;
	v21 =	vmpcnt.ones.xlane vm0  }
0x76: {  	v22 =	vld [tilespmem:s29+$0x10]  }
0x77: {  	(v2sf) =	vpush v21, $0x0;
	_ =	sdelay $0x3  }
0x78: {  	v21 =	vshrl.u32 v22, $0x7  }
0x79: {  	v21 =	vsub.s32 v21, v0  }
0x7a: {  	vm14 =	vgt.s32 v21, $0xFFFFFFFF;
	vm15 =	vlt.s32 v21, v1  }
0x7b: {  	vm0 =	vmand vm14, vm15  }
0x7c: {  	v23 =	vmpcnt.ones.xlane vm0;
	_ =	sdelay $0x1  }
0x7d: {  	(v2sf) =	vpush v23, $0x0;
	_ =	sdelay $0x2  }
0x7e: {  	v23 =	vsel vm0, $0x1, v10  }
0x7f: {  	(xrf0) =	vadd.scan.msk.s32 $0xffff, v23  }
0x80: {  	s24 =	spop (v2sf)  }
0x81: {  	s0 =	sadd.s32 s0, s24  }
0x82: {  	v23 =	vmov s0  }
0x83: {  	v23 =	vadd.s32 $0xFFFFFFFF, v23  }
0x84: {  	v23 =	vbroadcast v23, $0x0  }
0x85: {  	s28 =	sadd.s32 $0x4, s28;
	v63, _, _ =	vpop (xrf0)  }
0x86: {  	p0 =	slt.u32 s28, $0x7C;
	v22 =	vshll.u32 v22, $0xE;
	v23 =	vadd.s32 v63, v23  }
.Ltmp2:
0x87: {  	v22 =	vand.u32 $0x1FC000, v22;
	(pc) =	sbr.rel @p0 .LBB2_3-.Ltmp2, $4  }
0x88: {  	v22 =	vor.u32 s30, v22;
	v21 =	vshll.u32 v21, $0x17  }
0x89: {  	v21 =	vor.u32 v21, v22  }
0x8a: {  	v21 =	vor.u32 v2, v21;
	s31 =	spop (v2sf)  }
0x8b: {  	s29 =	sadd.s32 $0x40, s29;
	s30 =	sadd.s32 $0x40, s30;
	[tilespmem:v23+s20+$0x0] =	vst.idx.msk vm0, v21;
	s24 =	sadd.s32 s0, s31  }
0x8c: {  	s26 =	sadd.s32 $0x1, s26  }
0x8d: {  	p0 =	sne.s32 s26, $0x8  }
.Ltmp3:
0x8e: {  	_ = 	snop;
	(pc) =	sbr.rel @p0 .LBB2_2-.Ltmp3, $2  }
0x8f: {  	_ =	sdelay $0x2  }
0x90: {  	s25 =	sadd.s32 $0x800, s25  }
0x91: {  	s25 =	simm.s32 $0x0;
	s26 =	simm.s32 $0x30  }
.LBB2_6:
0x92: {  	s0 =	sshll.u32 s25, $0x8  }
0x93: {  	s0 =	sadd.s32 s3, s0  }
0x94: {  	[tilespmem:s7], [sflag:$0x9] =	stream.linear.gather [hbm4b:s0+s7], $0x800, $0x38;
	[tilespmem:$0x1F780] =	vst v63  }
0x95: {  	_ =	swait.ge [sflag:s19], $0x800  }
0x96: {  	s28 =	simm.s32 $0xFFFFFFFC;
	[sflag:s19] =	ssyncset.done $0x0  }
0x97: {  	s29 =	simm.s32 $0x20;
	s30 =	smov.u32 s26;
	[sflag:s19] =	ssyncadd.s32 $0xFFFFF800  }
.LBB2_7:
0x98: {  	v21 =	vld [tilespmem:s29+$0xFFFFFFE0];
	_ =	sdelay $0x4  }
0x99: {  	v22 =	vshrl.u32 v21, $0x7  }
0x9a: {  	v22 =	vsub.s32 v22, v0  }
0x9b: {  	vm0 =	vgt.s32 v22, $0xFFFFFFFF;
	vm1 =	vlt.s32 v22, v1  }
0x9c: {  	vm0 =	vmand vm0, vm1  }
0x9d: {  	v23 =	vsel vm0, $0x1, v10  }
0x9e: {  	(xrf0) =	vadd.scan.msk.s32 $0xffff, v23;
	_ =	sdelay $0x2  }
0x9f: {  	v23 =	vmov s24  }
0xa0: {  	v23 =	vadd.s32 $0xFFFFFFFF, v23  }
0xa1: {  	v23 =	vbroadcast v23, $0x0  }
0xa2: {  	v24, _, _ =	vpop (xrf0)  }
0xa3: {  	v21 =	vshll.u32 v21, $0xE;
	v59 =	vmpcnt.ones.xlane vm0;
	v23 =	vadd.s32 v24, v23  }
0xa4: {  	s0 =	sadd.s32 $0xFFFFFFD0, s30;
	v21 =	vand.u32 $0x1FC000, v21  }
0xa5: {  	v22 =	vshll.u32 v22, $0x17;
	v21 =	vor.u32 s0, v21;
	(v2sf) =	vpush v59, $0x0  }
0xa6: {  	v21 =	vor.u32 v22, v21  }
0xa7: {  	v21 =	vor.u32 v11, v21  }
0xa8: {  	[tilespmem:v23+s20+$0x0] =	vst.idx.msk vm0, v21  }
0xa9: {  	v21 =	vld [tilespmem:s29+$0xFFFFFFF0];
	_ =	sdelay $0x4  }
0xaa: {  	v22 =	vshrl.u32 v21, $0x7  }
0xab: {  	v22 =	vsub.s32 v22, v0  }
0xac: {  	vm10 =	vgt.s32 v22, $0xFFFFFFFF;
	vm11 =	vlt.s32 v22, v1  }
0xad: {  	vm0 =	vmand vm10, vm11  }
0xae: {  	v23 =	vsel vm0, $0x1, v10  }
0xaf: {  	(xrf0) =	vadd.scan.msk.s32 $0xffff, v23  }
0xb0: {  	s12 =	spop (v2sf)  }
0xb1: {  	s0 =	sadd.s32 s24, s12  }
0xb2: {  	v23 =	vmov s0  }
0xb3: {  	v23 =	vadd.s32 $0xFFFFFFFF, v23  }
0xb4: {  	v23 =	vbroadcast v23, $0x0  }
0xb5: {  	v60, _, _ =	vpop (xrf0)  }
0xb6: {  	v21 =	vshll.u32 v21, $0xE;
	v61 =	vmpcnt.ones.xlane vm0;
	v23 =	vadd.s32 v60, v23  }
0xb7: {  	s2 =	sadd.s32 $0xFFFFFFE0, s30;
	v21 =	vand.u32 $0x1FC000, v21  }
0xb8: {  	v22 =	vshll.u32 v22, $0x17;
	v21 =	vor.u32 s2, v21;
	(v2sf) =	vpush v61, $0x0  }
0xb9: {  	v21 =	vor.u32 v22, v21  }
0xba: {  	v21 =	vor.u32 v11, v21  }
0xbb: {  	[tilespmem:v23+s20+$0x0] =	vst.idx.msk vm0, v21  }
0xbc: {  	v21 =	vld [tilespmem:s29+$0x0];
	_ =	sdelay $0x4  }
0xbd: {  	v22 =	vshrl.u32 v21, $0x7  }
0xbe: {  	v22 =	vsub.s32 v22, v0  }
0xbf: {  	vm12 =	vgt.s32 v22, $0xFFFFFFFF;
	vm13 =	vlt.s32 v22, v1  }
0xc0: {  	vm0 =	vmand vm12, vm13  }
0xc1: {  	v23 =	vsel vm0, $0x1, v10  }
0xc2: {  	(xrf0) =	vadd.scan.msk.s32 $0xffff, v23  }
0xc3: {  	s18 =	spop (v2sf)  }
0xc4: {  	s0 =	sadd.s32 s0, s18  }
0xc5: {  	v23 =	vmov s0  }
0xc6: {  	v23 =	vadd.s32 $0xFFFFFFFF, v23  }
0xc7: {  	v23 =	vbroadcast v23, $0x0  }
0xc8: {  	v62, _, _ =	vpop (xrf0)  }
0xc9: {  	v21 =	vshll.u32 v21, $0xE;
	v23 =	vadd.s32 v62, v23  }
0xca: {  	s23 =	sadd.s32 $0xFFFFFFF0, s30;
	v21 =	vand.u32 $0x1FC000, v21  }
0xcb: {  	v22 =	vshll.u32 v22, $0x17;
	v21 =	vor.u32 s23, v21  }
0xcc: {  	v21 =	vor.u32 v22, v21  }
0xcd: {  	v21 =	vor.u32 v11, v21  }
0xce: {  	[tilespmem:v23+s20+$0x0] =	vst.idx.msk vm0, v21;
	v21 =	vmpcnt.ones.xlane vm0  }
0xcf: {  	v22 =	vld [tilespmem:s29+$0x10]  }
0xd0: {  	(v2sf) =	vpush v21, $0x0;
	_ =	sdelay $0x3  }
0xd1: {  	v21 =	vshrl.u32 v22, $0x7  }
0xd2: {  	v21 =	vsub.s32 v21, v0  }
0xd3: {  	vm14 =	vgt.s32 v21, $0xFFFFFFFF;
	vm15 =	vlt.s32 v21, v1  }
0xd4: {  	vm0 =	vmand vm14, vm15  }
0xd5: {  	v23 =	vmpcnt.ones.xlane vm0;
	_ =	sdelay $0x1  }
0xd6: {  	(v2sf) =	vpush v23, $0x0;
	_ =	sdelay $0x2  }
0xd7: {  	v23 =	vsel vm0, $0x1, v10  }
0xd8: {  	(xrf0) =	vadd.scan.msk.s32 $0xffff, v23  }
0xd9: {  	s24 =	spop (v2sf)  }
0xda: {  	s0 =	sadd.s32 s0, s24  }
0xdb: {  	v23 =	vmov s0  }
0xdc: {  	v23 =	vadd.s32 $0xFFFFFFFF, v23  }
0xdd: {  	v23 =	vbroadcast v23, $0x0  }
0xde: {  	s28 =	sadd.s32 $0x4, s28;
	v63, _, _ =	vpop (xrf0)  }
0xdf: {  	p0 =	slt.u32 s28, $0x7C;
	v22 =	vshll.u32 v22, $0xE;
	v23 =	vadd.s32 v63, v23  }
.Ltmp4:
0xe0: {  	v22 =	vand.u32 $0x1FC000, v22;
	(pc) =	sbr.rel @p0 .LBB2_7-.Ltmp4, $4  }
0xe1: {  	v21 =	vshll.u32 v21, $0x17;
	v22 =	vor.u32 s30, v22  }
0xe2: {  	v21 =	vor.u32 v21, v22  }
0xe3: {  	v21 =	vor.u32 v11, v21;
	s31 =	spop (v2sf)  }
0xe4: {  	s29 =	sadd.s32 $0x40, s29;
	s30 =	sadd.s32 $0x40, s30;
	[tilespmem:v23+s20+$0x0] =	vst.idx.msk vm0, v21;
	s24 =	sadd.s32 s0, s31  }
0xe5: {  	s25 =	sadd.s32 $0x1, s25  }
0xe6: {  	p0 =	sne.s32 s25, $0x8  }
.Ltmp5:
0xe7: {  	_ = 	snop;
	(pc) =	sbr.rel @p0 .LBB2_6-.Ltmp5, $2  }
0xe8: {  	_ =	sdelay $0x2  }
0xe9: {  	s26 =	sadd.s32 $0x800, s26  }
0xea: {  	s25 =	simm.s32 $0x0;
	s26 =	simm.s32 $0x30  }
.LBB2_10:
0xeb: {  	s0 =	sshll.u32 s25, $0x8  }
0xec: {  	s0 =	sadd.s32 s5, s0  }
0xed: {  	[tilespmem:s7], [sflag:$0x9] =	stream.linear.gather [hbm4b:s0+s7], $0x800, $0x38;
	[tilespmem:$0x1F780] =	vst v63  }
0xee: {  	_ =	swait.ge [sflag:s19], $0x800  }
0xef: {  	s28 =	simm.s32 $0xFFFFFFFC;
	[sflag:s19] =	ssyncset.done $0x0  }
0xf0: {  	s29 =	simm.s32 $0x20;
	s30 =	smov.u32 s26;
	[sflag:s19] =	ssyncadd.s32 $0xFFFFF800  }
.LBB2_11:
0xf1: {  	v21 =	vld [tilespmem:s29+$0xFFFFFFE0];
	_ =	sdelay $0x4  }
0xf2: {  	v22 =	vshrl.u32 v21, $0x7  }
0xf3: {  	v22 =	vsub.s32 v22, v0  }
0xf4: {  	vm0 =	vgt.s32 v22, $0xFFFFFFFF;
	vm1 =	vlt.s32 v22, v1  }
0xf5: {  	vm0 =	vmand vm0, vm1  }
0xf6: {  	v23 =	vsel vm0, $0x1, v10  }
0xf7: {  	(xrf0) =	vadd.scan.msk.s32 $0xffff, v23;
	_ =	sdelay $0x2  }
0xf8: {  	v23 =	vmov s24  }
0xf9: {  	v23 =	vadd.s32 $0xFFFFFFFF, v23  }
0xfa: {  	v23 =	vbroadcast v23, $0x0  }
0xfb: {  	v24, _, _ =	vpop (xrf0)  }
0xfc: {  	v21 =	vshll.u32 v21, $0xE;
	v59 =	vmpcnt.ones.xlane vm0;
	v23 =	vadd.s32 v24, v23  }
0xfd: {  	s0 =	sadd.s32 $0xFFFFFFD0, s30;
	v21 =	vand.u32 $0x1FC000, v21  }
0xfe: {  	v22 =	vshll.u32 v22, $0x17;
	v21 =	vor.u32 s0, v21;
	(v2sf) =	vpush v59, $0x0  }
0xff: {  	v21 =	vor.u32 v22, v21  }
0x100: {  	v21 =	vor.u32 v12, v21  }
0x101: {  	[tilespmem:v23+s20+$0x0] =	vst.idx.msk vm0, v21  }
0x102: {  	v21 =	vld [tilespmem:s29+$0xFFFFFFF0];
	_ =	sdelay $0x4  }
0x103: {  	v22 =	vshrl.u32 v21, $0x7  }
0x104: {  	v22 =	vsub.s32 v22, v0  }
0x105: {  	vm10 =	vgt.s32 v22, $0xFFFFFFFF;
	vm11 =	vlt.s32 v22, v1  }
0x106: {  	vm0 =	vmand vm10, vm11  }
0x107: {  	v23 =	vsel vm0, $0x1, v10  }
0x108: {  	(xrf0) =	vadd.scan.msk.s32 $0xffff, v23  }
0x109: {  	s12 =	spop (v2sf)  }
0x10a: {  	s0 =	sadd.s32 s24, s12  }
0x10b: {  	v23 =	vmov s0  }
0x10c: {  	v23 =	vadd.s32 $0xFFFFFFFF, v23  }
0x10d: {  	v23 =	vbroadcast v23, $0x0  }
0x10e: {  	v60, _, _ =	vpop (xrf0)  }
0x10f: {  	v21 =	vshll.u32 v21, $0xE;
	v61 =	vmpcnt.ones.xlane vm0;
	v23 =	vadd.s32 v60, v23  }
0x110: {  	s2 =	sadd.s32 $0xFFFFFFE0, s30;
	v21 =	vand.u32 $0x1FC000, v21  }
0x111: {  	v22 =	vshll.u32 v22, $0x17;
	v21 =	vor.u32 s2, v21;
	(v2sf) =	vpush v61, $0x0  }
0x112: {  	v21 =	vor.u32 v22, v21  }
0x113: {  	v21 =	vor.u32 v12, v21  }
0x114: {  	[tilespmem:v23+s20+$0x0] =	vst.idx.msk vm0, v21  }
0x115: {  	v21 =	vld [tilespmem:s29+$0x0];
	_ =	sdelay $0x4  }
0x116: {  	v22 =	vshrl.u32 v21, $0x7  }
0x117: {  	v22 =	vsub.s32 v22, v0  }
0x118: {  	vm12 =	vgt.s32 v22, $0xFFFFFFFF;
	vm13 =	vlt.s32 v22, v1  }
0x119: {  	vm0 =	vmand vm12, vm13  }
0x11a: {  	v23 =	vsel vm0, $0x1, v10  }
0x11b: {  	(xrf0) =	vadd.scan.msk.s32 $0xffff, v23  }
0x11c: {  	s18 =	spop (v2sf)  }
0x11d: {  	s0 =	sadd.s32 s0, s18  }
0x11e: {  	v23 =	vmov s0  }
0x11f: {  	v23 =	vadd.s32 $0xFFFFFFFF, v23  }
0x120: {  	v23 =	vbroadcast v23, $0x0  }
0x121: {  	v62, _, _ =	vpop (xrf0)  }
0x122: {  	v21 =	vshll.u32 v21, $0xE;
	v23 =	vadd.s32 v62, v23  }
0x123: {  	s23 =	sadd.s32 $0xFFFFFFF0, s30;
	v21 =	vand.u32 $0x1FC000, v21  }
0x124: {  	v22 =	vshll.u32 v22, $0x17;
	v21 =	vor.u32 s23, v21  }
0x125: {  	v21 =	vor.u32 v22, v21  }
0x126: {  	v21 =	vor.u32 v12, v21  }
0x127: {  	[tilespmem:v23+s20+$0x0] =	vst.idx.msk vm0, v21;
	v21 =	vmpcnt.ones.xlane vm0  }
0x128: {  	v22 =	vld [tilespmem:s29+$0x10]  }
0x129: {  	(v2sf) =	vpush v21, $0x0;
	_ =	sdelay $0x3  }
0x12a: {  	v21 =	vshrl.u32 v22, $0x7  }
0x12b: {  	v21 =	vsub.s32 v21, v0  }
0x12c: {  	vm14 =	vgt.s32 v21, $0xFFFFFFFF;
	vm15 =	vlt.s32 v21, v1  }
0x12d: {  	vm0 =	vmand vm14, vm15  }
0x12e: {  	v23 =	vmpcnt.ones.xlane vm0;
	_ =	sdelay $0x1  }
0x12f: {  	(v2sf) =	vpush v23, $0x0;
	_ =	sdelay $0x2  }
0x130: {  	v23 =	vsel vm0, $0x1, v10  }
0x131: {  	(xrf0) =	vadd.scan.msk.s32 $0xffff, v23  }
0x132: {  	s24 =	spop (v2sf)  }
0x133: {  	s0 =	sadd.s32 s0, s24  }
0x134: {  	v23 =	vmov s0  }
0x135: {  	v23 =	vadd.s32 $0xFFFFFFFF, v23  }
0x136: {  	v23 =	vbroadcast v23, $0x0  }
0x137: {  	s28 =	sadd.s32 $0x4, s28;
	v63, _, _ =	vpop (xrf0)  }
0x138: {  	p0 =	slt.u32 s28, $0x7C;
	v22 =	vshll.u32 v22, $0xE;
	v23 =	vadd.s32 v63, v23  }
.Ltmp6:
0x139: {  	v22 =	vand.u32 $0x1FC000, v22;
	(pc) =	sbr.rel @p0 .LBB2_11-.Ltmp6, $4  }
0x13a: {  	v21 =	vshll.u32 v21, $0x17;
	v22 =	vor.u32 s30, v22  }
0x13b: {  	v21 =	vor.u32 v21, v22  }
0x13c: {  	v21 =	vor.u32 v12, v21;
	s31 =	spop (v2sf)  }
0x13d: {  	s29 =	sadd.s32 $0x40, s29;
	s30 =	sadd.s32 $0x40, s30;
	[tilespmem:v23+s20+$0x0] =	vst.idx.msk vm0, v21;
	s24 =	sadd.s32 s0, s31  }
0x13e: {  	s25 =	sadd.s32 $0x1, s25  }
0x13f: {  	p0 =	sne.s32 s25, $0x8  }
.Ltmp7:
0x140: {  	_ = 	snop;
	(pc) =	sbr.rel @p0 .LBB2_10-.Ltmp7, $2  }
0x141: {  	_ =	sdelay $0x2  }
0x142: {  	s26 =	sadd.s32 $0x800, s26  }
0x143: {  	_ =	sdelay $0x3  }
0x144: {  	[tilespmem:v2+s21+$0x0] =	vst.idx.msk $0xffff, v3  }
0x145: {  	[tilespmem:v4+s21+$0x0] =	vst.idx.msk $0xffff, v6  }
0x146: {  	p0 =	sgt.s32 s24, $0x0;
	[tilespmem:v5+s21+$0x0] =	vst.idx.msk $0xffff, v7  }
.Ltmp8:
0x147: {  	[tilespmem:v8+s21+$0x0] =	vst.idx.msk $0xffff, v9;
	(pc) =	sbr.rel @p0 .LBB2_15-.Ltmp8, $4  }
.Ltmp9:
0x148: {  	[tilespmem:v13+s21+$0x0] =	vst.idx.msk $0xffff, v3;
	(pc) =	sbr.rel @!p0 .LBB2_107-.Ltmp9, $4  }
0x149: {  	s25 =	simm.s32 $0x0;
	[tilespmem:v15+s21+$0x0] =	vst.idx.msk $0xffff, v6  }
0x14a: {  	[smem:$0x1EA] =	sst s25;
	[tilespmem:v16+s21+$0x0] =	vst.idx.msk $0xffff, v7  }
0x14b: {  	[smem:$0x1EB] =	sst s25;
	[tilespmem:v17+s21+$0x0] =	vst.idx.msk $0xffff, v9  }
0x14c: {  	_ = 	snop  }
.LBB2_14:
0x14d: {  	p0 =	slt.s32 s24, $0x1  }
.Ltmp10:
0x14e: {  	_ = 	snop;
	(pc) =	sbr.rel @p0 .LBB2_106-.Ltmp10, $1  }
0x14f: {  	_ =	sdelay $0x3  }
.LBB2_15:
0x150: {  	s2 =	simm.s32 $0x4;
	s0 =	simm.s32 $0x0  }
.LBB2_16:
0x151: {  	p0 =	sne.s32 s2, $0x7A4  }
0x152: {  	[smem:s0] =	sst s7;
	s0 =	smov.u32 s2;
	s2 =	sadd.s32 $0x4, s2  }
.Ltmp11:
0x153: {  	(pc) =	sbr.rel @p0 .LBB2_16-.Ltmp11, $2  }
0x154: {  	_ =	sdelay $0x2  }
0x155: {  	s0 =	sshra.s32 s0, $0x2  }
0x156: {  	s2 =	sadd.s32 $0xF, s24  }
0x157: {  	s5 =	sand.u32 $0xF, s2  }
0x158: {  	s30 =	sshra.s32 s2, $0x1F;
	p1 =	slt.s32 s2, $0x0;
	p0 =	sne.s32 s5, $0x0  }
0x159: {  	s5 =	sshrl.u32 s30, $0x1C;
	p0 =	por !p1, !p0  }
0x15a: {  	s2 =	sadd.s32 s5, s2;
	s5 =	simm.s32 $0x1;
	p0 =	por !p0, !p0  }
0x15b: {  	s2 =	sshra.s32 s2, $0x4;
	s5 =	simm.s32 @!p0 $0x0  }
0x15c: {  	s28 =	ssub.s32 s2, s5  }
0x15d: {  	p0 =	slt.s32 s28, $0x1  }
.Ltmp12:
0x15e: {  	_ = 	snop;
	(pc) =	sbr.rel @p0 .LBB2_100-.Ltmp12, $2  }
0x15f: {  	_ =	sdelay $0x2  }
0x160: {  	[smem:s0] =	sst s7;
	s26 =	simm.s32 $0x0;
	s31 =	simm.s32 $0x0  }
.Ltmp13:
0x161: {  	(pc) =	sbr.rel .LBB2_19-.Ltmp13, $2  }
0x162: {  	_ =	sdelay $0x2  }
0x163: {  	s29 =	simm.s32 $0xF;
	s30 =	simm.s32 $0x800;
	s31 =	simm.s32 $0x0  }
.LBB2_95:
0x164: {  	s2 =	sadd.s32 $0x1, s5  }
0x165: {  	[smem:s18] =	sst s2  }
0x166: {  	s23 =	sand.u32 $0x600000, s23;
	s2 =	sld [smem:s18+$0xF5]  }
0x167: {  	p0 =	seq.s32 s23, $0x0;
	s23 =	simm.s32 $0x1  }
0x168: {  	s23 =	simm.s32 @!p0 $0x2  }
0x169: {  	s31 =	smul.u32 $0x30, s18;
	s2 =	sor.u32 s23, s2  }
0x16a: {  	[smem:s18+$0xF5] =	sst s2  }
0x16b: {  	s18 =	sadd.s32 s31, s5;
	s2 =	simm.s32 $0x0;
	s5 =	simm.s32 $0xC880  }
.LBB2_98:
0x16c: {  	v22 =	vmov s18;
	_ =	sdelay $0x2  }
0x16d: {  	v21 =	vbroadcast v21, $0xF;
	_ =	sdelay $0x1  }
0x16e: {  	[tilespmem:v22+s5+$0x0] =	vst.idx.msk $0x1, v21  }
.LBB2_99:
0x16f: {  	s28 =	sadd.s32 $0xFFFFFFFF, s28  }
0x170: {  	p0 =	sne.s32 s28, $0x0  }
.Ltmp14:
0x171: {  	_ = 	snop;
	(pc) =	sbr.rel @!p0 .LBB2_100-.Ltmp14, $2  }
0x172: {  	_ =	sdelay $0x2  }
0x173: {  	s31 =	sadd.s32 s0, s2;
	s29 =	sadd.s32 $0x10, s29;
	s30 =	sadd.s32 $0x10, s30  }
.LBB2_19:
0x174: {  	v21 =	vld [tilespmem:s30+$0x0];
	_ =	sdelay $0x4  }
0x175: {  	(v2sf) =	vpush v21, $0x0;
	_ =	sdelay $0xe  }
0x176: {  	s5 =	spop (v2sf)  }
0x177: {  	s0 =	sshrl.u32 s5, $0x17  }
0x178: {  	s2 =	smin.u32 s0, $0xF4  }
0x179: {  	s0 =	sld [smem:s2+$0x0]  }
0x17a: {  	s18 =	sadd.s32 $0xFFFFFFF1, s29  }
0x17b: {  	p0 =	sge.s32 s18, s24  }
0x17c: {  	p1 =	sgt.s32 @!p0 s0, $0x1F  }
0x17d: {  	p1 =	por p0, p1  }
.Ltmp15:
0x17e: {  	_ = 	snop;
	(pc) =	sbr.rel @p1 .LBB2_21-.Ltmp15, $1  }
0x17f: {  	_ =	sdelay $0x3  }
0x180: {  	s18 =	sadd.s32 $0x1, s0  }
0x181: {  	[smem:s2] =	sst s18  }
0x182: {  	s5 =	sand.u32 $0x600000, s5;
	s18 =	sld [smem:s2+$0xF5]  }
.Ltmp16:
0x183: {  	p0 =	seq.s32 s5, $0x0;
	s5 =	simm.s32 $0x1;
	(pc) =	sbr.rel .LBB2_23-.Ltmp16, $4  }
0x184: {  	s5 =	simm.s32 @!p0 $0x2  }
0x185: {  	s23 =	smul.u32 $0x30, s2;
	s5 =	sor.u32 s5, s18  }
0x186: {  	[smem:s2+$0xF5] =	sst s5  }
0x187: {  	s5 =	sadd.s32 s0, s23;
	s0 =	simm.s32 $0x0;
	s2 =	simm.s32 $0xC880  }
.LBB2_21:
0x188: {  	p1 =	slt.s32 @!p0 s0, $0x20  }
0x189: {  	p1 =	por p0, p1  }
.Ltmp17:
0x18a: {  	_ = 	snop;
	(pc) =	sbr.rel @p1 .LBB2_109-.Ltmp17, $1  }
0x18b: {  	_ =	sdelay $0x3  }
0x18c: {  	s0 =	simm.s32 $0x1;
	s2 =	simm.s32 $0x800;
	s5 =	smov.u32 s31  }
.LBB2_23:
0x18d: {  	v22 =	vmov s5;
	_ =	sdelay $0x2  }
0x18e: {  	v23 =	vbroadcast v21, $0x0;
	_ =	sdelay $0x1  }
0x18f: {  	[tilespmem:v22+s2+$0x0] =	vst.idx.msk $0x1, v23  }
.LBB2_24:
0x190: {  	(v2sf) =	vpush v21, $0x1;
	_ =	sdelay $0xe  }
0x191: {  	s18 =	spop (v2sf)  }
0x192: {  	s2 =	sshrl.u32 s18, $0x17  }
0x193: {  	s5 =	smin.u32 s2, $0xF4  }
0x194: {  	s2 =	sld [smem:s5+$0x0]  }
0x195: {  	s23 =	sadd.s32 $0xFFFFFFF2, s29  }
0x196: {  	p0 =	sge.s32 s23, s24  }
0x197: {  	p1 =	sgt.s32 @!p0 s2, $0x1F  }
0x198: {  	p1 =	por p0, p1  }
.Ltmp18:
0x199: {  	_ = 	snop;
	(pc) =	sbr.rel @p1 .LBB2_26-.Ltmp18, $2  }
0x19a: {  	_ =	sdelay $0x2  }
0x19b: {  	s0 =	sadd.s32 s31, s0  }
0x19c: {  	s23 =	sadd.s32 $0x1, s2  }
0x19d: {  	[smem:s5] =	sst s23  }
0x19e: {  	s18 =	sand.u32 $0x600000, s18;
	s23 =	sld [smem:s5+$0xF5]  }
.Ltmp19:
0x19f: {  	p0 =	seq.s32 s18, $0x0;
	s18 =	simm.s32 $0x1;
	(pc) =	sbr.rel .LBB2_28-.Ltmp19, $4  }
0x1a0: {  	s18 =	simm.s32 @!p0 $0x2  }
0x1a1: {  	s31 =	smul.u32 $0x30, s5;
	s18 =	sor.u32 s18, s23  }
0x1a2: {  	[smem:s5+$0xF5] =	sst s18  }
0x1a3: {  	s18 =	sadd.s32 s31, s2;
	s2 =	simm.s32 $0x0;
	s5 =	simm.s32 $0xC880  }
.LBB2_26:
0x1a4: {  	p1 =	slt.s32 @!p0 s2, $0x20  }
0x1a5: {  	p1 =	por p0, p1  }
.Ltmp20:
0x1a6: {  	_ = 	snop;
	(pc) =	sbr.rel @p1 .LBB2_110-.Ltmp20, $1  }
0x1a7: {  	_ =	sdelay $0x3  }
0x1a8: {  	s2 =	simm.s32 $0x1;
	s5 =	simm.s32 $0x800;
	s18 =	smov.u32 s0  }
.LBB2_28:
0x1a9: {  	v22 =	vmov s18;
	_ =	sdelay $0x2  }
0x1aa: {  	v23 =	vbroadcast v21, $0x1;
	_ =	sdelay $0x1  }
0x1ab: {  	[tilespmem:v22+s5+$0x0] =	vst.idx.msk $0x1, v23  }
.LBB2_29:
0x1ac: {  	(v2sf) =	vpush v21, $0x2;
	_ =	sdelay $0xe  }
0x1ad: {  	s23 =	spop (v2sf)  }
0x1ae: {  	s5 =	sshrl.u32 s23, $0x17  }
0x1af: {  	s18 =	smin.u32 s5, $0xF4  }
0x1b0: {  	s5 =	sld [smem:s18+$0x0]  }
0x1b1: {  	s31 =	sadd.s32 $0xFFFFFFF3, s29  }
0x1b2: {  	p0 =	sge.s32 s31, s24  }
0x1b3: {  	p1 =	sgt.s32 @!p0 s5, $0x1F  }
0x1b4: {  	p1 =	por p0, p1  }
.Ltmp21:
0x1b5: {  	_ = 	snop;
	(pc) =	sbr.rel @p1 .LBB2_31-.Ltmp21, $2  }
0x1b6: {  	_ =	sdelay $0x2  }
0x1b7: {  	s0 =	sadd.s32 s0, s2  }
0x1b8: {  	s2 =	sadd.s32 $0x1, s5  }
0x1b9: {  	[smem:s18] =	sst s2  }
0x1ba: {  	s23 =	sand.u32 $0x600000, s23;
	s2 =	sld [smem:s18+$0xF5]  }
.Ltmp22:
0x1bb: {  	p0 =	seq.s32 s23, $0x0;
	s23 =	simm.s32 $0x1;
	(pc) =	sbr.rel .LBB2_33-.Ltmp22, $4  }
0x1bc: {  	s23 =	simm.s32 @!p0 $0x2  }
0x1bd: {  	s31 =	smul.u32 $0x30, s18;
	s2 =	sor.u32 s23, s2  }
0x1be: {  	[smem:s18+$0xF5] =	sst s2  }
0x1bf: {  	s18 =	sadd.s32 s31, s5;
	s2 =	simm.s32 $0x0;
	s5 =	simm.s32 $0xC880  }
.LBB2_31:
0x1c0: {  	p1 =	slt.s32 @!p0 s5, $0x20  }
0x1c1: {  	p1 =	por p0, p1  }
.Ltmp23:
0x1c2: {  	_ = 	snop;
	(pc) =	sbr.rel @p1 .LBB2_111-.Ltmp23, $1  }
0x1c3: {  	_ =	sdelay $0x3  }
0x1c4: {  	s2 =	simm.s32 $0x1;
	s5 =	simm.s32 $0x800;
	s18 =	smov.u32 s0  }
.LBB2_33:
0x1c5: {  	v22 =	vmov s18;
	_ =	sdelay $0x2  }
0x1c6: {  	v23 =	vbroadcast v21, $0x2;
	_ =	sdelay $0x1  }
0x1c7: {  	[tilespmem:v22+s5+$0x0] =	vst.idx.msk $0x1, v23  }
.LBB2_34:
0x1c8: {  	(v2sf) =	vpush v21, $0x3;
	_ =	sdelay $0xe  }
0x1c9: {  	s23 =	spop (v2sf)  }
0x1ca: {  	s5 =	sshrl.u32 s23, $0x17  }
0x1cb: {  	s18 =	smin.u32 s5, $0xF4  }
0x1cc: {  	s5 =	sld [smem:s18+$0x0]  }
0x1cd: {  	s31 =	sadd.s32 $0xFFFFFFF4, s29  }
0x1ce: {  	p0 =	sge.s32 s31, s24  }
0x1cf: {  	p1 =	sgt.s32 @!p0 s5, $0x1F  }
0x1d0: {  	p1 =	por p0, p1  }
.Ltmp24:
0x1d1: {  	_ = 	snop;
	(pc) =	sbr.rel @p1 .LBB2_36-.Ltmp24, $2  }
0x1d2: {  	_ =	sdelay $0x2  }
0x1d3: {  	s0 =	sadd.s32 s0, s2  }
0x1d4: {  	s2 =	sadd.s32 $0x1, s5  }
0x1d5: {  	[smem:s18] =	sst s2  }
0x1d6: {  	s23 =	sand.u32 $0x600000, s23;
	s2 =	sld [smem:s18+$0xF5]  }
.Ltmp25:
0x1d7: {  	p0 =	seq.s32 s23, $0x0;
	s23 =	simm.s32 $0x1;
	(pc) =	sbr.rel .LBB2_38-.Ltmp25, $4  }
0x1d8: {  	s23 =	simm.s32 @!p0 $0x2  }
0x1d9: {  	s31 =	smul.u32 $0x30, s18;
	s2 =	sor.u32 s23, s2  }
0x1da: {  	[smem:s18+$0xF5] =	sst s2  }
0x1db: {  	s18 =	sadd.s32 s31, s5;
	s2 =	simm.s32 $0x0;
	s5 =	simm.s32 $0xC880  }
.LBB2_36:
0x1dc: {  	p1 =	slt.s32 @!p0 s5, $0x20  }
0x1dd: {  	p1 =	por p0, p1  }
.Ltmp26:
0x1de: {  	_ = 	snop;
	(pc) =	sbr.rel @p1 .LBB2_112-.Ltmp26, $1  }
0x1df: {  	_ =	sdelay $0x3  }
0x1e0: {  	s2 =	simm.s32 $0x1;
	s5 =	simm.s32 $0x800;
	s18 =	smov.u32 s0  }
.LBB2_38:
0x1e1: {  	v22 =	vmov s18;
	_ =	sdelay $0x2  }
0x1e2: {  	v23 =	vbroadcast v21, $0x3;
	_ =	sdelay $0x1  }
0x1e3: {  	[tilespmem:v22+s5+$0x0] =	vst.idx.msk $0x1, v23  }
.LBB2_39:
0x1e4: {  	(v2sf) =	vpush v21, $0x4;
	_ =	sdelay $0xe  }
0x1e5: {  	s23 =	spop (v2sf)  }
0x1e6: {  	s5 =	sshrl.u32 s23, $0x17  }
0x1e7: {  	s18 =	smin.u32 s5, $0xF4  }
0x1e8: {  	s5 =	sld [smem:s18+$0x0]  }
0x1e9: {  	s31 =	sadd.s32 $0xFFFFFFF5, s29  }
0x1ea: {  	p0 =	sge.s32 s31, s24  }
0x1eb: {  	p1 =	sgt.s32 @!p0 s5, $0x1F  }
0x1ec: {  	p1 =	por p0, p1  }
.Ltmp27:
0x1ed: {  	_ = 	snop;
	(pc) =	sbr.rel @p1 .LBB2_41-.Ltmp27, $2  }
0x1ee: {  	_ =	sdelay $0x2  }
0x1ef: {  	s0 =	sadd.s32 s0, s2  }
0x1f0: {  	s2 =	sadd.s32 $0x1, s5  }
0x1f1: {  	[smem:s18] =	sst s2  }
0x1f2: {  	s23 =	sand.u32 $0x600000, s23;
	s2 =	sld [smem:s18+$0xF5]  }
.Ltmp28:
0x1f3: {  	p0 =	seq.s32 s23, $0x0;
	s23 =	simm.s32 $0x1;
	(pc) =	sbr.rel .LBB2_43-.Ltmp28, $4  }
0x1f4: {  	s23 =	simm.s32 @!p0 $0x2  }
0x1f5: {  	s31 =	smul.u32 $0x30, s18;
	s2 =	sor.u32 s23, s2  }
0x1f6: {  	[smem:s18+$0xF5] =	sst s2  }
0x1f7: {  	s18 =	sadd.s32 s31, s5;
	s2 =	simm.s32 $0x0;
	s5 =	simm.s32 $0xC880  }
.LBB2_41:
0x1f8: {  	p1 =	slt.s32 @!p0 s5, $0x20  }
0x1f9: {  	p1 =	por p0, p1  }
.Ltmp29:
0x1fa: {  	_ = 	snop;
	(pc) =	sbr.rel @p1 .LBB2_113-.Ltmp29, $1  }
0x1fb: {  	_ =	sdelay $0x3  }
0x1fc: {  	s2 =	simm.s32 $0x1;
	s5 =	simm.s32 $0x800;
	s18 =	smov.u32 s0  }
.LBB2_43:
0x1fd: {  	v22 =	vmov s18;
	_ =	sdelay $0x2  }
0x1fe: {  	v23 =	vbroadcast v21, $0x4;
	_ =	sdelay $0x1  }
0x1ff: {  	[tilespmem:v22+s5+$0x0] =	vst.idx.msk $0x1, v23  }
.LBB2_44:
0x200: {  	(v2sf) =	vpush v21, $0x5;
	_ =	sdelay $0xe  }
0x201: {  	s23 =	spop (v2sf)  }
0x202: {  	s5 =	sshrl.u32 s23, $0x17  }
0x203: {  	s18 =	smin.u32 s5, $0xF4  }
0x204: {  	s5 =	sld [smem:s18+$0x0]  }
0x205: {  	s31 =	sadd.s32 $0xFFFFFFF6, s29  }
0x206: {  	p0 =	sge.s32 s31, s24  }
0x207: {  	p1 =	sgt.s32 @!p0 s5, $0x1F  }
0x208: {  	p1 =	por p0, p1  }
.Ltmp30:
0x209: {  	_ = 	snop;
	(pc) =	sbr.rel @p1 .LBB2_46-.Ltmp30, $2  }
0x20a: {  	_ =	sdelay $0x2  }
0x20b: {  	s0 =	sadd.s32 s0, s2  }
0x20c: {  	s2 =	sadd.s32 $0x1, s5  }
0x20d: {  	[smem:s18] =	sst s2  }
0x20e: {  	s23 =	sand.u32 $0x600000, s23;
	s2 =	sld [smem:s18+$0xF5]  }
.Ltmp31:
0x20f: {  	p0 =	seq.s32 s23, $0x0;
	s23 =	simm.s32 $0x1;
	(pc) =	sbr.rel .LBB2_48-.Ltmp31, $4  }
0x210: {  	s23 =	simm.s32 @!p0 $0x2  }
0x211: {  	s31 =	smul.u32 $0x30, s18;
	s2 =	sor.u32 s23, s2  }
0x212: {  	[smem:s18+$0xF5] =	sst s2  }
0x213: {  	s18 =	sadd.s32 s31, s5;
	s2 =	simm.s32 $0x0;
	s5 =	simm.s32 $0xC880  }
.LBB2_46:
0x214: {  	p1 =	slt.s32 @!p0 s5, $0x20  }
0x215: {  	p1 =	por p0, p1  }
.Ltmp32:
0x216: {  	_ = 	snop;
	(pc) =	sbr.rel @p1 .LBB2_114-.Ltmp32, $1  }
0x217: {  	_ =	sdelay $0x3  }
0x218: {  	s2 =	simm.s32 $0x1;
	s5 =	simm.s32 $0x800;
	s18 =	smov.u32 s0  }
.LBB2_48:
0x219: {  	v22 =	vmov s18;
	_ =	sdelay $0x2  }
0x21a: {  	v23 =	vbroadcast v21, $0x5;
	_ =	sdelay $0x1  }
0x21b: {  	[tilespmem:v22+s5+$0x0] =	vst.idx.msk $0x1, v23  }
.LBB2_49:
0x21c: {  	(v2sf) =	vpush v21, $0x6;
	_ =	sdelay $0xe  }
0x21d: {  	s23 =	spop (v2sf)  }
0x21e: {  	s5 =	sshrl.u32 s23, $0x17  }
0x21f: {  	s18 =	smin.u32 s5, $0xF4  }
0x220: {  	s5 =	sld [smem:s18+$0x0]  }
0x221: {  	s31 =	sadd.s32 $0xFFFFFFF7, s29  }
0x222: {  	p0 =	sge.s32 s31, s24  }
0x223: {  	p1 =	sgt.s32 @!p0 s5, $0x1F  }
0x224: {  	p1 =	por p0, p1  }
.Ltmp33:
0x225: {  	_ = 	snop;
	(pc) =	sbr.rel @p1 .LBB2_51-.Ltmp33, $2  }
0x226: {  	_ =	sdelay $0x2  }
0x227: {  	s0 =	sadd.s32 s0, s2  }
0x228: {  	s2 =	sadd.s32 $0x1, s5  }
0x229: {  	[smem:s18] =	sst s2  }
0x22a: {  	s23 =	sand.u32 $0x600000, s23;
	s2 =	sld [smem:s18+$0xF5]  }
.Ltmp34:
0x22b: {  	p0 =	seq.s32 s23, $0x0;
	s23 =	simm.s32 $0x1;
	(pc) =	sbr.rel .LBB2_53-.Ltmp34, $4  }
0x22c: {  	s23 =	simm.s32 @!p0 $0x2  }
0x22d: {  	s31 =	smul.u32 $0x30, s18;
	s2 =	sor.u32 s23, s2  }
0x22e: {  	[smem:s18+$0xF5] =	sst s2  }
0x22f: {  	s18 =	sadd.s32 s31, s5;
	s2 =	simm.s32 $0x0;
	s5 =	simm.s32 $0xC880  }
.LBB2_51:
0x230: {  	p1 =	slt.s32 @!p0 s5, $0x20  }
0x231: {  	p1 =	por p0, p1  }
.Ltmp35:
0x232: {  	_ = 	snop;
	(pc) =	sbr.rel @p1 .LBB2_115-.Ltmp35, $1  }
0x233: {  	_ =	sdelay $0x3  }
0x234: {  	s2 =	simm.s32 $0x1;
	s5 =	simm.s32 $0x800;
	s18 =	smov.u32 s0  }
.LBB2_53:
0x235: {  	v22 =	vmov s18;
	_ =	sdelay $0x2  }
0x236: {  	v23 =	vbroadcast v21, $0x6;
	_ =	sdelay $0x1  }
0x237: {  	[tilespmem:v22+s5+$0x0] =	vst.idx.msk $0x1, v23  }
.LBB2_54:
0x238: {  	(v2sf) =	vpush v21, $0x7;
	_ =	sdelay $0xe  }
0x239: {  	s23 =	spop (v2sf)  }
0x23a: {  	s5 =	sshrl.u32 s23, $0x17  }
0x23b: {  	s18 =	smin.u32 s5, $0xF4  }
0x23c: {  	s5 =	sld [smem:s18+$0x0]  }
0x23d: {  	s31 =	sadd.s32 $0xFFFFFFF8, s29  }
0x23e: {  	p0 =	sge.s32 s31, s24  }
0x23f: {  	p1 =	sgt.s32 @!p0 s5, $0x1F  }
0x240: {  	p1 =	por p0, p1  }
.Ltmp36:
0x241: {  	_ = 	snop;
	(pc) =	sbr.rel @p1 .LBB2_56-.Ltmp36, $2  }
0x242: {  	_ =	sdelay $0x2  }
0x243: {  	s0 =	sadd.s32 s0, s2  }
0x244: {  	s2 =	sadd.s32 $0x1, s5  }
0x245: {  	[smem:s18] =	sst s2  }
0x246: {  	s23 =	sand.u32 $0x600000, s23;
	s2 =	sld [smem:s18+$0xF5]  }
.Ltmp37:
0x247: {  	p0 =	seq.s32 s23, $0x0;
	s23 =	simm.s32 $0x1;
	(pc) =	sbr.rel .LBB2_58-.Ltmp37, $4  }
0x248: {  	s23 =	simm.s32 @!p0 $0x2  }
0x249: {  	s31 =	smul.u32 $0x30, s18;
	s2 =	sor.u32 s23, s2  }
0x24a: {  	[smem:s18+$0xF5] =	sst s2  }
0x24b: {  	s18 =	sadd.s32 s31, s5;
	s2 =	simm.s32 $0x0;
	s5 =	simm.s32 $0xC880  }
.LBB2_56:
0x24c: {  	p1 =	slt.s32 @!p0 s5, $0x20  }
0x24d: {  	p1 =	por p0, p1  }
.Ltmp38:
0x24e: {  	_ = 	snop;
	(pc) =	sbr.rel @p1 .LBB2_116-.Ltmp38, $1  }
0x24f: {  	_ =	sdelay $0x3  }
0x250: {  	s2 =	simm.s32 $0x1;
	s5 =	simm.s32 $0x800;
	s18 =	smov.u32 s0  }
.LBB2_58:
0x251: {  	v22 =	vmov s18;
	_ =	sdelay $0x2  }
0x252: {  	v23 =	vbroadcast v21, $0x7;
	_ =	sdelay $0x1  }
0x253: {  	[tilespmem:v22+s5+$0x0] =	vst.idx.msk $0x1, v23  }
.LBB2_59:
0x254: {  	(v2sf) =	vpush v21, $0x8;
	_ =	sdelay $0xe  }
0x255: {  	s23 =	spop (v2sf)  }
0x256: {  	s5 =	sshrl.u32 s23, $0x17  }
0x257: {  	s18 =	smin.u32 s5, $0xF4  }
0x258: {  	s5 =	sld [smem:s18+$0x0]  }
0x259: {  	s31 =	sadd.s32 $0xFFFFFFF9, s29  }
0x25a: {  	p0 =	sge.s32 s31, s24  }
0x25b: {  	p1 =	sgt.s32 @!p0 s5, $0x1F  }
0x25c: {  	p1 =	por p0, p1  }
.Ltmp39:
0x25d: {  	_ = 	snop;
	(pc) =	sbr.rel @p1 .LBB2_61-.Ltmp39, $2  }
0x25e: {  	_ =	sdelay $0x2  }
0x25f: {  	s0 =	sadd.s32 s0, s2  }
0x260: {  	s2 =	sadd.s32 $0x1, s5  }
0x261: {  	[smem:s18] =	sst s2  }
0x262: {  	s23 =	sand.u32 $0x600000, s23;
	s2 =	sld [smem:s18+$0xF5]  }
.Ltmp40:
0x263: {  	p0 =	seq.s32 s23, $0x0;
	s23 =	simm.s32 $0x1;
	(pc) =	sbr.rel .LBB2_63-.Ltmp40, $4  }
0x264: {  	s23 =	simm.s32 @!p0 $0x2  }
0x265: {  	s31 =	smul.u32 $0x30, s18;
	s2 =	sor.u32 s23, s2  }
0x266: {  	[smem:s18+$0xF5] =	sst s2  }
0x267: {  	s18 =	sadd.s32 s31, s5;
	s2 =	simm.s32 $0x0;
	s5 =	simm.s32 $0xC880  }
.LBB2_61:
0x268: {  	p1 =	slt.s32 @!p0 s5, $0x20  }
0x269: {  	p1 =	por p0, p1  }
.Ltmp41:
0x26a: {  	_ = 	snop;
	(pc) =	sbr.rel @p1 .LBB2_117-.Ltmp41, $1  }
0x26b: {  	_ =	sdelay $0x3  }
0x26c: {  	s2 =	simm.s32 $0x1;
	s5 =	simm.s32 $0x800;
	s18 =	smov.u32 s0  }
.LBB2_63:
0x26d: {  	v22 =	vmov s18;
	_ =	sdelay $0x2  }
0x26e: {  	v23 =	vbroadcast v21, $0x8;
	_ =	sdelay $0x1  }
0x26f: {  	[tilespmem:v22+s5+$0x0] =	vst.idx.msk $0x1, v23  }
.LBB2_64:
0x270: {  	(v2sf) =	vpush v21, $0x9;
	_ =	sdelay $0xe  }
0x271: {  	s23 =	spop (v2sf)  }
0x272: {  	s5 =	sshrl.u32 s23, $0x17  }
0x273: {  	s18 =	smin.u32 s5, $0xF4  }
0x274: {  	s5 =	sld [smem:s18+$0x0]  }
0x275: {  	s31 =	sadd.s32 $0xFFFFFFFA, s29  }
0x276: {  	p0 =	sge.s32 s31, s24  }
0x277: {  	p1 =	sgt.s32 @!p0 s5, $0x1F  }
0x278: {  	p1 =	por p0, p1  }
.Ltmp42:
0x279: {  	_ = 	snop;
	(pc) =	sbr.rel @p1 .LBB2_66-.Ltmp42, $2  }
0x27a: {  	_ =	sdelay $0x2  }
0x27b: {  	s0 =	sadd.s32 s0, s2  }
0x27c: {  	s2 =	sadd.s32 $0x1, s5  }
0x27d: {  	[smem:s18] =	sst s2  }
0x27e: {  	s23 =	sand.u32 $0x600000, s23;
	s2 =	sld [smem:s18+$0xF5]  }
.Ltmp43:
0x27f: {  	p0 =	seq.s32 s23, $0x0;
	s23 =	simm.s32 $0x1;
	(pc) =	sbr.rel .LBB2_68-.Ltmp43, $4  }
0x280: {  	s23 =	simm.s32 @!p0 $0x2  }
0x281: {  	s31 =	smul.u32 $0x30, s18;
	s2 =	sor.u32 s23, s2  }
0x282: {  	[smem:s18+$0xF5] =	sst s2  }
0x283: {  	s18 =	sadd.s32 s31, s5;
	s2 =	simm.s32 $0x0;
	s5 =	simm.s32 $0xC880  }
.LBB2_66:
0x284: {  	p1 =	slt.s32 @!p0 s5, $0x20  }
0x285: {  	p1 =	por p0, p1  }
.Ltmp44:
0x286: {  	_ = 	snop;
	(pc) =	sbr.rel @p1 .LBB2_118-.Ltmp44, $1  }
0x287: {  	_ =	sdelay $0x3  }
0x288: {  	s2 =	simm.s32 $0x1;
	s5 =	simm.s32 $0x800;
	s18 =	smov.u32 s0  }
.LBB2_68:
0x289: {  	v22 =	vmov s18;
	_ =	sdelay $0x2  }
0x28a: {  	v23 =	vbroadcast v21, $0x9;
	_ =	sdelay $0x1  }
0x28b: {  	[tilespmem:v22+s5+$0x0] =	vst.idx.msk $0x1, v23  }
.LBB2_69:
0x28c: {  	(v2sf) =	vpush v21, $0xA;
	_ =	sdelay $0xe  }
0x28d: {  	s23 =	spop (v2sf)  }
0x28e: {  	s5 =	sshrl.u32 s23, $0x17  }
0x28f: {  	s18 =	smin.u32 s5, $0xF4  }
0x290: {  	s5 =	sld [smem:s18+$0x0]  }
0x291: {  	s31 =	sadd.s32 $0xFFFFFFFB, s29  }
0x292: {  	p0 =	sge.s32 s31, s24  }
0x293: {  	p1 =	sgt.s32 @!p0 s5, $0x1F  }
0x294: {  	p1 =	por p0, p1  }
.Ltmp45:
0x295: {  	_ = 	snop;
	(pc) =	sbr.rel @p1 .LBB2_71-.Ltmp45, $2  }
0x296: {  	_ =	sdelay $0x2  }
0x297: {  	s0 =	sadd.s32 s0, s2  }
0x298: {  	s2 =	sadd.s32 $0x1, s5  }
0x299: {  	[smem:s18] =	sst s2  }
0x29a: {  	s23 =	sand.u32 $0x600000, s23;
	s2 =	sld [smem:s18+$0xF5]  }
.Ltmp46:
0x29b: {  	p0 =	seq.s32 s23, $0x0;
	s23 =	simm.s32 $0x1;
	(pc) =	sbr.rel .LBB2_73-.Ltmp46, $4  }
0x29c: {  	s23 =	simm.s32 @!p0 $0x2  }
0x29d: {  	s31 =	smul.u32 $0x30, s18;
	s2 =	sor.u32 s23, s2  }
0x29e: {  	[smem:s18+$0xF5] =	sst s2  }
0x29f: {  	s18 =	sadd.s32 s31, s5;
	s2 =	simm.s32 $0x0;
	s5 =	simm.s32 $0xC880  }
.LBB2_71:
0x2a0: {  	p1 =	slt.s32 @!p0 s5, $0x20  }
0x2a1: {  	p1 =	por p0, p1  }
.Ltmp47:
0x2a2: {  	_ = 	snop;
	(pc) =	sbr.rel @p1 .LBB2_119-.Ltmp47, $1  }
0x2a3: {  	_ =	sdelay $0x3  }
0x2a4: {  	s2 =	simm.s32 $0x1;
	s5 =	simm.s32 $0x800;
	s18 =	smov.u32 s0  }
.LBB2_73:
0x2a5: {  	v22 =	vmov s18;
	_ =	sdelay $0x2  }
0x2a6: {  	v23 =	vbroadcast v21, $0xA;
	_ =	sdelay $0x1  }
0x2a7: {  	[tilespmem:v22+s5+$0x0] =	vst.idx.msk $0x1, v23  }
.LBB2_74:
0x2a8: {  	(v2sf) =	vpush v21, $0xB;
	_ =	sdelay $0xe  }
0x2a9: {  	s23 =	spop (v2sf)  }
0x2aa: {  	s5 =	sshrl.u32 s23, $0x17  }
0x2ab: {  	s18 =	smin.u32 s5, $0xF4  }
0x2ac: {  	s5 =	sld [smem:s18+$0x0]  }
0x2ad: {  	s31 =	sadd.s32 $0xFFFFFFFC, s29  }
0x2ae: {  	p0 =	sge.s32 s31, s24  }
0x2af: {  	p1 =	sgt.s32 @!p0 s5, $0x1F  }
0x2b0: {  	p1 =	por p0, p1  }
.Ltmp48:
0x2b1: {  	_ = 	snop;
	(pc) =	sbr.rel @p1 .LBB2_76-.Ltmp48, $2  }
0x2b2: {  	_ =	sdelay $0x2  }
0x2b3: {  	s0 =	sadd.s32 s0, s2  }
0x2b4: {  	s2 =	sadd.s32 $0x1, s5  }
0x2b5: {  	[smem:s18] =	sst s2  }
0x2b6: {  	s23 =	sand.u32 $0x600000, s23;
	s2 =	sld [smem:s18+$0xF5]  }
.Ltmp49:
0x2b7: {  	p0 =	seq.s32 s23, $0x0;
	s23 =	simm.s32 $0x1;
	(pc) =	sbr.rel .LBB2_78-.Ltmp49, $4  }
0x2b8: {  	s23 =	simm.s32 @!p0 $0x2  }
0x2b9: {  	s31 =	smul.u32 $0x30, s18;
	s2 =	sor.u32 s23, s2  }
0x2ba: {  	[smem:s18+$0xF5] =	sst s2  }
0x2bb: {  	s18 =	sadd.s32 s31, s5;
	s2 =	simm.s32 $0x0;
	s5 =	simm.s32 $0xC880  }
.LBB2_76:
0x2bc: {  	p1 =	slt.s32 @!p0 s5, $0x20  }
0x2bd: {  	p1 =	por p0, p1  }
.Ltmp50:
0x2be: {  	_ = 	snop;
	(pc) =	sbr.rel @p1 .LBB2_120-.Ltmp50, $1  }
0x2bf: {  	_ =	sdelay $0x3  }
0x2c0: {  	s2 =	simm.s32 $0x1;
	s5 =	simm.s32 $0x800;
	s18 =	smov.u32 s0  }
.LBB2_78:
0x2c1: {  	v22 =	vmov s18;
	_ =	sdelay $0x2  }
0x2c2: {  	v23 =	vbroadcast v21, $0xB;
	_ =	sdelay $0x1  }
0x2c3: {  	[tilespmem:v22+s5+$0x0] =	vst.idx.msk $0x1, v23  }
.LBB2_79:
0x2c4: {  	(v2sf) =	vpush v21, $0xC;
	_ =	sdelay $0xe  }
0x2c5: {  	s23 =	spop (v2sf)  }
0x2c6: {  	s5 =	sshrl.u32 s23, $0x17  }
0x2c7: {  	s18 =	smin.u32 s5, $0xF4  }
0x2c8: {  	s5 =	sld [smem:s18+$0x0]  }
0x2c9: {  	s31 =	sadd.s32 $0xFFFFFFFD, s29  }
0x2ca: {  	p0 =	sge.s32 s31, s24  }
0x2cb: {  	p1 =	sgt.s32 @!p0 s5, $0x1F  }
0x2cc: {  	p1 =	por p0, p1  }
.Ltmp51:
0x2cd: {  	_ = 	snop;
	(pc) =	sbr.rel @p1 .LBB2_81-.Ltmp51, $2  }
0x2ce: {  	_ =	sdelay $0x2  }
0x2cf: {  	s0 =	sadd.s32 s0, s2  }
0x2d0: {  	s2 =	sadd.s32 $0x1, s5  }
0x2d1: {  	[smem:s18] =	sst s2  }
0x2d2: {  	s23 =	sand.u32 $0x600000, s23;
	s2 =	sld [smem:s18+$0xF5]  }
.Ltmp52:
0x2d3: {  	p0 =	seq.s32 s23, $0x0;
	s23 =	simm.s32 $0x1;
	(pc) =	sbr.rel .LBB2_83-.Ltmp52, $4  }
0x2d4: {  	s23 =	simm.s32 @!p0 $0x2  }
0x2d5: {  	s31 =	smul.u32 $0x30, s18;
	s2 =	sor.u32 s23, s2  }
0x2d6: {  	[smem:s18+$0xF5] =	sst s2  }
0x2d7: {  	s18 =	sadd.s32 s31, s5;
	s2 =	simm.s32 $0x0;
	s5 =	simm.s32 $0xC880  }
.LBB2_81:
0x2d8: {  	p1 =	slt.s32 @!p0 s5, $0x20  }
0x2d9: {  	p1 =	por p0, p1  }
.Ltmp53:
0x2da: {  	_ = 	snop;
	(pc) =	sbr.rel @p1 .LBB2_121-.Ltmp53, $1  }
0x2db: {  	_ =	sdelay $0x3  }
0x2dc: {  	s2 =	simm.s32 $0x1;
	s5 =	simm.s32 $0x800;
	s18 =	smov.u32 s0  }
.LBB2_83:
0x2dd: {  	v22 =	vmov s18;
	_ =	sdelay $0x2  }
0x2de: {  	v23 =	vbroadcast v21, $0xC;
	_ =	sdelay $0x1  }
0x2df: {  	[tilespmem:v22+s5+$0x0] =	vst.idx.msk $0x1, v23  }
.LBB2_84:
0x2e0: {  	(v2sf) =	vpush v21, $0xD;
	_ =	sdelay $0xe  }
0x2e1: {  	s23 =	spop (v2sf)  }
0x2e2: {  	s5 =	sshrl.u32 s23, $0x17  }
0x2e3: {  	s18 =	smin.u32 s5, $0xF4  }
0x2e4: {  	s5 =	sld [smem:s18+$0x0]  }
0x2e5: {  	s31 =	sadd.s32 $0xFFFFFFFE, s29  }
0x2e6: {  	p0 =	sge.s32 s31, s24  }
0x2e7: {  	p1 =	sgt.s32 @!p0 s5, $0x1F  }
0x2e8: {  	p1 =	por p0, p1  }
.Ltmp54:
0x2e9: {  	_ = 	snop;
	(pc) =	sbr.rel @p1 .LBB2_86-.Ltmp54, $2  }
0x2ea: {  	_ =	sdelay $0x2  }
0x2eb: {  	s0 =	sadd.s32 s0, s2  }
0x2ec: {  	s2 =	sadd.s32 $0x1, s5  }
0x2ed: {  	[smem:s18] =	sst s2  }
0x2ee: {  	s23 =	sand.u32 $0x600000, s23;
	s2 =	sld [smem:s18+$0xF5]  }
.Ltmp55:
0x2ef: {  	p0 =	seq.s32 s23, $0x0;
	s23 =	simm.s32 $0x1;
	(pc) =	sbr.rel .LBB2_88-.Ltmp55, $4  }
0x2f0: {  	s23 =	simm.s32 @!p0 $0x2  }
0x2f1: {  	s31 =	smul.u32 $0x30, s18;
	s2 =	sor.u32 s23, s2  }
0x2f2: {  	[smem:s18+$0xF5] =	sst s2  }
0x2f3: {  	s18 =	sadd.s32 s31, s5;
	s2 =	simm.s32 $0x0;
	s5 =	simm.s32 $0xC880  }
.LBB2_86:
0x2f4: {  	p1 =	slt.s32 @!p0 s5, $0x20  }
0x2f5: {  	p1 =	por p0, p1  }
.Ltmp56:
0x2f6: {  	_ = 	snop;
	(pc) =	sbr.rel @p1 .LBB2_122-.Ltmp56, $1  }
0x2f7: {  	_ =	sdelay $0x3  }
0x2f8: {  	s2 =	simm.s32 $0x1;
	s5 =	simm.s32 $0x800;
	s18 =	smov.u32 s0  }
.LBB2_88:
0x2f9: {  	v22 =	vmov s18;
	_ =	sdelay $0x2  }
0x2fa: {  	v23 =	vbroadcast v21, $0xD;
	_ =	sdelay $0x1  }
0x2fb: {  	[tilespmem:v22+s5+$0x0] =	vst.idx.msk $0x1, v23  }
.LBB2_89:
0x2fc: {  	(v2sf) =	vpush v21, $0xE;
	_ =	sdelay $0xe  }
0x2fd: {  	s23 =	spop (v2sf)  }
0x2fe: {  	s5 =	sshrl.u32 s23, $0x17  }
0x2ff: {  	s18 =	smin.u32 s5, $0xF4  }
0x300: {  	s5 =	sld [smem:s18+$0x0]  }
0x301: {  	s31 =	sadd.s32 $0xFFFFFFFF, s29  }
0x302: {  	p0 =	sge.s32 s31, s24  }
0x303: {  	p1 =	sgt.s32 @!p0 s5, $0x1F  }
0x304: {  	p1 =	por p0, p1  }
.Ltmp57:
0x305: {  	_ = 	snop;
	(pc) =	sbr.rel @p1 .LBB2_91-.Ltmp57, $2  }
0x306: {  	_ =	sdelay $0x2  }
0x307: {  	s0 =	sadd.s32 s0, s2  }
0x308: {  	s2 =	sadd.s32 $0x1, s5  }
0x309: {  	[smem:s18] =	sst s2  }
0x30a: {  	s23 =	sand.u32 $0x600000, s23;
	s2 =	sld [smem:s18+$0xF5]  }
.Ltmp58:
0x30b: {  	p0 =	seq.s32 s23, $0x0;
	s23 =	simm.s32 $0x1;
	(pc) =	sbr.rel .LBB2_93-.Ltmp58, $4  }
0x30c: {  	s23 =	simm.s32 @!p0 $0x2  }
0x30d: {  	s31 =	smul.u32 $0x30, s18;
	s2 =	sor.u32 s23, s2  }
0x30e: {  	[smem:s18+$0xF5] =	sst s2  }
0x30f: {  	s18 =	sadd.s32 s31, s5;
	s2 =	simm.s32 $0x0;
	s5 =	simm.s32 $0xC880  }
.LBB2_91:
0x310: {  	p1 =	slt.s32 @!p0 s5, $0x20  }
0x311: {  	p1 =	por p0, p1  }
.Ltmp59:
0x312: {  	_ = 	snop;
	(pc) =	sbr.rel @p1 .LBB2_123-.Ltmp59, $1  }
0x313: {  	_ =	sdelay $0x3  }
0x314: {  	s2 =	simm.s32 $0x1;
	s5 =	simm.s32 $0x800;
	s18 =	smov.u32 s0  }
.LBB2_93:
0x315: {  	v22 =	vmov s18;
	_ =	sdelay $0x2  }
0x316: {  	v23 =	vbroadcast v21, $0xE;
	_ =	sdelay $0x1  }
0x317: {  	[tilespmem:v22+s5+$0x0] =	vst.idx.msk $0x1, v23  }
.LBB2_94:
0x318: {  	(v2sf) =	vpush v21, $0xF;
	_ =	sdelay $0xe  }
0x319: {  	s23 =	spop (v2sf)  }
0x31a: {  	s5 =	sshrl.u32 s23, $0x17  }
0x31b: {  	s18 =	smin.u32 s5, $0xF4  }
0x31c: {  	s5 =	sld [smem:s18+$0x0];
	_ =	sdelay $0x1  }
0x31d: {  	p0 =	sge.s32 s29, s24  }
0x31e: {  	p1 =	sgt.s32 @!p0 s5, $0x1F  }
0x31f: {  	p1 =	por p0, p1  }
.Ltmp60:
0x320: {  	_ = 	snop;
	(pc) =	sbr.rel @!p1 .LBB2_95-.Ltmp60, $2  }
0x321: {  	_ =	sdelay $0x2  }
0x322: {  	s0 =	sadd.s32 s0, s2  }
0x323: {  	p1 =	slt.s32 @!p0 s5, $0x20  }
0x324: {  	p1 =	por p0, p1  }
.Ltmp61:
0x325: {  	_ = 	snop;
	(pc) =	sbr.rel @p1 .LBB2_124-.Ltmp61, $1  }
0x326: {  	_ =	sdelay $0x3  }
.Ltmp62:
0x327: {  	(pc) =	sbr.rel .LBB2_98-.Ltmp62, $2  }
0x328: {  	_ =	sdelay $0x2  }
0x329: {  	s2 =	simm.s32 $0x1;
	s5 =	simm.s32 $0x800;
	s18 =	smov.u32 s0  }
.LBB2_109:
.Ltmp63:
0x32a: {  	(pc) =	sbr.rel .LBB2_24-.Ltmp63, $3  }
0x32b: {  	_ =	sdelay $0x1  }
0x32c: {  	s0 =	simm.s32 $0x0  }
0x32d: {  	s0 =	simm.s32 @p0 $0x0  }
.LBB2_110:
.Ltmp64:
0x32e: {  	(pc) =	sbr.rel .LBB2_29-.Ltmp64, $3  }
0x32f: {  	_ =	sdelay $0x1  }
0x330: {  	s2 =	simm.s32 $0x0  }
0x331: {  	s2 =	simm.s32 @p0 $0x0  }
.LBB2_111:
.Ltmp65:
0x332: {  	(pc) =	sbr.rel .LBB2_34-.Ltmp65, $3  }
0x333: {  	_ =	sdelay $0x1  }
0x334: {  	s2 =	simm.s32 $0x0  }
0x335: {  	s2 =	simm.s32 @p0 $0x0  }
.LBB2_112:
.Ltmp66:
0x336: {  	(pc) =	sbr.rel .LBB2_39-.Ltmp66, $3  }
0x337: {  	_ =	sdelay $0x1  }
0x338: {  	s2 =	simm.s32 $0x0  }
0x339: {  	s2 =	simm.s32 @p0 $0x0  }
.LBB2_113:
.Ltmp67:
0x33a: {  	(pc) =	sbr.rel .LBB2_44-.Ltmp67, $3  }
0x33b: {  	_ =	sdelay $0x1  }
0x33c: {  	s2 =	simm.s32 $0x0  }
0x33d: {  	s2 =	simm.s32 @p0 $0x0  }
.LBB2_114:
.Ltmp68:
0x33e: {  	(pc) =	sbr.rel .LBB2_49-.Ltmp68, $3  }
0x33f: {  	_ =	sdelay $0x1  }
0x340: {  	s2 =	simm.s32 $0x0  }
0x341: {  	s2 =	simm.s32 @p0 $0x0  }
.LBB2_115:
.Ltmp69:
0x342: {  	(pc) =	sbr.rel .LBB2_54-.Ltmp69, $3  }
0x343: {  	_ =	sdelay $0x1  }
0x344: {  	s2 =	simm.s32 $0x0  }
0x345: {  	s2 =	simm.s32 @p0 $0x0  }
.LBB2_116:
.Ltmp70:
0x346: {  	(pc) =	sbr.rel .LBB2_59-.Ltmp70, $3  }
0x347: {  	_ =	sdelay $0x1  }
0x348: {  	s2 =	simm.s32 $0x0  }
0x349: {  	s2 =	simm.s32 @p0 $0x0  }
.LBB2_117:
.Ltmp71:
0x34a: {  	(pc) =	sbr.rel .LBB2_64-.Ltmp71, $3  }
0x34b: {  	_ =	sdelay $0x1  }
0x34c: {  	s2 =	simm.s32 $0x0  }
0x34d: {  	s2 =	simm.s32 @p0 $0x0  }
.LBB2_118:
.Ltmp72:
0x34e: {  	(pc) =	sbr.rel .LBB2_69-.Ltmp72, $3  }
0x34f: {  	_ =	sdelay $0x1  }
0x350: {  	s2 =	simm.s32 $0x0  }
0x351: {  	s2 =	simm.s32 @p0 $0x0  }
.LBB2_119:
.Ltmp73:
0x352: {  	(pc) =	sbr.rel .LBB2_74-.Ltmp73, $3  }
0x353: {  	_ =	sdelay $0x1  }
0x354: {  	s2 =	simm.s32 $0x0  }
0x355: {  	s2 =	simm.s32 @p0 $0x0  }
.LBB2_120:
.Ltmp74:
0x356: {  	(pc) =	sbr.rel .LBB2_79-.Ltmp74, $3  }
0x357: {  	_ =	sdelay $0x1  }
0x358: {  	s2 =	simm.s32 $0x0  }
0x359: {  	s2 =	simm.s32 @p0 $0x0  }
.LBB2_121:
.Ltmp75:
0x35a: {  	(pc) =	sbr.rel .LBB2_84-.Ltmp75, $3  }
0x35b: {  	_ =	sdelay $0x1  }
0x35c: {  	s2 =	simm.s32 $0x0  }
0x35d: {  	s2 =	simm.s32 @p0 $0x0  }
.LBB2_122:
.Ltmp76:
0x35e: {  	(pc) =	sbr.rel .LBB2_89-.Ltmp76, $3  }
0x35f: {  	_ =	sdelay $0x1  }
0x360: {  	s2 =	simm.s32 $0x0  }
0x361: {  	s2 =	simm.s32 @p0 $0x0  }
.LBB2_123:
.Ltmp77:
0x362: {  	(pc) =	sbr.rel .LBB2_94-.Ltmp77, $3  }
0x363: {  	_ =	sdelay $0x1  }
0x364: {  	s2 =	simm.s32 $0x0  }
0x365: {  	s2 =	simm.s32 @p0 $0x0  }
.LBB2_124:
.Ltmp78:
0x366: {  	(pc) =	sbr.rel .LBB2_99-.Ltmp78, $3  }
0x367: {  	_ =	sdelay $0x1  }
0x368: {  	s2 =	simm.s32 $0x0  }
0x369: {  	s2 =	simm.s32 @p0 $0x0  }
.LBB2_100:
0x36a: {  	s0 =	sld [smem:$0xF5];
	_ =	sdelay $0x2  }
0x36b: {  	s1 =	rddreg [dreg:$0x8];
	s2 =	sand.u32 $0x1, s0  }
0x36c: {  	s23 =	sld [smem:$0xF6];
	s0 =	sand.u32 $0x2, s0;
	p0 =	seq.s32 s2, $0x0  }
0x36d: {  	s2 =	simm.s32 @!p0 $0x400;
	s5 =	simm.s32 @!p0 $0x7A1400;
	s18 =	simm.s32 @!p0 $0x13780  }
0x36e: {  	[tilespmem:s18], [sflag:$0x1] =	stream.strided.gather @!p0 [hbm4b:s1+s2], $0x2000, s5, s2, $0x38;
	[tilespmem:$0x1F780] =	vst v63  }
0x36f: {  	s24 =	sand.u32 $0x1, s23;
	p0 =	seq.s32 s0, $0x0;
	s1 =	rddreg [dreg:$0x9]  }
0x370: {  	s2 =	simm.s32 @!p0 $0x400;
	s5 =	simm.s32 @!p0 $0x7A1400;
	s18 =	simm.s32 @!p0 $0x19780  }
0x371: {  	[tilespmem:s18], [sflag:$0x4] =	stream.strided.gather @!p0 [hbm4b:s1+s2], $0x2000, s5, s2, $0x38;
	[tilespmem:$0x1F780] =	vst v63  }
0x372: {  	s29 =	sld [smem:$0xF7];
	s0 =	sand.u32 $0x2, s23;
	p0 =	seq.s32 s24, $0x0  }
0x373: {  	s2 =	simm.s32 @!p0 $0x400;
	s5 =	simm.s32 @!p0 $0x7A1400;
	s18 =	simm.s32 @!p0 $0x15780  }
0x374: {  	[tilespmem:s18], [sflag:$0x2] =	stream.strided.gather @!p0 [hbm4b:s13+s2], $0x2000, s5, s2, $0x38;
	[tilespmem:$0x1F780] =	vst v63  }
0x375: {  	s30 =	sand.u32 $0x1, s29;
	p0 =	seq.s32 s0, $0x0  }
0x376: {  	s2 =	simm.s32 @!p0 $0x400;
	s5 =	simm.s32 @!p0 $0x7A1400;
	s18 =	simm.s32 @!p0 $0x1B780  }
0x377: {  	[tilespmem:s18], [sflag:$0x5] =	stream.strided.gather @!p0 [hbm4b:s14+s2], $0x2000, s5, s2, $0x38;
	[tilespmem:$0x1F780] =	vst v63  }
0x378: {  	p0 =	seq.s32 s30, $0x0  }
0x379: {  	s0 =	sand.u32 $0x2, s29;
	s2 =	simm.s32 @!p0 $0x400  }
.Ltmp79:
0x37a: {  	s5 =	simm.s32 @!p0 $0x7A1400;
	s18 =	simm.s32 @!p0 $0x17780;
	(pc) =	sbr.rel .LBB2_101-.Ltmp79, $4  }
0x37b: {  	[tilespmem:s18], [sflag:$0x3] =	stream.strided.gather @!p0 [hbm4b:s15+s2], $0x2000, s5, s2, $0x38;
	[tilespmem:$0x1F780] =	vst v63  }
0x37c: {  	s28 =	simm.s32 $0xC880;
	s24 =	smov.u32 s31;
	p0 =	seq.s32 s0, $0x0  }
0x37d: {  	s0 =	simm.s32 @!p0 $0x400;
	s2 =	simm.s32 @!p0 $0x7A1400;
	s5 =	simm.s32 @!p0 $0x1D780  }
0x37e: {  	[tilespmem:s5], [sflag:$0x6] =	stream.strided.gather @!p0 [hbm4b:s16+s0], $0x2000, s2, s0, $0x38;
	[tilespmem:$0x1F780] =	vst v63  }
.LBB2_104:
0x37f: {  	[hbm4b:s9+s5] =	stream.indirect.scatter @!p1 [tilespmem:s2], [sflag:s0], $0x80, s23, s5, $0xb8;
	[tilespmem:$0x1F780] =	vst v63  }
.LBB2_105:
0x380: {  	s0 =	sadd.s32 $0x3, s26  }
0x381: {  	p0 =	sge.u32 s0, s10  }
0x382: {  	s2 =	sld @!p0 [smem:s26+$0xF8]  }
0x383: {  	s1 =	smulhi.u32 @!p0 $0xAAAAAAAB, s0;
	_ =	sdelay $0x1  }
0x384: {  	s1 =	sshrl.u32 @!p0 s1, $0x1;
	s3 =	sand.u32 @!p0 $0x1, s2  }
0x385: {  	s1 =	smul.u32 @!p0 $0x3, s1;
	p1 =	seq.s32 @!p0 s3, $0x0  }
0x386: {  	p1 =	por p1, p0  }
0x387: {  	s2 =	sand.u32 @!p0 $0x2, s2;
	s1 =	ssub.s32 @!p0 s0, s1;
	s5 =	sadd.s32 @!p1 s8, s0  }
0x388: {  	s3 =	sshll.u32 @!p1 s1, $0xD;
	s11 =	sadd.s32 @!p1 $0x1, s1;
	s5 =	sshll.u32 @!p1 s5, $0x7  }
0x389: {  	s12 =	simm.s32 @!p1 $0x400;
	s3 =	sand.u32 @!p1 $0x3FFFE000, s3;
	s5 =	sand.u32 @!p1 $0x1FFFFF80, s5  }
0x38a: {  	s18 =	simm.s32 @!p1 $0x7A1400;
	s3 =	sadd.s32 @!p1 $0x13780, s3;
	s5 =	sadd.s32 @!p1 s4, s5  }
0x38b: {  	[tilespmem:s3], [sflag:s11] =	stream.strided.gather @!p1 [hbm4b:s5+s12], $0x2000, s18, s12, $0x38;
	[tilespmem:$0x1F780] =	vst v63  }
0x38c: {  	p1 =	seq.s32 @!p0 s2, $0x0  }
0x38d: {  	p0 =	por p1, p0  }
0x38e: {  	s26 =	sadd.s32 $0x1, s26;
	s0 =	sadd.s32 @!p0 s8, s0  }
0x38f: {  	s2 =	sshll.u32 @!p0 s1, $0xD;
	s1 =	sadd.s32 @!p0 $0x4, s1;
	s0 =	sshll.u32 @!p0 s0, $0x7  }
0x390: {  	s3 =	simm.s32 @!p0 $0x400;
	s2 =	sand.u32 @!p0 $0x3FFFE000, s2;
	s0 =	sand.u32 @!p0 $0x1FFFFF80, s0  }
0x391: {  	s5 =	simm.s32 @!p0 $0x7A1400;
	s2 =	sadd.s32 @!p0 $0x19780, s2;
	s0 =	sadd.s32 @!p0 s6, s0  }
0x392: {  	[tilespmem:s2], [sflag:s1] =	stream.strided.gather @!p0 [hbm4b:s0+s3], $0x2000, s5, s3, $0x38;
	[tilespmem:$0x1F780] =	vst v63  }
0x393: {  	p0 =	seq.s32 s26, s17  }
.Ltmp80:
0x394: {  	_ = 	snop;
	(pc) =	sbr.rel @p0 .LBB2_14-.Ltmp80, $2  }
0x395: {  	_ =	sdelay $0x2  }
0x396: {  	s28 =	sadd.s32 $0x30, s28  }
.LBB2_101:
0x397: {  	s0 =	smulhi.u32 $0xAAAAAAAB, s26  }
0x398: {  	s2 =	sld [smem:s26+$0xF5]  }
0x399: {  	s0 =	sshrl.u32 s0, $0x1  }
0x39a: {  	s0 =	smul.u32 $0x3, s0  }
0x39b: {  	s5 =	sand.u32 $0x1, s2  }
0x39c: {  	p0 =	seq.s32 s5, $0x0;
	s0 =	ssub.s32 s26, s0  }
0x39d: {  	s5 =	sadd.s32 @!p0 $0x1, s0  }
0x39e: {  	s2 =	sand.u32 $0x2, s2;
	_ =	swait.ge @!p0 [sflag:s5], $0x2000  }
0x39f: {  	p1 =	seq.s32 s2, $0x0;
	[sflag:s5] =	ssyncset.done @!p0 $0x0  }
0x3a0: {  	s2 =	sadd.s32 @!p1 $0x4, s0;
	[sflag:s5] =	ssyncadd.s32 @!p0 $0xFFFFE000  }
0x3a1: {  	_ =	swait.ge @!p1 [sflag:s2], $0x2000  }
0x3a2: {  	[sflag:s2] =	ssyncset.done @!p1 $0x0  }
0x3a3: {  	[sflag:s2] =	ssyncadd.s32 @!p1 $0xFFFFE000  }
0x3a4: {  	s2 =	sld [smem:s26+$0x0];
	_ =	sdelay $0x2  }
0x3a5: {  	p0 =	slt.s32 s2, $0x1  }
.Ltmp81:
0x3a6: {  	_ = 	snop;
	(pc) =	sbr.rel @p0 .LBB2_105-.Ltmp81, $1  }
0x3a7: {  	_ =	sdelay $0x3  }
0x3a8: {  	v21 =	vld [tilespmem:s28+$0x0];
	_ =	sdelay $0x4  }
0x3a9: {  	(v2sf) =	vpush v21, $0x0;
	_ =	sdelay $0x6  }
0x3aa: {  	s18 =	sand.u32 $0x3F, s25;
	s5 =	sshrl.u32 s25, $0x6  }
0x3ab: {  	p1 =	sne.s32 s18, $0x0;
	s5 =	sand.u32 $0x1, s5  }
0x3ac: {  	s23 =	sor.u32 @!p1 $0x1EA, s5  }
0x3ad: {  	s23 =	sld @!p1 [smem:s23+$0x0];
	_ =	sdelay $0x2  }
0x3ae: {  	s29 =	sshll.u32 @!p1 s5, $0x7;
	v21 =	vlaneseq.u32 @!p1;
	p0 =	slt.s32 @!p1 s23, $0x1  }
0x3af: {  	v22 =	vor.u32 @!p1 s29, v21;
	v23 =	vor.u32 @!p1 $0x10, v21;
	p0 =	por p0, p1  }
0x3b0: {  	v24 =	vor.u32 @!p1 $0x20, v21;
	v23 =	vor.u32 @!p1 s29, v23;
	s30 =	sadd.s32 @!p0 $0x7, s5;
	s31 =	spop (v2sf)  }
0x3b1: {  	s0 =	sshll.u32 s0, $0xD;
	v25 =	vor.u32 @!p1 $0x30, v21;
	v24 =	vor.u32 @!p1 s29, v24;
	s1 =	sshrl.u32 s31, $0xE;
	_ =	swait.ge @!p0 [sflag:s30], $0x2000  }
0x3b2: {  	v21 =	vor.u32 s0, v14;
	v25 =	vor.u32 @!p1 s29, v25;
	s1 =	sand.u32 $0x7F, s1;
	[sflag:s30] =	ssyncset.done @!p0 $0x0  }
0x3b3: {  	s29 =	simm.s32 @!p1 $0x13680;
	[sflag:s30] =	ssyncadd.s32 @!p0 $0xFFFFE000;
	v26 =	vor.u32 s1, v21  }
0x3b4: {  	s30 =	sshrl.u32 s31, $0x15;
	[tilespmem:v22+s29+$0x0] =	vst.idx.msk @!p1 $0xffff, v3  }
0x3b5: {  	s11 =	sshll.u32 s18, $0x7;
	s30 =	sand.u32 $0x3, s30;
	[tilespmem:v23+s29+$0x0] =	vst.idx.msk @!p1 $0xffff, v6  }
0x3b6: {  	s12 =	sshll.u32 s5, $0xD;
	s3 =	rddreg [dreg:$0x7];
	p2 =	seq.s32 s30, $0x0;
	[tilespmem:v24+s29+$0x0] =	vst.idx.msk @!p1 $0xffff, v7  }
0x3b7: {  	s11 =	sor.u32 s11, s12;
	s3 =	simm.s32 @!p2 $0x19780;
	[tilespmem:v25+s29+$0x0] =	vst.idx.msk @!p1 $0xffff, v9  }
0x3b8: {  	v22 =	vor.u32 s0, v18;
	v24 =	vor.u32 s11, v2;
	v23 =	vld.idx.msk [tilespmem:v26+s3+$0x0], $0xffff  }
0x3b9: {  	v25 =	vor.u32 s1, v22;
	_ =	sdelay $0x3  }
0x3ba: {  	[tilespmem:v24+s22+$0x0] =	vst.idx.msk $0xffff, v23  }
0x3bb: {  	v23 =	vor.u32 s0, v19;
	v24 =	vld.idx.msk [tilespmem:v25+s3+$0x0], $0xffff;
	v25 =	vor.u32 s11, v4  }
0x3bc: {  	v26 =	vor.u32 s1, v23;
	_ =	sdelay $0x3  }
0x3bd: {  	[tilespmem:v25+s22+$0x0] =	vst.idx.msk $0xffff, v24  }
0x3be: {  	v24 =	vor.u32 s0, v20;
	v25 =	vld.idx.msk [tilespmem:v26+s3+$0x0], $0xffff;
	v26 =	vor.u32 s11, v5  }
0x3bf: {  	v27 =	vor.u32 s1, v24;
	_ =	sdelay $0x2  }
0x3c0: {  	s12 =	sshll.u32 s5, $0x7  }
0x3c1: {  	p1 =	sne.s32 s18, $0x3F;
	s29 =	sadd.s32 $0xFFFFFFFF, s2;
	s1 =	sadd.s32 @!p0 $0xFFFFFFFF, s23;
	[tilespmem:v26+s22+$0x0] =	vst.idx.msk $0xffff, v25  }
0x3c2: {  	s0 =	sor.u32 s18, s12;
	[smem:s5+$0x1EA] =	sst @!p0 s1;
	s1 =	sor.u32 @!p1 $0x1EA, s5;
	v26 =	vor.u32 s11, v8;
	v25 =	vld.idx.msk [tilespmem:v27+s3+$0x0], $0xffff  }
0x3c3: {  	p0 =	sne.s32 s29, $0x0;
	s1 =	sld @!p1 [smem:s1+$0x0];
	v27 =	vmov s0  }
.Ltmp82:
0x3c4: {  	s25 =	sadd.s32 $0x1, s25;
	(pc) =	sbr.rel @!p0 .LBB2_104-.Ltmp82, $4  }
0x3c5: {  	s18 =	sand.u32 $0x3FFF, s31;
	s23 =	sshll.u32 s30, $0xE;
	s30 =	sadd.s32 $0x1, s28  }
0x3c6: {  	s31 =	sor.u32 s18, s23;
	s11 =	sshll.u32 @!p1 s5, $0x7;
	s1 =	sadd.s32 @!p1 $0x1, s1  }
0x3c7: {  	s0 =	sshll.u32 @!p1 s5, $0xD;
	s23 =	sadd.s32 @!p1 $0x13680, s11;
	[smem:s5+$0x1EA] =	sst @!p1 s1;
	[tilespmem:v26+s22+$0x0] =	vst.idx.msk $0xffff, v25;
	v25 =	vmov s31  }
0x3c8: {  	s2 =	sadd.s32 @!p1 $0xF680, s0;
	s0 =	sadd.s32 @!p1 $0x7, s5;
	s5 =	simm.s32 @!p1 $0x40;
	[tilespmem:v27+s21+$0x0] =	vst.idx.msk $0x1, v25  }
.LBB2_103:
0x3c9: {  	[hbm4b:s9+s5] =	stream.indirect.scatter @!p1 [tilespmem:s2], [sflag:s0], $0x80, s23, s5, $0xb8;
	[tilespmem:$0x1F780] =	vst v63  }
0x3ca: {  	v25 =	vld [tilespmem:s30+$0x0];
	_ =	sdelay $0x4  }
0x3cb: {  	(v2sf) =	vpush v25, $0x0;
	_ =	sdelay $0x6  }
0x3cc: {  	s12 =	sand.u32 $0x3F, s25;
	s1 =	sshrl.u32 s25, $0x6  }
0x3cd: {  	p2 =	sne.s32 s12, $0x0;
	s18 =	sand.u32 $0x1, s1  }
0x3ce: {  	s2 =	sor.u32 @!p2 $0x1EA, s18  }
0x3cf: {  	s2 =	sld @!p2 [smem:s2+$0x0];
	_ =	sdelay $0x1  }
0x3d0: {  	s23 =	sshll.u32 s12, $0x7;
	v25 =	vlaneseq.u32 @!p2  }
0x3d1: {  	s3 =	sshll.u32 @!p2 s18, $0x7;
	s11 =	sshll.u32 s18, $0x7;
	p1 =	slt.s32 @!p2 s2, $0x1;
	v26 =	vor.u32 @!p2 $0x20, v25  }
0x3d2: {  	s31 =	sshll.u32 s18, $0xD;
	s5 =	sor.u32 s12, s11;
	v27 =	vor.u32 @!p2 $0x30, v25;
	p3 =	por p1, p2;
	v28 =	vor.u32 @!p2 s3, v25;
	v25 =	vor.u32 @!p2 $0x10, v25  }
0x3d3: {  	p1 =	sne.s32 s12, $0x3F;
	s0 =	sadd.s32 @!p3 $0x7, s18;
	v25 =	vor.u32 @!p2 s3, v25;
	s12 =	spop (v2sf)  }
0x3d4: {  	s31 =	sor.u32 s23, s31;
	v26 =	vor.u32 @!p2 s3, v26;
	s23 =	sshrl.u32 s12, $0xE;
	_ =	swait.ge @!p3 [sflag:s0], $0x2000  }
0x3d5: {  	v27 =	vor.u32 @!p2 s3, v27;
	s3 =	sand.u32 $0x7F, s23;
	[sflag:s0] =	ssyncset.done @!p3 $0x0  }
0x3d6: {  	[sflag:s0] =	ssyncadd.s32 @!p3 $0xFFFFE000;
	s0 =	simm.s32 @!p2 $0x13680;
	v29 =	vor.u32 s3, v21  }
0x3d7: {  	s11 =	sshrl.u32 s12, $0x15;
	[tilespmem:v28+s0+$0x0] =	vst.idx.msk @!p2 $0xffff, v3  }
0x3d8: {  	s1 =	sadd.s32 @!p3 $0xFFFFFFFF, s2;
	s11 =	sand.u32 $0x3, s11;
	[tilespmem:v25+s0+$0x0] =	vst.idx.msk @!p2 $0xffff, v6  }
0x3d9: {  	s2 =	sand.u32 $0x3FFF, s12;
	s12 =	rddreg [dreg:$0x7];
	p4 =	seq.s32 s11, $0x0;
	[tilespmem:v26+s0+$0x0] =	vst.idx.msk @!p2 $0xffff, v7  }
0x3da: {  	s12 =	simm.s32 @!p4 $0x19780;
	[tilespmem:v27+s0+$0x0] =	vst.idx.msk @!p2 $0xffff, v9  }
0x3db: {  	v26 =	vor.u32 s31, v2;
	v25 =	vld.idx.msk [tilespmem:v29+s12+$0x0], $0xffff  }
0x3dc: {  	v27 =	vor.u32 s3, v22;
	_ =	sdelay $0x3  }
0x3dd: {  	[tilespmem:v26+s22+$0x0] =	vst.idx.msk $0xffff, v25  }
0x3de: {  	v26 =	vor.u32 s31, v4;
	v25 =	vld.idx.msk [tilespmem:v27+s12+$0x0], $0xffff  }
0x3df: {  	v27 =	vor.u32 s3, v23;
	_ =	sdelay $0x3  }
0x3e0: {  	[tilespmem:v26+s22+$0x0] =	vst.idx.msk $0xffff, v25  }
0x3e1: {  	v26 =	vor.u32 s31, v5;
	v25 =	vld.idx.msk [tilespmem:v27+s12+$0x0], $0xffff  }
0x3e2: {  	v27 =	vor.u32 s3, v24;
	_ =	sdelay $0x3  }
0x3e3: {  	s29 =	sadd.s32 $0xFFFFFFFF, s29;
	[tilespmem:v26+s22+$0x0] =	vst.idx.msk $0xffff, v25  }
0x3e4: {  	p0 =	sne.s32 s29, $0x0;
	s11 =	sshll.u32 s11, $0xE;
	v26 =	vor.u32 s31, v8;
	v25 =	vld.idx.msk [tilespmem:v27+s12+$0x0], $0xffff  }
0x3e5: {  	[smem:s18+$0x1EA] =	sst @!p3 s1;
	s1 =	sor.u32 s2, s11;
	s2 =	sor.u32 @!p1 $0x1EA, s18;
	v27 =	vmov s5  }
.Ltmp83:
0x3e6: {  	s11 =	sld @!p1 [smem:s2+$0x0];
	(pc) =	sbr.rel @p0 .LBB2_103-.Ltmp83, $4  }
0x3e7: {  	s25 =	sadd.s32 $0x1, s25  }
0x3e8: {  	s30 =	sadd.s32 $0x1, s30;
	s23 =	sshll.u32 @!p1 s18, $0x7;
	s2 =	sshll.u32 @!p1 s18, $0xD  }
0x3e9: {  	s23 =	sadd.s32 @!p1 $0x13680, s23;
	s2 =	sadd.s32 @!p1 $0xF680, s2;
	s11 =	sadd.s32 @!p1 $0x1, s11;
	[tilespmem:v26+s22+$0x0] =	vst.idx.msk $0xffff, v25;
	v25 =	vmov s1  }
0x3ea: {  	s0 =	sadd.s32 @!p1 $0x7, s18;
	[smem:s18+$0x1EA] =	sst @!p1 s11;
	s5 =	simm.s32 @!p1 $0x40;
	[tilespmem:v27+s21+$0x0] =	vst.idx.msk $0x1, v25  }
.Ltmp84:
0x3eb: {  	_ = 	snop;
	(pc) =	sbr.rel .LBB2_104-.Ltmp84, $1  }
0x3ec: {  	_ =	sdelay $0x3  }
.LBB2_108:
0x3ed: {  	_ =	sfence.sel $0x180000  }
0x3ee: {  	[bflag:$0x0] =	sbarrier.arrive $0xFFFF  }
0x3ef: {  	_ =	strace $0x90000047  }
0x3f0: {  	s0 =	stileid.u32;
	[bflag:$0x2] =	sbarrier.arrive $0xFFFF  }
0x3f1: {  	p0 =	sne.s32 s0, $0x0;
	s0 =	rddreg [dreg:$0x6]  }
0x3f2: {  	s0 =	sadd.s32 @!p0 $0x100000, s0  }
0x3f3: {  	[sflag:s0] =	ssyncadd.tile.s32 @!p0 $0x1;
	_ =	shalt  }
.Lfunc_end2:
_tile_overlayer_lowered:
.L_overlay_start_2:
0x3f4: {  	(tag) =	ssettag $0x2  }
0x3f5: {  	s0 =	rddreg [dreg:$0x0];
	s2 =	stileid.u32  }
0x3f6: {  	s1 =	rddreg [dreg:$0x1];
	p0 =	sne.s32 s2, $0x0  }
0x3f7: {  	s3 =	rddreg [dreg:$0x2];
	[bflag:$0x3] =	sbarrier.arrive $0xFFFF;
	s2 =	simm.s32 @!p0 $0x1C09  }
0x3f8: {  	[timem:s3], [sflag:s2] =	dma.local @!p0 [hbm:s0], s1  }
0x3f9: {  	s0 =	simm.s32 @!p0 $0x9  }
0x3fa: {  	_ =	swait.ge @!p0 [sflag:s0], s1  }
0x3fb: {  	s1 =	ssub.s32 @!p0 $0x0, s1;
	[sflag:s0] =	ssyncset.done @!p0 $0x0  }
0x3fc: {  	[sflag:s0] =	ssyncadd.s32 @!p0 s1  }
0x3fd: {  	[bflag:$0x3] =	sbarrier.arrive $0xFFFF  }
0x3fe: {  	_ =	shalt  }

</sc_bundles>
